<compile_context>
chip_gen: v7x
topology: tpu7x:2x2x1
jax: 0.10.2.dev20260603
libtpu: 0.0.44.dev20260713+nightly
codegen_flags: <defaults>
</compile_context>

<pallas_src>
import functools

import jax
import jax.numpy as jnp
from jax import lax
from jax.experimental import pallas as pl
from jax.experimental.pallas import tpu as pltpu
from jax.experimental.pallas import tpu_sc as plsc

B, S, K, N = 4, 8192, 2048, 768
R, L = 64, 128
NW = 32



_GB = 4


def _sort_body(l0_ref, l1_ref, ranks_ref, l0o_ref, l1o_ref):
    b = pl.program_id(0)
    l0 = l0_ref[...]
    l1 = l1_ref[...]
    l0o_ref[...] = l0
    l1o_ref[...] = l1
    m = jnp.maximum(l0, l1)
    e0 = jnp.exp(l0 - m)
    e1 = jnp.exp(l1 - m)
    key = jnp.maximum(e0, e1) / (e0 + e1)

    ri = lax.broadcasted_iota(jnp.int32, (_GB, R, L), 1)
    li = lax.broadcasted_iota(jnp.int32, (_GB, R, L), 2)
    bi = lax.broadcasted_iota(jnp.int32, (_GB, R, L), 0)
    gi = li * R + ri
    tok = ri * L + li
    idx = tok + (b * _GB + bi) * S

    def partner(x, mj, sh, ax):
        size = (_GB, R, L)[ax]
        return jnp.where(mj, pltpu.roll(x, sh, ax),
                         pltpu.roll(x, size - sh, ax))

    k = 2
    while k <= S:
        mk = (gi & k) != 0
        j = k // 2
        while j >= 1:
            mj = (gi & j) != 0
            ax, sh = (2, j // R) if j >= R else (1, j)
            pk = partner(key, mj, sh, ax)
            pi = partner(idx, mj, sh, ax)
            before = (pk > key) | ((pk == key) & (pi < idx))
            take = before ^ mj ^ mk
            key = jnp.where(take, pk, key)
            idx = jnp.where(take, pi, idx)
            j //= 2
        k *= 2
    ranks_ref[...] = jnp.swapaxes(idx, 1, 2)


def _sort_call(l0, l1, interpret=False):
    return pl.pallas_call(
        _sort_body,
        grid=(B // _GB,),
        in_specs=[
            pl.BlockSpec((_GB, R, L), lambda b: (b, 0, 0)),
            pl.BlockSpec((_GB, R, L), lambda b: (b, 0, 0)),
        ],
        out_specs=[
            pl.BlockSpec((_GB, L, R), lambda b: (b, 0, 0)),
            pl.BlockSpec((_GB, R, L), lambda b: (b, 0, 0)),
            pl.BlockSpec((_GB, R, L), lambda b: (b, 0, 0)),
        ],
        out_shape=[
            jax.ShapeDtypeStruct((B, L, R), jnp.int32),
            jax.ShapeDtypeStruct((B, R, L), jnp.float32),
            jax.ShapeDtypeStruct((B, R, L), jnp.float32),
        ],
        interpret=interpret,
    )(l0, l1)



_FCH = 32
_NCH = 8
_NBF = 4


def _gather_body(feats_hbm, ranks_hbm, l0_hbm, l1_hbm,
                 sf_hbm, p1_hbm, p0_hbm,
                 fidx, fbuf0, fbuf1, fbuf2, fbuf3, pidx, lbuf0, lbuf1,
                 stg0, stg1, gsem0, gsem1, gsem2, gsem3,
                 ssem0, ssem1, ssem2, ssem3):
    fbufs = (fbuf0, fbuf1, fbuf2, fbuf3)
    gsems = (gsem0, gsem1, gsem2, gsem3)
    ssems = (ssem0, ssem1, ssem2, ssem3)
    wid = lax.axis_index("s") * 2 + lax.axis_index("c")

    b = wid // 8
    row0 = pl.multiple_of(128 * b + 8 * ((wid % 8) // 2), 8)
    sub = 4 * ((wid % 8) % 2)
    pltpu.sync_copy(ranks_hbm.at[pl.ds(row0, 8)], fidx)

    def fire_gather(c):
        idx_ref = fidx.at[sub + c // 2, pl.ds(32 * (c % 2), 32)]
        return pltpu.async_copy(feats_hbm.at[idx_ref], fbufs[c % _NBF],
                                gsems[c % _NBF])

    def fire_store(c):
        out0 = pl.multiple_of(256 * wid + _FCH * c, _FCH)
        return pltpu.async_copy(fbufs[c % _NBF], sf_hbm.at[pl.ds(out0, _FCH)],
                                ssems[c % _NBF])

    gcp = [None] * _NBF
    scp = [None] * _NBF
    for c in range(_NBF):
        gcp[c] = fire_gather(c)

    pltpu.sync_copy(ranks_hbm.at[pl.ds(pl.multiple_of(16 * wid, 8), 16)], pidx)
    pltpu.sync_copy(l0_hbm.at[pl.ds(pl.multiple_of(b * 64, 64), 64)], lbuf0)
    pltpu.sync_copy(l1_hbm.at[pl.ds(pl.multiple_of(b * 64, 64), 64)], lbuf1)
    base_flat = b * S
    for v in range(64):
        g = pidx[v // 4, pl.ds((v % 4) * 16, 16)]
        e = g - base_flat
        er, ec = e >> 7, e & 127
        g0 = plsc.load_gather(lbuf0, [er, ec])
        g1 = plsc.load_gather(lbuf1, [er, ec])
        stg0[v // 8, pl.ds((v % 8) * 16, 16)] = g0
        stg1[v // 8, pl.ds((v % 8) * 16, 16)] = g1
    jj0 = 1024 * (wid % 8)

    @pl.when(jj0 < K)
    def _():
        crow = pl.multiple_of(jj0 // 128, 8)
        pltpu.sync_copy(stg0, p1_hbm.at[2 * b, pl.ds(crow, 8)])
        pltpu.sync_copy(stg1, p1_hbm.at[2 * b + 1, pl.ds(crow, 8)])

    @pl.when(jj0 >= K)
    def _():
        crow = pl.multiple_of((jj0 - K) // 128, 8)
        pltpu.sync_copy(stg0, p0_hbm.at[2 * b, pl.ds(crow, 8)])
        pltpu.sync_copy(stg1, p0_hbm.at[2 * b + 1, pl.ds(crow, 8)])
    for c in range(_NCH):
        if 1 <= c <= _NCH - _NBF:
            scp[(c - 1) % _NBF].wait()
            gcp[(c - 1) % _NBF] = fire_gather(c + _NBF - 1)
        gcp[c % _NBF].wait()
        scp[c % _NBF] = fire_store(c)
    for c in range(_NCH - _NBF, _NCH):
        scp[c % _NBF].wait()




@functools.lru_cache(maxsize=None)
def _build_gather():
    return pl.kernel(
        _gather_body,
        out_type=(
            jax.ShapeDtypeStruct((B * K, N), jnp.float32),
            jax.ShapeDtypeStruct((2 * B, K // 128, 128), jnp.float32),
            jax.ShapeDtypeStruct((2 * B, (S - K) // 128, 128), jnp.float32),
        ),
        mesh=plsc.VectorSubcoreMesh(core_axis_name="c", subcore_axis_name="s"),
        compiler_params=pltpu.CompilerParams(needs_layout_passes=False),
        scratch_types=[
            pltpu.VMEM((8, 64), jnp.int32),
            pltpu.VMEM((_FCH, N), jnp.float32),
            pltpu.VMEM((_FCH, N), jnp.float32),
            pltpu.VMEM((_FCH, N), jnp.float32),
            pltpu.VMEM((_FCH, N), jnp.float32),
            pltpu.VMEM((16, 64), jnp.int32),
            pltpu.VMEM((64, 128), jnp.float32),
            pltpu.VMEM((64, 128), jnp.float32),
            pltpu.VMEM((8, 128), jnp.float32),
            pltpu.VMEM((8, 128), jnp.float32),
            pltpu.SemaphoreType.DMA,
            pltpu.SemaphoreType.DMA,
            pltpu.SemaphoreType.DMA,
            pltpu.SemaphoreType.DMA,
            pltpu.SemaphoreType.DMA,
            pltpu.SemaphoreType.DMA,
            pltpu.SemaphoreType.DMA,
            pltpu.SemaphoreType.DMA,
        ],
    )


def _gather_call(feats2d, ranks256, l0p, l1p):
    return _build_gather()(feats2d, ranks256, l0p, l1p)




def kernel(feats, logit):
    l0 = logit[..., 0].reshape(B, R, L)
    l1 = logit[..., 1].reshape(B, R, L)
    ranks, l0s, l1s = _sort_call(l0, l1)
    ranks512 = ranks.reshape(B * S // 64, 64)
    feats2d = feats.reshape(B * S, N)
    l0p = l0s.reshape(B * S // 128, 128)
    l1p = l1s.reshape(B * S // 128, 128)
    sf2d, p1t, p0t = _gather_call(feats2d, ranks512, l0p, l1p)
    p1 = p1t.reshape(B, 2, K).swapaxes(1, 2)
    p0 = p0t.reshape(B, 2, S - K).swapaxes(1, 2)
    return (sf2d.reshape(B, K, N), p1, p0)

# --- scband reference (transcript-rebuilt; emitter-appended) ---
"""Pipeline reference for scband-selector-11055245820607 (READ-ONLY COPY).

The authoritative reference and input builder live on the scoring server;
editing this copy changes nothing except your own understanding.
"""

import jax, jax.numpy as jnp
import numpy as np

NUM_SELECT = 2048  # num_select['feat']

def setup_inputs(seed: int = 0) -> dict:
    key = jax.random.key(seed)
    k1, k2 = jax.random.split(key)
    feats = jax.random.normal(k1, (4, 8192, 768), dtype=jnp.float32)
    logit = jax.random.normal(k2, (4, 8192, 2), dtype=jnp.float32)
    return {"feats": feats, "logit": logit}

def reference(feats, logit):
    # Single-key dict case: x = {'feat': feats}, logits = {'feat': logit}
    # feats is already [B, S, n] (ndim==3 branch in torch code)
    probs = jax.nn.softmax(logit, axis=-1)
    maxp = jnp.max(probs, axis=-1)                      # [B, S]
    ranks = jnp.argsort(-maxp, axis=-1)                 # descending argsort, [B, S]
    top_rank = ranks[:, :NUM_SELECT]                    # [B, K]
    bot_rank = ranks[:, NUM_SELECT:]                    # [B, S-K]
    # gather along token dim (dim=1), broadcast index over feature dim
    sf = jnp.take_along_axis(feats, top_rank[:, :, None], axis=1)       # [B, K, n]
    preds_1 = jnp.take_along_axis(logit, top_rank[:, :, None], axis=1)  # [B, K, c]
    preds_0 = jnp.take_along_axis(logit, bot_rank[:, :, None], axis=1)  # [B, S-K, c]
    # torch forward returns selections dict; logits dict mutated with select/drop.
    # Return all three outputs as a tuple for faithfulness.
    return sf, preds_1, preds_0

if __name__ == "__main__":
    import jax
    _d = setup_inputs()
    print(jax.jit(kernel)(*tuple(_d.values())))

</pallas_src>

<mosaic_0001>
#map = affine_map<(d0, d1) -> (0, 0)>
#map1 = affine_map<(d0, d1) -> (0, 0, 0)>
module attributes {stable_mosaic.version = 14 : i64} {
  func.func @_gather_body(%arg0: i32, %arg1: i32, %arg2: memref<32768x768xf32, #tpu.memory_space<hbm>>, %arg3: memref<512x64xi32, #tpu.memory_space<hbm>>, %arg4: memref<256x128xf32, #tpu.memory_space<hbm>>, %arg5: memref<256x128xf32, #tpu.memory_space<hbm>>, %arg6: memref<8192x768xf32, #tpu.memory_space<hbm>>, %arg7: memref<8x16x128xf32, #tpu.memory_space<hbm>>, %arg8: memref<8x48x128xf32, #tpu.memory_space<hbm>>, %arg9: memref<8x64xi32, #tpu.memory_space<vmem>>, %arg10: memref<32x768xf32, #tpu.memory_space<vmem>>, %arg11: memref<32x768xf32, #tpu.memory_space<vmem>>, %arg12: memref<32x768xf32, #tpu.memory_space<vmem>>, %arg13: memref<32x768xf32, #tpu.memory_space<vmem>>, %arg14: memref<16x64xi32, #tpu.memory_space<vmem>>, %arg15: memref<64x128xf32, #tpu.memory_space<vmem>>, %arg16: memref<64x128xf32, #tpu.memory_space<vmem>>, %arg17: memref<8x128xf32, #tpu.memory_space<vmem>>, %arg18: memref<8x128xf32, #tpu.memory_space<vmem>>, %arg19: memref<!tpu.dma_semaphore, #tpu.memory_space<semaphore_mem>>, %arg20: memref<!tpu.dma_semaphore, #tpu.memory_space<semaphore_mem>>, %arg21: memref<!tpu.dma_semaphore, #tpu.memory_space<semaphore_mem>>, %arg22: memref<!tpu.dma_semaphore, #tpu.memory_space<semaphore_mem>>, %arg23: memref<!tpu.dma_semaphore, #tpu.memory_space<semaphore_mem>>, %arg24: memref<!tpu.dma_semaphore, #tpu.memory_space<semaphore_mem>>, %arg25: memref<!tpu.dma_semaphore, #tpu.memory_space<semaphore_mem>>, %arg26: memref<!tpu.dma_semaphore, #tpu.memory_space<semaphore_mem>>) attributes {dimension_semantics = [#tpu.dimension_semantics<core_parallel>, #tpu.dimension_semantics<subcore_parallel>], iteration_bounds = array<i64: 2, 16>, scalar_prefetch = 0 : i64, scratch_operands = 18 : i64, tpu.core_type = #tpu.core_type<sc_vector_subcore>, window_params = [{transform_indices = #map}, {transform_indices = #map}, {transform_indices = #map}, {transform_indices = #map}, {transform_indices = #map}, {transform_indices = #map1}, {transform_indices = #map1}]} {
    %mul3A = arith.constant 2 : i32
    %mul3A_0 = arith.muli %arg1, %mul3A : i32
    %add3A = arith.addi %mul3A_0, %arg0 : i32
    %jit3A = arith.constant 8 : i32
    %div3A = arith.divsi %add3A, %jit3A : i32
    %sign3A = arith.constant 0 : i32
    %sign3A_1 = arith.cmpi sgt, %add3A, %sign3A : i32
    %sign3A_2 = arith.extui %sign3A_1 : i1 to i32
    %sign3A_3 = arith.constant 0 : i32
    %sign3A_4 = arith.cmpi slt, %add3A, %sign3A_3 : i32
    %sign3A_5 = arith.extui %sign3A_4 : i1 to i32
    %sign3A_6 = arith.subi %sign3A_2, %sign3A_5 : i32
    %sign3A_7 = arith.constant 0 : i32
    %sign3A_8 = arith.cmpi sgt, %jit3A, %sign3A_7 : i32
    %sign3A_9 = arith.extui %sign3A_8 : i1 to i32
    %sign3A_10 = arith.constant 0 : i32
    %sign3A_11 = arith.cmpi slt, %jit3A, %sign3A_10 : i32
    %sign3A_12 = arith.extui %sign3A_11 : i1 to i32
    %sign3A_13 = arith.subi %sign3A_9, %sign3A_12 : i32
    %ne3A = arith.cmpi ne, %sign3A_6, %sign3A_13 : i32
    %rem3A = arith.remsi %add3A, %jit3A : i32
    %ne3A_14 = arith.constant 0 : i32
    %ne3A_15 = arith.cmpi ne, %rem3A, %ne3A_14 : i32
    %and3A = arith.andi %ne3A, %ne3A_15 : i1
    %sub3A = arith.constant 1 : i32
    %sub3A_16 = arith.subi %div3A, %sub3A : i32
    %select_n3A = arith.select %and3A, %sub3A_16, %div3A : i32
    %mul3A_17 = arith.constant 128 : i32
    %mul3A_18 = arith.muli %mul3A_17, %select_n3A : i32
    %jit3A_19 = arith.constant 8 : i32
    %eq3A = arith.constant 0 : i32
    %eq3A_20 = arith.cmpi eq, %jit3A_19, %eq3A : i32
    %jit3A_21 = arith.constant 1 : i32
    %select_n3A_22 = arith.select %eq3A_20, %jit3A_21, %jit3A_19 : i32
    %rem3A_23 = arith.remsi %add3A, %select_n3A_22 : i32
    %ne3A_24 = arith.constant 0 : i32
    %ne3A_25 = arith.cmpi ne, %rem3A_23, %ne3A_24 : i32
    %lt3A = arith.constant 0 : i32
    %lt3A_26 = arith.cmpi slt, %rem3A_23, %lt3A : i32
    %lt3A_27 = arith.constant 0 : i32
    %lt3A_28 = arith.cmpi slt, %select_n3A_22, %lt3A_27 : i32
    %ne3A_29 = arith.xori %lt3A_26, %lt3A_28 : i1
    %and3A_30 = arith.andi %ne3A_29, %ne3A_25 : i1
    %add3A_31 = arith.addi %rem3A_23, %select_n3A_22 : i32
    %select_n3A_32 = arith.select %and3A_30, %add3A_31, %rem3A_23 : i32
    %jit3A_33 = arith.constant 2 : i32
    %div3A_34 = arith.divsi %select_n3A_32, %jit3A_33 : i32
    %sign3A_35 = arith.constant 0 : i32
    %sign3A_36 = arith.cmpi sgt, %select_n3A_32, %sign3A_35 : i32
    %sign3A_37 = arith.extui %sign3A_36 : i1 to i32
    %sign3A_38 = arith.constant 0 : i32
    %sign3A_39 = arith.cmpi slt, %select_n3A_32, %sign3A_38 : i32
    %sign3A_40 = arith.extui %sign3A_39 : i1 to i32
    %sign3A_41 = arith.subi %sign3A_37, %sign3A_40 : i32
    %sign3A_42 = arith.constant 0 : i32
    %sign3A_43 = arith.cmpi sgt, %jit3A_33, %sign3A_42 : i32
    %sign3A_44 = arith.extui %sign3A_43 : i1 to i32
    %sign3A_45 = arith.constant 0 : i32
    %sign3A_46 = arith.cmpi slt, %jit3A_33, %sign3A_45 : i32
    %sign3A_47 = arith.extui %sign3A_46 : i1 to i32
    %sign3A_48 = arith.subi %sign3A_44, %sign3A_47 : i32
    %ne3A_49 = arith.cmpi ne, %sign3A_41, %sign3A_48 : i32
    %rem3A_50 = arith.remsi %select_n3A_32, %jit3A_33 : i32
    %ne3A_51 = arith.constant 0 : i32
    %ne3A_52 = arith.cmpi ne, %rem3A_50, %ne3A_51 : i32
    %and3A_53 = arith.andi %ne3A_49, %ne3A_52 : i1
    %sub3A_54 = arith.constant 1 : i32
    %sub3A_55 = arith.subi %div3A_34, %sub3A_54 : i32
    %select_n3A_56 = arith.select %and3A_53, %sub3A_55, %div3A_34 : i32
    %mul3A_57 = arith.constant 8 : i32
    %mul3A_58 = arith.muli %mul3A_57, %select_n3A_56 : i32
    %add3A_59 = arith.addi %mul3A_18, %mul3A_58 : i32
    %multiple_of3A = tpu.assume_multiple %add3A_59, 8 : i32
    %jit3A_60 = arith.constant 8 : i32
    %eq3A_61 = arith.constant 0 : i32
    %eq3A_62 = arith.cmpi eq, %jit3A_60, %eq3A_61 : i32
    %jit3A_63 = arith.constant 1 : i32
    %select_n3A_64 = arith.select %eq3A_62, %jit3A_63, %jit3A_60 : i32
    %rem3A_65 = arith.remsi %add3A, %select_n3A_64 : i32
    %ne3A_66 = arith.constant 0 : i32
    %ne3A_67 = arith.cmpi ne, %rem3A_65, %ne3A_66 : i32
    %lt3A_68 = arith.constant 0 : i32
    %lt3A_69 = arith.cmpi slt, %rem3A_65, %lt3A_68 : i32
    %lt3A_70 = arith.constant 0 : i32
    %lt3A_71 = arith.cmpi slt, %select_n3A_64, %lt3A_70 : i32
    %ne3A_72 = arith.xori %lt3A_69, %lt3A_71 : i1
    %and3A_73 = arith.andi %ne3A_72, %ne3A_67 : i1
    %add3A_74 = arith.addi %rem3A_65, %select_n3A_64 : i32
    %select_n3A_75 = arith.select %and3A_73, %add3A_74, %rem3A_65 : i32
    %jit3A_76 = arith.constant 2 : i32
    %eq3A_77 = arith.constant 0 : i32
    %eq3A_78 = arith.cmpi eq, %jit3A_76, %eq3A_77 : i32
    %jit3A_79 = arith.constant 1 : i32
    %select_n3A_80 = arith.select %eq3A_78, %jit3A_79, %jit3A_76 : i32
    %rem3A_81 = arith.remsi %select_n3A_75, %select_n3A_80 : i32
    %ne3A_82 = arith.constant 0 : i32
    %ne3A_83 = arith.cmpi ne, %rem3A_81, %ne3A_82 : i32
    %lt3A_84 = arith.constant 0 : i32
    %lt3A_85 = arith.cmpi slt, %rem3A_81, %lt3A_84 : i32
    %lt3A_86 = arith.constant 0 : i32
    %lt3A_87 = arith.cmpi slt, %select_n3A_80, %lt3A_86 : i32
    %ne3A_88 = arith.xori %lt3A_85, %lt3A_87 : i1
    %and3A_89 = arith.andi %ne3A_88, %ne3A_83 : i1
    %add3A_90 = arith.addi %rem3A_81, %select_n3A_80 : i32
    %select_n3A_91 = arith.select %and3A_89, %add3A_90, %rem3A_81 : i32
    %mul3A_92 = arith.constant 4 : i32
    %mul3A_93 = arith.muli %mul3A_92, %select_n3A_91 : i32
    "tpu.region"() ({
      %run_scoped3A = tpu.sem_alloc : memref<!tpu.dma_semaphore, #tpu.memory_space<semaphore_mem>>
      %dma_start3A_1748 = arith.constant 0 : i32
      %dma_start3A_1749 = tpu.memref_slice %arg3[%multiple_of3A, %dma_start3A_1748] : memref<512x64xi32, #tpu.memory_space<hbm>> -> memref<8x64xi32, #tpu.memory_space<hbm>>
      %dma_start3A_1750 = arith.constant 0 : i32
      %dma_start3A_1751 = tpu.memref_slice %arg3[%multiple_of3A, %dma_start3A_1750] : memref<512x64xi32, #tpu.memory_space<hbm>> -> memref<8x64xi32, #tpu.memory_space<hbm>>
      tpu.enqueue_dma source(%dma_start3A_1751 : memref<8x64xi32, #tpu.memory_space<hbm>>) target(%arg9 : memref<8x64xi32, #tpu.memory_space<vmem>>) target_semaphore(%run_scoped3A : memref<!tpu.dma_semaphore, #tpu.memory_space<semaphore_mem>>)
      %dma_wait3A_1752 = arith.constant 0 : i32
      %dma_wait3A_1753 = tpu.memref_slice %arg3[%multiple_of3A, %dma_wait3A_1752] : memref<512x64xi32, #tpu.memory_space<hbm>> -> memref<8x64xi32, #tpu.memory_space<hbm>>
      %dma_wait3A_1754 = arith.constant 0 : i32
      %dma_wait3A_1755 = tpu.memref_slice %arg3[%multiple_of3A, %dma_wait3A_1754] : memref<512x64xi32, #tpu.memory_space<hbm>> -> memref<8x64xi32, #tpu.memory_space<hbm>>
      tpu.wait_dma2 semaphore(%run_scoped3A : memref<!tpu.dma_semaphore, #tpu.memory_space<semaphore_mem>>) src(%dma_wait3A_1755 : memref<8x64xi32, #tpu.memory_space<hbm>>) dst(%arg9 : memref<8x64xi32, #tpu.memory_space<vmem>>)
      tpu.yield
    }) : () -> ()
    %add3A_94 = arith.constant 0 : i32
    %add3A_95 = arith.addi %mul3A_93, %add3A_94 : i32
    %dma_start3A = arith.constant 0 : i32
    %dma_start3A_96 = tpu.memref_slice %arg9[%add3A_95, %dma_start3A] : memref<8x64xi32, #tpu.memory_space<vmem>> -> memref<1x32xi32, #tpu.memory_space<vmem>>
    %dma_start3A_97 = tpu.memref_squeeze %dma_start3A_96 : memref<1x32xi32, #tpu.memory_space<vmem>> -> memref<32xi32, #tpu.memory_space<vmem>>
    %dma_start3A_98 = arith.constant 0 : i32
    %dma_start3A_99 = arith.constant 0 : i32
    %dma_start3A_100 = tpu.memref_slice %arg2[%dma_start3A_98, %dma_start3A_99] : memref<32768x768xf32, #tpu.memory_space<hbm>> -> memref<32768x768xf32, #tpu.memory_space<hbm>>
    tpu.enqueue_indirect_dma source(%dma_start3A_100 : memref<32768x768xf32, #tpu.memory_space<hbm>>) target(%arg10 : memref<32x768xf32, #tpu.memory_space<vmem>>) offsets(%dma_start3A_97 : memref<32xi32, #tpu.memory_space<vmem>>) semaphore(%arg19 : memref<!tpu.dma_semaphore, #tpu.memory_space<semaphore_mem>>)
    %add3A_101 = arith.constant 0 : i32
    %add3A_102 = arith.addi %mul3A_93, %add3A_101 : i32
    %dma_start3A_103 = arith.constant 32 : i32
    %dma_start3A_104 = tpu.memref_slice %arg9[%add3A_102, %dma_start3A_103] : memref<8x64xi32, #tpu.memory_space<vmem>> -> memref<1x32xi32, #tpu.memory_space<vmem>>
    %dma_start3A_105 = tpu.memref_squeeze %dma_start3A_104 : memref<1x32xi32, #tpu.memory_space<vmem>> -> memref<32xi32, #tpu.memory_space<vmem>>
    %dma_start3A_106 = arith.constant 0 : i32
    %dma_start3A_107 = arith.constant 0 : i32
    %dma_start3A_108 = tpu.memref_slice %arg2[%dma_start3A_106, %dma_start3A_107] : memref<32768x768xf32, #tpu.memory_space<hbm>> -> memref<32768x768xf32, #tpu.memory_space<hbm>>
    tpu.enqueue_indirect_dma source(%dma_start3A_108 : memref<32768x768xf32, #tpu.memory_space<hbm>>) target(%arg11 : memref<32x768xf32, #tpu.memory_space<vmem>>) offsets(%dma_start3A_105 : memref<32xi32, #tpu.memory_space<vmem>>) semaphore(%arg20 : memref<!tpu.dma_semaphore, #tpu.memory_space<semaphore_mem>>)
    %add3A_109 = arith.constant 1 : i32
    %add3A_110 = arith.addi %mul3A_93, %add3A_109 : i32
    %dma_start3A_111 = arith.constant 0 : i32
    %dma_start3A_112 = tpu.memref_slice %arg9[%add3A_110, %dma_start3A_111] : memref<8x64xi32, #tpu.memory_space<vmem>> -> memref<1x32xi32, #tpu.memory_space<vmem>>
    %dma_start3A_113 = tpu.memref_squeeze %dma_start3A_112 : memref<1x32xi32, #tpu.memory_space<vmem>> -> memref<32xi32, #tpu.memory_space<vmem>>
    %dma_start3A_114 = arith.constant 0 : i32
    %dma_start3A_115 = arith.constant 0 : i32
    %dma_start3A_116 = tpu.memref_slice %arg2[%dma_start3A_114, %dma_start3A_115] : memref<32768x768xf32, #tpu.memory_space<hbm>> -> memref<32768x768xf32, #tpu.memory_space<hbm>>
    tpu.enqueue_indirect_dma source(%dma_start3A_116 : memref<32768x768xf32, #tpu.memory_space<hbm>>) target(%arg12 : memref<32x768xf32, #tpu.memory_space<vmem>>) offsets(%dma_start3A_113 : memref<32xi32, #tpu.memory_space<vmem>>) semaphore(%arg21 : memref<!tpu.dma_semaphore, #tpu.memory_space<semaphore_mem>>)
    %add3A_117 = arith.constant 1 : i32
    %add3A_118 = arith.addi %mul3A_93, %add3A_117 : i32
    %dma_start3A_119 = arith.constant 32 : i32
    %dma_start3A_120 = tpu.memref_slice %arg9[%add3A_118, %dma_start3A_119] : memref<8x64xi32, #tpu.memory_space<vmem>> -> memref<1x32xi32, #tpu.memory_space<vmem>>
    %dma_start3A_121 = tpu.memref_squeeze %dma_start3A_120 : memref<1x32xi32, #tpu.memory_space<vmem>> -> memref<32xi32, #tpu.memory_space<vmem>>
    %dma_start3A_122 = arith.constant 0 : i32
    %dma_start3A_123 = arith.constant 0 : i32
    %dma_start3A_124 = tpu.memref_slice %arg2[%dma_start3A_122, %dma_start3A_123] : memref<32768x768xf32, #tpu.memory_space<hbm>> -> memref<32768x768xf32, #tpu.memory_space<hbm>>
    tpu.enqueue_indirect_dma source(%dma_start3A_124 : memref<32768x768xf32, #tpu.memory_space<hbm>>) target(%arg13 : memref<32x768xf32, #tpu.memory_space<vmem>>) offsets(%dma_start3A_121 : memref<32xi32, #tpu.memory_space<vmem>>) semaphore(%arg22 : memref<!tpu.dma_semaphore, #tpu.memory_space<semaphore_mem>>)
    %mul3A_125 = arith.constant 16 : i32
    %mul3A_126 = arith.muli %mul3A_125, %add3A : i32
    %multiple_of3A_127 = tpu.assume_multiple %mul3A_126, 8 : i32
    "tpu.region"() ({
      %run_scoped3A = tpu.sem_alloc : memref<!tpu.dma_semaphore, #tpu.memory_space<semaphore_mem>>
      %dma_start3A_1748 = arith.constant 0 : i32
      %dma_start3A_1749 = tpu.memref_slice %arg3[%multiple_of3A_127, %dma_start3A_1748] : memref<512x64xi32, #tpu.memory_space<hbm>> -> memref<16x64xi32, #tpu.memory_space<hbm>>
      %dma_start3A_1750 = arith.constant 0 : i32
      %dma_start3A_1751 = tpu.memref_slice %arg3[%multiple_of3A_127, %dma_start3A_1750] : memref<512x64xi32, #tpu.memory_space<hbm>> -> memref<16x64xi32, #tpu.memory_space<hbm>>
      tpu.enqueue_dma source(%dma_start3A_1751 : memref<16x64xi32, #tpu.memory_space<hbm>>) target(%arg14 : memref<16x64xi32, #tpu.memory_space<vmem>>) target_semaphore(%run_scoped3A : memref<!tpu.dma_semaphore, #tpu.memory_space<semaphore_mem>>)
      %dma_wait3A_1752 = arith.constant 0 : i32
      %dma_wait3A_1753 = tpu.memref_slice %arg3[%multiple_of3A_127, %dma_wait3A_1752] : memref<512x64xi32, #tpu.memory_space<hbm>> -> memref<16x64xi32, #tpu.memory_space<hbm>>
      %dma_wait3A_1754 = arith.constant 0 : i32
      %dma_wait3A_1755 = tpu.memref_slice %arg3[%multiple_of3A_127, %dma_wait3A_1754] : memref<512x64xi32, #tpu.memory_space<hbm>> -> memref<16x64xi32, #tpu.memory_space<hbm>>
      tpu.wait_dma2 semaphore(%run_scoped3A : memref<!tpu.dma_semaphore, #tpu.memory_space<semaphore_mem>>) src(%dma_wait3A_1755 : memref<16x64xi32, #tpu.memory_space<hbm>>) dst(%arg14 : memref<16x64xi32, #tpu.memory_space<vmem>>)
      tpu.yield
    }) : () -> ()
    %mul3A_128 = arith.constant 64 : i32
    %mul3A_129 = arith.muli %select_n3A, %mul3A_128 : i32
    %multiple_of3A_130 = tpu.assume_multiple %mul3A_129, 64 : i32
    "tpu.region"() ({
      %run_scoped3A = tpu.sem_alloc : memref<!tpu.dma_semaphore, #tpu.memory_space<semaphore_mem>>
      %dma_start3A_1748 = arith.constant 0 : i32
      %dma_start3A_1749 = tpu.memref_slice %arg4[%multiple_of3A_130, %dma_start3A_1748] : memref<256x128xf32, #tpu.memory_space<hbm>> -> memref<64x128xf32, #tpu.memory_space<hbm>>
      %dma_start3A_1750 = arith.constant 0 : i32
      %dma_start3A_1751 = tpu.memref_slice %arg4[%multiple_of3A_130, %dma_start3A_1750] : memref<256x128xf32, #tpu.memory_space<hbm>> -> memref<64x128xf32, #tpu.memory_space<hbm>>
      tpu.enqueue_dma source(%dma_start3A_1751 : memref<64x128xf32, #tpu.memory_space<hbm>>) target(%arg15 : memref<64x128xf32, #tpu.memory_space<vmem>>) target_semaphore(%run_scoped3A : memref<!tpu.dma_semaphore, #tpu.memory_space<semaphore_mem>>)
      %dma_wait3A_1752 = arith.constant 0 : i32
      %dma_wait3A_1753 = tpu.memref_slice %arg4[%multiple_of3A_130, %dma_wait3A_1752] : memref<256x128xf32, #tpu.memory_space<hbm>> -> memref<64x128xf32, #tpu.memory_space<hbm>>
      %dma_wait3A_1754 = arith.constant 0 : i32
      %dma_wait3A_1755 = tpu.memref_slice %arg4[%multiple_of3A_130, %dma_wait3A_1754] : memref<256x128xf32, #tpu.memory_space<hbm>> -> memref<64x128xf32, #tpu.memory_space<hbm>>
      tpu.wait_dma2 semaphore(%run_scoped3A : memref<!tpu.dma_semaphore, #tpu.memory_space<semaphore_mem>>) src(%dma_wait3A_1755 : memref<64x128xf32, #tpu.memory_space<hbm>>) dst(%arg15 : memref<64x128xf32, #tpu.memory_space<vmem>>)
      tpu.yield
    }) : () -> ()
    %mul3A_131 = arith.constant 64 : i32
    %mul3A_132 = arith.muli %select_n3A, %mul3A_131 : i32
    %multiple_of3A_133 = tpu.assume_multiple %mul3A_132, 64 : i32
    "tpu.region"() ({
      %run_scoped3A = tpu.sem_alloc : memref<!tpu.dma_semaphore, #tpu.memory_space<semaphore_mem>>
      %dma_start3A_1748 = arith.constant 0 : i32
      %dma_start3A_1749 = tpu.memref_slice %arg5[%multiple_of3A_133, %dma_start3A_1748] : memref<256x128xf32, #tpu.memory_space<hbm>> -> memref<64x128xf32, #tpu.memory_space<hbm>>
      %dma_start3A_1750 = arith.constant 0 : i32
      %dma_start3A_1751 = tpu.memref_slice %arg5[%multiple_of3A_133, %dma_start3A_1750] : memref<256x128xf32, #tpu.memory_space<hbm>> -> memref<64x128xf32, #tpu.memory_space<hbm>>
      tpu.enqueue_dma source(%dma_start3A_1751 : memref<64x128xf32, #tpu.memory_space<hbm>>) target(%arg16 : memref<64x128xf32, #tpu.memory_space<vmem>>) target_semaphore(%run_scoped3A : memref<!tpu.dma_semaphore, #tpu.memory_space<semaphore_mem>>)
      %dma_wait3A_1752 = arith.constant 0 : i32
      %dma_wait3A_1753 = tpu.memref_slice %arg5[%multiple_of3A_133, %dma_wait3A_1752] : memref<256x128xf32, #tpu.memory_space<hbm>> -> memref<64x128xf32, #tpu.memory_space<hbm>>
      %dma_wait3A_1754 = arith.constant 0 : i32
      %dma_wait3A_1755 = tpu.memref_slice %arg5[%multiple_of3A_133, %dma_wait3A_1754] : memref<256x128xf32, #tpu.memory_space<hbm>> -> memref<64x128xf32, #tpu.memory_space<hbm>>
      tpu.wait_dma2 semaphore(%run_scoped3A : memref<!tpu.dma_semaphore, #tpu.memory_space<semaphore_mem>>) src(%dma_wait3A_1755 : memref<64x128xf32, #tpu.memory_space<hbm>>) dst(%arg16 : memref<64x128xf32, #tpu.memory_space<vmem>>)
      tpu.yield
    }) : () -> ()
    %mul3A_134 = arith.constant 8192 : i32
    %mul3A_135 = arith.muli %select_n3A, %mul3A_134 : i32
    %get3A = arith.constant 0 : i32
    %get3A_136 = arith.index_cast %get3A : i32 to index
    %get3A_137 = arith.constant 0 : index
    %get3A_138 = tpu.vector_load %arg14[%get3A_136, %get3A_137] {strides = array<i32>} : memref<16x64xi32, #tpu.memory_space<vmem>>, vector<16xi32>,
    %sub3A_139 = vector.broadcast %mul3A_135 : i32 to vector<16xi32>
    %sub3A_140 = arith.subi %get3A_138, %sub3A_139 : vector<16xi32>
    %shift_right_arithmetic3A = arith.constant 7 : i32
    %shift_right_arithmetic3A_141 = vector.broadcast %shift_right_arithmetic3A : i32 to vector<16xi32>
    %shift_right_arithmetic3A_142 = arith.shrsi %sub3A_140, %shift_right_arithmetic3A_141 : vector<16xi32>
    %and3A_143 = arith.constant 127 : i32
    %and3A_144 = vector.broadcast %and3A_143 : i32 to vector<16xi32>
    %and3A_145 = arith.andi %sub3A_140, %and3A_144 : vector<16xi32>
    %gather3A = tpu.vector_load_idx %arg15[%shift_right_arithmetic3A_142, %and3A_145] : memref<64x128xf32, #tpu.memory_space<vmem>>[vector<16xi32>, vector<16xi32>], vector<16xf32>,
    %gather3A_146 = tpu.vector_load_idx %arg16[%shift_right_arithmetic3A_142, %and3A_145] : memref<64x128xf32, #tpu.memory_space<vmem>>[vector<16xi32>, vector<16xi32>], vector<16xf32>,
    %swap3A = arith.constant 0 : i32
    %swap3A_147 = arith.index_cast %swap3A : i32 to index
    %swap3A_148 = arith.constant 0 : index
    %swap3A_149 = tpu.vector_load %arg17[%swap3A_147, %swap3A_148] {strides = array<i32>} : memref<8x128xf32, #tpu.memory_space<vmem>>, vector<16xf32>,
    tpu.vector_store %arg17[%swap3A_147, %swap3A_148], %gather3A {strides = array<i32>} : memref<8x128xf32, #tpu.memory_space<vmem>>, vector<16xf32>,
    %swap3A_150 = arith.constant 0 : i32
    %swap3A_151 = arith.index_cast %swap3A_150 : i32 to index
    %swap3A_152 = arith.constant 0 : index
    %swap3A_153 = tpu.vector_load %arg18[%swap3A_151, %swap3A_152] {strides = array<i32>} : memref<8x128xf32, #tpu.memory_space<vmem>>, vector<16xf32>,
    tpu.vector_store %arg18[%swap3A_151, %swap3A_152], %gather3A_146 {strides = array<i32>} : memref<8x128xf32, #tpu.memory_space<vmem>>, vector<16xf32>,
    %get3A_154 = arith.constant 0 : i32
    %get3A_155 = arith.index_cast %get3A_154 : i32 to index
    %get3A_156 = arith.constant 16 : index
    %get3A_157 = tpu.vector_load %arg14[%get3A_155, %get3A_156] {strides = array<i32>} : memref<16x64xi32, #tpu.memory_space<vmem>>, vector<16xi32>,
    %sub3A_158 = vector.broadcast %mul3A_135 : i32 to vector<16xi32>
    %sub3A_159 = arith.subi %get3A_157, %sub3A_158 : vector<16xi32>
    %shift_right_arithmetic3A_160 = arith.constant 7 : i32
    %shift_right_arithmetic3A_161 = vector.broadcast %shift_right_arithmetic3A_160 : i32 to vector<16xi32>
    %shift_right_arithmetic3A_162 = arith.shrsi %sub3A_159, %shift_right_arithmetic3A_161 : vector<16xi32>
    %and3A_163 = arith.constant 127 : i32
    %and3A_164 = vector.broadcast %and3A_163 : i32 to vector<16xi32>
    %and3A_165 = arith.andi %sub3A_159, %and3A_164 : vector<16xi32>
    %gather3A_166 = tpu.vector_load_idx %arg15[%shift_right_arithmetic3A_162, %and3A_165] : memref<64x128xf32, #tpu.memory_space<vmem>>[vector<16xi32>, vector<16xi32>], vector<16xf32>,
    %gather3A_167 = tpu.vector_load_idx %arg16[%shift_right_arithmetic3A_162, %and3A_165] : memref<64x128xf32, #tpu.memory_space<vmem>>[vector<16xi32>, vector<16xi32>], vector<16xf32>,
    %swap3A_168 = arith.constant 0 : i32
    %swap3A_169 = arith.index_cast %swap3A_168 : i32 to index
    %swap3A_170 = arith.constant 16 : index
    %swap3A_171 = tpu.vector_load %arg17[%swap3A_169, %swap3A_170] {strides = array<i32>} : memref<8x128xf32, #tpu.memory_space<vmem>>, vector<16xf32>,
    tpu.vector_store %arg17[%swap3A_169, %swap3A_170], %gather3A_166 {strides = array<i32>} : memref<8x128xf32, #tpu.memory_space<vmem>>, vector<16xf32>,
    %swap3A_172 = arith.constant 0 : i32
    %swap3A_173 = arith.index_cast %swap3A_172 : i32 to index
    %swap3A_174 = arith.constant 16 : index
    %swap3A_175 = tpu.vector_load %arg18[%swap3A_173, %swap3A_174] {strides = array<i32>} : memref<8x128xf32, #tpu.memory_space<vmem>>, vector<16xf32>,
    tpu.vector_store %arg18[%swap3A_173, %swap3A_174], %gather3A_167 {strides = array<i32>} : memref<8x128xf32, #tpu.memory_space<vmem>>, vector<16xf32>,
    %get3A_176 = arith.constant 0 : i32
    %get3A_177 = arith.index_cast %get3A_176 : i32 to index
    %get3A_178 = arith.constant 32 : index
    %get3A_179 = tpu.vector_load %arg14[%get3A_177, %get3A_178] {strides = array<i32>} : memref<16x64xi32, #tpu.memory_space<vmem>>, vector<16xi32>,
    %sub3A_180 = vector.broadcast %mul3A_135 : i32 to vector<16xi32>
    %sub3A_181 = arith.subi %get3A_179, %sub3A_180 : vector<16xi32>
    %shift_right_arithmetic3A_182 = arith.constant 7 : i32
    %shift_right_arithmetic3A_183 = vector.broadcast %shift_right_arithmetic3A_182 : i32 to vector<16xi32>
    %shift_right_arithmetic3A_184 = arith.shrsi %sub3A_181, %shift_right_arithmetic3A_183 : vector<16xi32>
    %and3A_185 = arith.constant 127 : i32
    %and3A_186 = vector.broadcast %and3A_185 : i32 to vector<16xi32>
    %and3A_187 = arith.andi %sub3A_181, %and3A_186 : vector<16xi32>
    %gather3A_188 = tpu.vector_load_idx %arg15[%shift_right_arithmetic3A_184, %and3A_187] : memref<64x128xf32, #tpu.memory_space<vmem>>[vector<16xi32>, vector<16xi32>], vector<16xf32>,
    %gather3A_189 = tpu.vector_load_idx %arg16[%shift_right_arithmetic3A_184, %and3A_187] : memref<64x128xf32, #tpu.memory_space<vmem>>[vector<16xi32>, vector<16xi32>], vector<16xf32>,
    %swap3A_190 = arith.constant 0 : i32
    %swap3A_191 = arith.index_cast %swap3A_190 : i32 to index
    %swap3A_192 = arith.constant 32 : index
    %swap3A_193 = tpu.vector_load %arg17[%swap3A_191, %swap3A_192] {strides = array<i32>} : memref<8x128xf32, #tpu.memory_space<vmem>>, vector<16xf32>,
    tpu.vector_store %arg17[%swap3A_191, %swap3A_192], %gather3A_188 {strides = array<i32>} : memref<8x128xf32, #tpu.memory_space<vmem>>, vector<16xf32>,
    %swap3A_194 = arith.constant 0 : i32
    %swap3A_195 = arith.index_cast %swap3A_194 : i32 to index
    %swap3A_196 = arith.constant 32 : index
    %swap3A_197 = tpu.vector_load %arg18[%swap3A_195, %swap3A_196] {strides = array<i32>} : memref<8x128xf32, #tpu.memory_space<vmem>>, vector<16xf32>,
    tpu.vector_store %arg18[%swap3A_195, %swap3A_196], %gather3A_189 {strides = array<i32>} : memref<8x128xf32, #tpu.memory_space<vmem>>, vector<16xf32>,
    %get3A_198 = arith.constant 0 : i32
    %get3A_199 = arith.index_cast %get3A_198 : i32 to index
    %get3A_200 = arith.constant 48 : index
    %get3A_201 = tpu.vector_load %arg14[%get3A_199, %get3A_200] {strides = array<i32>} : memref<16x64xi32, #tpu.memory_space<vmem>>, vector<16xi32>,
    %sub3A_202 = vector.broadcast %mul3A_135 : i32 to vector<16xi32>
    %sub3A_203 = arith.subi %get3A_201, %sub3A_202 : vector<16xi32>
    %shift_right_arithmetic3A_204 = arith.constant 7 : i32
    %shift_right_arithmetic3A_205 = vector.broadcast %shift_right_arithmetic3A_204 : i32 to vector<16xi32>
    %shift_right_arithmetic3A_206 = arith.shrsi %sub3A_203, %shift_right_arithmetic3A_205 : vector<16xi32>
    %and3A_207 = arith.constant 127 : i32
    %and3A_208 = vector.broadcast %and3A_207 : i32 to vector<16xi32>
    %and3A_209 = arith.andi %sub3A_203, %and3A_208 : vector<16xi32>
    %gather3A_210 = tpu.vector_load_idx %arg15[%shift_right_arithmetic3A_206, %and3A_209] : memref<64x128xf32, #tpu.memory_space<vmem>>[vector<16xi32>, vector<16xi32>], vector<16xf32>,
    %gather3A_211 = tpu.vector_load_idx %arg16[%shift_right_arithmetic3A_206, %and3A_209] : memref<64x128xf32, #tpu.memory_space<vmem>>[vector<16xi32>, vector<16xi32>], vector<16xf32>,
    %swap3A_212 = arith.constant 0 : i32
    %swap3A_213 = arith.index_cast %swap3A_212 : i32 to index
    %swap3A_214 = arith.constant 48 : index
    %swap3A_215 = tpu.vector_load %arg17[%swap3A_213, %swap3A_214] {strides = array<i32>} : memref<8x128xf32, #tpu.memory_space<vmem>>, vector<16xf32>,
    tpu.vector_store %arg17[%swap3A_213, %swap3A_214], %gather3A_210 {strides = array<i32>} : memref<8x128xf32, #tpu.memory_space<vmem>>, vector<16xf32>,
    %swap3A_216 = arith.constant 0 : i32
    %swap3A_217 = arith.index_cast %swap3A_216 : i32 to index
    %swap3A_218 = arith.constant 48 : index
    %swap3A_219 = tpu.vector_load %arg18[%swap3A_217, %swap3A_218] {strides = array<i32>} : memref<8x128xf32, #tpu.memory_space<vmem>>, vector<16xf32>,
    tpu.vector_store %arg18[%swap3A_217, %swap3A_218], %gather3A_211 {strides = array<i32>} : memref<8x128xf32, #tpu.memory_space<vmem>>, vector<16xf32>,
    %get3A_220 = arith.constant 1 : i32
    %get3A_221 = arith.index_cast %get3A_220 : i32 to index
    %get3A_222 = arith.constant 0 : index
    %get3A_223 = tpu.vector_load %arg14[%get3A_221, %get3A_222] {strides = array<i32>} : memref<16x64xi32, #tpu.memory_space<vmem>>, vector<16xi32>,
    %sub3A_224 = vector.broadcast %mul3A_135 : i32 to vector<16xi32>
    %sub3A_225 = arith.subi %get3A_223, %sub3A_224 : vector<16xi32>
    %shift_right_arithmetic3A_226 = arith.constant 7 : i32
    %shift_right_arithmetic3A_227 = vector.broadcast %shift_right_arithmetic3A_226 : i32 to vector<16xi32>
    %shift_right_arithmetic3A_228 = arith.shrsi %sub3A_225, %shift_right_arithmetic3A_227 : vector<16xi32>
    %and3A_229 = arith.constant 127 : i32
    %and3A_230 = vector.broadcast %and3A_229 : i32 to vector<16xi32>
    %and3A_231 = arith.andi %sub3A_225, %and3A_230 : vector<16xi32>
    %gather3A_232 = tpu.vector_load_idx %arg15[%shift_right_arithmetic3A_228, %and3A_231] : memref<64x128xf32, #tpu.memory_space<vmem>>[vector<16xi32>, vector<16xi32>], vector<16xf32>,
    %gather3A_233 = tpu.vector_load_idx %arg16[%shift_right_arithmetic3A_228, %and3A_231] : memref<64x128xf32, #tpu.memory_space<vmem>>[vector<16xi32>, vector<16xi32>], vector<16xf32>,
    %swap3A_234 = arith.constant 0 : i32
    %swap3A_235 = arith.index_cast %swap3A_234 : i32 to index
    %swap3A_236 = arith.constant 64 : index
    %swap3A_237 = tpu.vector_load %arg17[%swap3A_235, %swap3A_236] {strides = array<i32>} : memref<8x128xf32, #tpu.memory_space<vmem>>, vector<16xf32>,
    tpu.vector_store %arg17[%swap3A_235, %swap3A_236], %gather3A_232 {strides = array<i32>} : memref<8x128xf32, #tpu.memory_space<vmem>>, vector<16xf32>,
    %swap3A_238 = arith.constant 0 : i32
    %swap3A_239 = arith.index_cast %swap3A_238 : i32 to index
    %swap3A_240 = arith.constant 64 : index
    %swap3A_241 = tpu.vector_load %arg18[%swap3A_239, %swap3A_240] {strides = array<i32>} : memref<8x128xf32, #tpu.memory_space<vmem>>, vector<16xf32>,
    tpu.vector_store %arg18[%swap3A_239, %swap3A_240], %gather3A_233 {strides = array<i32>} : memref<8x128xf32, #tpu.memory_space<vmem>>, vector<16xf32>,
    %get3A_242 = arith.constant 1 : i32
    %get3A_243 = arith.index_cast %get3A_242 : i32 to index
    %get3A_244 = arith.constant 16 : index
    %get3A_245 = tpu.vector_load %arg14[%get3A_243, %get3A_244] {strides = array<i32>} : memref<16x64xi32, #tpu.memory_space<vmem>>, vector<16xi32>,
    %sub3A_246 = vector.broadcast %mul3A_135 : i32 to vector<16xi32>
    %sub3A_247 = arith.subi %get3A_245, %sub3A_246 : vector<16xi32>
    %shift_right_arithmetic3A_248 = arith.constant 7 : i32
    %shift_right_arithmetic3A_249 = vector.broadcast %shift_right_arithmetic3A_248 : i32 to vector<16xi32>
    %shift_right_arithmetic3A_250 = arith.shrsi %sub3A_247, %shift_right_arithmetic3A_249 : vector<16xi32>
    %and3A_251 = arith.constant 127 : i32
    %and3A_252 = vector.broadcast %and3A_251 : i32 to vector<16xi32>
    %and3A_253 = arith.andi %sub3A_247, %and3A_252 : vector<16xi32>
    %gather3A_254 = tpu.vector_load_idx %arg15[%shift_right_arithmetic3A_250, %and3A_253] : memref<64x128xf32, #tpu.memory_space<vmem>>[vector<16xi32>, vector<16xi32>], vector<16xf32>,
    %gather3A_255 = tpu.vector_load_idx %arg16[%shift_right_arithmetic3A_250, %and3A_253] : memref<64x128xf32, #tpu.memory_space<vmem>>[vector<16xi32>, vector<16xi32>], vector<16xf32>,
    %swap3A_256 = arith.constant 0 : i32
    %swap3A_257 = arith.index_cast %swap3A_256 : i32 to index
    %swap3A_258 = arith.constant 80 : index
    %swap3A_259 = tpu.vector_load %arg17[%swap3A_257, %swap3A_258] {strides = array<i32>} : memref<8x128xf32, #tpu.memory_space<vmem>>, vector<16xf32>,
    tpu.vector_store %arg17[%swap3A_257, %swap3A_258], %gather3A_254 {strides = array<i32>} : memref<8x128xf32, #tpu.memory_space<vmem>>, vector<16xf32>,
    %swap3A_260 = arith.constant 0 : i32
    %swap3A_261 = arith.index_cast %swap3A_260 : i32 to index
    %swap3A_262 = arith.constant 80 : index
    %swap3A_263 = tpu.vector_load %arg18[%swap3A_261, %swap3A_262] {strides = array<i32>} : memref<8x128xf32, #tpu.memory_space<vmem>>, vector<16xf32>,
    tpu.vector_store %arg18[%swap3A_261, %swap3A_262], %gather3A_255 {strides = array<i32>} : memref<8x128xf32, #tpu.memory_space<vmem>>, vector<16xf32>,
    %get3A_264 = arith.constant 1 : i32
    %get3A_265 = arith.index_cast %get3A_264 : i32 to index
    %get3A_266 = arith.constant 32 : index
    %get3A_267 = tpu.vector_load %arg14[%get3A_265, %get3A_266] {strides = array<i32>} : memref<16x64xi32, #tpu.memory_space<vmem>>, vector<16xi32>,
    %sub3A_268 = vector.broadcast %mul3A_135 : i32 to vector<16xi32>
    %sub3A_269 = arith.subi %get3A_267, %sub3A_268 : vector<16xi32>
    %shift_right_arithmetic3A_270 = arith.constant 7 : i32
    %shift_right_arithmetic3A_271 = vector.broadcast %shift_right_arithmetic3A_270 : i32 to vector<16xi32>
    %shift_right_arithmetic3A_272 = arith.shrsi %sub3A_269, %shift_right_arithmetic3A_271 : vector<16xi32>
    %and3A_273 = arith.constant 127 : i32
    %and3A_274 = vector.broadcast %and3A_273 : i32 to vector<16xi32>
    %and3A_275 = arith.andi %sub3A_269, %and3A_274 : vector<16xi32>
    %gather3A_276 = tpu.vector_load_idx %arg15[%shift_right_arithmetic3A_272, %and3A_275] : memref<64x128xf32, #tpu.memory_space<vmem>>[vector<16xi32>, vector<16xi32>], vector<16xf32>,
    %gather3A_277 = tpu.vector_load_idx %arg16[%shift_right_arithmetic3A_272, %and3A_275] : memref<64x128xf32, #tpu.memory_space<vmem>>[vector<16xi32>, vector<16xi32>], vector<16xf32>,
    %swap3A_278 = arith.constant 0 : i32
    %swap3A_279 = arith.index_cast %swap3A_278 : i32 to index
    %swap3A_280 = arith.constant 96 : index
    %swap3A_281 = tpu.vector_load %arg17[%swap3A_279, %swap3A_280] {strides = array<i32>} : memref<8x128xf32, #tpu.memory_space<vmem>>, vector<16xf32>,
    tpu.vector_store %arg17[%swap3A_279, %swap3A_280], %gather3A_276 {strides = array<i32>} : memref<8x128xf32, #tpu.memory_space<vmem>>, vector<16xf32>,
    %swap3A_282 = arith.constant 0 : i32
    %swap3A_283 = arith.index_cast %swap3A_282 : i32 to index
    %swap3A_284 = arith.constant 96 : index
    %swap3A_285 = tpu.vector_load %arg18[%swap3A_283, %swap3A_284] {strides = array<i32>} : memref<8x128xf32, #tpu.memory_space<vmem>>, vector<16xf32>,
    tpu.vector_store %arg18[%swap3A_283, %swap3A_284], %gather3A_277 {strides = array<i32>} : memref<8x128xf32, #tpu.memory_space<vmem>>, vector<16xf32>,
    %get3A_286 = arith.constant 1 : i32
    %get3A_287 = arith.index_cast %get3A_286 : i32 to index
    %get3A_288 = arith.constant 48 : index
    %get3A_289 = tpu.vector_load %arg14[%get3A_287, %get3A_288] {strides = array<i32>} : memref<16x64xi32, #tpu.memory_space<vmem>>, vector<16xi32>,
    %sub3A_290 = vector.broadcast %mul3A_135 : i32 to vector<16xi32>
    %sub3A_291 = arith.subi %get3A_289, %sub3A_290 : vector<16xi32>
    %shift_right_arithmetic3A_292 = arith.constant 7 : i32
    %shift_right_arithmetic3A_293 = vector.broadcast %shift_right_arithmetic3A_292 : i32 to vector<16xi32>
    %shift_right_arithmetic3A_294 = arith.shrsi %sub3A_291, %shift_right_arithmetic3A_293 : vector<16xi32>
    %and3A_295 = arith.constant 127 : i32
    %and3A_296 = vector.broadcast %and3A_295 : i32 to vector<16xi32>
    %and3A_297 = arith.andi %sub3A_291, %and3A_296 : vector<16xi32>
    %gather3A_298 = tpu.vector_load_idx %arg15[%shift_right_arithmetic3A_294, %and3A_297] : memref<64x128xf32, #tpu.memory_space<vmem>>[vector<16xi32>, vector<16xi32>], vector<16xf32>,
    %gather3A_299 = tpu.vector_load_idx %arg16[%shift_right_arithmetic3A_294, %and3A_297] : memref<64x128xf32, #tpu.memory_space<vmem>>[vector<16xi32>, vector<16xi32>], vector<16xf32>,
    %swap3A_300 = arith.constant 0 : i32
    %swap3A_301 = arith.index_cast %swap3A_300 : i32 to index
    %swap3A_302 = arith.constant 112 : index
    %swap3A_303 = tpu.vector_load %arg17[%swap3A_301, %swap3A_302] {strides = array<i32>} : memref<8x128xf32, #tpu.memory_space<vmem>>, vector<16xf32>,
    tpu.vector_store %arg17[%swap3A_301, %swap3A_302], %gather3A_298 {strides = array<i32>} : memref<8x128xf32, #tpu.memory_space<vmem>>, vector<16xf32>,
    %swap3A_304 = arith.constant 0 : i32
    %swap3A_305 = arith.index_cast %swap3A_304 : i32 to index
    %swap3A_306 = arith.constant 112 : index
    %swap3A_307 = tpu.vector_load %arg18[%swap3A_305, %swap3A_306] {strides = array<i32>} : memref<8x128xf32, #tpu.memory_space<vmem>>, vector<16xf32>,
    tpu.vector_store %arg18[%swap3A_305, %swap3A_306], %gather3A_299 {strides = array<i32>} : memref<8x128xf32, #tpu.memory_space<vmem>>, vector<16xf32>,
    %get3A_308 = arith.constant 2 : i32
    %get3A_309 = arith.index_cast %get3A_308 : i32 to index
    %get3A_310 = arith.constant 0 : index
    %get3A_311 = tpu.vector_load %arg14[%get3A_309, %get3A_310] {strides = array<i32>} : memref<16x64xi32, #tpu.memory_space<vmem>>, vector<16xi32>,
    %sub3A_312 = vector.broadcast %mul3A_135 : i32 to vector<16xi32>
    %sub3A_313 = arith.subi %get3A_311, %sub3A_312 : vector<16xi32>
    %shift_right_arithmetic3A_314 = arith.constant 7 : i32
    %shift_right_arithmetic3A_315 = vector.broadcast %shift_right_arithmetic3A_314 : i32 to vector<16xi32>
    %shift_right_arithmetic3A_316 = arith.shrsi %sub3A_313, %shift_right_arithmetic3A_315 : vector<16xi32>
    %and3A_317 = arith.constant 127 : i32
    %and3A_318 = vector.broadcast %and3A_317 : i32 to vector<16xi32>
    %and3A_319 = arith.andi %sub3A_313, %and3A_318 : vector<16xi32>
    %gather3A_320 = tpu.vector_load_idx %arg15[%shift_right_arithmetic3A_316, %and3A_319] : memref<64x128xf32, #tpu.memory_space<vmem>>[vector<16xi32>, vector<16xi32>], vector<16xf32>,
    %gather3A_321 = tpu.vector_load_idx %arg16[%shift_right_arithmetic3A_316, %and3A_319] : memref<64x128xf32, #tpu.memory_space<vmem>>[vector<16xi32>, vector<16xi32>], vector<16xf32>,
    %swap3A_322 = arith.constant 1 : i32
    %swap3A_323 = arith.index_cast %swap3A_322 : i32 to index
    %swap3A_324 = arith.constant 0 : index
    %swap3A_325 = tpu.vector_load %arg17[%swap3A_323, %swap3A_324] {strides = array<i32>} : memref<8x128xf32, #tpu.memory_space<vmem>>, vector<16xf32>,
    tpu.vector_store %arg17[%swap3A_323, %swap3A_324], %gather3A_320 {strides = array<i32>} : memref<8x128xf32, #tpu.memory_space<vmem>>, vector<16xf32>,
    %swap3A_326 = arith.constant 1 : i32
    %swap3A_327 = arith.index_cast %swap3A_326 : i32 to index
    %swap3A_328 = arith.constant 0 : index
    %swap3A_329 = tpu.vector_load %arg18[%swap3A_327, %swap3A_328] {strides = array<i32>} : memref<8x128xf32, #tpu.memory_space<vmem>>, vector<16xf32>,
    tpu.vector_store %arg18[%swap3A_327, %swap3A_328], %gather3A_321 {strides = array<i32>} : memref<8x128xf32, #tpu.memory_space<vmem>>, vector<16xf32>,
    %get3A_330 = arith.constant 2 : i32
    %get3A_331 = arith.index_cast %get3A_330 : i32 to index
    %get3A_332 = arith.constant 16 : index
    %get3A_333 = tpu.vector_load %arg14[%get3A_331, %get3A_332] {strides = array<i32>} : memref<16x64xi32, #tpu.memory_space<vmem>>, vector<16xi32>,
    %sub3A_334 = vector.broadcast %mul3A_135 : i32 to vector<16xi32>
    %sub3A_335 = arith.subi %get3A_333, %sub3A_334 : vector<16xi32>
    %shift_right_arithmetic3A_336 = arith.constant 7 : i32
    %shift_right_arithmetic3A_337 = vector.broadcast %shift_right_arithmetic3A_336 : i32 to vector<16xi32>
    %shift_right_arithmetic3A_338 = arith.shrsi %sub3A_335, %shift_right_arithmetic3A_337 : vector<16xi32>
    %and3A_339 = arith.constant 127 : i32
    %and3A_340 = vector.broadcast %and3A_339 : i32 to vector<16xi32>
    %and3A_341 = arith.andi %sub3A_335, %and3A_340 : vector<16xi32>
    %gather3A_342 = tpu.vector_load_idx %arg15[%shift_right_arithmetic3A_338, %and3A_341] : memref<64x128xf32, #tpu.memory_space<vmem>>[vector<16xi32>, vector<16xi32>], vector<16xf32>,
    %gather3A_343 = tpu.vector_load_idx %arg16[%shift_right_arithmetic3A_338, %and3A_341] : memref<64x128xf32, #tpu.memory_space<vmem>>[vector<16xi32>, vector<16xi32>], vector<16xf32>,
    %swap3A_344 = arith.constant 1 : i32
    %swap3A_345 = arith.index_cast %swap3A_344 : i32 to index
    %swap3A_346 = arith.constant 16 : index
    %swap3A_347 = tpu.vector_load %arg17[%swap3A_345, %swap3A_346] {strides = array<i32>} : memref<8x128xf32, #tpu.memory_space<vmem>>, vector<16xf32>,
    tpu.vector_store %arg17[%swap3A_345, %swap3A_346], %gather3A_342 {strides = array<i32>} : memref<8x128xf32, #tpu.memory_space<vmem>>, vector<16xf32>,
    %swap3A_348 = arith.constant 1 : i32
    %swap3A_349 = arith.index_cast %swap3A_348 : i32 to index
    %swap3A_350 = arith.constant 16 : index
    %swap3A_351 = tpu.vector_load %arg18[%swap3A_349, %swap3A_350] {strides = array<i32>} : memref<8x128xf32, #tpu.memory_space<vmem>>, vector<16xf32>,
    tpu.vector_store %arg18[%swap3A_349, %swap3A_350], %gather3A_343 {strides = array<i32>} : memref<8x128xf32, #tpu.memory_space<vmem>>, vector<16xf32>,
    %get3A_352 = arith.constant 2 : i32
    %get3A_353 = arith.index_cast %get3A_352 : i32 to index
    %get3A_354 = arith.constant 32 : index
    %get3A_355 = tpu.vector_load %arg14[%get3A_353, %get3A_354] {strides = array<i32>} : memref<16x64xi32, #tpu.memory_space<vmem>>, vector<16xi32>,
    %sub3A_356 = vector.broadcast %mul3A_135 : i32 to vector<16xi32>
    %sub3A_357 = arith.subi %get3A_355, %sub3A_356 : vector<16xi32>
    %shift_right_arithmetic3A_358 = arith.constant 7 : i32
    %shift_right_arithmetic3A_359 = vector.broadcast %shift_right_arithmetic3A_358 : i32 to vector<16xi32>
    %shift_right_arithmetic3A_360 = arith.shrsi %sub3A_357, %shift_right_arithmetic3A_359 : vector<16xi32>
    %and3A_361 = arith.constant 127 : i32
    %and3A_362 = vector.broadcast %and3A_361 : i32 to vector<16xi32>
    %and3A_363 = arith.andi %sub3A_357, %and3A_362 : vector<16xi32>
    %gather3A_364 = tpu.vector_load_idx %arg15[%shift_right_arithmetic3A_360, %and3A_363] : memref<64x128xf32, #tpu.memory_space<vmem>>[vector<16xi32>, vector<16xi32>], vector<16xf32>,
    %gather3A_365 = tpu.vector_load_idx %arg16[%shift_right_arithmetic3A_360, %and3A_363] : memref<64x128xf32, #tpu.memory_space<vmem>>[vector<16xi32>, vector<16xi32>], vector<16xf32>,
    %swap3A_366 = arith.constant 1 : i32
    %swap3A_367 = arith.index_cast %swap3A_366 : i32 to index
    %swap3A_368 = arith.constant 32 : index
    %swap3A_369 = tpu.vector_load %arg17[%swap3A_367, %swap3A_368] {strides = array<i32>} : memref<8x128xf32, #tpu.memory_space<vmem>>, vector<16xf32>,
    tpu.vector_store %arg17[%swap3A_367, %swap3A_368], %gather3A_364 {strides = array<i32>} : memref<8x128xf32, #tpu.memory_space<vmem>>, vector<16xf32>,
    %swap3A_370 = arith.constant 1 : i32
    %swap3A_371 = arith.index_cast %swap3A_370 : i32 to index
    %swap3A_372 = arith.constant 32 : index
    %swap3A_373 = tpu.vector_load %arg18[%swap3A_371, %swap3A_372] {strides = array<i32>} : memref<8x128xf32, #tpu.memory_space<vmem>>, vector<16xf32>,
    tpu.vector_store %arg18[%swap3A_371, %swap3A_372], %gather3A_365 {strides = array<i32>} : memref<8x128xf32, #tpu.memory_space<vmem>>, vector<16xf32>,
    %get3A_374 = arith.constant 2 : i32
    %get3A_375 = arith.index_cast %get3A_374 : i32 to index
    %get3A_376 = arith.constant 48 : index
    %get3A_377 = tpu.vector_load %arg14[%get3A_375, %get3A_376] {strides = array<i32>} : memref<16x64xi32, #tpu.memory_space<vmem>>, vector<16xi32>,
    %sub3A_378 = vector.broadcast %mul3A_135 : i32 to vector<16xi32>
    %sub3A_379 = arith.subi %get3A_377, %sub3A_378 : vector<16xi32>
    %shift_right_arithmetic3A_380 = arith.constant 7 : i32
    %shift_right_arithmetic3A_381 = vector.broadcast %shift_right_arithmetic3A_380 : i32 to vector<16xi32>
    %shift_right_arithmetic3A_382 = arith.shrsi %sub3A_379, %shift_right_arithmetic3A_381 : vector<16xi32>
    %and3A_383 = arith.constant 127 : i32
    %and3A_384 = vector.broadcast %and3A_383 : i32 to vector<16xi32>
    %and3A_385 = arith.andi %sub3A_379, %and3A_384 : vector<16xi32>
    %gather3A_386 = tpu.vector_load_idx %arg15[%shift_right_arithmetic3A_382, %and3A_385] : memref<64x128xf32, #tpu.memory_space<vmem>>[vector<16xi32>, vector<16xi32>], vector<16xf32>,
    %gather3A_387 = tpu.vector_load_idx %arg16[%shift_right_arithmetic3A_382, %and3A_385] : memref<64x128xf32, #tpu.memory_space<vmem>>[vector<16xi32>, vector<16xi32>], vector<16xf32>,
    %swap3A_388 = arith.constant 1 : i32
    %swap3A_389 = arith.index_cast %swap3A_388 : i32 to index
    %swap3A_390 = arith.constant 48 : index
    %swap3A_391 = tpu.vector_load %arg17[%swap3A_389, %swap3A_390] {strides = array<i32>} : memref<8x128xf32, #tpu.memory_space<vmem>>, vector<16xf32>,
    tpu.vector_store %arg17[%swap3A_389, %swap3A_390], %gather3A_386 {strides = array<i32>} : memref<8x128xf32, #tpu.memory_space<vmem>>, vector<16xf32>,
    %swap3A_392 = arith.constant 1 : i32
    %swap3A_393 = arith.index_cast %swap3A_392 : i32 to index
    %swap3A_394 = arith.constant 48 : index
    %swap3A_395 = tpu.vector_load %arg18[%swap3A_393, %swap3A_394] {strides = array<i32>} : memref<8x128xf32, #tpu.memory_space<vmem>>, vector<16xf32>,
    tpu.vector_store %arg18[%swap3A_393, %swap3A_394], %gather3A_387 {strides = array<i32>} : memref<8x128xf32, #tpu.memory_space<vmem>>, vector<16xf32>,
    %get3A_396 = arith.constant 3 : i32
    %get3A_397 = arith.index_cast %get3A_396 : i32 to index
    %get3A_398 = arith.constant 0 : index
    %get3A_399 = tpu.vector_load %arg14[%get3A_397, %get3A_398] {strides = array<i32>} : memref<16x64xi32, #tpu.memory_space<vmem>>, vector<16xi32>,
    %sub3A_400 = vector.broadcast %mul3A_135 : i32 to vector<16xi32>
    %sub3A_401 = arith.subi %get3A_399, %sub3A_400 : vector<16xi32>
    %shift_right_arithmetic3A_402 = arith.constant 7 : i32
    %shift_right_arithmetic3A_403 = vector.broadcast %shift_right_arithmetic3A_402 : i32 to vector<16xi32>
    %shift_right_arithmetic3A_404 = arith.shrsi %sub3A_401, %shift_right_arithmetic3A_403 : vector<16xi32>
    %and3A_405 = arith.constant 127 : i32
    %and3A_406 = vector.broadcast %and3A_405 : i32 to vector<16xi32>
    %and3A_407 = arith.andi %sub3A_401, %and3A_406 : vector<16xi32>
    %gather3A_408 = tpu.vector_load_idx %arg15[%shift_right_arithmetic3A_404, %and3A_407] : memref<64x128xf32, #tpu.memory_space<vmem>>[vector<16xi32>, vector<16xi32>], vector<16xf32>,
    %gather3A_409 = tpu.vector_load_idx %arg16[%shift_right_arithmetic3A_404, %and3A_407] : memref<64x128xf32, #tpu.memory_space<vmem>>[vector<16xi32>, vector<16xi32>], vector<16xf32>,
    %swap3A_410 = arith.constant 1 : i32
    %swap3A_411 = arith.index_cast %swap3A_410 : i32 to index
    %swap3A_412 = arith.constant 64 : index
    %swap3A_413 = tpu.vector_load %arg17[%swap3A_411, %swap3A_412] {strides = array<i32>} : memref<8x128xf32, #tpu.memory_space<vmem>>, vector<16xf32>,
    tpu.vector_store %arg17[%swap3A_411, %swap3A_412], %gather3A_408 {strides = array<i32>} : memref<8x128xf32, #tpu.memory_space<vmem>>, vector<16xf32>,
    %swap3A_414 = arith.constant 1 : i32
    %swap3A_415 = arith.index_cast %swap3A_414 : i32 to index
    %swap3A_416 = arith.constant 64 : index
    %swap3A_417 = tpu.vector_load %arg18[%swap3A_415, %swap3A_416] {strides = array<i32>} : memref<8x128xf32, #tpu.memory_space<vmem>>, vector<16xf32>,
    tpu.vector_store %arg18[%swap3A_415, %swap3A_416], %gather3A_409 {strides = array<i32>} : memref<8x128xf32, #tpu.memory_space<vmem>>, vector<16xf32>,
    %get3A_418 = arith.constant 3 : i32
    %get3A_419 = arith.index_cast %get3A_418 : i32 to index
    %get3A_420 = arith.constant 16 : index
    %get3A_421 = tpu.vector_load %arg14[%get3A_419, %get3A_420] {strides = array<i32>} : memref<16x64xi32, #tpu.memory_space<vmem>>, vector<16xi32>,
    %sub3A_422 = vector.broadcast %mul3A_135 : i32 to vector<16xi32>
    %sub3A_423 = arith.subi %get3A_421, %sub3A_422 : vector<16xi32>
    %shift_right_arithmetic3A_424 = arith.constant 7 : i32
    %shift_right_arithmetic3A_425 = vector.broadcast %shift_right_arithmetic3A_424 : i32 to vector<16xi32>
    %shift_right_arithmetic3A_426 = arith.shrsi %sub3A_423, %shift_right_arithmetic3A_425 : vector<16xi32>
    %and3A_427 = arith.constant 127 : i32
    %and3A_428 = vector.broadcast %and3A_427 : i32 to vector<16xi32>
    %and3A_429 = arith.andi %sub3A_423, %and3A_428 : vector<16xi32>
    %gather3A_430 = tpu.vector_load_idx %arg15[%shift_right_arithmetic3A_426, %and3A_429] : memref<64x128xf32, #tpu.memory_space<vmem>>[vector<16xi32>, vector<16xi32>], vector<16xf32>,
    %gather3A_431 = tpu.vector_load_idx %arg16[%shift_right_arithmetic3A_426, %and3A_429] : memref<64x128xf32, #tpu.memory_space<vmem>>[vector<16xi32>, vector<16xi32>], vector<16xf32>,
    %swap3A_432 = arith.constant 1 : i32
    %swap3A_433 = arith.index_cast %swap3A_432 : i32 to index
    %swap3A_434 = arith.constant 80 : index
    %swap3A_435 = tpu.vector_load %arg17[%swap3A_433, %swap3A_434] {strides = array<i32>} : memref<8x128xf32, #tpu.memory_space<vmem>>, vector<16xf32>,
    tpu.vector_store %arg17[%swap3A_433, %swap3A_434], %gather3A_430 {strides = array<i32>} : memref<8x128xf32, #tpu.memory_space<vmem>>, vector<16xf32>,
    %swap3A_436 = arith.constant 1 : i32
    %swap3A_437 = arith.index_cast %swap3A_436 : i32 to index
    %swap3A_438 = arith.constant 80 : index
    %swap3A_439 = tpu.vector_load %arg18[%swap3A_437, %swap3A_438] {strides = array<i32>} : memref<8x128xf32, #tpu.memory_space<vmem>>, vector<16xf32>,
    tpu.vector_store %arg18[%swap3A_437, %swap3A_438], %gather3A_431 {strides = array<i32>} : memref<8x128xf32, #tpu.memory_space<vmem>>, vector<16xf32>,
    %get3A_440 = arith.constant 3 : i32
    %get3A_441 = arith.index_cast %get3A_440 : i32 to index
    %get3A_442 = arith.constant 32 : index
    %get3A_443 = tpu.vector_load %arg14[%get3A_441, %get3A_442] {strides = array<i32>} : memref<16x64xi32, #tpu.memory_space<vmem>>, vector<16xi32>,
    %sub3A_444 = vector.broadcast %mul3A_135 : i32 to vector<16xi32>
    %sub3A_445 = arith.subi %get3A_443, %sub3A_444 : vector<16xi32>
    %shift_right_arithmetic3A_446 = arith.constant 7 : i32
    %shift_right_arithmetic3A_447 = vector.broadcast %shift_right_arithmetic3A_446 : i32 to vector<16xi32>
    %shift_right_arithmetic3A_448 = arith.shrsi %sub3A_445, %shift_right_arithmetic3A_447 : vector<16xi32>
    %and3A_449 = arith.constant 127 : i32
    %and3A_450 = vector.broadcast %and3A_449 : i32 to vector<16xi32>
    %and3A_451 = arith.andi %sub3A_445, %and3A_450 : vector<16xi32>
    %gather3A_452 = tpu.vector_load_idx %arg15[%shift_right_arithmetic3A_448, %and3A_451] : memref<64x128xf32, #tpu.memory_space<vmem>>[vector<16xi32>, vector<16xi32>], vector<16xf32>,
    %gather3A_453 = tpu.vector_load_idx %arg16[%shift_right_arithmetic3A_448, %and3A_451] : memref<64x128xf32, #tpu.memory_space<vmem>>[vector<16xi32>, vector<16xi32>], vector<16xf32>,
    %swap3A_454 = arith.constant 1 : i32
    %swap3A_455 = arith.index_cast %swap3A_454 : i32 to index
    %swap3A_456 = arith.constant 96 : index
    %swap3A_457 = tpu.vector_load %arg17[%swap3A_455, %swap3A_456] {strides = array<i32>} : memref<8x128xf32, #tpu.memory_space<vmem>>, vector<16xf32>,
    tpu.vector_store %arg17[%swap3A_455, %swap3A_456], %gather3A_452 {strides = array<i32>} : memref<8x128xf32, #tpu.memory_space<vmem>>, vector<16xf32>,
    %swap3A_458 = arith.constant 1 : i32
    %swap3A_459 = arith.index_cast %swap3A_458 : i32 to index
    %swap3A_460 = arith.constant 96 : index
    %swap3A_461 = tpu.vector_load %arg18[%swap3A_459, %swap3A_460] {strides = array<i32>} : memref<8x128xf32, #tpu.memory_space<vmem>>, vector<16xf32>,
    tpu.vector_store %arg18[%swap3A_459, %swap3A_460], %gather3A_453 {strides = array<i32>} : memref<8x128xf32, #tpu.memory_space<vmem>>, vector<16xf32>,
    %get3A_462 = arith.constant 3 : i32
    %get3A_463 = arith.index_cast %get3A_462 : i32 to index
    %get3A_464 = arith.constant 48 : index
    %get3A_465 = tpu.vector_load %arg14[%get3A_463, %get3A_464] {strides = array<i32>} : memref<16x64xi32, #tpu.memory_space<vmem>>, vector<16xi32>,
    %sub3A_466 = vector.broadcast %mul3A_135 : i32 to vector<16xi32>
    %sub3A_467 = arith.subi %get3A_465, %sub3A_466 : vector<16xi32>
    %shift_right_arithmetic3A_468 = arith.constant 7 : i32
    %shift_right_arithmetic3A_469 = vector.broadcast %shift_right_arithmetic3A_468 : i32 to vector<16xi32>
    %shift_right_arithmetic3A_470 = arith.shrsi %sub3A_467, %shift_right_arithmetic3A_469 : vector<16xi32>
    %and3A_471 = arith.constant 127 : i32
    %and3A_472 = vector.broadcast %and3A_471 : i32 to vector<16xi32>
    %and3A_473 = arith.andi %sub3A_467, %and3A_472 : vector<16xi32>
    %gather3A_474 = tpu.vector_load_idx %arg15[%shift_right_arithmetic3A_470, %and3A_473] : memref<64x128xf32, #tpu.memory_space<vmem>>[vector<16xi32>, vector<16xi32>], vector<16xf32>,
    %gather3A_475 = tpu.vector_load_idx %arg16[%shift_right_arithmetic3A_470, %and3A_473] : memref<64x128xf32, #tpu.memory_space<vmem>>[vector<16xi32>, vector<16xi32>], vector<16xf32>,
    %swap3A_476 = arith.constant 1 : i32
    %swap3A_477 = arith.index_cast %swap3A_476 : i32 to index
    %swap3A_478 = arith.constant 112 : index
    %swap3A_479 = tpu.vector_load %arg17[%swap3A_477, %swap3A_478] {strides = array<i32>} : memref<8x128xf32, #tpu.memory_space<vmem>>, vector<16xf32>,
    tpu.vector_store %arg17[%swap3A_477, %swap3A_478], %gather3A_474 {strides = array<i32>} : memref<8x128xf32, #tpu.memory_space<vmem>>, vector<16xf32>,
    %swap3A_480 = arith.constant 1 : i32
    %swap3A_481 = arith.index_cast %swap3A_480 : i32 to index
    %swap3A_482 = arith.constant 112 : index
    %swap3A_483 = tpu.vector_load %arg18[%swap3A_481, %swap3A_482] {strides = array<i32>} : memref<8x128xf32, #tpu.memory_space<vmem>>, vector<16xf32>,
    tpu.vector_store %arg18[%swap3A_481, %swap3A_482], %gather3A_475 {strides = array<i32>} : memref<8x128xf32, #tpu.memory_space<vmem>>, vector<16xf32>,
    %get3A_484 = arith.constant 4 : i32
    %get3A_485 = arith.index_cast %get3A_484 : i32 to index
    %get3A_486 = arith.constant 0 : index
    %get3A_487 = tpu.vector_load %arg14[%get3A_485, %get3A_486] {strides = array<i32>} : memref<16x64xi32, #tpu.memory_space<vmem>>, vector<16xi32>,
    %sub3A_488 = vector.broadcast %mul3A_135 : i32 to vector<16xi32>
    %sub3A_489 = arith.subi %get3A_487, %sub3A_488 : vector<16xi32>
    %shift_right_arithmetic3A_490 = arith.constant 7 : i32
    %shift_right_arithmetic3A_491 = vector.broadcast %shift_right_arithmetic3A_490 : i32 to vector<16xi32>
    %shift_right_arithmetic3A_492 = arith.shrsi %sub3A_489, %shift_right_arithmetic3A_491 : vector<16xi32>
    %and3A_493 = arith.constant 127 : i32
    %and3A_494 = vector.broadcast %and3A_493 : i32 to vector<16xi32>
    %and3A_495 = arith.andi %sub3A_489, %and3A_494 : vector<16xi32>
    %gather3A_496 = tpu.vector_load_idx %arg15[%shift_right_arithmetic3A_492, %and3A_495] : memref<64x128xf32, #tpu.memory_space<vmem>>[vector<16xi32>, vector<16xi32>], vector<16xf32>,
    %gather3A_497 = tpu.vector_load_idx %arg16[%shift_right_arithmetic3A_492, %and3A_495] : memref<64x128xf32, #tpu.memory_space<vmem>>[vector<16xi32>, vector<16xi32>], vector<16xf32>,
    %swap3A_498 = arith.constant 2 : i32
    %swap3A_499 = arith.index_cast %swap3A_498 : i32 to index
    %swap3A_500 = arith.constant 0 : index
    %swap3A_501 = tpu.vector_load %arg17[%swap3A_499, %swap3A_500] {strides = array<i32>} : memref<8x128xf32, #tpu.memory_space<vmem>>, vector<16xf32>,
    tpu.vector_store %arg17[%swap3A_499, %swap3A_500], %gather3A_496 {strides = array<i32>} : memref<8x128xf32, #tpu.memory_space<vmem>>, vector<16xf32>,
    %swap3A_502 = arith.constant 2 : i32
    %swap3A_503 = arith.index_cast %swap3A_502 : i32 to index
    %swap3A_504 = arith.constant 0 : index
    %swap3A_505 = tpu.vector_load %arg18[%swap3A_503, %swap3A_504] {strides = array<i32>} : memref<8x128xf32, #tpu.memory_space<vmem>>, vector<16xf32>,
    tpu.vector_store %arg18[%swap3A_503, %swap3A_504], %gather3A_497 {strides = array<i32>} : memref<8x128xf32, #tpu.memory_space<vmem>>, vector<16xf32>,
    %get3A_506 = arith.constant 4 : i32
    %get3A_507 = arith.index_cast %get3A_506 : i32 to index
    %get3A_508 = arith.constant 16 : index
    %get3A_509 = tpu.vector_load %arg14[%get3A_507, %get3A_508] {strides = array<i32>} : memref<16x64xi32, #tpu.memory_space<vmem>>, vector<16xi32>,
    %sub3A_510 = vector.broadcast %mul3A_135 : i32 to vector<16xi32>
    %sub3A_511 = arith.subi %get3A_509, %sub3A_510 : vector<16xi32>
    %shift_right_arithmetic3A_512 = arith.constant 7 : i32
    %shift_right_arithmetic3A_513 = vector.broadcast %shift_right_arithmetic3A_512 : i32 to vector<16xi32>
    %shift_right_arithmetic3A_514 = arith.shrsi %sub3A_511, %shift_right_arithmetic3A_513 : vector<16xi32>
    %and3A_515 = arith.constant 127 : i32
    %and3A_516 = vector.broadcast %and3A_515 : i32 to vector<16xi32>
    %and3A_517 = arith.andi %sub3A_511, %and3A_516 : vector<16xi32>
    %gather3A_518 = tpu.vector_load_idx %arg15[%shift_right_arithmetic3A_514, %and3A_517] : memref<64x128xf32, #tpu.memory_space<vmem>>[vector<16xi32>, vector<16xi32>], vector<16xf32>,
    %gather3A_519 = tpu.vector_load_idx %arg16[%shift_right_arithmetic3A_514, %and3A_517] : memref<64x128xf32, #tpu.memory_space<vmem>>[vector<16xi32>, vector<16xi32>], vector<16xf32>,
    %swap3A_520 = arith.constant 2 : i32
    %swap3A_521 = arith.index_cast %swap3A_520 : i32 to index
    %swap3A_522 = arith.constant 16 : index
    %swap3A_523 = tpu.vector_load %arg17[%swap3A_521, %swap3A_522] {strides = array<i32>} : memref<8x128xf32, #tpu.memory_space<vmem>>, vector<16xf32>,
    tpu.vector_store %arg17[%swap3A_521, %swap3A_522], %gather3A_518 {strides = array<i32>} : memref<8x128xf32, #tpu.memory_space<vmem>>, vector<16xf32>,
    %swap3A_524 = arith.constant 2 : i32
    %swap3A_525 = arith.index_cast %swap3A_524 : i32 to index
    %swap3A_526 = arith.constant 16 : index
    %swap3A_527 = tpu.vector_load %arg18[%swap3A_525, %swap3A_526] {strides = array<i32>} : memref<8x128xf32, #tpu.memory_space<vmem>>, vector<16xf32>,
    tpu.vector_store %arg18[%swap3A_525, %swap3A_526], %gather3A_519 {strides = array<i32>} : memref<8x128xf32, #tpu.memory_space<vmem>>, vector<16xf32>,
    %get3A_528 = arith.constant 4 : i32
    %get3A_529 = arith.index_cast %get3A_528 : i32 to index
    %get3A_530 = arith.constant 32 : index
    %get3A_531 = tpu.vector_load %arg14[%get3A_529, %get3A_530] {strides = array<i32>} : memref<16x64xi32, #tpu.memory_space<vmem>>, vector<16xi32>,
    %sub3A_532 = vector.broadcast %mul3A_135 : i32 to vector<16xi32>
    %sub3A_533 = arith.subi %get3A_531, %sub3A_532 : vector<16xi32>
    %shift_right_arithmetic3A_534 = arith.constant 7 : i32
    %shift_right_arithmetic3A_535 = vector.broadcast %shift_right_arithmetic3A_534 : i32 to vector<16xi32>
    %shift_right_arithmetic3A_536 = arith.shrsi %sub3A_533, %shift_right_arithmetic3A_535 : vector<16xi32>
    %and3A_537 = arith.constant 127 : i32
    %and3A_538 = vector.broadcast %and3A_537 : i32 to vector<16xi32>
    %and3A_539 = arith.andi %sub3A_533, %and3A_538 : vector<16xi32>
    %gather3A_540 = tpu.vector_load_idx %arg15[%shift_right_arithmetic3A_536, %and3A_539] : memref<64x128xf32, #tpu.memory_space<vmem>>[vector<16xi32>, vector<16xi32>], vector<16xf32>,
    %gather3A_541 = tpu.vector_load_idx %arg16[%shift_right_arithmetic3A_536, %and3A_539] : memref<64x128xf32, #tpu.memory_space<vmem>>[vector<16xi32>, vector<16xi32>], vector<16xf32>,
    %swap3A_542 = arith.constant 2 : i32
    %swap3A_543 = arith.index_cast %swap3A_542 : i32 to index
    %swap3A_544 = arith.constant 32 : index
    %swap3A_545 = tpu.vector_load %arg17[%swap3A_543, %swap3A_544] {strides = array<i32>} : memref<8x128xf32, #tpu.memory_space<vmem>>, vector<16xf32>,
    tpu.vector_store %arg17[%swap3A_543, %swap3A_544], %gather3A_540 {strides = array<i32>} : memref<8x128xf32, #tpu.memory_space<vmem>>, vector<16xf32>,
    %swap3A_546 = arith.constant 2 : i32
    %swap3A_547 = arith.index_cast %swap3A_546 : i32 to index
    %swap3A_548 = arith.constant 32 : index
    %swap3A_549 = tpu.vector_load %arg18[%swap3A_547, %swap3A_548] {strides = array<i32>} : memref<8x128xf32, #tpu.memory_space<vmem>>, vector<16xf32>,
    tpu.vector_store %arg18[%swap3A_547, %swap3A_548], %gather3A_541 {strides = array<i32>} : memref<8x128xf32, #tpu.memory_space<vmem>>, vector<16xf32>,
    %get3A_550 = arith.constant 4 : i32
    %get3A_551 = arith.index_cast %get3A_550 : i32 to index
    %get3A_552 = arith.constant 48 : index
    %get3A_553 = tpu.vector_load %arg14[%get3A_551, %get3A_552] {strides = array<i32>} : memref<16x64xi32, #tpu.memory_space<vmem>>, vector<16xi32>,
    %sub3A_554 = vector.broadcast %mul3A_135 : i32 to vector<16xi32>
    %sub3A_555 = arith.subi %get3A_553, %sub3A_554 : vector<16xi32>
    %shift_right_arithmetic3A_556 = arith.constant 7 : i32
    %shift_right_arithmetic3A_557 = vector.broadcast %shift_right_arithmetic3A_556 : i32 to vector<16xi32>
    %shift_right_arithmetic3A_558 = arith.shrsi %sub3A_555, %shift_right_arithmetic3A_557 : vector<16xi32>
    %and3A_559 = arith.constant 127 : i32
    %and3A_560 = vector.broadcast %and3A_559 : i32 to vector<16xi32>
    %and3A_561 = arith.andi %sub3A_555, %and3A_560 : vector<16xi32>
    %gather3A_562 = tpu.vector_load_idx %arg15[%shift_right_arithmetic3A_558, %and3A_561] : memref<64x128xf32, #tpu.memory_space<vmem>>[vector<16xi32>, vector<16xi32>], vector<16xf32>,
    %gather3A_563 = tpu.vector_load_idx %arg16[%shift_right_arithmetic3A_558, %and3A_561] : memref<64x128xf32, #tpu.memory_space<vmem>>[vector<16xi32>, vector<16xi32>], vector<16xf32>,
    %swap3A_564 = arith.constant 2 : i32
    %swap3A_565 = arith.index_cast %swap3A_564 : i32 to index
    %swap3A_566 = arith.constant 48 : index
    %swap3A_567 = tpu.vector_load %arg17[%swap3A_565, %swap3A_566] {strides = array<i32>} : memref<8x128xf32, #tpu.memory_space<vmem>>, vector<16xf32>,
    tpu.vector_store %arg17[%swap3A_565, %swap3A_566], %gather3A_562 {strides = array<i32>} : memref<8x128xf32, #tpu.memory_space<vmem>>, vector<16xf32>,
    %swap3A_568 = arith.constant 2 : i32
    %swap3A_569 = arith.index_cast %swap3A_568 : i32 to index
    %swap3A_570 = arith.constant 48 : index
    %swap3A_571 = tpu.vector_load %arg18[%swap3A_569, %swap3A_570] {strides = array<i32>} : memref<8x128xf32, #tpu.memory_space<vmem>>, vector<16xf32>,
    tpu.vector_store %arg18[%swap3A_569, %swap3A_570], %gather3A_563 {strides = array<i32>} : memref<8x128xf32, #tpu.memory_space<vmem>>, vector<16xf32>,
    %get3A_572 = arith.constant 5 : i32
    %get3A_573 = arith.index_cast %get3A_572 : i32 to index
    %get3A_574 = arith.constant 0 : index
    %get3A_575 = tpu.vector_load %arg14[%get3A_573, %get3A_574] {strides = array<i32>} : memref<16x64xi32, #tpu.memory_space<vmem>>, vector<16xi32>,
    %sub3A_576 = vector.broadcast %mul3A_135 : i32 to vector<16xi32>
    %sub3A_577 = arith.subi %get3A_575, %sub3A_576 : vector<16xi32>
    %shift_right_arithmetic3A_578 = arith.constant 7 : i32
    %shift_right_arithmetic3A_579 = vector.broadcast %shift_right_arithmetic3A_578 : i32 to vector<16xi32>
    %shift_right_arithmetic3A_580 = arith.shrsi %sub3A_577, %shift_right_arithmetic3A_579 : vector<16xi32>
    %and3A_581 = arith.constant 127 : i32
    %and3A_582 = vector.broadcast %and3A_581 : i32 to vector<16xi32>
    %and3A_583 = arith.andi %sub3A_577, %and3A_582 : vector<16xi32>
    %gather3A_584 = tpu.vector_load_idx %arg15[%shift_right_arithmetic3A_580, %and3A_583] : memref<64x128xf32, #tpu.memory_space<vmem>>[vector<16xi32>, vector<16xi32>], vector<16xf32>,
    %gather3A_585 = tpu.vector_load_idx %arg16[%shift_right_arithmetic3A_580, %and3A_583] : memref<64x128xf32, #tpu.memory_space<vmem>>[vector<16xi32>, vector<16xi32>], vector<16xf32>,
    %swap3A_586 = arith.constant 2 : i32
    %swap3A_587 = arith.index_cast %swap3A_586 : i32 to index
    %swap3A_588 = arith.constant 64 : index
    %swap3A_589 = tpu.vector_load %arg17[%swap3A_587, %swap3A_588] {strides = array<i32>} : memref<8x128xf32, #tpu.memory_space<vmem>>, vector<16xf32>,
    tpu.vector_store %arg17[%swap3A_587, %swap3A_588], %gather3A_584 {strides = array<i32>} : memref<8x128xf32, #tpu.memory_space<vmem>>, vector<16xf32>,
    %swap3A_590 = arith.constant 2 : i32
    %swap3A_591 = arith.index_cast %swap3A_590 : i32 to index
    %swap3A_592 = arith.constant 64 : index
    %swap3A_593 = tpu.vector_load %arg18[%swap3A_591, %swap3A_592] {strides = array<i32>} : memref<8x128xf32, #tpu.memory_space<vmem>>, vector<16xf32>,
    tpu.vector_store %arg18[%swap3A_591, %swap3A_592], %gather3A_585 {strides = array<i32>} : memref<8x128xf32, #tpu.memory_space<vmem>>, vector<16xf32>,
    %get3A_594 = arith.constant 5 : i32
    %get3A_595 = arith.index_cast %get3A_594 : i32 to index
    %get3A_596 = arith.constant 16 : index
    %get3A_597 = tpu.vector_load %arg14[%get3A_595, %get3A_596] {strides = array<i32>} : memref<16x64xi32, #tpu.memory_space<vmem>>, vector<16xi32>,
    %sub3A_598 = vector.broadcast %mul3A_135 : i32 to vector<16xi32>
    %sub3A_599 = arith.subi %get3A_597, %sub3A_598 : vector<16xi32>
    %shift_right_arithmetic3A_600 = arith.constant 7 : i32
    %shift_right_arithmetic3A_601 = vector.broadcast %shift_right_arithmetic3A_600 : i32 to vector<16xi32>
    %shift_right_arithmetic3A_602 = arith.shrsi %sub3A_599, %shift_right_arithmetic3A_601 : vector<16xi32>
    %and3A_603 = arith.constant 127 : i32
    %and3A_604 = vector.broadcast %and3A_603 : i32 to vector<16xi32>
    %and3A_605 = arith.andi %sub3A_599, %and3A_604 : vector<16xi32>
    %gather3A_606 = tpu.vector_load_idx %arg15[%shift_right_arithmetic3A_602, %and3A_605] : memref<64x128xf32, #tpu.memory_space<vmem>>[vector<16xi32>, vector<16xi32>], vector<16xf32>,
    %gather3A_607 = tpu.vector_load_idx %arg16[%shift_right_arithmetic3A_602, %and3A_605] : memref<64x128xf32, #tpu.memory_space<vmem>>[vector<16xi32>, vector<16xi32>], vector<16xf32>,
    %swap3A_608 = arith.constant 2 : i32
    %swap3A_609 = arith.index_cast %swap3A_608 : i32 to index
    %swap3A_610 = arith.constant 80 : index
    %swap3A_611 = tpu.vector_load %arg17[%swap3A_609, %swap3A_610] {strides = array<i32>} : memref<8x128xf32, #tpu.memory_space<vmem>>, vector<16xf32>,
    tpu.vector_store %arg17[%swap3A_609, %swap3A_610], %gather3A_606 {strides = array<i32>} : memref<8x128xf32, #tpu.memory_space<vmem>>, vector<16xf32>,
    %swap3A_612 = arith.constant 2 : i32
    %swap3A_613 = arith.index_cast %swap3A_612 : i32 to index
    %swap3A_614 = arith.constant 80 : index
    %swap3A_615 = tpu.vector_load %arg18[%swap3A_613, %swap3A_614] {strides = array<i32>} : memref<8x128xf32, #tpu.memory_space<vmem>>, vector<16xf32>,
    tpu.vector_store %arg18[%swap3A_613, %swap3A_614], %gather3A_607 {strides = array<i32>} : memref<8x128xf32, #tpu.memory_space<vmem>>, vector<16xf32>,
    %get3A_616 = arith.constant 5 : i32
    %get3A_617 = arith.index_cast %get3A_616 : i32 to index
    %get3A_618 = arith.constant 32 : index
    %get3A_619 = tpu.vector_load %arg14[%get3A_617, %get3A_618] {strides = array<i32>} : memref<16x64xi32, #tpu.memory_space<vmem>>, vector<16xi32>,
    %sub3A_620 = vector.broadcast %mul3A_135 : i32 to vector<16xi32>
    %sub3A_621 = arith.subi %get3A_619, %sub3A_620 : vector<16xi32>
    %shift_right_arithmetic3A_622 = arith.constant 7 : i32
    %shift_right_arithmetic3A_623 = vector.broadcast %shift_right_arithmetic3A_622 : i32 to vector<16xi32>
    %shift_right_arithmetic3A_624 = arith.shrsi %sub3A_621, %shift_right_arithmetic3A_623 : vector<16xi32>
    %and3A_625 = arith.constant 127 : i32
    %and3A_626 = vector.broadcast %and3A_625 : i32 to vector<16xi32>
    %and3A_627 = arith.andi %sub3A_621, %and3A_626 : vector<16xi32>
    %gather3A_628 = tpu.vector_load_idx %arg15[%shift_right_arithmetic3A_624, %and3A_627] : memref<64x128xf32, #tpu.memory_space<vmem>>[vector<16xi32>, vector<16xi32>], vector<16xf32>,
    %gather3A_629 = tpu.vector_load_idx %arg16[%shift_right_arithmetic3A_624, %and3A_627] : memref<64x128xf32, #tpu.memory_space<vmem>>[vector<16xi32>, vector<16xi32>], vector<16xf32>,
    %swap3A_630 = arith.constant 2 : i32
    %swap3A_631 = arith.index_cast %swap3A_630 : i32 to index
    %swap3A_632 = arith.constant 96 : index
    %swap3A_633 = tpu.vector_load %arg17[%swap3A_631, %swap3A_632] {strides = array<i32>} : memref<8x128xf32, #tpu.memory_space<vmem>>, vector<16xf32>,
    tpu.vector_store %arg17[%swap3A_631, %swap3A_632], %gather3A_628 {strides = array<i32>} : memref<8x128xf32, #tpu.memory_space<vmem>>, vector<16xf32>,
    %swap3A_634 = arith.constant 2 : i32
    %swap3A_635 = arith.index_cast %swap3A_634 : i32 to index
    %swap3A_636 = arith.constant 96 : index
    %swap3A_637 = tpu.vector_load %arg18[%swap3A_635, %swap3A_636] {strides = array<i32>} : memref<8x128xf32, #tpu.memory_space<vmem>>, vector<16xf32>,
    tpu.vector_store %arg18[%swap3A_635, %swap3A_636], %gather3A_629 {strides = array<i32>} : memref<8x128xf32, #tpu.memory_space<vmem>>, vector<16xf32>,
    %get3A_638 = arith.constant 5 : i32
    %get3A_639 = arith.index_cast %get3A_638 : i32 to index
    %get3A_640 = arith.constant 48 : index
    %get3A_641 = tpu.vector_load %arg14[%get3A_639, %get3A_640] {strides = array<i32>} : memref<16x64xi32, #tpu.memory_space<vmem>>, vector<16xi32>,
    %sub3A_642 = vector.broadcast %mul3A_135 : i32 to vector<16xi32>
    %sub3A_643 = arith.subi %get3A_641, %sub3A_642 : vector<16xi32>
    %shift_right_arithmetic3A_644 = arith.constant 7 : i32
    %shift_right_arithmetic3A_645 = vector.broadcast %shift_right_arithmetic3A_644 : i32 to vector<16xi32>
    %shift_right_arithmetic3A_646 = arith.shrsi %sub3A_643, %shift_right_arithmetic3A_645 : vector<16xi32>
    %and3A_647 = arith.constant 127 : i32
    %and3A_648 = vector.broadcast %and3A_647 : i32 to vector<16xi32>
    %and3A_649 = arith.andi %sub3A_643, %and3A_648 : vector<16xi32>
    %gather3A_650 = tpu.vector_load_idx %arg15[%shift_right_arithmetic3A_646, %and3A_649] : memref<64x128xf32, #tpu.memory_space<vmem>>[vector<16xi32>, vector<16xi32>], vector<16xf32>,
    %gather3A_651 = tpu.vector_load_idx %arg16[%shift_right_arithmetic3A_646, %and3A_649] : memref<64x128xf32, #tpu.memory_space<vmem>>[vector<16xi32>, vector<16xi32>], vector<16xf32>,
    %swap3A_652 = arith.constant 2 : i32
    %swap3A_653 = arith.index_cast %swap3A_652 : i32 to index
    %swap3A_654 = arith.constant 112 : index
    %swap3A_655 = tpu.vector_load %arg17[%swap3A_653, %swap3A_654] {strides = array<i32>} : memref<8x128xf32, #tpu.memory_space<vmem>>, vector<16xf32>,
    tpu.vector_store %arg17[%swap3A_653, %swap3A_654], %gather3A_650 {strides = array<i32>} : memref<8x128xf32, #tpu.memory_space<vmem>>, vector<16xf32>,
    %swap3A_656 = arith.constant 2 : i32
    %swap3A_657 = arith.index_cast %swap3A_656 : i32 to index
    %swap3A_658 = arith.constant 112 : index
    %swap3A_659 = tpu.vector_load %arg18[%swap3A_657, %swap3A_658] {strides = array<i32>} : memref<8x128xf32, #tpu.memory_space<vmem>>, vector<16xf32>,
    tpu.vector_store %arg18[%swap3A_657, %swap3A_658], %gather3A_651 {strides = array<i32>} : memref<8x128xf32, #tpu.memory_space<vmem>>, vector<16xf32>,
    %get3A_660 = arith.constant 6 : i32
    %get3A_661 = arith.index_cast %get3A_660 : i32 to index
    %get3A_662 = arith.constant 0 : index
    %get3A_663 = tpu.vector_load %arg14[%get3A_661, %get3A_662] {strides = array<i32>} : memref<16x64xi32, #tpu.memory_space<vmem>>, vector<16xi32>,
    %sub3A_664 = vector.broadcast %mul3A_135 : i32 to vector<16xi32>
    %sub3A_665 = arith.subi %get3A_663, %sub3A_664 : vector<16xi32>
    %shift_right_arithmetic3A_666 = arith.constant 7 : i32
    %shift_right_arithmetic3A_667 = vector.broadcast %shift_right_arithmetic3A_666 : i32 to vector<16xi32>
    %shift_right_arithmetic3A_668 = arith.shrsi %sub3A_665, %shift_right_arithmetic3A_667 : vector<16xi32>
    %and3A_669 = arith.constant 127 : i32
    %and3A_670 = vector.broadcast %and3A_669 : i32 to vector<16xi32>
    %and3A_671 = arith.andi %sub3A_665, %and3A_670 : vector<16xi32>
    %gather3A_672 = tpu.vector_load_idx %arg15[%shift_right_arithmetic3A_668, %and3A_671] : memref<64x128xf32, #tpu.memory_space<vmem>>[vector<16xi32>, vector<16xi32>], vector<16xf32>,
    %gather3A_673 = tpu.vector_load_idx %arg16[%shift_right_arithmetic3A_668, %and3A_671] : memref<64x128xf32, #tpu.memory_space<vmem>>[vector<16xi32>, vector<16xi32>], vector<16xf32>,
    %swap3A_674 = arith.constant 3 : i32
    %swap3A_675 = arith.index_cast %swap3A_674 : i32 to index
    %swap3A_676 = arith.constant 0 : index
    %swap3A_677 = tpu.vector_load %arg17[%swap3A_675, %swap3A_676] {strides = array<i32>} : memref<8x128xf32, #tpu.memory_space<vmem>>, vector<16xf32>,
    tpu.vector_store %arg17[%swap3A_675, %swap3A_676], %gather3A_672 {strides = array<i32>} : memref<8x128xf32, #tpu.memory_space<vmem>>, vector<16xf32>,
    %swap3A_678 = arith.constant 3 : i32
    %swap3A_679 = arith.index_cast %swap3A_678 : i32 to index
    %swap3A_680 = arith.constant 0 : index
    %swap3A_681 = tpu.vector_load %arg18[%swap3A_679, %swap3A_680] {strides = array<i32>} : memref<8x128xf32, #tpu.memory_space<vmem>>, vector<16xf32>,
    tpu.vector_store %arg18[%swap3A_679, %swap3A_680], %gather3A_673 {strides = array<i32>} : memref<8x128xf32, #tpu.memory_space<vmem>>, vector<16xf32>,
    %get3A_682 = arith.constant 6 : i32
    %get3A_683 = arith.index_cast %get3A_682 : i32 to index
    %get3A_684 = arith.constant 16 : index
    %get3A_685 = tpu.vector_load %arg14[%get3A_683, %get3A_684] {strides = array<i32>} : memref<16x64xi32, #tpu.memory_space<vmem>>, vector<16xi32>,
    %sub3A_686 = vector.broadcast %mul3A_135 : i32 to vector<16xi32>
    %sub3A_687 = arith.subi %get3A_685, %sub3A_686 : vector<16xi32>
    %shift_right_arithmetic3A_688 = arith.constant 7 : i32
    %shift_right_arithmetic3A_689 = vector.broadcast %shift_right_arithmetic3A_688 : i32 to vector<16xi32>
    %shift_right_arithmetic3A_690 = arith.shrsi %sub3A_687, %shift_right_arithmetic3A_689 : vector<16xi32>
    %and3A_691 = arith.constant 127 : i32
    %and3A_692 = vector.broadcast %and3A_691 : i32 to vector<16xi32>
    %and3A_693 = arith.andi %sub3A_687, %and3A_692 : vector<16xi32>
    %gather3A_694 = tpu.vector_load_idx %arg15[%shift_right_arithmetic3A_690, %and3A_693] : memref<64x128xf32, #tpu.memory_space<vmem>>[vector<16xi32>, vector<16xi32>], vector<16xf32>,
    %gather3A_695 = tpu.vector_load_idx %arg16[%shift_right_arithmetic3A_690, %and3A_693] : memref<64x128xf32, #tpu.memory_space<vmem>>[vector<16xi32>, vector<16xi32>], vector<16xf32>,
    %swap3A_696 = arith.constant 3 : i32
    %swap3A_697 = arith.index_cast %swap3A_696 : i32 to index
    %swap3A_698 = arith.constant 16 : index
    %swap3A_699 = tpu.vector_load %arg17[%swap3A_697, %swap3A_698] {strides = array<i32>} : memref<8x128xf32, #tpu.memory_space<vmem>>, vector<16xf32>,
    tpu.vector_store %arg17[%swap3A_697, %swap3A_698], %gather3A_694 {strides = array<i32>} : memref<8x128xf32, #tpu.memory_space<vmem>>, vector<16xf32>,
    %swap3A_700 = arith.constant 3 : i32
    %swap3A_701 = arith.index_cast %swap3A_700 : i32 to index
    %swap3A_702 = arith.constant 16 : index
    %swap3A_703 = tpu.vector_load %arg18[%swap3A_701, %swap3A_702] {strides = array<i32>} : memref<8x128xf32, #tpu.memory_space<vmem>>, vector<16xf32>,
    tpu.vector_store %arg18[%swap3A_701, %swap3A_702], %gather3A_695 {strides = array<i32>} : memref<8x128xf32, #tpu.memory_space<vmem>>, vector<16xf32>,
    %get3A_704 = arith.constant 6 : i32
    %get3A_705 = arith.index_cast %get3A_704 : i32 to index
    %get3A_706 = arith.constant 32 : index
    %get3A_707 = tpu.vector_load %arg14[%get3A_705, %get3A_706] {strides = array<i32>} : memref<16x64xi32, #tpu.memory_space<vmem>>, vector<16xi32>,
    %sub3A_708 = vector.broadcast %mul3A_135 : i32 to vector<16xi32>
    %sub3A_709 = arith.subi %get3A_707, %sub3A_708 : vector<16xi32>
    %shift_right_arithmetic3A_710 = arith.constant 7 : i32
    %shift_right_arithmetic3A_711 = vector.broadcast %shift_right_arithmetic3A_710 : i32 to vector<16xi32>
    %shift_right_arithmetic3A_712 = arith.shrsi %sub3A_709, %shift_right_arithmetic3A_711 : vector<16xi32>
    %and3A_713 = arith.constant 127 : i32
    %and3A_714 = vector.broadcast %and3A_713 : i32 to vector<16xi32>
    %and3A_715 = arith.andi %sub3A_709, %and3A_714 : vector<16xi32>
    %gather3A_716 = tpu.vector_load_idx %arg15[%shift_right_arithmetic3A_712, %and3A_715] : memref<64x128xf32, #tpu.memory_space<vmem>>[vector<16xi32>, vector<16xi32>], vector<16xf32>,
    %gather3A_717 = tpu.vector_load_idx %arg16[%shift_right_arithmetic3A_712, %and3A_715] : memref<64x128xf32, #tpu.memory_space<vmem>>[vector<16xi32>, vector<16xi32>], vector<16xf32>,
    %swap3A_718 = arith.constant 3 : i32
    %swap3A_719 = arith.index_cast %swap3A_718 : i32 to index
    %swap3A_720 = arith.constant 32 : index
    %swap3A_721 = tpu.vector_load %arg17[%swap3A_719, %swap3A_720] {strides = array<i32>} : memref<8x128xf32, #tpu.memory_space<vmem>>, vector<16xf32>,
    tpu.vector_store %arg17[%swap3A_719, %swap3A_720], %gather3A_716 {strides = array<i32>} : memref<8x128xf32, #tpu.memory_space<vmem>>, vector<16xf32>,
    %swap3A_722 = arith.constant 3 : i32
    %swap3A_723 = arith.index_cast %swap3A_722 : i32 to index
    %swap3A_724 = arith.constant 32 : index
    %swap3A_725 = tpu.vector_load %arg18[%swap3A_723, %swap3A_724] {strides = array<i32>} : memref<8x128xf32, #tpu.memory_space<vmem>>, vector<16xf32>,
    tpu.vector_store %arg18[%swap3A_723, %swap3A_724], %gather3A_717 {strides = array<i32>} : memref<8x128xf32, #tpu.memory_space<vmem>>, vector<16xf32>,
    %get3A_726 = arith.constant 6 : i32
    %get3A_727 = arith.index_cast %get3A_726 : i32 to index
    %get3A_728 = arith.constant 48 : index
    %get3A_729 = tpu.vector_load %arg14[%get3A_727, %get3A_728] {strides = array<i32>} : memref<16x64xi32, #tpu.memory_space<vmem>>, vector<16xi32>,
    %sub3A_730 = vector.broadcast %mul3A_135 : i32 to vector<16xi32>
    %sub3A_731 = arith.subi %get3A_729, %sub3A_730 : vector<16xi32>
    %shift_right_arithmetic3A_732 = arith.constant 7 : i32
    %shift_right_arithmetic3A_733 = vector.broadcast %shift_right_arithmetic3A_732 : i32 to vector<16xi32>
    %shift_right_arithmetic3A_734 = arith.shrsi %sub3A_731, %shift_right_arithmetic3A_733 : vector<16xi32>
    %and3A_735 = arith.constant 127 : i32
    %and3A_736 = vector.broadcast %and3A_735 : i32 to vector<16xi32>
    %and3A_737 = arith.andi %sub3A_731, %and3A_736 : vector<16xi32>
    %gather3A_738 = tpu.vector_load_idx %arg15[%shift_right_arithmetic3A_734, %and3A_737] : memref<64x128xf32, #tpu.memory_space<vmem>>[vector<16xi32>, vector<16xi32>], vector<16xf32>,
    %gather3A_739 = tpu.vector_load_idx %arg16[%shift_right_arithmetic3A_734, %and3A_737] : memref<64x128xf32, #tpu.memory_space<vmem>>[vector<16xi32>, vector<16xi32>], vector<16xf32>,
    %swap3A_740 = arith.constant 3 : i32
    %swap3A_741 = arith.index_cast %swap3A_740 : i32 to index
    %swap3A_742 = arith.constant 48 : index
    %swap3A_743 = tpu.vector_load %arg17[%swap3A_741, %swap3A_742] {strides = array<i32>} : memref<8x128xf32, #tpu.memory_space<vmem>>, vector<16xf32>,
    tpu.vector_store %arg17[%swap3A_741, %swap3A_742], %gather3A_738 {strides = array<i32>} : memref<8x128xf32, #tpu.memory_space<vmem>>, vector<16xf32>,
    %swap3A_744 = arith.constant 3 : i32
    %swap3A_745 = arith.index_cast %swap3A_744 : i32 to index
    %swap3A_746 = arith.constant 48 : index
    %swap3A_747 = tpu.vector_load %arg18[%swap3A_745, %swap3A_746] {strides = array<i32>} : memref<8x128xf32, #tpu.memory_space<vmem>>, vector<16xf32>,
    tpu.vector_store %arg18[%swap3A_745, %swap3A_746], %gather3A_739 {strides = array<i32>} : memref<8x128xf32, #tpu.memory_space<vmem>>, vector<16xf32>,
    %get3A_748 = arith.constant 7 : i32
    %get3A_749 = arith.index_cast %get3A_748 : i32 to index
    %get3A_750 = arith.constant 0 : index
    %get3A_751 = tpu.vector_load %arg14[%get3A_749, %get3A_750] {strides = array<i32>} : memref<16x64xi32, #tpu.memory_space<vmem>>, vector<16xi32>,
    %sub3A_752 = vector.broadcast %mul3A_135 : i32 to vector<16xi32>
    %sub3A_753 = arith.subi %get3A_751, %sub3A_752 : vector<16xi32>
    %shift_right_arithmetic3A_754 = arith.constant 7 : i32
    %shift_right_arithmetic3A_755 = vector.broadcast %shift_right_arithmetic3A_754 : i32 to vector<16xi32>
    %shift_right_arithmetic3A_756 = arith.shrsi %sub3A_753, %shift_right_arithmetic3A_755 : vector<16xi32>
    %and3A_757 = arith.constant 127 : i32
    %and3A_758 = vector.broadcast %and3A_757 : i32 to vector<16xi32>
    %and3A_759 = arith.andi %sub3A_753, %and3A_758 : vector<16xi32>
    %gather3A_760 = tpu.vector_load_idx %arg15[%shift_right_arithmetic3A_756, %and3A_759] : memref<64x128xf32, #tpu.memory_space<vmem>>[vector<16xi32>, vector<16xi32>], vector<16xf32>,
    %gather3A_761 = tpu.vector_load_idx %arg16[%shift_right_arithmetic3A_756, %and3A_759] : memref<64x128xf32, #tpu.memory_space<vmem>>[vector<16xi32>, vector<16xi32>], vector<16xf32>,
    %swap3A_762 = arith.constant 3 : i32
    %swap3A_763 = arith.index_cast %swap3A_762 : i32 to index
    %swap3A_764 = arith.constant 64 : index
    %swap3A_765 = tpu.vector_load %arg17[%swap3A_763, %swap3A_764] {strides = array<i32>} : memref<8x128xf32, #tpu.memory_space<vmem>>, vector<16xf32>,
    tpu.vector_store %arg17[%swap3A_763, %swap3A_764], %gather3A_760 {strides = array<i32>} : memref<8x128xf32, #tpu.memory_space<vmem>>, vector<16xf32>,
    %swap3A_766 = arith.constant 3 : i32
    %swap3A_767 = arith.index_cast %swap3A_766 : i32 to index
    %swap3A_768 = arith.constant 64 : index
    %swap3A_769 = tpu.vector_load %arg18[%swap3A_767, %swap3A_768] {strides = array<i32>} : memref<8x128xf32, #tpu.memory_space<vmem>>, vector<16xf32>,
    tpu.vector_store %arg18[%swap3A_767, %swap3A_768], %gather3A_761 {strides = array<i32>} : memref<8x128xf32, #tpu.memory_space<vmem>>, vector<16xf32>,
    %get3A_770 = arith.constant 7 : i32
    %get3A_771 = arith.index_cast %get3A_770 : i32 to index
    %get3A_772 = arith.constant 16 : index
    %get3A_773 = tpu.vector_load %arg14[%get3A_771, %get3A_772] {strides = array<i32>} : memref<16x64xi32, #tpu.memory_space<vmem>>, vector<16xi32>,
    %sub3A_774 = vector.broadcast %mul3A_135 : i32 to vector<16xi32>
    %sub3A_775 = arith.subi %get3A_773, %sub3A_774 : vector<16xi32>
    %shift_right_arithmetic3A_776 = arith.constant 7 : i32
    %shift_right_arithmetic3A_777 = vector.broadcast %shift_right_arithmetic3A_776 : i32 to vector<16xi32>
    %shift_right_arithmetic3A_778 = arith.shrsi %sub3A_775, %shift_right_arithmetic3A_777 : vector<16xi32>
    %and3A_779 = arith.constant 127 : i32
    %and3A_780 = vector.broadcast %and3A_779 : i32 to vector<16xi32>
    %and3A_781 = arith.andi %sub3A_775, %and3A_780 : vector<16xi32>
    %gather3A_782 = tpu.vector_load_idx %arg15[%shift_right_arithmetic3A_778, %and3A_781] : memref<64x128xf32, #tpu.memory_space<vmem>>[vector<16xi32>, vector<16xi32>], vector<16xf32>,
    %gather3A_783 = tpu.vector_load_idx %arg16[%shift_right_arithmetic3A_778, %and3A_781] : memref<64x128xf32, #tpu.memory_space<vmem>>[vector<16xi32>, vector<16xi32>], vector<16xf32>,
    %swap3A_784 = arith.constant 3 : i32
    %swap3A_785 = arith.index_cast %swap3A_784 : i32 to index
    %swap3A_786 = arith.constant 80 : index
    %swap3A_787 = tpu.vector_load %arg17[%swap3A_785, %swap3A_786] {strides = array<i32>} : memref<8x128xf32, #tpu.memory_space<vmem>>, vector<16xf32>,
    tpu.vector_store %arg17[%swap3A_785, %swap3A_786], %gather3A_782 {strides = array<i32>} : memref<8x128xf32, #tpu.memory_space<vmem>>, vector<16xf32>,
    %swap3A_788 = arith.constant 3 : i32
    %swap3A_789 = arith.index_cast %swap3A_788 : i32 to index
    %swap3A_790 = arith.constant 80 : index
    %swap3A_791 = tpu.vector_load %arg18[%swap3A_789, %swap3A_790] {strides = array<i32>} : memref<8x128xf32, #tpu.memory_space<vmem>>, vector<16xf32>,
    tpu.vector_store %arg18[%swap3A_789, %swap3A_790], %gather3A_783 {strides = array<i32>} : memref<8x128xf32, #tpu.memory_space<vmem>>, vector<16xf32>,
    %get3A_792 = arith.constant 7 : i32
    %get3A_793 = arith.index_cast %get3A_792 : i32 to index
    %get3A_794 = arith.constant 32 : index
    %get3A_795 = tpu.vector_load %arg14[%get3A_793, %get3A_794] {strides = array<i32>} : memref<16x64xi32, #tpu.memory_space<vmem>>, vector<16xi32>,
    %sub3A_796 = vector.broadcast %mul3A_135 : i32 to vector<16xi32>
    %sub3A_797 = arith.subi %get3A_795, %sub3A_796 : vector<16xi32>
    %shift_right_arithmetic3A_798 = arith.constant 7 : i32
    %shift_right_arithmetic3A_799 = vector.broadcast %shift_right_arithmetic3A_798 : i32 to vector<16xi32>
    %shift_right_arithmetic3A_800 = arith.shrsi %sub3A_797, %shift_right_arithmetic3A_799 : vector<16xi32>
    %and3A_801 = arith.constant 127 : i32
    %and3A_802 = vector.broadcast %and3A_801 : i32 to vector<16xi32>
    %and3A_803 = arith.andi %sub3A_797, %and3A_802 : vector<16xi32>
    %gather3A_804 = tpu.vector_load_idx %arg15[%shift_right_arithmetic3A_800, %and3A_803] : memref<64x128xf32, #tpu.memory_space<vmem>>[vector<16xi32>, vector<16xi32>], vector<16xf32>,
    %gather3A_805 = tpu.vector_load_idx %arg16[%shift_right_arithmetic3A_800, %and3A_803] : memref<64x128xf32, #tpu.memory_space<vmem>>[vector<16xi32>, vector<16xi32>], vector<16xf32>,
    %swap3A_806 = arith.constant 3 : i32
    %swap3A_807 = arith.index_cast %swap3A_806 : i32 to index
    %swap3A_808 = arith.constant 96 : index
    %swap3A_809 = tpu.vector_load %arg17[%swap3A_807, %swap3A_808] {strides = array<i32>} : memref<8x128xf32, #tpu.memory_space<vmem>>, vector<16xf32>,
    tpu.vector_store %arg17[%swap3A_807, %swap3A_808], %gather3A_804 {strides = array<i32>} : memref<8x128xf32, #tpu.memory_space<vmem>>, vector<16xf32>,
    %swap3A_810 = arith.constant 3 : i32
    %swap3A_811 = arith.index_cast %swap3A_810 : i32 to index
    %swap3A_812 = arith.constant 96 : index
    %swap3A_813 = tpu.vector_load %arg18[%swap3A_811, %swap3A_812] {strides = array<i32>} : memref<8x128xf32, #tpu.memory_space<vmem>>, vector<16xf32>,
    tpu.vector_store %arg18[%swap3A_811, %swap3A_812], %gather3A_805 {strides = array<i32>} : memref<8x128xf32, #tpu.memory_space<vmem>>, vector<16xf32>,
    %get3A_814 = arith.constant 7 : i32
    %get3A_815 = arith.index_cast %get3A_814 : i32 to index
    %get3A_816 = arith.constant 48 : index
    %get3A_817 = tpu.vector_load %arg14[%get3A_815, %get3A_816] {strides = array<i32>} : memref<16x64xi32, #tpu.memory_space<vmem>>, vector<16xi32>,
    %sub3A_818 = vector.broadcast %mul3A_135 : i32 to vector<16xi32>
    %sub3A_819 = arith.subi %get3A_817, %sub3A_818 : vector<16xi32>
    %shift_right_arithmetic3A_820 = arith.constant 7 : i32
    %shift_right_arithmetic3A_821 = vector.broadcast %shift_right_arithmetic3A_820 : i32 to vector<16xi32>
    %shift_right_arithmetic3A_822 = arith.shrsi %sub3A_819, %shift_right_arithmetic3A_821 : vector<16xi32>
    %and3A_823 = arith.constant 127 : i32
    %and3A_824 = vector.broadcast %and3A_823 : i32 to vector<16xi32>
    %and3A_825 = arith.andi %sub3A_819, %and3A_824 : vector<16xi32>
    %gather3A_826 = tpu.vector_load_idx %arg15[%shift_right_arithmetic3A_822, %and3A_825] : memref<64x128xf32, #tpu.memory_space<vmem>>[vector<16xi32>, vector<16xi32>], vector<16xf32>,
    %gather3A_827 = tpu.vector_load_idx %arg16[%shift_right_arithmetic3A_822, %and3A_825] : memref<64x128xf32, #tpu.memory_space<vmem>>[vector<16xi32>, vector<16xi32>], vector<16xf32>,
    %swap3A_828 = arith.constant 3 : i32
    %swap3A_829 = arith.index_cast %swap3A_828 : i32 to index
    %swap3A_830 = arith.constant 112 : index
    %swap3A_831 = tpu.vector_load %arg17[%swap3A_829, %swap3A_830] {strides = array<i32>} : memref<8x128xf32, #tpu.memory_space<vmem>>, vector<16xf32>,
    tpu.vector_store %arg17[%swap3A_829, %swap3A_830], %gather3A_826 {strides = array<i32>} : memref<8x128xf32, #tpu.memory_space<vmem>>, vector<16xf32>,
    %swap3A_832 = arith.constant 3 : i32
    %swap3A_833 = arith.index_cast %swap3A_832 : i32 to index
    %swap3A_834 = arith.constant 112 : index
    %swap3A_835 = tpu.vector_load %arg18[%swap3A_833, %swap3A_834] {strides = array<i32>} : memref<8x128xf32, #tpu.memory_space<vmem>>, vector<16xf32>,
    tpu.vector_store %arg18[%swap3A_833, %swap3A_834], %gather3A_827 {strides = array<i32>} : memref<8x128xf32, #tpu.memory_space<vmem>>, vector<16xf32>,
    %get3A_836 = arith.constant 8 : i32
    %get3A_837 = arith.index_cast %get3A_836 : i32 to index
    %get3A_838 = arith.constant 0 : index
    %get3A_839 = tpu.vector_load %arg14[%get3A_837, %get3A_838] {strides = array<i32>} : memref<16x64xi32, #tpu.memory_space<vmem>>, vector<16xi32>,
    %sub3A_840 = vector.broadcast %mul3A_135 : i32 to vector<16xi32>
    %sub3A_841 = arith.subi %get3A_839, %sub3A_840 : vector<16xi32>
    %shift_right_arithmetic3A_842 = arith.constant 7 : i32
    %shift_right_arithmetic3A_843 = vector.broadcast %shift_right_arithmetic3A_842 : i32 to vector<16xi32>
    %shift_right_arithmetic3A_844 = arith.shrsi %sub3A_841, %shift_right_arithmetic3A_843 : vector<16xi32>
    %and3A_845 = arith.constant 127 : i32
    %and3A_846 = vector.broadcast %and3A_845 : i32 to vector<16xi32>
    %and3A_847 = arith.andi %sub3A_841, %and3A_846 : vector<16xi32>
    %gather3A_848 = tpu.vector_load_idx %arg15[%shift_right_arithmetic3A_844, %and3A_847] : memref<64x128xf32, #tpu.memory_space<vmem>>[vector<16xi32>, vector<16xi32>], vector<16xf32>,
    %gather3A_849 = tpu.vector_load_idx %arg16[%shift_right_arithmetic3A_844, %and3A_847] : memref<64x128xf32, #tpu.memory_space<vmem>>[vector<16xi32>, vector<16xi32>], vector<16xf32>,
    %swap3A_850 = arith.constant 4 : i32
    %swap3A_851 = arith.index_cast %swap3A_850 : i32 to index
    %swap3A_852 = arith.constant 0 : index
    %swap3A_853 = tpu.vector_load %arg17[%swap3A_851, %swap3A_852] {strides = array<i32>} : memref<8x128xf32, #tpu.memory_space<vmem>>, vector<16xf32>,
    tpu.vector_store %arg17[%swap3A_851, %swap3A_852], %gather3A_848 {strides = array<i32>} : memref<8x128xf32, #tpu.memory_space<vmem>>, vector<16xf32>,
    %swap3A_854 = arith.constant 4 : i32
    %swap3A_855 = arith.index_cast %swap3A_854 : i32 to index
    %swap3A_856 = arith.constant 0 : index
    %swap3A_857 = tpu.vector_load %arg18[%swap3A_855, %swap3A_856] {strides = array<i32>} : memref<8x128xf32, #tpu.memory_space<vmem>>, vector<16xf32>,
    tpu.vector_store %arg18[%swap3A_855, %swap3A_856], %gather3A_849 {strides = array<i32>} : memref<8x128xf32, #tpu.memory_space<vmem>>, vector<16xf32>,
    %get3A_858 = arith.constant 8 : i32
    %get3A_859 = arith.index_cast %get3A_858 : i32 to index
    %get3A_860 = arith.constant 16 : index
    %get3A_861 = tpu.vector_load %arg14[%get3A_859, %get3A_860] {strides = array<i32>} : memref<16x64xi32, #tpu.memory_space<vmem>>, vector<16xi32>,
    %sub3A_862 = vector.broadcast %mul3A_135 : i32 to vector<16xi32>
    %sub3A_863 = arith.subi %get3A_861, %sub3A_862 : vector<16xi32>
    %shift_right_arithmetic3A_864 = arith.constant 7 : i32
    %shift_right_arithmetic3A_865 = vector.broadcast %shift_right_arithmetic3A_864 : i32 to vector<16xi32>
    %shift_right_arithmetic3A_866 = arith.shrsi %sub3A_863, %shift_right_arithmetic3A_865 : vector<16xi32>
    %and3A_867 = arith.constant 127 : i32
    %and3A_868 = vector.broadcast %and3A_867 : i32 to vector<16xi32>
    %and3A_869 = arith.andi %sub3A_863, %and3A_868 : vector<16xi32>
    %gather3A_870 = tpu.vector_load_idx %arg15[%shift_right_arithmetic3A_866, %and3A_869] : memref<64x128xf32, #tpu.memory_space<vmem>>[vector<16xi32>, vector<16xi32>], vector<16xf32>,
    %gather3A_871 = tpu.vector_load_idx %arg16[%shift_right_arithmetic3A_866, %and3A_869] : memref<64x128xf32, #tpu.memory_space<vmem>>[vector<16xi32>, vector<16xi32>], vector<16xf32>,
    %swap3A_872 = arith.constant 4 : i32
    %swap3A_873 = arith.index_cast %swap3A_872 : i32 to index
    %swap3A_874 = arith.constant 16 : index
    %swap3A_875 = tpu.vector_load %arg17[%swap3A_873, %swap3A_874] {strides = array<i32>} : memref<8x128xf32, #tpu.memory_space<vmem>>, vector<16xf32>,
    tpu.vector_store %arg17[%swap3A_873, %swap3A_874], %gather3A_870 {strides = array<i32>} : memref<8x128xf32, #tpu.memory_space<vmem>>, vector<16xf32>,
    %swap3A_876 = arith.constant 4 : i32
    %swap3A_877 = arith.index_cast %swap3A_876 : i32 to index
    %swap3A_878 = arith.constant 16 : index
    %swap3A_879 = tpu.vector_load %arg18[%swap3A_877, %swap3A_878] {strides = array<i32>} : memref<8x128xf32, #tpu.memory_space<vmem>>, vector<16xf32>,
    tpu.vector_store %arg18[%swap3A_877, %swap3A_878], %gather3A_871 {strides = array<i32>} : memref<8x128xf32, #tpu.memory_space<vmem>>, vector<16xf32>,
    %get3A_880 = arith.constant 8 : i32
    %get3A_881 = arith.index_cast %get3A_880 : i32 to index
    %get3A_882 = arith.constant 32 : index
    %get3A_883 = tpu.vector_load %arg14[%get3A_881, %get3A_882] {strides = array<i32>} : memref<16x64xi32, #tpu.memory_space<vmem>>, vector<16xi32>,
    %sub3A_884 = vector.broadcast %mul3A_135 : i32 to vector<16xi32>
    %sub3A_885 = arith.subi %get3A_883, %sub3A_884 : vector<16xi32>
    %shift_right_arithmetic3A_886 = arith.constant 7 : i32
    %shift_right_arithmetic3A_887 = vector.broadcast %shift_right_arithmetic3A_886 : i32 to vector<16xi32>
    %shift_right_arithmetic3A_888 = arith.shrsi %sub3A_885, %shift_right_arithmetic3A_887 : vector<16xi32>
    %and3A_889 = arith.constant 127 : i32
    %and3A_890 = vector.broadcast %and3A_889 : i32 to vector<16xi32>
    %and3A_891 = arith.andi %sub3A_885, %and3A_890 : vector<16xi32>
    %gather3A_892 = tpu.vector_load_idx %arg15[%shift_right_arithmetic3A_888, %and3A_891] : memref<64x128xf32, #tpu.memory_space<vmem>>[vector<16xi32>, vector<16xi32>], vector<16xf32>,
    %gather3A_893 = tpu.vector_load_idx %arg16[%shift_right_arithmetic3A_888, %and3A_891] : memref<64x128xf32, #tpu.memory_space<vmem>>[vector<16xi32>, vector<16xi32>], vector<16xf32>,
    %swap3A_894 = arith.constant 4 : i32
    %swap3A_895 = arith.index_cast %swap3A_894 : i32 to index
    %swap3A_896 = arith.constant 32 : index
    %swap3A_897 = tpu.vector_load %arg17[%swap3A_895, %swap3A_896] {strides = array<i32>} : memref<8x128xf32, #tpu.memory_space<vmem>>, vector<16xf32>,
    tpu.vector_store %arg17[%swap3A_895, %swap3A_896], %gather3A_892 {strides = array<i32>} : memref<8x128xf32, #tpu.memory_space<vmem>>, vector<16xf32>,
    %swap3A_898 = arith.constant 4 : i32
    %swap3A_899 = arith.index_cast %swap3A_898 : i32 to index
    %swap3A_900 = arith.constant 32 : index
    %swap3A_901 = tpu.vector_load %arg18[%swap3A_899, %swap3A_900] {strides = array<i32>} : memref<8x128xf32, #tpu.memory_space<vmem>>, vector<16xf32>,
    tpu.vector_store %arg18[%swap3A_899, %swap3A_900], %gather3A_893 {strides = array<i32>} : memref<8x128xf32, #tpu.memory_space<vmem>>, vector<16xf32>,
    %get3A_902 = arith.constant 8 : i32
    %get3A_903 = arith.index_cast %get3A_902 : i32 to index
    %get3A_904 = arith.constant 48 : index
    %get3A_905 = tpu.vector_load %arg14[%get3A_903, %get3A_904] {strides = array<i32>} : memref<16x64xi32, #tpu.memory_space<vmem>>, vector<16xi32>,
    %sub3A_906 = vector.broadcast %mul3A_135 : i32 to vector<16xi32>
    %sub3A_907 = arith.subi %get3A_905, %sub3A_906 : vector<16xi32>
    %shift_right_arithmetic3A_908 = arith.constant 7 : i32
    %shift_right_arithmetic3A_909 = vector.broadcast %shift_right_arithmetic3A_908 : i32 to vector<16xi32>
    %shift_right_arithmetic3A_910 = arith.shrsi %sub3A_907, %shift_right_arithmetic3A_909 : vector<16xi32>
    %and3A_911 = arith.constant 127 : i32
    %and3A_912 = vector.broadcast %and3A_911 : i32 to vector<16xi32>
    %and3A_913 = arith.andi %sub3A_907, %and3A_912 : vector<16xi32>
    %gather3A_914 = tpu.vector_load_idx %arg15[%shift_right_arithmetic3A_910, %and3A_913] : memref<64x128xf32, #tpu.memory_space<vmem>>[vector<16xi32>, vector<16xi32>], vector<16xf32>,
    %gather3A_915 = tpu.vector_load_idx %arg16[%shift_right_arithmetic3A_910, %and3A_913] : memref<64x128xf32, #tpu.memory_space<vmem>>[vector<16xi32>, vector<16xi32>], vector<16xf32>,
    %swap3A_916 = arith.constant 4 : i32
    %swap3A_917 = arith.index_cast %swap3A_916 : i32 to index
    %swap3A_918 = arith.constant 48 : index
    %swap3A_919 = tpu.vector_load %arg17[%swap3A_917, %swap3A_918] {strides = array<i32>} : memref<8x128xf32, #tpu.memory_space<vmem>>, vector<16xf32>,
    tpu.vector_store %arg17[%swap3A_917, %swap3A_918], %gather3A_914 {strides = array<i32>} : memref<8x128xf32, #tpu.memory_space<vmem>>, vector<16xf32>,
    %swap3A_920 = arith.constant 4 : i32
    %swap3A_921 = arith.index_cast %swap3A_920 : i32 to index
    %swap3A_922 = arith.constant 48 : index
    %swap3A_923 = tpu.vector_load %arg18[%swap3A_921, %swap3A_922] {strides = array<i32>} : memref<8x128xf32, #tpu.memory_space<vmem>>, vector<16xf32>,
    tpu.vector_store %arg18[%swap3A_921, %swap3A_922], %gather3A_915 {strides = array<i32>} : memref<8x128xf32, #tpu.memory_space<vmem>>, vector<16xf32>,
    %get3A_924 = arith.constant 9 : i32
    %get3A_925 = arith.index_cast %get3A_924 : i32 to index
    %get3A_926 = arith.constant 0 : index
    %get3A_927 = tpu.vector_load %arg14[%get3A_925, %get3A_926] {strides = array<i32>} : memref<16x64xi32, #tpu.memory_space<vmem>>, vector<16xi32>,
    %sub3A_928 = vector.broadcast %mul3A_135 : i32 to vector<16xi32>
    %sub3A_929 = arith.subi %get3A_927, %sub3A_928 : vector<16xi32>
    %shift_right_arithmetic3A_930 = arith.constant 7 : i32
    %shift_right_arithmetic3A_931 = vector.broadcast %shift_right_arithmetic3A_930 : i32 to vector<16xi32>
    %shift_right_arithmetic3A_932 = arith.shrsi %sub3A_929, %shift_right_arithmetic3A_931 : vector<16xi32>
    %and3A_933 = arith.constant 127 : i32
    %and3A_934 = vector.broadcast %and3A_933 : i32 to vector<16xi32>
    %and3A_935 = arith.andi %sub3A_929, %and3A_934 : vector<16xi32>
    %gather3A_936 = tpu.vector_load_idx %arg15[%shift_right_arithmetic3A_932, %and3A_935] : memref<64x128xf32, #tpu.memory_space<vmem>>[vector<16xi32>, vector<16xi32>], vector<16xf32>,
    %gather3A_937 = tpu.vector_load_idx %arg16[%shift_right_arithmetic3A_932, %and3A_935] : memref<64x128xf32, #tpu.memory_space<vmem>>[vector<16xi32>, vector<16xi32>], vector<16xf32>,
    %swap3A_938 = arith.constant 4 : i32
    %swap3A_939 = arith.index_cast %swap3A_938 : i32 to index
    %swap3A_940 = arith.constant 64 : index
    %swap3A_941 = tpu.vector_load %arg17[%swap3A_939, %swap3A_940] {strides = array<i32>} : memref<8x128xf32, #tpu.memory_space<vmem>>, vector<16xf32>,
    tpu.vector_store %arg17[%swap3A_939, %swap3A_940], %gather3A_936 {strides = array<i32>} : memref<8x128xf32, #tpu.memory_space<vmem>>, vector<16xf32>,
    %swap3A_942 = arith.constant 4 : i32
    %swap3A_943 = arith.index_cast %swap3A_942 : i32 to index
    %swap3A_944 = arith.constant 64 : index
    %swap3A_945 = tpu.vector_load %arg18[%swap3A_943, %swap3A_944] {strides = array<i32>} : memref<8x128xf32, #tpu.memory_space<vmem>>, vector<16xf32>,
    tpu.vector_store %arg18[%swap3A_943, %swap3A_944], %gather3A_937 {strides = array<i32>} : memref<8x128xf32, #tpu.memory_space<vmem>>, vector<16xf32>,
    %get3A_946 = arith.constant 9 : i32
    %get3A_947 = arith.index_cast %get3A_946 : i32 to index
    %get3A_948 = arith.constant 16 : index
    %get3A_949 = tpu.vector_load %arg14[%get3A_947, %get3A_948] {strides = array<i32>} : memref<16x64xi32, #tpu.memory_space<vmem>>, vector<16xi32>,
    %sub3A_950 = vector.broadcast %mul3A_135 : i32 to vector<16xi32>
    %sub3A_951 = arith.subi %get3A_949, %sub3A_950 : vector<16xi32>
    %shift_right_arithmetic3A_952 = arith.constant 7 : i32
    %shift_right_arithmetic3A_953 = vector.broadcast %shift_right_arithmetic3A_952 : i32 to vector<16xi32>
    %shift_right_arithmetic3A_954 = arith.shrsi %sub3A_951, %shift_right_arithmetic3A_953 : vector<16xi32>
    %and3A_955 = arith.constant 127 : i32
    %and3A_956 = vector.broadcast %and3A_955 : i32 to vector<16xi32>
    %and3A_957 = arith.andi %sub3A_951, %and3A_956 : vector<16xi32>
    %gather3A_958 = tpu.vector_load_idx %arg15[%shift_right_arithmetic3A_954, %and3A_957] : memref<64x128xf32, #tpu.memory_space<vmem>>[vector<16xi32>, vector<16xi32>], vector<16xf32>,
    %gather3A_959 = tpu.vector_load_idx %arg16[%shift_right_arithmetic3A_954, %and3A_957] : memref<64x128xf32, #tpu.memory_space<vmem>>[vector<16xi32>, vector<16xi32>], vector<16xf32>,
    %swap3A_960 = arith.constant 4 : i32
    %swap3A_961 = arith.index_cast %swap3A_960 : i32 to index
    %swap3A_962 = arith.constant 80 : index
    %swap3A_963 = tpu.vector_load %arg17[%swap3A_961, %swap3A_962] {strides = array<i32>} : memref<8x128xf32, #tpu.memory_space<vmem>>, vector<16xf32>,
    tpu.vector_store %arg17[%swap3A_961, %swap3A_962], %gather3A_958 {strides = array<i32>} : memref<8x128xf32, #tpu.memory_space<vmem>>, vector<16xf32>,
    %swap3A_964 = arith.constant 4 : i32
    %swap3A_965 = arith.index_cast %swap3A_964 : i32 to index
    %swap3A_966 = arith.constant 80 : index
    %swap3A_967 = tpu.vector_load %arg18[%swap3A_965, %swap3A_966] {strides = array<i32>} : memref<8x128xf32, #tpu.memory_space<vmem>>, vector<16xf32>,
    tpu.vector_store %arg18[%swap3A_965, %swap3A_966], %gather3A_959 {strides = array<i32>} : memref<8x128xf32, #tpu.memory_space<vmem>>, vector<16xf32>,
    %get3A_968 = arith.constant 9 : i32
    %get3A_969 = arith.index_cast %get3A_968 : i32 to index
    %get3A_970 = arith.constant 32 : index
    %get3A_971 = tpu.vector_load %arg14[%get3A_969, %get3A_970] {strides = array<i32>} : memref<16x64xi32, #tpu.memory_space<vmem>>, vector<16xi32>,
    %sub3A_972 = vector.broadcast %mul3A_135 : i32 to vector<16xi32>
    %sub3A_973 = arith.subi %get3A_971, %sub3A_972 : vector<16xi32>
    %shift_right_arithmetic3A_974 = arith.constant 7 : i32
    %shift_right_arithmetic3A_975 = vector.broadcast %shift_right_arithmetic3A_974 : i32 to vector<16xi32>
    %shift_right_arithmetic3A_976 = arith.shrsi %sub3A_973, %shift_right_arithmetic3A_975 : vector<16xi32>
    %and3A_977 = arith.constant 127 : i32
    %and3A_978 = vector.broadcast %and3A_977 : i32 to vector<16xi32>
    %and3A_979 = arith.andi %sub3A_973, %and3A_978 : vector<16xi32>
    %gather3A_980 = tpu.vector_load_idx %arg15[%shift_right_arithmetic3A_976, %and3A_979] : memref<64x128xf32, #tpu.memory_space<vmem>>[vector<16xi32>, vector<16xi32>], vector<16xf32>,
    %gather3A_981 = tpu.vector_load_idx %arg16[%shift_right_arithmetic3A_976, %and3A_979] : memref<64x128xf32, #tpu.memory_space<vmem>>[vector<16xi32>, vector<16xi32>], vector<16xf32>,
    %swap3A_982 = arith.constant 4 : i32
    %swap3A_983 = arith.index_cast %swap3A_982 : i32 to index
    %swap3A_984 = arith.constant 96 : index
    %swap3A_985 = tpu.vector_load %arg17[%swap3A_983, %swap3A_984] {strides = array<i32>} : memref<8x128xf32, #tpu.memory_space<vmem>>, vector<16xf32>,
    tpu.vector_store %arg17[%swap3A_983, %swap3A_984], %gather3A_980 {strides = array<i32>} : memref<8x128xf32, #tpu.memory_space<vmem>>, vector<16xf32>,
    %swap3A_986 = arith.constant 4 : i32
    %swap3A_987 = arith.index_cast %swap3A_986 : i32 to index
    %swap3A_988 = arith.constant 96 : index
    %swap3A_989 = tpu.vector_load %arg18[%swap3A_987, %swap3A_988] {strides = array<i32>} : memref<8x128xf32, #tpu.memory_space<vmem>>, vector<16xf32>,
    tpu.vector_store %arg18[%swap3A_987, %swap3A_988], %gather3A_981 {strides = array<i32>} : memref<8x128xf32, #tpu.memory_space<vmem>>, vector<16xf32>,
    %get3A_990 = arith.constant 9 : i32
    %get3A_991 = arith.index_cast %get3A_990 : i32 to index
    %get3A_992 = arith.constant 48 : index
    %get3A_993 = tpu.vector_load %arg14[%get3A_991, %get3A_992] {strides = array<i32>} : memref<16x64xi32, #tpu.memory_space<vmem>>, vector<16xi32>,
    %sub3A_994 = vector.broadcast %mul3A_135 : i32 to vector<16xi32>
    %sub3A_995 = arith.subi %get3A_993, %sub3A_994 : vector<16xi32>
    %shift_right_arithmetic3A_996 = arith.constant 7 : i32
    %shift_right_arithmetic3A_997 = vector.broadcast %shift_right_arithmetic3A_996 : i32 to vector<16xi32>
    %shift_right_arithmetic3A_998 = arith.shrsi %sub3A_995, %shift_right_arithmetic3A_997 : vector<16xi32>
    %and3A_999 = arith.constant 127 : i32
    %and3A_1000 = vector.broadcast %and3A_999 : i32 to vector<16xi32>
    %and3A_1001 = arith.andi %sub3A_995, %and3A_1000 : vector<16xi32>
    %gather3A_1002 = tpu.vector_load_idx %arg15[%shift_right_arithmetic3A_998, %and3A_1001] : memref<64x128xf32, #tpu.memory_space<vmem>>[vector<16xi32>, vector<16xi32>], vector<16xf32>,
    %gather3A_1003 = tpu.vector_load_idx %arg16[%shift_right_arithmetic3A_998, %and3A_1001] : memref<64x128xf32, #tpu.memory_space<vmem>>[vector<16xi32>, vector<16xi32>], vector<16xf32>,
    %swap3A_1004 = arith.constant 4 : i32
    %swap3A_1005 = arith.index_cast %swap3A_1004 : i32 to index
    %swap3A_1006 = arith.constant 112 : index
    %swap3A_1007 = tpu.vector_load %arg17[%swap3A_1005, %swap3A_1006] {strides = array<i32>} : memref<8x128xf32, #tpu.memory_space<vmem>>, vector<16xf32>,
    tpu.vector_store %arg17[%swap3A_1005, %swap3A_1006], %gather3A_1002 {strides = array<i32>} : memref<8x128xf32, #tpu.memory_space<vmem>>, vector<16xf32>,
    %swap3A_1008 = arith.constant 4 : i32
    %swap3A_1009 = arith.index_cast %swap3A_1008 : i32 to index
    %swap3A_1010 = arith.constant 112 : index
    %swap3A_1011 = tpu.vector_load %arg18[%swap3A_1009, %swap3A_1010] {strides = array<i32>} : memref<8x128xf32, #tpu.memory_space<vmem>>, vector<16xf32>,
    tpu.vector_store %arg18[%swap3A_1009, %swap3A_1010], %gather3A_1003 {strides = array<i32>} : memref<8x128xf32, #tpu.memory_space<vmem>>, vector<16xf32>,
    %get3A_1012 = arith.constant 10 : i32
    %get3A_1013 = arith.index_cast %get3A_1012 : i32 to index
    %get3A_1014 = arith.constant 0 : index
    %get3A_1015 = tpu.vector_load %arg14[%get3A_1013, %get3A_1014] {strides = array<i32>} : memref<16x64xi32, #tpu.memory_space<vmem>>, vector<16xi32>,
    %sub3A_1016 = vector.broadcast %mul3A_135 : i32 to vector<16xi32>
    %sub3A_1017 = arith.subi %get3A_1015, %sub3A_1016 : vector<16xi32>
    %shift_right_arithmetic3A_1018 = arith.constant 7 : i32
    %shift_right_arithmetic3A_1019 = vector.broadcast %shift_right_arithmetic3A_1018 : i32 to vector<16xi32>
    %shift_right_arithmetic3A_1020 = arith.shrsi %sub3A_1017, %shift_right_arithmetic3A_1019 : vector<16xi32>
    %and3A_1021 = arith.constant 127 : i32
    %and3A_1022 = vector.broadcast %and3A_1021 : i32 to vector<16xi32>
    %and3A_1023 = arith.andi %sub3A_1017, %and3A_1022 : vector<16xi32>
    %gather3A_1024 = tpu.vector_load_idx %arg15[%shift_right_arithmetic3A_1020, %and3A_1023] : memref<64x128xf32, #tpu.memory_space<vmem>>[vector<16xi32>, vector<16xi32>], vector<16xf32>,
    %gather3A_1025 = tpu.vector_load_idx %arg16[%shift_right_arithmetic3A_1020, %and3A_1023] : memref<64x128xf32, #tpu.memory_space<vmem>>[vector<16xi32>, vector<16xi32>], vector<16xf32>,
    %swap3A_1026 = arith.constant 5 : i32
    %swap3A_1027 = arith.index_cast %swap3A_1026 : i32 to index
    %swap3A_1028 = arith.constant 0 : index
    %swap3A_1029 = tpu.vector_load %arg17[%swap3A_1027, %swap3A_1028] {strides = array<i32>} : memref<8x128xf32, #tpu.memory_space<vmem>>, vector<16xf32>,
    tpu.vector_store %arg17[%swap3A_1027, %swap3A_1028], %gather3A_1024 {strides = array<i32>} : memref<8x128xf32, #tpu.memory_space<vmem>>, vector<16xf32>,
    %swap3A_1030 = arith.constant 5 : i32
    %swap3A_1031 = arith.index_cast %swap3A_1030 : i32 to index
    %swap3A_1032 = arith.constant 0 : index
    %swap3A_1033 = tpu.vector_load %arg18[%swap3A_1031, %swap3A_1032] {strides = array<i32>} : memref<8x128xf32, #tpu.memory_space<vmem>>, vector<16xf32>,
    tpu.vector_store %arg18[%swap3A_1031, %swap3A_1032], %gather3A_1025 {strides = array<i32>} : memref<8x128xf32, #tpu.memory_space<vmem>>, vector<16xf32>,
    %get3A_1034 = arith.constant 10 : i32
    %get3A_1035 = arith.index_cast %get3A_1034 : i32 to index
    %get3A_1036 = arith.constant 16 : index
    %get3A_1037 = tpu.vector_load %arg14[%get3A_1035, %get3A_1036] {strides = array<i32>} : memref<16x64xi32, #tpu.memory_space<vmem>>, vector<16xi32>,
    %sub3A_1038 = vector.broadcast %mul3A_135 : i32 to vector<16xi32>
    %sub3A_1039 = arith.subi %get3A_1037, %sub3A_1038 : vector<16xi32>
    %shift_right_arithmetic3A_1040 = arith.constant 7 : i32
    %shift_right_arithmetic3A_1041 = vector.broadcast %shift_right_arithmetic3A_1040 : i32 to vector<16xi32>
    %shift_right_arithmetic3A_1042 = arith.shrsi %sub3A_1039, %shift_right_arithmetic3A_1041 : vector<16xi32>
    %and3A_1043 = arith.constant 127 : i32
    %and3A_1044 = vector.broadcast %and3A_1043 : i32 to vector<16xi32>
    %and3A_1045 = arith.andi %sub3A_1039, %and3A_1044 : vector<16xi32>
    %gather3A_1046 = tpu.vector_load_idx %arg15[%shift_right_arithmetic3A_1042, %and3A_1045] : memref<64x128xf32, #tpu.memory_space<vmem>>[vector<16xi32>, vector<16xi32>], vector<16xf32>,
    %gather3A_1047 = tpu.vector_load_idx %arg16[%shift_right_arithmetic3A_1042, %and3A_1045] : memref<64x128xf32, #tpu.memory_space<vmem>>[vector<16xi32>, vector<16xi32>], vector<16xf32>,
    %swap3A_1048 = arith.constant 5 : i32
    %swap3A_1049 = arith.index_cast %swap3A_1048 : i32 to index
    %swap3A_1050 = arith.constant 16 : index
    %swap3A_1051 = tpu.vector_load %arg17[%swap3A_1049, %swap3A_1050] {strides = array<i32>} : memref<8x128xf32, #tpu.memory_space<vmem>>, vector<16xf32>,
    tpu.vector_store %arg17[%swap3A_1049, %swap3A_1050], %gather3A_1046 {strides = array<i32>} : memref<8x128xf32, #tpu.memory_space<vmem>>, vector<16xf32>,
    %swap3A_1052 = arith.constant 5 : i32
    %swap3A_1053 = arith.index_cast %swap3A_1052 : i32 to index
    %swap3A_1054 = arith.constant 16 : index
    %swap3A_1055 = tpu.vector_load %arg18[%swap3A_1053, %swap3A_1054] {strides = array<i32>} : memref<8x128xf32, #tpu.memory_space<vmem>>, vector<16xf32>,
    tpu.vector_store %arg18[%swap3A_1053, %swap3A_1054], %gather3A_1047 {strides = array<i32>} : memref<8x128xf32, #tpu.memory_space<vmem>>, vector<16xf32>,
    %get3A_1056 = arith.constant 10 : i32
    %get3A_1057 = arith.index_cast %get3A_1056 : i32 to index
    %get3A_1058 = arith.constant 32 : index
    %get3A_1059 = tpu.vector_load %arg14[%get3A_1057, %get3A_1058] {strides = array<i32>} : memref<16x64xi32, #tpu.memory_space<vmem>>, vector<16xi32>,
    %sub3A_1060 = vector.broadcast %mul3A_135 : i32 to vector<16xi32>
    %sub3A_1061 = arith.subi %get3A_1059, %sub3A_1060 : vector<16xi32>
    %shift_right_arithmetic3A_1062 = arith.constant 7 : i32
    %shift_right_arithmetic3A_1063 = vector.broadcast %shift_right_arithmetic3A_1062 : i32 to vector<16xi32>
    %shift_right_arithmetic3A_1064 = arith.shrsi %sub3A_1061, %shift_right_arithmetic3A_1063 : vector<16xi32>
    %and3A_1065 = arith.constant 127 : i32
    %and3A_1066 = vector.broadcast %and3A_1065 : i32 to vector<16xi32>
    %and3A_1067 = arith.andi %sub3A_1061, %and3A_1066 : vector<16xi32>
    %gather3A_1068 = tpu.vector_load_idx %arg15[%shift_right_arithmetic3A_1064, %and3A_1067] : memref<64x128xf32, #tpu.memory_space<vmem>>[vector<16xi32>, vector<16xi32>], vector<16xf32>,
    %gather3A_1069 = tpu.vector_load_idx %arg16[%shift_right_arithmetic3A_1064, %and3A_1067] : memref<64x128xf32, #tpu.memory_space<vmem>>[vector<16xi32>, vector<16xi32>], vector<16xf32>,
    %swap3A_1070 = arith.constant 5 : i32
    %swap3A_1071 = arith.index_cast %swap3A_1070 : i32 to index
    %swap3A_1072 = arith.constant 32 : index
    %swap3A_1073 = tpu.vector_load %arg17[%swap3A_1071, %swap3A_1072] {strides = array<i32>} : memref<8x128xf32, #tpu.memory_space<vmem>>, vector<16xf32>,
    tpu.vector_store %arg17[%swap3A_1071, %swap3A_1072], %gather3A_1068 {strides = array<i32>} : memref<8x128xf32, #tpu.memory_space<vmem>>, vector<16xf32>,
    %swap3A_1074 = arith.constant 5 : i32
    %swap3A_1075 = arith.index_cast %swap3A_1074 : i32 to index
    %swap3A_1076 = arith.constant 32 : index
    %swap3A_1077 = tpu.vector_load %arg18[%swap3A_1075, %swap3A_1076] {strides = array<i32>} : memref<8x128xf32, #tpu.memory_space<vmem>>, vector<16xf32>,
    tpu.vector_store %arg18[%swap3A_1075, %swap3A_1076], %gather3A_1069 {strides = array<i32>} : memref<8x128xf32, #tpu.memory_space<vmem>>, vector<16xf32>,
    %get3A_1078 = arith.constant 10 : i32
    %get3A_1079 = arith.index_cast %get3A_1078 : i32 to index
    %get3A_1080 = arith.constant 48 : index
    %get3A_1081 = tpu.vector_load %arg14[%get3A_1079, %get3A_1080] {strides = array<i32>} : memref<16x64xi32, #tpu.memory_space<vmem>>, vector<16xi32>,
    %sub3A_1082 = vector.broadcast %mul3A_135 : i32 to vector<16xi32>
    %sub3A_1083 = arith.subi %get3A_1081, %sub3A_1082 : vector<16xi32>
    %shift_right_arithmetic3A_1084 = arith.constant 7 : i32
    %shift_right_arithmetic3A_1085 = vector.broadcast %shift_right_arithmetic3A_1084 : i32 to vector<16xi32>
    %shift_right_arithmetic3A_1086 = arith.shrsi %sub3A_1083, %shift_right_arithmetic3A_1085 : vector<16xi32>
    %and3A_1087 = arith.constant 127 : i32
    %and3A_1088 = vector.broadcast %and3A_1087 : i32 to vector<16xi32>
    %and3A_1089 = arith.andi %sub3A_1083, %and3A_1088 : vector<16xi32>
    %gather3A_1090 = tpu.vector_load_idx %arg15[%shift_right_arithmetic3A_1086, %and3A_1089] : memref<64x128xf32, #tpu.memory_space<vmem>>[vector<16xi32>, vector<16xi32>], vector<16xf32>,
    %gather3A_1091 = tpu.vector_load_idx %arg16[%shift_right_arithmetic3A_1086, %and3A_1089] : memref<64x128xf32, #tpu.memory_space<vmem>>[vector<16xi32>, vector<16xi32>], vector<16xf32>,
    %swap3A_1092 = arith.constant 5 : i32
    %swap3A_1093 = arith.index_cast %swap3A_1092 : i32 to index
    %swap3A_1094 = arith.constant 48 : index
    %swap3A_1095 = tpu.vector_load %arg17[%swap3A_1093, %swap3A_1094] {strides = array<i32>} : memref<8x128xf32, #tpu.memory_space<vmem>>, vector<16xf32>,
    tpu.vector_store %arg17[%swap3A_1093, %swap3A_1094], %gather3A_1090 {strides = array<i32>} : memref<8x128xf32, #tpu.memory_space<vmem>>, vector<16xf32>,
    %swap3A_1096 = arith.constant 5 : i32
    %swap3A_1097 = arith.index_cast %swap3A_1096 : i32 to index
    %swap3A_1098 = arith.constant 48 : index
    %swap3A_1099 = tpu.vector_load %arg18[%swap3A_1097, %swap3A_1098] {strides = array<i32>} : memref<8x128xf32, #tpu.memory_space<vmem>>, vector<16xf32>,
    tpu.vector_store %arg18[%swap3A_1097, %swap3A_1098], %gather3A_1091 {strides = array<i32>} : memref<8x128xf32, #tpu.memory_space<vmem>>, vector<16xf32>,
    %get3A_1100 = arith.constant 11 : i32
    %get3A_1101 = arith.index_cast %get3A_1100 : i32 to index
    %get3A_1102 = arith.constant 0 : index
    %get3A_1103 = tpu.vector_load %arg14[%get3A_1101, %get3A_1102] {strides = array<i32>} : memref<16x64xi32, #tpu.memory_space<vmem>>, vector<16xi32>,
    %sub3A_1104 = vector.broadcast %mul3A_135 : i32 to vector<16xi32>
    %sub3A_1105 = arith.subi %get3A_1103, %sub3A_1104 : vector<16xi32>
    %shift_right_arithmetic3A_1106 = arith.constant 7 : i32
    %shift_right_arithmetic3A_1107 = vector.broadcast %shift_right_arithmetic3A_1106 : i32 to vector<16xi32>
    %shift_right_arithmetic3A_1108 = arith.shrsi %sub3A_1105, %shift_right_arithmetic3A_1107 : vector<16xi32>
    %and3A_1109 = arith.constant 127 : i32
    %and3A_1110 = vector.broadcast %and3A_1109 : i32 to vector<16xi32>
    %and3A_1111 = arith.andi %sub3A_1105, %and3A_1110 : vector<16xi32>
    %gather3A_1112 = tpu.vector_load_idx %arg15[%shift_right_arithmetic3A_1108, %and3A_1111] : memref<64x128xf32, #tpu.memory_space<vmem>>[vector<16xi32>, vector<16xi32>], vector<16xf32>,
    %gather3A_1113 = tpu.vector_load_idx %arg16[%shift_right_arithmetic3A_1108, %and3A_1111] : memref<64x128xf32, #tpu.memory_space<vmem>>[vector<16xi32>, vector<16xi32>], vector<16xf32>,
    %swap3A_1114 = arith.constant 5 : i32
    %swap3A_1115 = arith.index_cast %swap3A_1114 : i32 to index
    %swap3A_1116 = arith.constant 64 : index
    %swap3A_1117 = tpu.vector_load %arg17[%swap3A_1115, %swap3A_1116] {strides = array<i32>} : memref<8x128xf32, #tpu.memory_space<vmem>>, vector<16xf32>,
    tpu.vector_store %arg17[%swap3A_1115, %swap3A_1116], %gather3A_1112 {strides = array<i32>} : memref<8x128xf32, #tpu.memory_space<vmem>>, vector<16xf32>,
    %swap3A_1118 = arith.constant 5 : i32
    %swap3A_1119 = arith.index_cast %swap3A_1118 : i32 to index
    %swap3A_1120 = arith.constant 64 : index
    %swap3A_1121 = tpu.vector_load %arg18[%swap3A_1119, %swap3A_1120] {strides = array<i32>} : memref<8x128xf32, #tpu.memory_space<vmem>>, vector<16xf32>,
    tpu.vector_store %arg18[%swap3A_1119, %swap3A_1120], %gather3A_1113 {strides = array<i32>} : memref<8x128xf32, #tpu.memory_space<vmem>>, vector<16xf32>,
    %get3A_1122 = arith.constant 11 : i32
    %get3A_1123 = arith.index_cast %get3A_1122 : i32 to index
    %get3A_1124 = arith.constant 16 : index
    %get3A_1125 = tpu.vector_load %arg14[%get3A_1123, %get3A_1124] {strides = array<i32>} : memref<16x64xi32, #tpu.memory_space<vmem>>, vector<16xi32>,
    %sub3A_1126 = vector.broadcast %mul3A_135 : i32 to vector<16xi32>
    %sub3A_1127 = arith.subi %get3A_1125, %sub3A_1126 : vector<16xi32>
    %shift_right_arithmetic3A_1128 = arith.constant 7 : i32
    %shift_right_arithmetic3A_1129 = vector.broadcast %shift_right_arithmetic3A_1128 : i32 to vector<16xi32>
    %shift_right_arithmetic3A_1130 = arith.shrsi %sub3A_1127, %shift_right_arithmetic3A_1129 : vector<16xi32>
    %and3A_1131 = arith.constant 127 : i32
    %and3A_1132 = vector.broadcast %and3A_1131 : i32 to vector<16xi32>
    %and3A_1133 = arith.andi %sub3A_1127, %and3A_1132 : vector<16xi32>
    %gather3A_1134 = tpu.vector_load_idx %arg15[%shift_right_arithmetic3A_1130, %and3A_1133] : memref<64x128xf32, #tpu.memory_space<vmem>>[vector<16xi32>, vector<16xi32>], vector<16xf32>,
    %gather3A_1135 = tpu.vector_load_idx %arg16[%shift_right_arithmetic3A_1130, %and3A_1133] : memref<64x128xf32, #tpu.memory_space<vmem>>[vector<16xi32>, vector<16xi32>], vector<16xf32>,
    %swap3A_1136 = arith.constant 5 : i32
    %swap3A_1137 = arith.index_cast %swap3A_1136 : i32 to index
    %swap3A_1138 = arith.constant 80 : index
    %swap3A_1139 = tpu.vector_load %arg17[%swap3A_1137, %swap3A_1138] {strides = array<i32>} : memref<8x128xf32, #tpu.memory_space<vmem>>, vector<16xf32>,
    tpu.vector_store %arg17[%swap3A_1137, %swap3A_1138], %gather3A_1134 {strides = array<i32>} : memref<8x128xf32, #tpu.memory_space<vmem>>, vector<16xf32>,
    %swap3A_1140 = arith.constant 5 : i32
    %swap3A_1141 = arith.index_cast %swap3A_1140 : i32 to index
    %swap3A_1142 = arith.constant 80 : index
    %swap3A_1143 = tpu.vector_load %arg18[%swap3A_1141, %swap3A_1142] {strides = array<i32>} : memref<8x128xf32, #tpu.memory_space<vmem>>, vector<16xf32>,
    tpu.vector_store %arg18[%swap3A_1141, %swap3A_1142], %gather3A_1135 {strides = array<i32>} : memref<8x128xf32, #tpu.memory_space<vmem>>, vector<16xf32>,
    %get3A_1144 = arith.constant 11 : i32
    %get3A_1145 = arith.index_cast %get3A_1144 : i32 to index
    %get3A_1146 = arith.constant 32 : index
    %get3A_1147 = tpu.vector_load %arg14[%get3A_1145, %get3A_1146] {strides = array<i32>} : memref<16x64xi32, #tpu.memory_space<vmem>>, vector<16xi32>,
    %sub3A_1148 = vector.broadcast %mul3A_135 : i32 to vector<16xi32>
    %sub3A_1149 = arith.subi %get3A_1147, %sub3A_1148 : vector<16xi32>
    %shift_right_arithmetic3A_1150 = arith.constant 7 : i32
    %shift_right_arithmetic3A_1151 = vector.broadcast %shift_right_arithmetic3A_1150 : i32 to vector<16xi32>
    %shift_right_arithmetic3A_1152 = arith.shrsi %sub3A_1149, %shift_right_arithmetic3A_1151 : vector<16xi32>
    %and3A_1153 = arith.constant 127 : i32
    %and3A_1154 = vector.broadcast %and3A_1153 : i32 to vector<16xi32>
    %and3A_1155 = arith.andi %sub3A_1149, %and3A_1154 : vector<16xi32>
    %gather3A_1156 = tpu.vector_load_idx %arg15[%shift_right_arithmetic3A_1152, %and3A_1155] : memref<64x128xf32, #tpu.memory_space<vmem>>[vector<16xi32>, vector<16xi32>], vector<16xf32>,
    %gather3A_1157 = tpu.vector_load_idx %arg16[%shift_right_arithmetic3A_1152, %and3A_1155] : memref<64x128xf32, #tpu.memory_space<vmem>>[vector<16xi32>, vector<16xi32>], vector<16xf32>,
    %swap3A_1158 = arith.constant 5 : i32
    %swap3A_1159 = arith.index_cast %swap3A_1158 : i32 to index
    %swap3A_1160 = arith.constant 96 : index
    %swap3A_1161 = tpu.vector_load %arg17[%swap3A_1159, %swap3A_1160] {strides = array<i32>} : memref<8x128xf32, #tpu.memory_space<vmem>>, vector<16xf32>,
    tpu.vector_store %arg17[%swap3A_1159, %swap3A_1160], %gather3A_1156 {strides = array<i32>} : memref<8x128xf32, #tpu.memory_space<vmem>>, vector<16xf32>,
    %swap3A_1162 = arith.constant 5 : i32
    %swap3A_1163 = arith.index_cast %swap3A_1162 : i32 to index
    %swap3A_1164 = arith.constant 96 : index
    %swap3A_1165 = tpu.vector_load %arg18[%swap3A_1163, %swap3A_1164] {strides = array<i32>} : memref<8x128xf32, #tpu.memory_space<vmem>>, vector<16xf32>,
    tpu.vector_store %arg18[%swap3A_1163, %swap3A_1164], %gather3A_1157 {strides = array<i32>} : memref<8x128xf32, #tpu.memory_space<vmem>>, vector<16xf32>,
    %get3A_1166 = arith.constant 11 : i32
    %get3A_1167 = arith.index_cast %get3A_1166 : i32 to index
    %get3A_1168 = arith.constant 48 : index
    %get3A_1169 = tpu.vector_load %arg14[%get3A_1167, %get3A_1168] {strides = array<i32>} : memref<16x64xi32, #tpu.memory_space<vmem>>, vector<16xi32>,
    %sub3A_1170 = vector.broadcast %mul3A_135 : i32 to vector<16xi32>
    %sub3A_1171 = arith.subi %get3A_1169, %sub3A_1170 : vector<16xi32>
    %shift_right_arithmetic3A_1172 = arith.constant 7 : i32
    %shift_right_arithmetic3A_1173 = vector.broadcast %shift_right_arithmetic3A_1172 : i32 to vector<16xi32>
    %shift_right_arithmetic3A_1174 = arith.shrsi %sub3A_1171, %shift_right_arithmetic3A_1173 : vector<16xi32>
    %and3A_1175 = arith.constant 127 : i32
    %and3A_1176 = vector.broadcast %and3A_1175 : i32 to vector<16xi32>
    %and3A_1177 = arith.andi %sub3A_1171, %and3A_1176 : vector<16xi32>
    %gather3A_1178 = tpu.vector_load_idx %arg15[%shift_right_arithmetic3A_1174, %and3A_1177] : memref<64x128xf32, #tpu.memory_space<vmem>>[vector<16xi32>, vector<16xi32>], vector<16xf32>,
    %gather3A_1179 = tpu.vector_load_idx %arg16[%shift_right_arithmetic3A_1174, %and3A_1177] : memref<64x128xf32, #tpu.memory_space<vmem>>[vector<16xi32>, vector<16xi32>], vector<16xf32>,
    %swap3A_1180 = arith.constant 5 : i32
    %swap3A_1181 = arith.index_cast %swap3A_1180 : i32 to index
    %swap3A_1182 = arith.constant 112 : index
    %swap3A_1183 = tpu.vector_load %arg17[%swap3A_1181, %swap3A_1182] {strides = array<i32>} : memref<8x128xf32, #tpu.memory_space<vmem>>, vector<16xf32>,
    tpu.vector_store %arg17[%swap3A_1181, %swap3A_1182], %gather3A_1178 {strides = array<i32>} : memref<8x128xf32, #tpu.memory_space<vmem>>, vector<16xf32>,
    %swap3A_1184 = arith.constant 5 : i32
    %swap3A_1185 = arith.index_cast %swap3A_1184 : i32 to index
    %swap3A_1186 = arith.constant 112 : index
    %swap3A_1187 = tpu.vector_load %arg18[%swap3A_1185, %swap3A_1186] {strides = array<i32>} : memref<8x128xf32, #tpu.memory_space<vmem>>, vector<16xf32>,
    tpu.vector_store %arg18[%swap3A_1185, %swap3A_1186], %gather3A_1179 {strides = array<i32>} : memref<8x128xf32, #tpu.memory_space<vmem>>, vector<16xf32>,
    %get3A_1188 = arith.constant 12 : i32
    %get3A_1189 = arith.index_cast %get3A_1188 : i32 to index
    %get3A_1190 = arith.constant 0 : index
    %get3A_1191 = tpu.vector_load %arg14[%get3A_1189, %get3A_1190] {strides = array<i32>} : memref<16x64xi32, #tpu.memory_space<vmem>>, vector<16xi32>,
    %sub3A_1192 = vector.broadcast %mul3A_135 : i32 to vector<16xi32>
    %sub3A_1193 = arith.subi %get3A_1191, %sub3A_1192 : vector<16xi32>
    %shift_right_arithmetic3A_1194 = arith.constant 7 : i32
    %shift_right_arithmetic3A_1195 = vector.broadcast %shift_right_arithmetic3A_1194 : i32 to vector<16xi32>
    %shift_right_arithmetic3A_1196 = arith.shrsi %sub3A_1193, %shift_right_arithmetic3A_1195 : vector<16xi32>
    %and3A_1197 = arith.constant 127 : i32
    %and3A_1198 = vector.broadcast %and3A_1197 : i32 to vector<16xi32>
    %and3A_1199 = arith.andi %sub3A_1193, %and3A_1198 : vector<16xi32>
    %gather3A_1200 = tpu.vector_load_idx %arg15[%shift_right_arithmetic3A_1196, %and3A_1199] : memref<64x128xf32, #tpu.memory_space<vmem>>[vector<16xi32>, vector<16xi32>], vector<16xf32>,
    %gather3A_1201 = tpu.vector_load_idx %arg16[%shift_right_arithmetic3A_1196, %and3A_1199] : memref<64x128xf32, #tpu.memory_space<vmem>>[vector<16xi32>, vector<16xi32>], vector<16xf32>,
    %swap3A_1202 = arith.constant 6 : i32
    %swap3A_1203 = arith.index_cast %swap3A_1202 : i32 to index
    %swap3A_1204 = arith.constant 0 : index
    %swap3A_1205 = tpu.vector_load %arg17[%swap3A_1203, %swap3A_1204] {strides = array<i32>} : memref<8x128xf32, #tpu.memory_space<vmem>>, vector<16xf32>,
    tpu.vector_store %arg17[%swap3A_1203, %swap3A_1204], %gather3A_1200 {strides = array<i32>} : memref<8x128xf32, #tpu.memory_space<vmem>>, vector<16xf32>,
    %swap3A_1206 = arith.constant 6 : i32
    %swap3A_1207 = arith.index_cast %swap3A_1206 : i32 to index
    %swap3A_1208 = arith.constant 0 : index
    %swap3A_1209 = tpu.vector_load %arg18[%swap3A_1207, %swap3A_1208] {strides = array<i32>} : memref<8x128xf32, #tpu.memory_space<vmem>>, vector<16xf32>,
    tpu.vector_store %arg18[%swap3A_1207, %swap3A_1208], %gather3A_1201 {strides = array<i32>} : memref<8x128xf32, #tpu.memory_space<vmem>>, vector<16xf32>,
    %get3A_1210 = arith.constant 12 : i32
    %get3A_1211 = arith.index_cast %get3A_1210 : i32 to index
    %get3A_1212 = arith.constant 16 : index
    %get3A_1213 = tpu.vector_load %arg14[%get3A_1211, %get3A_1212] {strides = array<i32>} : memref<16x64xi32, #tpu.memory_space<vmem>>, vector<16xi32>,
    %sub3A_1214 = vector.broadcast %mul3A_135 : i32 to vector<16xi32>
    %sub3A_1215 = arith.subi %get3A_1213, %sub3A_1214 : vector<16xi32>
    %shift_right_arithmetic3A_1216 = arith.constant 7 : i32
    %shift_right_arithmetic3A_1217 = vector.broadcast %shift_right_arithmetic3A_1216 : i32 to vector<16xi32>
    %shift_right_arithmetic3A_1218 = arith.shrsi %sub3A_1215, %shift_right_arithmetic3A_1217 : vector<16xi32>
    %and3A_1219 = arith.constant 127 : i32
    %and3A_1220 = vector.broadcast %and3A_1219 : i32 to vector<16xi32>
    %and3A_1221 = arith.andi %sub3A_1215, %and3A_1220 : vector<16xi32>
    %gather3A_1222 = tpu.vector_load_idx %arg15[%shift_right_arithmetic3A_1218, %and3A_1221] : memref<64x128xf32, #tpu.memory_space<vmem>>[vector<16xi32>, vector<16xi32>], vector<16xf32>,
    %gather3A_1223 = tpu.vector_load_idx %arg16[%shift_right_arithmetic3A_1218, %and3A_1221] : memref<64x128xf32, #tpu.memory_space<vmem>>[vector<16xi32>, vector<16xi32>], vector<16xf32>,
    %swap3A_1224 = arith.constant 6 : i32
    %swap3A_1225 = arith.index_cast %swap3A_1224 : i32 to index
    %swap3A_1226 = arith.constant 16 : index
    %swap3A_1227 = tpu.vector_load %arg17[%swap3A_1225, %swap3A_1226] {strides = array<i32>} : memref<8x128xf32, #tpu.memory_space<vmem>>, vector<16xf32>,
    tpu.vector_store %arg17[%swap3A_1225, %swap3A_1226], %gather3A_1222 {strides = array<i32>} : memref<8x128xf32, #tpu.memory_space<vmem>>, vector<16xf32>,
    %swap3A_1228 = arith.constant 6 : i32
    %swap3A_1229 = arith.index_cast %swap3A_1228 : i32 to index
    %swap3A_1230 = arith.constant 16 : index
    %swap3A_1231 = tpu.vector_load %arg18[%swap3A_1229, %swap3A_1230] {strides = array<i32>} : memref<8x128xf32, #tpu.memory_space<vmem>>, vector<16xf32>,
    tpu.vector_store %arg18[%swap3A_1229, %swap3A_1230], %gather3A_1223 {strides = array<i32>} : memref<8x128xf32, #tpu.memory_space<vmem>>, vector<16xf32>,
    %get3A_1232 = arith.constant 12 : i32
    %get3A_1233 = arith.index_cast %get3A_1232 : i32 to index
    %get3A_1234 = arith.constant 32 : index
    %get3A_1235 = tpu.vector_load %arg14[%get3A_1233, %get3A_1234] {strides = array<i32>} : memref<16x64xi32, #tpu.memory_space<vmem>>, vector<16xi32>,
    %sub3A_1236 = vector.broadcast %mul3A_135 : i32 to vector<16xi32>
    %sub3A_1237 = arith.subi %get3A_1235, %sub3A_1236 : vector<16xi32>
    %shift_right_arithmetic3A_1238 = arith.constant 7 : i32
    %shift_right_arithmetic3A_1239 = vector.broadcast %shift_right_arithmetic3A_1238 : i32 to vector<16xi32>
    %shift_right_arithmetic3A_1240 = arith.shrsi %sub3A_1237, %shift_right_arithmetic3A_1239 : vector<16xi32>
    %and3A_1241 = arith.constant 127 : i32
    %and3A_1242 = vector.broadcast %and3A_1241 : i32 to vector<16xi32>
    %and3A_1243 = arith.andi %sub3A_1237, %and3A_1242 : vector<16xi32>
    %gather3A_1244 = tpu.vector_load_idx %arg15[%shift_right_arithmetic3A_1240, %and3A_1243] : memref<64x128xf32, #tpu.memory_space<vmem>>[vector<16xi32>, vector<16xi32>], vector<16xf32>,
    %gather3A_1245 = tpu.vector_load_idx %arg16[%shift_right_arithmetic3A_1240, %and3A_1243] : memref<64x128xf32, #tpu.memory_space<vmem>>[vector<16xi32>, vector<16xi32>], vector<16xf32>,
    %swap3A_1246 = arith.constant 6 : i32
    %swap3A_1247 = arith.index_cast %swap3A_1246 : i32 to index
    %swap3A_1248 = arith.constant 32 : index
    %swap3A_1249 = tpu.vector_load %arg17[%swap3A_1247, %swap3A_1248] {strides = array<i32>} : memref<8x128xf32, #tpu.memory_space<vmem>>, vector<16xf32>,
    tpu.vector_store %arg17[%swap3A_1247, %swap3A_1248], %gather3A_1244 {strides = array<i32>} : memref<8x128xf32, #tpu.memory_space<vmem>>, vector<16xf32>,
    %swap3A_1250 = arith.constant 6 : i32
    %swap3A_1251 = arith.index_cast %swap3A_1250 : i32 to index
    %swap3A_1252 = arith.constant 32 : index
    %swap3A_1253 = tpu.vector_load %arg18[%swap3A_1251, %swap3A_1252] {strides = array<i32>} : memref<8x128xf32, #tpu.memory_space<vmem>>, vector<16xf32>,
    tpu.vector_store %arg18[%swap3A_1251, %swap3A_1252], %gather3A_1245 {strides = array<i32>} : memref<8x128xf32, #tpu.memory_space<vmem>>, vector<16xf32>,
    %get3A_1254 = arith.constant 12 : i32
    %get3A_1255 = arith.index_cast %get3A_1254 : i32 to index
    %get3A_1256 = arith.constant 48 : index
    %get3A_1257 = tpu.vector_load %arg14[%get3A_1255, %get3A_1256] {strides = array<i32>} : memref<16x64xi32, #tpu.memory_space<vmem>>, vector<16xi32>,
    %sub3A_1258 = vector.broadcast %mul3A_135 : i32 to vector<16xi32>
    %sub3A_1259 = arith.subi %get3A_1257, %sub3A_1258 : vector<16xi32>
    %shift_right_arithmetic3A_1260 = arith.constant 7 : i32
    %shift_right_arithmetic3A_1261 = vector.broadcast %shift_right_arithmetic3A_1260 : i32 to vector<16xi32>
    %shift_right_arithmetic3A_1262 = arith.shrsi %sub3A_1259, %shift_right_arithmetic3A_1261 : vector<16xi32>
    %and3A_1263 = arith.constant 127 : i32
    %and3A_1264 = vector.broadcast %and3A_1263 : i32 to vector<16xi32>
    %and3A_1265 = arith.andi %sub3A_1259, %and3A_1264 : vector<16xi32>
    %gather3A_1266 = tpu.vector_load_idx %arg15[%shift_right_arithmetic3A_1262, %and3A_1265] : memref<64x128xf32, #tpu.memory_space<vmem>>[vector<16xi32>, vector<16xi32>], vector<16xf32>,
    %gather3A_1267 = tpu.vector_load_idx %arg16[%shift_right_arithmetic3A_1262, %and3A_1265] : memref<64x128xf32, #tpu.memory_space<vmem>>[vector<16xi32>, vector<16xi32>], vector<16xf32>,
    %swap3A_1268 = arith.constant 6 : i32
    %swap3A_1269 = arith.index_cast %swap3A_1268 : i32 to index
    %swap3A_1270 = arith.constant 48 : index
    %swap3A_1271 = tpu.vector_load %arg17[%swap3A_1269, %swap3A_1270] {strides = array<i32>} : memref<8x128xf32, #tpu.memory_space<vmem>>, vector<16xf32>,
    tpu.vector_store %arg17[%swap3A_1269, %swap3A_1270], %gather3A_1266 {strides = array<i32>} : memref<8x128xf32, #tpu.memory_space<vmem>>, vector<16xf32>,
    %swap3A_1272 = arith.constant 6 : i32
    %swap3A_1273 = arith.index_cast %swap3A_1272 : i32 to index
    %swap3A_1274 = arith.constant 48 : index
    %swap3A_1275 = tpu.vector_load %arg18[%swap3A_1273, %swap3A_1274] {strides = array<i32>} : memref<8x128xf32, #tpu.memory_space<vmem>>, vector<16xf32>,
    tpu.vector_store %arg18[%swap3A_1273, %swap3A_1274], %gather3A_1267 {strides = array<i32>} : memref<8x128xf32, #tpu.memory_space<vmem>>, vector<16xf32>,
    %get3A_1276 = arith.constant 13 : i32
    %get3A_1277 = arith.index_cast %get3A_1276 : i32 to index
    %get3A_1278 = arith.constant 0 : index
    %get3A_1279 = tpu.vector_load %arg14[%get3A_1277, %get3A_1278] {strides = array<i32>} : memref<16x64xi32, #tpu.memory_space<vmem>>, vector<16xi32>,
    %sub3A_1280 = vector.broadcast %mul3A_135 : i32 to vector<16xi32>
    %sub3A_1281 = arith.subi %get3A_1279, %sub3A_1280 : vector<16xi32>
    %shift_right_arithmetic3A_1282 = arith.constant 7 : i32
    %shift_right_arithmetic3A_1283 = vector.broadcast %shift_right_arithmetic3A_1282 : i32 to vector<16xi32>
    %shift_right_arithmetic3A_1284 = arith.shrsi %sub3A_1281, %shift_right_arithmetic3A_1283 : vector<16xi32>
    %and3A_1285 = arith.constant 127 : i32
    %and3A_1286 = vector.broadcast %and3A_1285 : i32 to vector<16xi32>
    %and3A_1287 = arith.andi %sub3A_1281, %and3A_1286 : vector<16xi32>
    %gather3A_1288 = tpu.vector_load_idx %arg15[%shift_right_arithmetic3A_1284, %and3A_1287] : memref<64x128xf32, #tpu.memory_space<vmem>>[vector<16xi32>, vector<16xi32>], vector<16xf32>,
    %gather3A_1289 = tpu.vector_load_idx %arg16[%shift_right_arithmetic3A_1284, %and3A_1287] : memref<64x128xf32, #tpu.memory_space<vmem>>[vector<16xi32>, vector<16xi32>], vector<16xf32>,
    %swap3A_1290 = arith.constant 6 : i32
    %swap3A_1291 = arith.index_cast %swap3A_1290 : i32 to index
    %swap3A_1292 = arith.constant 64 : index
    %swap3A_1293 = tpu.vector_load %arg17[%swap3A_1291, %swap3A_1292] {strides = array<i32>} : memref<8x128xf32, #tpu.memory_space<vmem>>, vector<16xf32>,
    tpu.vector_store %arg17[%swap3A_1291, %swap3A_1292], %gather3A_1288 {strides = array<i32>} : memref<8x128xf32, #tpu.memory_space<vmem>>, vector<16xf32>,
    %swap3A_1294 = arith.constant 6 : i32
    %swap3A_1295 = arith.index_cast %swap3A_1294 : i32 to index
    %swap3A_1296 = arith.constant 64 : index
    %swap3A_1297 = tpu.vector_load %arg18[%swap3A_1295, %swap3A_1296] {strides = array<i32>} : memref<8x128xf32, #tpu.memory_space<vmem>>, vector<16xf32>,
    tpu.vector_store %arg18[%swap3A_1295, %swap3A_1296], %gather3A_1289 {strides = array<i32>} : memref<8x128xf32, #tpu.memory_space<vmem>>, vector<16xf32>,
    %get3A_1298 = arith.constant 13 : i32
    %get3A_1299 = arith.index_cast %get3A_1298 : i32 to index
    %get3A_1300 = arith.constant 16 : index
    %get3A_1301 = tpu.vector_load %arg14[%get3A_1299, %get3A_1300] {strides = array<i32>} : memref<16x64xi32, #tpu.memory_space<vmem>>, vector<16xi32>,
    %sub3A_1302 = vector.broadcast %mul3A_135 : i32 to vector<16xi32>
    %sub3A_1303 = arith.subi %get3A_1301, %sub3A_1302 : vector<16xi32>
    %shift_right_arithmetic3A_1304 = arith.constant 7 : i32
    %shift_right_arithmetic3A_1305 = vector.broadcast %shift_right_arithmetic3A_1304 : i32 to vector<16xi32>
    %shift_right_arithmetic3A_1306 = arith.shrsi %sub3A_1303, %shift_right_arithmetic3A_1305 : vector<16xi32>
    %and3A_1307 = arith.constant 127 : i32
    %and3A_1308 = vector.broadcast %and3A_1307 : i32 to vector<16xi32>
    %and3A_1309 = arith.andi %sub3A_1303, %and3A_1308 : vector<16xi32>
    %gather3A_1310 = tpu.vector_load_idx %arg15[%shift_right_arithmetic3A_1306, %and3A_1309] : memref<64x128xf32, #tpu.memory_space<vmem>>[vector<16xi32>, vector<16xi32>], vector<16xf32>,
    %gather3A_1311 = tpu.vector_load_idx %arg16[%shift_right_arithmetic3A_1306, %and3A_1309] : memref<64x128xf32, #tpu.memory_space<vmem>>[vector<16xi32>, vector<16xi32>], vector<16xf32>,
    %swap3A_1312 = arith.constant 6 : i32
    %swap3A_1313 = arith.index_cast %swap3A_1312 : i32 to index
    %swap3A_1314 = arith.constant 80 : index
    %swap3A_1315 = tpu.vector_load %arg17[%swap3A_1313, %swap3A_1314] {strides = array<i32>} : memref<8x128xf32, #tpu.memory_space<vmem>>, vector<16xf32>,
    tpu.vector_store %arg17[%swap3A_1313, %swap3A_1314], %gather3A_1310 {strides = array<i32>} : memref<8x128xf32, #tpu.memory_space<vmem>>, vector<16xf32>,
    %swap3A_1316 = arith.constant 6 : i32
    %swap3A_1317 = arith.index_cast %swap3A_1316 : i32 to index
    %swap3A_1318 = arith.constant 80 : index
    %swap3A_1319 = tpu.vector_load %arg18[%swap3A_1317, %swap3A_1318] {strides = array<i32>} : memref<8x128xf32, #tpu.memory_space<vmem>>, vector<16xf32>,
    tpu.vector_store %arg18[%swap3A_1317, %swap3A_1318], %gather3A_1311 {strides = array<i32>} : memref<8x128xf32, #tpu.memory_space<vmem>>, vector<16xf32>,
    %get3A_1320 = arith.constant 13 : i32
    %get3A_1321 = arith.index_cast %get3A_1320 : i32 to index
    %get3A_1322 = arith.constant 32 : index
    %get3A_1323 = tpu.vector_load %arg14[%get3A_1321, %get3A_1322] {strides = array<i32>} : memref<16x64xi32, #tpu.memory_space<vmem>>, vector<16xi32>,
    %sub3A_1324 = vector.broadcast %mul3A_135 : i32 to vector<16xi32>
    %sub3A_1325 = arith.subi %get3A_1323, %sub3A_1324 : vector<16xi32>
    %shift_right_arithmetic3A_1326 = arith.constant 7 : i32
    %shift_right_arithmetic3A_1327 = vector.broadcast %shift_right_arithmetic3A_1326 : i32 to vector<16xi32>
    %shift_right_arithmetic3A_1328 = arith.shrsi %sub3A_1325, %shift_right_arithmetic3A_1327 : vector<16xi32>
    %and3A_1329 = arith.constant 127 : i32
    %and3A_1330 = vector.broadcast %and3A_1329 : i32 to vector<16xi32>
    %and3A_1331 = arith.andi %sub3A_1325, %and3A_1330 : vector<16xi32>
    %gather3A_1332 = tpu.vector_load_idx %arg15[%shift_right_arithmetic3A_1328, %and3A_1331] : memref<64x128xf32, #tpu.memory_space<vmem>>[vector<16xi32>, vector<16xi32>], vector<16xf32>,
    %gather3A_1333 = tpu.vector_load_idx %arg16[%shift_right_arithmetic3A_1328, %and3A_1331] : memref<64x128xf32, #tpu.memory_space<vmem>>[vector<16xi32>, vector<16xi32>], vector<16xf32>,
    %swap3A_1334 = arith.constant 6 : i32
    %swap3A_1335 = arith.index_cast %swap3A_1334 : i32 to index
    %swap3A_1336 = arith.constant 96 : index
    %swap3A_1337 = tpu.vector_load %arg17[%swap3A_1335, %swap3A_1336] {strides = array<i32>} : memref<8x128xf32, #tpu.memory_space<vmem>>, vector<16xf32>,
    tpu.vector_store %arg17[%swap3A_1335, %swap3A_1336], %gather3A_1332 {strides = array<i32>} : memref<8x128xf32, #tpu.memory_space<vmem>>, vector<16xf32>,
    %swap3A_1338 = arith.constant 6 : i32
    %swap3A_1339 = arith.index_cast %swap3A_1338 : i32 to index
    %swap3A_1340 = arith.constant 96 : index
    %swap3A_1341 = tpu.vector_load %arg18[%swap3A_1339, %swap3A_1340] {strides = array<i32>} : memref<8x128xf32, #tpu.memory_space<vmem>>, vector<16xf32>,
    tpu.vector_store %arg18[%swap3A_1339, %swap3A_1340], %gather3A_1333 {strides = array<i32>} : memref<8x128xf32, #tpu.memory_space<vmem>>, vector<16xf32>,
    %get3A_1342 = arith.constant 13 : i32
    %get3A_1343 = arith.index_cast %get3A_1342 : i32 to index
    %get3A_1344 = arith.constant 48 : index
    %get3A_1345 = tpu.vector_load %arg14[%get3A_1343, %get3A_1344] {strides = array<i32>} : memref<16x64xi32, #tpu.memory_space<vmem>>, vector<16xi32>,
    %sub3A_1346 = vector.broadcast %mul3A_135 : i32 to vector<16xi32>
    %sub3A_1347 = arith.subi %get3A_1345, %sub3A_1346 : vector<16xi32>
    %shift_right_arithmetic3A_1348 = arith.constant 7 : i32
    %shift_right_arithmetic3A_1349 = vector.broadcast %shift_right_arithmetic3A_1348 : i32 to vector<16xi32>
    %shift_right_arithmetic3A_1350 = arith.shrsi %sub3A_1347, %shift_right_arithmetic3A_1349 : vector<16xi32>
    %and3A_1351 = arith.constant 127 : i32
    %and3A_1352 = vector.broadcast %and3A_1351 : i32 to vector<16xi32>
    %and3A_1353 = arith.andi %sub3A_1347, %and3A_1352 : vector<16xi32>
    %gather3A_1354 = tpu.vector_load_idx %arg15[%shift_right_arithmetic3A_1350, %and3A_1353] : memref<64x128xf32, #tpu.memory_space<vmem>>[vector<16xi32>, vector<16xi32>], vector<16xf32>,
    %gather3A_1355 = tpu.vector_load_idx %arg16[%shift_right_arithmetic3A_1350, %and3A_1353] : memref<64x128xf32, #tpu.memory_space<vmem>>[vector<16xi32>, vector<16xi32>], vector<16xf32>,
    %swap3A_1356 = arith.constant 6 : i32
    %swap3A_1357 = arith.index_cast %swap3A_1356 : i32 to index
    %swap3A_1358 = arith.constant 112 : index
    %swap3A_1359 = tpu.vector_load %arg17[%swap3A_1357, %swap3A_1358] {strides = array<i32>} : memref<8x128xf32, #tpu.memory_space<vmem>>, vector<16xf32>,
    tpu.vector_store %arg17[%swap3A_1357, %swap3A_1358], %gather3A_1354 {strides = array<i32>} : memref<8x128xf32, #tpu.memory_space<vmem>>, vector<16xf32>,
    %swap3A_1360 = arith.constant 6 : i32
    %swap3A_1361 = arith.index_cast %swap3A_1360 : i32 to index
    %swap3A_1362 = arith.constant 112 : index
    %swap3A_1363 = tpu.vector_load %arg18[%swap3A_1361, %swap3A_1362] {strides = array<i32>} : memref<8x128xf32, #tpu.memory_space<vmem>>, vector<16xf32>,
    tpu.vector_store %arg18[%swap3A_1361, %swap3A_1362], %gather3A_1355 {strides = array<i32>} : memref<8x128xf32, #tpu.memory_space<vmem>>, vector<16xf32>,
    %get3A_1364 = arith.constant 14 : i32
    %get3A_1365 = arith.index_cast %get3A_1364 : i32 to index
    %get3A_1366 = arith.constant 0 : index
    %get3A_1367 = tpu.vector_load %arg14[%get3A_1365, %get3A_1366] {strides = array<i32>} : memref<16x64xi32, #tpu.memory_space<vmem>>, vector<16xi32>,
    %sub3A_1368 = vector.broadcast %mul3A_135 : i32 to vector<16xi32>
    %sub3A_1369 = arith.subi %get3A_1367, %sub3A_1368 : vector<16xi32>
    %shift_right_arithmetic3A_1370 = arith.constant 7 : i32
    %shift_right_arithmetic3A_1371 = vector.broadcast %shift_right_arithmetic3A_1370 : i32 to vector<16xi32>
    %shift_right_arithmetic3A_1372 = arith.shrsi %sub3A_1369, %shift_right_arithmetic3A_1371 : vector<16xi32>
    %and3A_1373 = arith.constant 127 : i32
    %and3A_1374 = vector.broadcast %and3A_1373 : i32 to vector<16xi32>
    %and3A_1375 = arith.andi %sub3A_1369, %and3A_1374 : vector<16xi32>
    %gather3A_1376 = tpu.vector_load_idx %arg15[%shift_right_arithmetic3A_1372, %and3A_1375] : memref<64x128xf32, #tpu.memory_space<vmem>>[vector<16xi32>, vector<16xi32>], vector<16xf32>,
    %gather3A_1377 = tpu.vector_load_idx %arg16[%shift_right_arithmetic3A_1372, %and3A_1375] : memref<64x128xf32, #tpu.memory_space<vmem>>[vector<16xi32>, vector<16xi32>], vector<16xf32>,
    %swap3A_1378 = arith.constant 7 : i32
    %swap3A_1379 = arith.index_cast %swap3A_1378 : i32 to index
    %swap3A_1380 = arith.constant 0 : index
    %swap3A_1381 = tpu.vector_load %arg17[%swap3A_1379, %swap3A_1380] {strides = array<i32>} : memref<8x128xf32, #tpu.memory_space<vmem>>, vector<16xf32>,
    tpu.vector_store %arg17[%swap3A_1379, %swap3A_1380], %gather3A_1376 {strides = array<i32>} : memref<8x128xf32, #tpu.memory_space<vmem>>, vector<16xf32>,
    %swap3A_1382 = arith.constant 7 : i32
    %swap3A_1383 = arith.index_cast %swap3A_1382 : i32 to index
    %swap3A_1384 = arith.constant 0 : index
    %swap3A_1385 = tpu.vector_load %arg18[%swap3A_1383, %swap3A_1384] {strides = array<i32>} : memref<8x128xf32, #tpu.memory_space<vmem>>, vector<16xf32>,
    tpu.vector_store %arg18[%swap3A_1383, %swap3A_1384], %gather3A_1377 {strides = array<i32>} : memref<8x128xf32, #tpu.memory_space<vmem>>, vector<16xf32>,
    %get3A_1386 = arith.constant 14 : i32
    %get3A_1387 = arith.index_cast %get3A_1386 : i32 to index
    %get3A_1388 = arith.constant 16 : index
    %get3A_1389 = tpu.vector_load %arg14[%get3A_1387, %get3A_1388] {strides = array<i32>} : memref<16x64xi32, #tpu.memory_space<vmem>>, vector<16xi32>,
    %sub3A_1390 = vector.broadcast %mul3A_135 : i32 to vector<16xi32>
    %sub3A_1391 = arith.subi %get3A_1389, %sub3A_1390 : vector<16xi32>
    %shift_right_arithmetic3A_1392 = arith.constant 7 : i32
    %shift_right_arithmetic3A_1393 = vector.broadcast %shift_right_arithmetic3A_1392 : i32 to vector<16xi32>
    %shift_right_arithmetic3A_1394 = arith.shrsi %sub3A_1391, %shift_right_arithmetic3A_1393 : vector<16xi32>
    %and3A_1395 = arith.constant 127 : i32
    %and3A_1396 = vector.broadcast %and3A_1395 : i32 to vector<16xi32>
    %and3A_1397 = arith.andi %sub3A_1391, %and3A_1396 : vector<16xi32>
    %gather3A_1398 = tpu.vector_load_idx %arg15[%shift_right_arithmetic3A_1394, %and3A_1397] : memref<64x128xf32, #tpu.memory_space<vmem>>[vector<16xi32>, vector<16xi32>], vector<16xf32>,
    %gather3A_1399 = tpu.vector_load_idx %arg16[%shift_right_arithmetic3A_1394, %and3A_1397] : memref<64x128xf32, #tpu.memory_space<vmem>>[vector<16xi32>, vector<16xi32>], vector<16xf32>,
    %swap3A_1400 = arith.constant 7 : i32
    %swap3A_1401 = arith.index_cast %swap3A_1400 : i32 to index
    %swap3A_1402 = arith.constant 16 : index
    %swap3A_1403 = tpu.vector_load %arg17[%swap3A_1401, %swap3A_1402] {strides = array<i32>} : memref<8x128xf32, #tpu.memory_space<vmem>>, vector<16xf32>,
    tpu.vector_store %arg17[%swap3A_1401, %swap3A_1402], %gather3A_1398 {strides = array<i32>} : memref<8x128xf32, #tpu.memory_space<vmem>>, vector<16xf32>,
    %swap3A_1404 = arith.constant 7 : i32
    %swap3A_1405 = arith.index_cast %swap3A_1404 : i32 to index
    %swap3A_1406 = arith.constant 16 : index
    %swap3A_1407 = tpu.vector_load %arg18[%swap3A_1405, %swap3A_1406] {strides = array<i32>} : memref<8x128xf32, #tpu.memory_space<vmem>>, vector<16xf32>,
    tpu.vector_store %arg18[%swap3A_1405, %swap3A_1406], %gather3A_1399 {strides = array<i32>} : memref<8x128xf32, #tpu.memory_space<vmem>>, vector<16xf32>,
    %get3A_1408 = arith.constant 14 : i32
    %get3A_1409 = arith.index_cast %get3A_1408 : i32 to index
    %get3A_1410 = arith.constant 32 : index
    %get3A_1411 = tpu.vector_load %arg14[%get3A_1409, %get3A_1410] {strides = array<i32>} : memref<16x64xi32, #tpu.memory_space<vmem>>, vector<16xi32>,
    %sub3A_1412 = vector.broadcast %mul3A_135 : i32 to vector<16xi32>
    %sub3A_1413 = arith.subi %get3A_1411, %sub3A_1412 : vector<16xi32>
    %shift_right_arithmetic3A_1414 = arith.constant 7 : i32
    %shift_right_arithmetic3A_1415 = vector.broadcast %shift_right_arithmetic3A_1414 : i32 to vector<16xi32>
    %shift_right_arithmetic3A_1416 = arith.shrsi %sub3A_1413, %shift_right_arithmetic3A_1415 : vector<16xi32>
    %and3A_1417 = arith.constant 127 : i32
    %and3A_1418 = vector.broadcast %and3A_1417 : i32 to vector<16xi32>
    %and3A_1419 = arith.andi %sub3A_1413, %and3A_1418 : vector<16xi32>
    %gather3A_1420 = tpu.vector_load_idx %arg15[%shift_right_arithmetic3A_1416, %and3A_1419] : memref<64x128xf32, #tpu.memory_space<vmem>>[vector<16xi32>, vector<16xi32>], vector<16xf32>,
    %gather3A_1421 = tpu.vector_load_idx %arg16[%shift_right_arithmetic3A_1416, %and3A_1419] : memref<64x128xf32, #tpu.memory_space<vmem>>[vector<16xi32>, vector<16xi32>], vector<16xf32>,
    %swap3A_1422 = arith.constant 7 : i32
    %swap3A_1423 = arith.index_cast %swap3A_1422 : i32 to index
    %swap3A_1424 = arith.constant 32 : index
    %swap3A_1425 = tpu.vector_load %arg17[%swap3A_1423, %swap3A_1424] {strides = array<i32>} : memref<8x128xf32, #tpu.memory_space<vmem>>, vector<16xf32>,
    tpu.vector_store %arg17[%swap3A_1423, %swap3A_1424], %gather3A_1420 {strides = array<i32>} : memref<8x128xf32, #tpu.memory_space<vmem>>, vector<16xf32>,
    %swap3A_1426 = arith.constant 7 : i32
    %swap3A_1427 = arith.index_cast %swap3A_1426 : i32 to index
    %swap3A_1428 = arith.constant 32 : index
    %swap3A_1429 = tpu.vector_load %arg18[%swap3A_1427, %swap3A_1428] {strides = array<i32>} : memref<8x128xf32, #tpu.memory_space<vmem>>, vector<16xf32>,
    tpu.vector_store %arg18[%swap3A_1427, %swap3A_1428], %gather3A_1421 {strides = array<i32>} : memref<8x128xf32, #tpu.memory_space<vmem>>, vector<16xf32>,
    %get3A_1430 = arith.constant 14 : i32
    %get3A_1431 = arith.index_cast %get3A_1430 : i32 to index
    %get3A_1432 = arith.constant 48 : index
    %get3A_1433 = tpu.vector_load %arg14[%get3A_1431, %get3A_1432] {strides = array<i32>} : memref<16x64xi32, #tpu.memory_space<vmem>>, vector<16xi32>,
    %sub3A_1434 = vector.broadcast %mul3A_135 : i32 to vector<16xi32>
    %sub3A_1435 = arith.subi %get3A_1433, %sub3A_1434 : vector<16xi32>
    %shift_right_arithmetic3A_1436 = arith.constant 7 : i32
    %shift_right_arithmetic3A_1437 = vector.broadcast %shift_right_arithmetic3A_1436 : i32 to vector<16xi32>
    %shift_right_arithmetic3A_1438 = arith.shrsi %sub3A_1435, %shift_right_arithmetic3A_1437 : vector<16xi32>
    %and3A_1439 = arith.constant 127 : i32
    %and3A_1440 = vector.broadcast %and3A_1439 : i32 to vector<16xi32>
    %and3A_1441 = arith.andi %sub3A_1435, %and3A_1440 : vector<16xi32>
    %gather3A_1442 = tpu.vector_load_idx %arg15[%shift_right_arithmetic3A_1438, %and3A_1441] : memref<64x128xf32, #tpu.memory_space<vmem>>[vector<16xi32>, vector<16xi32>], vector<16xf32>,
    %gather3A_1443 = tpu.vector_load_idx %arg16[%shift_right_arithmetic3A_1438, %and3A_1441] : memref<64x128xf32, #tpu.memory_space<vmem>>[vector<16xi32>, vector<16xi32>], vector<16xf32>,
    %swap3A_1444 = arith.constant 7 : i32
    %swap3A_1445 = arith.index_cast %swap3A_1444 : i32 to index
    %swap3A_1446 = arith.constant 48 : index
    %swap3A_1447 = tpu.vector_load %arg17[%swap3A_1445, %swap3A_1446] {strides = array<i32>} : memref<8x128xf32, #tpu.memory_space<vmem>>, vector<16xf32>,
    tpu.vector_store %arg17[%swap3A_1445, %swap3A_1446], %gather3A_1442 {strides = array<i32>} : memref<8x128xf32, #tpu.memory_space<vmem>>, vector<16xf32>,
    %swap3A_1448 = arith.constant 7 : i32
    %swap3A_1449 = arith.index_cast %swap3A_1448 : i32 to index
    %swap3A_1450 = arith.constant 48 : index
    %swap3A_1451 = tpu.vector_load %arg18[%swap3A_1449, %swap3A_1450] {strides = array<i32>} : memref<8x128xf32, #tpu.memory_space<vmem>>, vector<16xf32>,
    tpu.vector_store %arg18[%swap3A_1449, %swap3A_1450], %gather3A_1443 {strides = array<i32>} : memref<8x128xf32, #tpu.memory_space<vmem>>, vector<16xf32>,
    %get3A_1452 = arith.constant 15 : i32
    %get3A_1453 = arith.index_cast %get3A_1452 : i32 to index
    %get3A_1454 = arith.constant 0 : index
    %get3A_1455 = tpu.vector_load %arg14[%get3A_1453, %get3A_1454] {strides = array<i32>} : memref<16x64xi32, #tpu.memory_space<vmem>>, vector<16xi32>,
    %sub3A_1456 = vector.broadcast %mul3A_135 : i32 to vector<16xi32>
    %sub3A_1457 = arith.subi %get3A_1455, %sub3A_1456 : vector<16xi32>
    %shift_right_arithmetic3A_1458 = arith.constant 7 : i32
    %shift_right_arithmetic3A_1459 = vector.broadcast %shift_right_arithmetic3A_1458 : i32 to vector<16xi32>
    %shift_right_arithmetic3A_1460 = arith.shrsi %sub3A_1457, %shift_right_arithmetic3A_1459 : vector<16xi32>
    %and3A_1461 = arith.constant 127 : i32
    %and3A_1462 = vector.broadcast %and3A_1461 : i32 to vector<16xi32>
    %and3A_1463 = arith.andi %sub3A_1457, %and3A_1462 : vector<16xi32>
    %gather3A_1464 = tpu.vector_load_idx %arg15[%shift_right_arithmetic3A_1460, %and3A_1463] : memref<64x128xf32, #tpu.memory_space<vmem>>[vector<16xi32>, vector<16xi32>], vector<16xf32>,
    %gather3A_1465 = tpu.vector_load_idx %arg16[%shift_right_arithmetic3A_1460, %and3A_1463] : memref<64x128xf32, #tpu.memory_space<vmem>>[vector<16xi32>, vector<16xi32>], vector<16xf32>,
    %swap3A_1466 = arith.constant 7 : i32
    %swap3A_1467 = arith.index_cast %swap3A_1466 : i32 to index
    %swap3A_1468 = arith.constant 64 : index
    %swap3A_1469 = tpu.vector_load %arg17[%swap3A_1467, %swap3A_1468] {strides = array<i32>} : memref<8x128xf32, #tpu.memory_space<vmem>>, vector<16xf32>,
    tpu.vector_store %arg17[%swap3A_1467, %swap3A_1468], %gather3A_1464 {strides = array<i32>} : memref<8x128xf32, #tpu.memory_space<vmem>>, vector<16xf32>,
    %swap3A_1470 = arith.constant 7 : i32
    %swap3A_1471 = arith.index_cast %swap3A_1470 : i32 to index
    %swap3A_1472 = arith.constant 64 : index
    %swap3A_1473 = tpu.vector_load %arg18[%swap3A_1471, %swap3A_1472] {strides = array<i32>} : memref<8x128xf32, #tpu.memory_space<vmem>>, vector<16xf32>,
    tpu.vector_store %arg18[%swap3A_1471, %swap3A_1472], %gather3A_1465 {strides = array<i32>} : memref<8x128xf32, #tpu.memory_space<vmem>>, vector<16xf32>,
    %get3A_1474 = arith.constant 15 : i32
    %get3A_1475 = arith.index_cast %get3A_1474 : i32 to index
    %get3A_1476 = arith.constant 16 : index
    %get3A_1477 = tpu.vector_load %arg14[%get3A_1475, %get3A_1476] {strides = array<i32>} : memref<16x64xi32, #tpu.memory_space<vmem>>, vector<16xi32>,
    %sub3A_1478 = vector.broadcast %mul3A_135 : i32 to vector<16xi32>
    %sub3A_1479 = arith.subi %get3A_1477, %sub3A_1478 : vector<16xi32>
    %shift_right_arithmetic3A_1480 = arith.constant 7 : i32
    %shift_right_arithmetic3A_1481 = vector.broadcast %shift_right_arithmetic3A_1480 : i32 to vector<16xi32>
    %shift_right_arithmetic3A_1482 = arith.shrsi %sub3A_1479, %shift_right_arithmetic3A_1481 : vector<16xi32>
    %and3A_1483 = arith.constant 127 : i32
    %and3A_1484 = vector.broadcast %and3A_1483 : i32 to vector<16xi32>
    %and3A_1485 = arith.andi %sub3A_1479, %and3A_1484 : vector<16xi32>
    %gather3A_1486 = tpu.vector_load_idx %arg15[%shift_right_arithmetic3A_1482, %and3A_1485] : memref<64x128xf32, #tpu.memory_space<vmem>>[vector<16xi32>, vector<16xi32>], vector<16xf32>,
    %gather3A_1487 = tpu.vector_load_idx %arg16[%shift_right_arithmetic3A_1482, %and3A_1485] : memref<64x128xf32, #tpu.memory_space<vmem>>[vector<16xi32>, vector<16xi32>], vector<16xf32>,
    %swap3A_1488 = arith.constant 7 : i32
    %swap3A_1489 = arith.index_cast %swap3A_1488 : i32 to index
    %swap3A_1490 = arith.constant 80 : index
    %swap3A_1491 = tpu.vector_load %arg17[%swap3A_1489, %swap3A_1490] {strides = array<i32>} : memref<8x128xf32, #tpu.memory_space<vmem>>, vector<16xf32>,
    tpu.vector_store %arg17[%swap3A_1489, %swap3A_1490], %gather3A_1486 {strides = array<i32>} : memref<8x128xf32, #tpu.memory_space<vmem>>, vector<16xf32>,
    %swap3A_1492 = arith.constant 7 : i32
    %swap3A_1493 = arith.index_cast %swap3A_1492 : i32 to index
    %swap3A_1494 = arith.constant 80 : index
    %swap3A_1495 = tpu.vector_load %arg18[%swap3A_1493, %swap3A_1494] {strides = array<i32>} : memref<8x128xf32, #tpu.memory_space<vmem>>, vector<16xf32>,
    tpu.vector_store %arg18[%swap3A_1493, %swap3A_1494], %gather3A_1487 {strides = array<i32>} : memref<8x128xf32, #tpu.memory_space<vmem>>, vector<16xf32>,
    %get3A_1496 = arith.constant 15 : i32
    %get3A_1497 = arith.index_cast %get3A_1496 : i32 to index
    %get3A_1498 = arith.constant 32 : index
    %get3A_1499 = tpu.vector_load %arg14[%get3A_1497, %get3A_1498] {strides = array<i32>} : memref<16x64xi32, #tpu.memory_space<vmem>>, vector<16xi32>,
    %sub3A_1500 = vector.broadcast %mul3A_135 : i32 to vector<16xi32>
    %sub3A_1501 = arith.subi %get3A_1499, %sub3A_1500 : vector<16xi32>
    %shift_right_arithmetic3A_1502 = arith.constant 7 : i32
    %shift_right_arithmetic3A_1503 = vector.broadcast %shift_right_arithmetic3A_1502 : i32 to vector<16xi32>
    %shift_right_arithmetic3A_1504 = arith.shrsi %sub3A_1501, %shift_right_arithmetic3A_1503 : vector<16xi32>
    %and3A_1505 = arith.constant 127 : i32
    %and3A_1506 = vector.broadcast %and3A_1505 : i32 to vector<16xi32>
    %and3A_1507 = arith.andi %sub3A_1501, %and3A_1506 : vector<16xi32>
    %gather3A_1508 = tpu.vector_load_idx %arg15[%shift_right_arithmetic3A_1504, %and3A_1507] : memref<64x128xf32, #tpu.memory_space<vmem>>[vector<16xi32>, vector<16xi32>], vector<16xf32>,
    %gather3A_1509 = tpu.vector_load_idx %arg16[%shift_right_arithmetic3A_1504, %and3A_1507] : memref<64x128xf32, #tpu.memory_space<vmem>>[vector<16xi32>, vector<16xi32>], vector<16xf32>,
    %swap3A_1510 = arith.constant 7 : i32
    %swap3A_1511 = arith.index_cast %swap3A_1510 : i32 to index
    %swap3A_1512 = arith.constant 96 : index
    %swap3A_1513 = tpu.vector_load %arg17[%swap3A_1511, %swap3A_1512] {strides = array<i32>} : memref<8x128xf32, #tpu.memory_space<vmem>>, vector<16xf32>,
    tpu.vector_store %arg17[%swap3A_1511, %swap3A_1512], %gather3A_1508 {strides = array<i32>} : memref<8x128xf32, #tpu.memory_space<vmem>>, vector<16xf32>,
    %swap3A_1514 = arith.constant 7 : i32
    %swap3A_1515 = arith.index_cast %swap3A_1514 : i32 to index
    %swap3A_1516 = arith.constant 96 : index
    %swap3A_1517 = tpu.vector_load %arg18[%swap3A_1515, %swap3A_1516] {strides = array<i32>} : memref<8x128xf32, #tpu.memory_space<vmem>>, vector<16xf32>,
    tpu.vector_store %arg18[%swap3A_1515, %swap3A_1516], %gather3A_1509 {strides = array<i32>} : memref<8x128xf32, #tpu.memory_space<vmem>>, vector<16xf32>,
    %get3A_1518 = arith.constant 15 : i32
    %get3A_1519 = arith.index_cast %get3A_1518 : i32 to index
    %get3A_1520 = arith.constant 48 : index
    %get3A_1521 = tpu.vector_load %arg14[%get3A_1519, %get3A_1520] {strides = array<i32>} : memref<16x64xi32, #tpu.memory_space<vmem>>, vector<16xi32>,
    %sub3A_1522 = vector.broadcast %mul3A_135 : i32 to vector<16xi32>
    %sub3A_1523 = arith.subi %get3A_1521, %sub3A_1522 : vector<16xi32>
    %shift_right_arithmetic3A_1524 = arith.constant 7 : i32
    %shift_right_arithmetic3A_1525 = vector.broadcast %shift_right_arithmetic3A_1524 : i32 to vector<16xi32>
    %shift_right_arithmetic3A_1526 = arith.shrsi %sub3A_1523, %shift_right_arithmetic3A_1525 : vector<16xi32>
    %and3A_1527 = arith.constant 127 : i32
    %and3A_1528 = vector.broadcast %and3A_1527 : i32 to vector<16xi32>
    %and3A_1529 = arith.andi %sub3A_1523, %and3A_1528 : vector<16xi32>
    %gather3A_1530 = tpu.vector_load_idx %arg15[%shift_right_arithmetic3A_1526, %and3A_1529] : memref<64x128xf32, #tpu.memory_space<vmem>>[vector<16xi32>, vector<16xi32>], vector<16xf32>,
    %gather3A_1531 = tpu.vector_load_idx %arg16[%shift_right_arithmetic3A_1526, %and3A_1529] : memref<64x128xf32, #tpu.memory_space<vmem>>[vector<16xi32>, vector<16xi32>], vector<16xf32>,
    %swap3A_1532 = arith.constant 7 : i32
    %swap3A_1533 = arith.index_cast %swap3A_1532 : i32 to index
    %swap3A_1534 = arith.constant 112 : index
    %swap3A_1535 = tpu.vector_load %arg17[%swap3A_1533, %swap3A_1534] {strides = array<i32>} : memref<8x128xf32, #tpu.memory_space<vmem>>, vector<16xf32>,
    tpu.vector_store %arg17[%swap3A_1533, %swap3A_1534], %gather3A_1530 {strides = array<i32>} : memref<8x128xf32, #tpu.memory_space<vmem>>, vector<16xf32>,
    %swap3A_1536 = arith.constant 7 : i32
    %swap3A_1537 = arith.index_cast %swap3A_1536 : i32 to index
    %swap3A_1538 = arith.constant 112 : index
    %swap3A_1539 = tpu.vector_load %arg18[%swap3A_1537, %swap3A_1538] {strides = array<i32>} : memref<8x128xf32, #tpu.memory_space<vmem>>, vector<16xf32>,
    tpu.vector_store %arg18[%swap3A_1537, %swap3A_1538], %gather3A_1531 {strides = array<i32>} : memref<8x128xf32, #tpu.memory_space<vmem>>, vector<16xf32>,
    %jit3A_1540 = arith.constant 8 : i32
    %eq3A_1541 = arith.constant 0 : i32
    %eq3A_1542 = arith.cmpi eq, %jit3A_1540, %eq3A_1541 : i32
    %jit3A_1543 = arith.constant 1 : i32
    %select_n3A_1544 = arith.select %eq3A_1542, %jit3A_1543, %jit3A_1540 : i32
    %rem3A_1545 = arith.remsi %add3A, %select_n3A_1544 : i32
    %ne3A_1546 = arith.constant 0 : i32
    %ne3A_1547 = arith.cmpi ne, %rem3A_1545, %ne3A_1546 : i32
    %lt3A_1548 = arith.constant 0 : i32
    %lt3A_1549 = arith.cmpi slt, %rem3A_1545, %lt3A_1548 : i32
    %lt3A_1550 = arith.constant 0 : i32
    %lt3A_1551 = arith.cmpi slt, %select_n3A_1544, %lt3A_1550 : i32
    %ne3A_1552 = arith.xori %lt3A_1549, %lt3A_1551 : i1
    %and3A_1553 = arith.andi %ne3A_1552, %ne3A_1547 : i1
    %add3A_1554 = arith.addi %rem3A_1545, %select_n3A_1544 : i32
    %select_n3A_1555 = arith.select %and3A_1553, %add3A_1554, %rem3A_1545 : i32
    %mul3A_1556 = arith.constant 1024 : i32
    %mul3A_1557 = arith.muli %mul3A_1556, %select_n3A_1555 : i32
    %lt3A_1558 = arith.constant 2048 : i32
    %lt3A_1559 = arith.cmpi slt, %mul3A_1557, %lt3A_1558 : i32
    %convert_element_type3A = arith.extui %lt3A_1559 : i1 to i32
    %cond3A = arith.constant 0 : i32
    %cond3A_1560 = arith.cmpi ne, %convert_element_type3A, %cond3A : i32
    scf.if %cond3A_1560 {
      %jit3A_1748 = arith.constant 128 : i32
      %div3A_1749 = arith.divsi %mul3A_1557, %jit3A_1748 : i32
      %sign3A_1750 = arith.constant 0 : i32
      %sign3A_1751 = arith.cmpi sgt, %mul3A_1557, %sign3A_1750 : i32
      %sign3A_1752 = arith.extui %sign3A_1751 : i1 to i32
      %sign3A_1753 = arith.constant 0 : i32
      %sign3A_1754 = arith.cmpi slt, %mul3A_1557, %sign3A_1753 : i32
      %sign3A_1755 = arith.extui %sign3A_1754 : i1 to i32
      %sign3A_1756 = arith.subi %sign3A_1752, %sign3A_1755 : i32
      %sign3A_1757 = arith.constant 0 : i32
      %sign3A_1758 = arith.cmpi sgt, %jit3A_1748, %sign3A_1757 : i32
      %sign3A_1759 = arith.extui %sign3A_1758 : i1 to i32
      %sign3A_1760 = arith.constant 0 : i32
      %sign3A_1761 = arith.cmpi slt, %jit3A_1748, %sign3A_1760 : i32
      %sign3A_1762 = arith.extui %sign3A_1761 : i1 to i32
      %sign3A_1763 = arith.subi %sign3A_1759, %sign3A_1762 : i32
      %ne3A_1764 = arith.cmpi ne, %sign3A_1756, %sign3A_1763 : i32
      %rem3A_1765 = arith.remsi %mul3A_1557, %jit3A_1748 : i32
      %ne3A_1766 = arith.constant 0 : i32
      %ne3A_1767 = arith.cmpi ne, %rem3A_1765, %ne3A_1766 : i32
      %and3A_1768 = arith.andi %ne3A_1764, %ne3A_1767 : i1
      %sub3A_1769 = arith.constant 1 : i32
      %sub3A_1770 = arith.subi %div3A_1749, %sub3A_1769 : i32
      %select_n3A_1771 = arith.select %and3A_1768, %sub3A_1770, %div3A_1749 : i32
      %multiple_of3A_1772 = tpu.assume_multiple %select_n3A_1771, 8 : i32
      %mul3A_1773 = arith.constant 2 : i32
      %mul3A_1774 = arith.muli %mul3A_1773, %select_n3A : i32
      "tpu.region"() ({
        %run_scoped3A = tpu.sem_alloc : memref<!tpu.dma_semaphore, #tpu.memory_space<semaphore_mem>>
        %dma_start3A_1779 = arith.constant 0 : i32
        %dma_start3A_1780 = tpu.memref_slice %arg7[%mul3A_1774, %multiple_of3A_1772, %dma_start3A_1779] : memref<8x16x128xf32, #tpu.memory_space<hbm>> -> memref<1x8x128xf32, #tpu.memory_space<hbm>>
        %dma_start3A_1781 = tpu.memref_squeeze %dma_start3A_1780 : memref<1x8x128xf32, #tpu.memory_space<hbm>> -> memref<8x128xf32, #tpu.memory_space<hbm>>
        %dma_start3A_1782 = arith.constant 0 : i32
        %dma_start3A_1783 = tpu.memref_slice %arg7[%mul3A_1774, %multiple_of3A_1772, %dma_start3A_1782] : memref<8x16x128xf32, #tpu.memory_space<hbm>> -> memref<1x8x128xf32, #tpu.memory_space<hbm>>
        %dma_start3A_1784 = tpu.memref_squeeze %dma_start3A_1783 : memref<1x8x128xf32, #tpu.memory_space<hbm>> -> memref<8x128xf32, #tpu.memory_space<hbm>>
        tpu.enqueue_dma source(%arg17 : memref<8x128xf32, #tpu.memory_space<vmem>>) target(%dma_start3A_1784 : memref<8x128xf32, #tpu.memory_space<hbm>>) target_semaphore(%run_scoped3A : memref<!tpu.dma_semaphore, #tpu.memory_space<semaphore_mem>>)
        %dma_wait3A_1785 = arith.constant 0 : i32
        %dma_wait3A_1786 = tpu.memref_slice %arg7[%mul3A_1774, %multiple_of3A_1772, %dma_wait3A_1785] : memref<8x16x128xf32, #tpu.memory_space<hbm>> -> memref<1x8x128xf32, #tpu.memory_space<hbm>>
        %dma_wait3A_1787 = tpu.memref_squeeze %dma_wait3A_1786 : memref<1x8x128xf32, #tpu.memory_space<hbm>> -> memref<8x128xf32, #tpu.memory_space<hbm>>
        %dma_wait3A_1788 = arith.constant 0 : i32
        %dma_wait3A_1789 = tpu.memref_slice %arg7[%mul3A_1774, %multiple_of3A_1772, %dma_wait3A_1788] : memref<8x16x128xf32, #tpu.memory_space<hbm>> -> memref<1x8x128xf32, #tpu.memory_space<hbm>>
        %dma_wait3A_1790 = tpu.memref_squeeze %dma_wait3A_1789 : memref<1x8x128xf32, #tpu.memory_space<hbm>> -> memref<8x128xf32, #tpu.memory_space<hbm>>
        tpu.wait_dma2 semaphore(%run_scoped3A : memref<!tpu.dma_semaphore, #tpu.memory_space<semaphore_mem>>) src(%arg17 : memref<8x128xf32, #tpu.memory_space<vmem>>) dst(%dma_wait3A_1790 : memref<8x128xf32, #tpu.memory_space<hbm>>)
        tpu.yield
      }) : () -> ()
      %mul3A_1775 = arith.constant 2 : i32
      %mul3A_1776 = arith.muli %mul3A_1775, %select_n3A : i32
      %add3A_1777 = arith.constant 1 : i32
      %add3A_1778 = arith.addi %mul3A_1776, %add3A_1777 : i32
      "tpu.region"() ({
        %run_scoped3A = tpu.sem_alloc : memref<!tpu.dma_semaphore, #tpu.memory_space<semaphore_mem>>
        %dma_start3A_1779 = arith.constant 0 : i32
        %dma_start3A_1780 = tpu.memref_slice %arg7[%add3A_1778, %multiple_of3A_1772, %dma_start3A_1779] : memref<8x16x128xf32, #tpu.memory_space<hbm>> -> memref<1x8x128xf32, #tpu.memory_space<hbm>>
        %dma_start3A_1781 = tpu.memref_squeeze %dma_start3A_1780 : memref<1x8x128xf32, #tpu.memory_space<hbm>> -> memref<8x128xf32, #tpu.memory_space<hbm>>
        %dma_start3A_1782 = arith.constant 0 : i32
        %dma_start3A_1783 = tpu.memref_slice %arg7[%add3A_1778, %multiple_of3A_1772, %dma_start3A_1782] : memref<8x16x128xf32, #tpu.memory_space<hbm>> -> memref<1x8x128xf32, #tpu.memory_space<hbm>>
        %dma_start3A_1784 = tpu.memref_squeeze %dma_start3A_1783 : memref<1x8x128xf32, #tpu.memory_space<hbm>> -> memref<8x128xf32, #tpu.memory_space<hbm>>
        tpu.enqueue_dma source(%arg18 : memref<8x128xf32, #tpu.memory_space<vmem>>) target(%dma_start3A_1784 : memref<8x128xf32, #tpu.memory_space<hbm>>) target_semaphore(%run_scoped3A : memref<!tpu.dma_semaphore, #tpu.memory_space<semaphore_mem>>)
        %dma_wait3A_1785 = arith.constant 0 : i32
        %dma_wait3A_1786 = tpu.memref_slice %arg7[%add3A_1778, %multiple_of3A_1772, %dma_wait3A_1785] : memref<8x16x128xf32, #tpu.memory_space<hbm>> -> memref<1x8x128xf32, #tpu.memory_space<hbm>>
        %dma_wait3A_1787 = tpu.memref_squeeze %dma_wait3A_1786 : memref<1x8x128xf32, #tpu.memory_space<hbm>> -> memref<8x128xf32, #tpu.memory_space<hbm>>
        %dma_wait3A_1788 = arith.constant 0 : i32
        %dma_wait3A_1789 = tpu.memref_slice %arg7[%add3A_1778, %multiple_of3A_1772, %dma_wait3A_1788] : memref<8x16x128xf32, #tpu.memory_space<hbm>> -> memref<1x8x128xf32, #tpu.memory_space<hbm>>
        %dma_wait3A_1790 = tpu.memref_squeeze %dma_wait3A_1789 : memref<1x8x128xf32, #tpu.memory_space<hbm>> -> memref<8x128xf32, #tpu.memory_space<hbm>>
        tpu.wait_dma2 semaphore(%run_scoped3A : memref<!tpu.dma_semaphore, #tpu.memory_space<semaphore_mem>>) src(%arg18 : memref<8x128xf32, #tpu.memory_space<vmem>>) dst(%dma_wait3A_1790 : memref<8x128xf32, #tpu.memory_space<hbm>>)
        tpu.yield
      }) : () -> ()
    } else {
    }
    %ge3A = arith.constant 2048 : i32
    %ge3A_1561 = arith.cmpi sge, %mul3A_1557, %ge3A : i32
    %convert_element_type3A_1562 = arith.extui %ge3A_1561 : i1 to i32
    %cond3A_1563 = arith.constant 0 : i32
    %cond3A_1564 = arith.cmpi ne, %convert_element_type3A_1562, %cond3A_1563 : i32
    scf.if %cond3A_1564 {
      %sub3A_1748 = arith.constant 2048 : i32
      %sub3A_1749 = arith.subi %mul3A_1557, %sub3A_1748 : i32
      %jit3A_1750 = arith.constant 128 : i32
      %div3A_1751 = arith.divsi %sub3A_1749, %jit3A_1750 : i32
      %sign3A_1752 = arith.constant 0 : i32
      %sign3A_1753 = arith.cmpi sgt, %sub3A_1749, %sign3A_1752 : i32
      %sign3A_1754 = arith.extui %sign3A_1753 : i1 to i32
      %sign3A_1755 = arith.constant 0 : i32
      %sign3A_1756 = arith.cmpi slt, %sub3A_1749, %sign3A_1755 : i32
      %sign3A_1757 = arith.extui %sign3A_1756 : i1 to i32
      %sign3A_1758 = arith.subi %sign3A_1754, %sign3A_1757 : i32
      %sign3A_1759 = arith.constant 0 : i32
      %sign3A_1760 = arith.cmpi sgt, %jit3A_1750, %sign3A_1759 : i32
      %sign3A_1761 = arith.extui %sign3A_1760 : i1 to i32
      %sign3A_1762 = arith.constant 0 : i32
      %sign3A_1763 = arith.cmpi slt, %jit3A_1750, %sign3A_1762 : i32
      %sign3A_1764 = arith.extui %sign3A_1763 : i1 to i32
      %sign3A_1765 = arith.subi %sign3A_1761, %sign3A_1764 : i32
      %ne3A_1766 = arith.cmpi ne, %sign3A_1758, %sign3A_1765 : i32
      %rem3A_1767 = arith.remsi %sub3A_1749, %jit3A_1750 : i32
      %ne3A_1768 = arith.constant 0 : i32
      %ne3A_1769 = arith.cmpi ne, %rem3A_1767, %ne3A_1768 : i32
      %and3A_1770 = arith.andi %ne3A_1766, %ne3A_1769 : i1
      %sub3A_1771 = arith.constant 1 : i32
      %sub3A_1772 = arith.subi %div3A_1751, %sub3A_1771 : i32
      %select_n3A_1773 = arith.select %and3A_1770, %sub3A_1772, %div3A_1751 : i32
      %multiple_of3A_1774 = tpu.assume_multiple %select_n3A_1773, 8 : i32
      %mul3A_1775 = arith.constant 2 : i32
      %mul3A_1776 = arith.muli %mul3A_1775, %select_n3A : i32
      "tpu.region"() ({
        %run_scoped3A = tpu.sem_alloc : memref<!tpu.dma_semaphore, #tpu.memory_space<semaphore_mem>>
        %dma_start3A_1781 = arith.constant 0 : i32
        %dma_start3A_1782 = tpu.memref_slice %arg8[%mul3A_1776, %multiple_of3A_1774, %dma_start3A_1781] : memref<8x48x128xf32, #tpu.memory_space<hbm>> -> memref<1x8x128xf32, #tpu.memory_space<hbm>>
        %dma_start3A_1783 = tpu.memref_squeeze %dma_start3A_1782 : memref<1x8x128xf32, #tpu.memory_space<hbm>> -> memref<8x128xf32, #tpu.memory_space<hbm>>
        %dma_start3A_1784 = arith.constant 0 : i32
        %dma_start3A_1785 = tpu.memref_slice %arg8[%mul3A_1776, %multiple_of3A_1774, %dma_start3A_1784] : memref<8x48x128xf32, #tpu.memory_space<hbm>> -> memref<1x8x128xf32, #tpu.memory_space<hbm>>
        %dma_start3A_1786 = tpu.memref_squeeze %dma_start3A_1785 : memref<1x8x128xf32, #tpu.memory_space<hbm>> -> memref<8x128xf32, #tpu.memory_space<hbm>>
        tpu.enqueue_dma source(%arg17 : memref<8x128xf32, #tpu.memory_space<vmem>>) target(%dma_start3A_1786 : memref<8x128xf32, #tpu.memory_space<hbm>>) target_semaphore(%run_scoped3A : memref<!tpu.dma_semaphore, #tpu.memory_space<semaphore_mem>>)
        %dma_wait3A_1787 = arith.constant 0 : i32
        %dma_wait3A_1788 = tpu.memref_slice %arg8[%mul3A_1776, %multiple_of3A_1774, %dma_wait3A_1787] : memref<8x48x128xf32, #tpu.memory_space<hbm>> -> memref<1x8x128xf32, #tpu.memory_space<hbm>>
        %dma_wait3A_1789 = tpu.memref_squeeze %dma_wait3A_1788 : memref<1x8x128xf32, #tpu.memory_space<hbm>> -> memref<8x128xf32, #tpu.memory_space<hbm>>
        %dma_wait3A_1790 = arith.constant 0 : i32
        %dma_wait3A_1791 = tpu.memref_slice %arg8[%mul3A_1776, %multiple_of3A_1774, %dma_wait3A_1790] : memref<8x48x128xf32, #tpu.memory_space<hbm>> -> memref<1x8x128xf32, #tpu.memory_space<hbm>>
        %dma_wait3A_1792 = tpu.memref_squeeze %dma_wait3A_1791 : memref<1x8x128xf32, #tpu.memory_space<hbm>> -> memref<8x128xf32, #tpu.memory_space<hbm>>
        tpu.wait_dma2 semaphore(%run_scoped3A : memref<!tpu.dma_semaphore, #tpu.memory_space<semaphore_mem>>) src(%arg17 : memref<8x128xf32, #tpu.memory_space<vmem>>) dst(%dma_wait3A_1792 : memref<8x128xf32, #tpu.memory_space<hbm>>)
        tpu.yield
      }) : () -> ()
      %mul3A_1777 = arith.constant 2 : i32
      %mul3A_1778 = arith.muli %mul3A_1777, %select_n3A : i32
      %add3A_1779 = arith.constant 1 : i32
      %add3A_1780 = arith.addi %mul3A_1778, %add3A_1779 : i32
      "tpu.region"() ({
        %run_scoped3A = tpu.sem_alloc : memref<!tpu.dma_semaphore, #tpu.memory_space<semaphore_mem>>
        %dma_start3A_1781 = arith.constant 0 : i32
        %dma_start3A_1782 = tpu.memref_slice %arg8[%add3A_1780, %multiple_of3A_1774, %dma_start3A_1781] : memref<8x48x128xf32, #tpu.memory_space<hbm>> -> memref<1x8x128xf32, #tpu.memory_space<hbm>>
        %dma_start3A_1783 = tpu.memref_squeeze %dma_start3A_1782 : memref<1x8x128xf32, #tpu.memory_space<hbm>> -> memref<8x128xf32, #tpu.memory_space<hbm>>
        %dma_start3A_1784 = arith.constant 0 : i32
        %dma_start3A_1785 = tpu.memref_slice %arg8[%add3A_1780, %multiple_of3A_1774, %dma_start3A_1784] : memref<8x48x128xf32, #tpu.memory_space<hbm>> -> memref<1x8x128xf32, #tpu.memory_space<hbm>>
        %dma_start3A_1786 = tpu.memref_squeeze %dma_start3A_1785 : memref<1x8x128xf32, #tpu.memory_space<hbm>> -> memref<8x128xf32, #tpu.memory_space<hbm>>
        tpu.enqueue_dma source(%arg18 : memref<8x128xf32, #tpu.memory_space<vmem>>) target(%dma_start3A_1786 : memref<8x128xf32, #tpu.memory_space<hbm>>) target_semaphore(%run_scoped3A : memref<!tpu.dma_semaphore, #tpu.memory_space<semaphore_mem>>)
        %dma_wait3A_1787 = arith.constant 0 : i32
        %dma_wait3A_1788 = tpu.memref_slice %arg8[%add3A_1780, %multiple_of3A_1774, %dma_wait3A_1787] : memref<8x48x128xf32, #tpu.memory_space<hbm>> -> memref<1x8x128xf32, #tpu.memory_space<hbm>>
        %dma_wait3A_1789 = tpu.memref_squeeze %dma_wait3A_1788 : memref<1x8x128xf32, #tpu.memory_space<hbm>> -> memref<8x128xf32, #tpu.memory_space<hbm>>
        %dma_wait3A_1790 = arith.constant 0 : i32
        %dma_wait3A_1791 = tpu.memref_slice %arg8[%add3A_1780, %multiple_of3A_1774, %dma_wait3A_1790] : memref<8x48x128xf32, #tpu.memory_space<hbm>> -> memref<1x8x128xf32, #tpu.memory_space<hbm>>
        %dma_wait3A_1792 = tpu.memref_squeeze %dma_wait3A_1791 : memref<1x8x128xf32, #tpu.memory_space<hbm>> -> memref<8x128xf32, #tpu.memory_space<hbm>>
        tpu.wait_dma2 semaphore(%run_scoped3A : memref<!tpu.dma_semaphore, #tpu.memory_space<semaphore_mem>>) src(%arg18 : memref<8x128xf32, #tpu.memory_space<vmem>>) dst(%dma_wait3A_1792 : memref<8x128xf32, #tpu.memory_space<hbm>>)
        tpu.yield
      }) : () -> ()
    } else {
    }
    %dma_wait3A = arith.constant 0 : i32
    %dma_wait3A_1565 = tpu.memref_slice %arg9[%add3A_95, %dma_wait3A] : memref<8x64xi32, #tpu.memory_space<vmem>> -> memref<1x32xi32, #tpu.memory_space<vmem>>
    %dma_wait3A_1566 = tpu.memref_squeeze %dma_wait3A_1565 : memref<1x32xi32, #tpu.memory_space<vmem>> -> memref<32xi32, #tpu.memory_space<vmem>>
    %dma_wait3A_1567 = arith.constant 0 : i32
    %dma_wait3A_1568 = arith.constant 0 : i32
    %dma_wait3A_1569 = tpu.memref_slice %arg2[%dma_wait3A_1567, %dma_wait3A_1568] : memref<32768x768xf32, #tpu.memory_space<hbm>> -> memref<32768x768xf32, #tpu.memory_space<hbm>>
    tpu.wait_indirect_dma semaphore(%arg19 : memref<!tpu.dma_semaphore, #tpu.memory_space<semaphore_mem>>) src(%dma_wait3A_1569 : memref<32768x768xf32, #tpu.memory_space<hbm>>) dst(%arg10 : memref<32x768xf32, #tpu.memory_space<vmem>>)
    %mul3A_1570 = arith.constant 256 : i32
    %mul3A_1571 = arith.muli %mul3A_1570, %add3A : i32
    %add3A_1572 = arith.constant 0 : i32
    %add3A_1573 = arith.addi %mul3A_1571, %add3A_1572 : i32
    %multiple_of3A_1574 = tpu.assume_multiple %add3A_1573, 32 : i32
    %dma_start3A_1575 = arith.constant 0 : i32
    %dma_start3A_1576 = tpu.memref_slice %arg6[%multiple_of3A_1574, %dma_start3A_1575] : memref<8192x768xf32, #tpu.memory_space<hbm>> -> memref<32x768xf32, #tpu.memory_space<hbm>>
    %dma_start3A_1577 = arith.constant 0 : i32
    %dma_start3A_1578 = tpu.memref_slice %arg6[%multiple_of3A_1574, %dma_start3A_1577] : memref<8192x768xf32, #tpu.memory_space<hbm>> -> memref<32x768xf32, #tpu.memory_space<hbm>>
    tpu.enqueue_dma source(%arg10 : memref<32x768xf32, #tpu.memory_space<vmem>>) target(%dma_start3A_1578 : memref<32x768xf32, #tpu.memory_space<hbm>>) target_semaphore(%arg23 : memref<!tpu.dma_semaphore, #tpu.memory_space<semaphore_mem>>)
    %dma_wait3A_1579 = arith.constant 0 : i32
    %dma_wait3A_1580 = tpu.memref_slice %arg6[%multiple_of3A_1574, %dma_wait3A_1579] : memref<8192x768xf32, #tpu.memory_space<hbm>> -> memref<32x768xf32, #tpu.memory_space<hbm>>
    %dma_wait3A_1581 = arith.constant 0 : i32
    %dma_wait3A_1582 = tpu.memref_slice %arg6[%multiple_of3A_1574, %dma_wait3A_1581] : memref<8192x768xf32, #tpu.memory_space<hbm>> -> memref<32x768xf32, #tpu.memory_space<hbm>>
    tpu.wait_dma2 semaphore(%arg23 : memref<!tpu.dma_semaphore, #tpu.memory_space<semaphore_mem>>) src(%arg10 : memref<32x768xf32, #tpu.memory_space<vmem>>) dst(%dma_wait3A_1582 : memref<32x768xf32, #tpu.memory_space<hbm>>)
    %add3A_1583 = arith.constant 2 : i32
    %add3A_1584 = arith.addi %mul3A_93, %add3A_1583 : i32
    %dma_start3A_1585 = arith.constant 0 : i32
    %dma_start3A_1586 = tpu.memref_slice %arg9[%add3A_1584, %dma_start3A_1585] : memref<8x64xi32, #tpu.memory_space<vmem>> -> memref<1x32xi32, #tpu.memory_space<vmem>>
    %dma_start3A_1587 = tpu.memref_squeeze %dma_start3A_1586 : memref<1x32xi32, #tpu.memory_space<vmem>> -> memref<32xi32, #tpu.memory_space<vmem>>
    %dma_start3A_1588 = arith.constant 0 : i32
    %dma_start3A_1589 = arith.constant 0 : i32
    %dma_start3A_1590 = tpu.memref_slice %arg2[%dma_start3A_1588, %dma_start3A_1589] : memref<32768x768xf32, #tpu.memory_space<hbm>> -> memref<32768x768xf32, #tpu.memory_space<hbm>>
    tpu.enqueue_indirect_dma source(%dma_start3A_1590 : memref<32768x768xf32, #tpu.memory_space<hbm>>) target(%arg10 : memref<32x768xf32, #tpu.memory_space<vmem>>) offsets(%dma_start3A_1587 : memref<32xi32, #tpu.memory_space<vmem>>) semaphore(%arg19 : memref<!tpu.dma_semaphore, #tpu.memory_space<semaphore_mem>>)
    %dma_wait3A_1591 = arith.constant 32 : i32
    %dma_wait3A_1592 = tpu.memref_slice %arg9[%add3A_102, %dma_wait3A_1591] : memref<8x64xi32, #tpu.memory_space<vmem>> -> memref<1x32xi32, #tpu.memory_space<vmem>>
    %dma_wait3A_1593 = tpu.memref_squeeze %dma_wait3A_1592 : memref<1x32xi32, #tpu.memory_space<vmem>> -> memref<32xi32, #tpu.memory_space<vmem>>
    %dma_wait3A_1594 = arith.constant 0 : i32
    %dma_wait3A_1595 = arith.constant 0 : i32
    %dma_wait3A_1596 = tpu.memref_slice %arg2[%dma_wait3A_1594, %dma_wait3A_1595] : memref<32768x768xf32, #tpu.memory_space<hbm>> -> memref<32768x768xf32, #tpu.memory_space<hbm>>
    tpu.wait_indirect_dma semaphore(%arg20 : memref<!tpu.dma_semaphore, #tpu.memory_space<semaphore_mem>>) src(%dma_wait3A_1596 : memref<32768x768xf32, #tpu.memory_space<hbm>>) dst(%arg11 : memref<32x768xf32, #tpu.memory_space<vmem>>)
    %mul3A_1597 = arith.constant 256 : i32
    %mul3A_1598 = arith.muli %mul3A_1597, %add3A : i32
    %add3A_1599 = arith.constant 32 : i32
    %add3A_1600 = arith.addi %mul3A_1598, %add3A_1599 : i32
    %multiple_of3A_1601 = tpu.assume_multiple %add3A_1600, 32 : i32
    %dma_start3A_1602 = arith.constant 0 : i32
    %dma_start3A_1603 = tpu.memref_slice %arg6[%multiple_of3A_1601, %dma_start3A_1602] : memref<8192x768xf32, #tpu.memory_space<hbm>> -> memref<32x768xf32, #tpu.memory_space<hbm>>
    %dma_start3A_1604 = arith.constant 0 : i32
    %dma_start3A_1605 = tpu.memref_slice %arg6[%multiple_of3A_1601, %dma_start3A_1604] : memref<8192x768xf32, #tpu.memory_space<hbm>> -> memref<32x768xf32, #tpu.memory_space<hbm>>
    tpu.enqueue_dma source(%arg11 : memref<32x768xf32, #tpu.memory_space<vmem>>) target(%dma_start3A_1605 : memref<32x768xf32, #tpu.memory_space<hbm>>) target_semaphore(%arg24 : memref<!tpu.dma_semaphore, #tpu.memory_space<semaphore_mem>>)
    %dma_wait3A_1606 = arith.constant 0 : i32
    %dma_wait3A_1607 = tpu.memref_slice %arg6[%multiple_of3A_1601, %dma_wait3A_1606] : memref<8192x768xf32, #tpu.memory_space<hbm>> -> memref<32x768xf32, #tpu.memory_space<hbm>>
    %dma_wait3A_1608 = arith.constant 0 : i32
    %dma_wait3A_1609 = tpu.memref_slice %arg6[%multiple_of3A_1601, %dma_wait3A_1608] : memref<8192x768xf32, #tpu.memory_space<hbm>> -> memref<32x768xf32, #tpu.memory_space<hbm>>
    tpu.wait_dma2 semaphore(%arg24 : memref<!tpu.dma_semaphore, #tpu.memory_space<semaphore_mem>>) src(%arg11 : memref<32x768xf32, #tpu.memory_space<vmem>>) dst(%dma_wait3A_1609 : memref<32x768xf32, #tpu.memory_space<hbm>>)
    %add3A_1610 = arith.constant 2 : i32
    %add3A_1611 = arith.addi %mul3A_93, %add3A_1610 : i32
    %dma_start3A_1612 = arith.constant 32 : i32
    %dma_start3A_1613 = tpu.memref_slice %arg9[%add3A_1611, %dma_start3A_1612] : memref<8x64xi32, #tpu.memory_space<vmem>> -> memref<1x32xi32, #tpu.memory_space<vmem>>
    %dma_start3A_1614 = tpu.memref_squeeze %dma_start3A_1613 : memref<1x32xi32, #tpu.memory_space<vmem>> -> memref<32xi32, #tpu.memory_space<vmem>>
    %dma_start3A_1615 = arith.constant 0 : i32
    %dma_start3A_1616 = arith.constant 0 : i32
    %dma_start3A_1617 = tpu.memref_slice %arg2[%dma_start3A_1615, %dma_start3A_1616] : memref<32768x768xf32, #tpu.memory_space<hbm>> -> memref<32768x768xf32, #tpu.memory_space<hbm>>
    tpu.enqueue_indirect_dma source(%dma_start3A_1617 : memref<32768x768xf32, #tpu.memory_space<hbm>>) target(%arg11 : memref<32x768xf32, #tpu.memory_space<vmem>>) offsets(%dma_start3A_1614 : memref<32xi32, #tpu.memory_space<vmem>>) semaphore(%arg20 : memref<!tpu.dma_semaphore, #tpu.memory_space<semaphore_mem>>)
    %dma_wait3A_1618 = arith.constant 0 : i32
    %dma_wait3A_1619 = tpu.memref_slice %arg9[%add3A_110, %dma_wait3A_1618] : memref<8x64xi32, #tpu.memory_space<vmem>> -> memref<1x32xi32, #tpu.memory_space<vmem>>
    %dma_wait3A_1620 = tpu.memref_squeeze %dma_wait3A_1619 : memref<1x32xi32, #tpu.memory_space<vmem>> -> memref<32xi32, #tpu.memory_space<vmem>>
    %dma_wait3A_1621 = arith.constant 0 : i32
    %dma_wait3A_1622 = arith.constant 0 : i32
    %dma_wait3A_1623 = tpu.memref_slice %arg2[%dma_wait3A_1621, %dma_wait3A_1622] : memref<32768x768xf32, #tpu.memory_space<hbm>> -> memref<32768x768xf32, #tpu.memory_space<hbm>>
    tpu.wait_indirect_dma semaphore(%arg21 : memref<!tpu.dma_semaphore, #tpu.memory_space<semaphore_mem>>) src(%dma_wait3A_1623 : memref<32768x768xf32, #tpu.memory_space<hbm>>) dst(%arg12 : memref<32x768xf32, #tpu.memory_space<vmem>>)
    %mul3A_1624 = arith.constant 256 : i32
    %mul3A_1625 = arith.muli %mul3A_1624, %add3A : i32
    %add3A_1626 = arith.constant 64 : i32
    %add3A_1627 = arith.addi %mul3A_1625, %add3A_1626 : i32
    %multiple_of3A_1628 = tpu.assume_multiple %add3A_1627, 32 : i32
    %dma_start3A_1629 = arith.constant 0 : i32
    %dma_start3A_1630 = tpu.memref_slice %arg6[%multiple_of3A_1628, %dma_start3A_1629] : memref<8192x768xf32, #tpu.memory_space<hbm>> -> memref<32x768xf32, #tpu.memory_space<hbm>>
    %dma_start3A_1631 = arith.constant 0 : i32
    %dma_start3A_1632 = tpu.memref_slice %arg6[%multiple_of3A_1628, %dma_start3A_1631] : memref<8192x768xf32, #tpu.memory_space<hbm>> -> memref<32x768xf32, #tpu.memory_space<hbm>>
    tpu.enqueue_dma source(%arg12 : memref<32x768xf32, #tpu.memory_space<vmem>>) target(%dma_start3A_1632 : memref<32x768xf32, #tpu.memory_space<hbm>>) target_semaphore(%arg25 : memref<!tpu.dma_semaphore, #tpu.memory_space<semaphore_mem>>)
    %dma_wait3A_1633 = arith.constant 0 : i32
    %dma_wait3A_1634 = tpu.memref_slice %arg6[%multiple_of3A_1628, %dma_wait3A_1633] : memref<8192x768xf32, #tpu.memory_space<hbm>> -> memref<32x768xf32, #tpu.memory_space<hbm>>
    %dma_wait3A_1635 = arith.constant 0 : i32
    %dma_wait3A_1636 = tpu.memref_slice %arg6[%multiple_of3A_1628, %dma_wait3A_1635] : memref<8192x768xf32, #tpu.memory_space<hbm>> -> memref<32x768xf32, #tpu.memory_space<hbm>>
    tpu.wait_dma2 semaphore(%arg25 : memref<!tpu.dma_semaphore, #tpu.memory_space<semaphore_mem>>) src(%arg12 : memref<32x768xf32, #tpu.memory_space<vmem>>) dst(%dma_wait3A_1636 : memref<32x768xf32, #tpu.memory_space<hbm>>)
    %add3A_1637 = arith.constant 3 : i32
    %add3A_1638 = arith.addi %mul3A_93, %add3A_1637 : i32
    %dma_start3A_1639 = arith.constant 0 : i32
    %dma_start3A_1640 = tpu.memref_slice %arg9[%add3A_1638, %dma_start3A_1639] : memref<8x64xi32, #tpu.memory_space<vmem>> -> memref<1x32xi32, #tpu.memory_space<vmem>>
    %dma_start3A_1641 = tpu.memref_squeeze %dma_start3A_1640 : memref<1x32xi32, #tpu.memory_space<vmem>> -> memref<32xi32, #tpu.memory_space<vmem>>
    %dma_start3A_1642 = arith.constant 0 : i32
    %dma_start3A_1643 = arith.constant 0 : i32
    %dma_start3A_1644 = tpu.memref_slice %arg2[%dma_start3A_1642, %dma_start3A_1643] : memref<32768x768xf32, #tpu.memory_space<hbm>> -> memref<32768x768xf32, #tpu.memory_space<hbm>>
    tpu.enqueue_indirect_dma source(%dma_start3A_1644 : memref<32768x768xf32, #tpu.memory_space<hbm>>) target(%arg12 : memref<32x768xf32, #tpu.memory_space<vmem>>) offsets(%dma_start3A_1641 : memref<32xi32, #tpu.memory_space<vmem>>) semaphore(%arg21 : memref<!tpu.dma_semaphore, #tpu.memory_space<semaphore_mem>>)
    %dma_wait3A_1645 = arith.constant 32 : i32
    %dma_wait3A_1646 = tpu.memref_slice %arg9[%add3A_118, %dma_wait3A_1645] : memref<8x64xi32, #tpu.memory_space<vmem>> -> memref<1x32xi32, #tpu.memory_space<vmem>>
    %dma_wait3A_1647 = tpu.memref_squeeze %dma_wait3A_1646 : memref<1x32xi32, #tpu.memory_space<vmem>> -> memref<32xi32, #tpu.memory_space<vmem>>
    %dma_wait3A_1648 = arith.constant 0 : i32
    %dma_wait3A_1649 = arith.constant 0 : i32
    %dma_wait3A_1650 = tpu.memref_slice %arg2[%dma_wait3A_1648, %dma_wait3A_1649] : memref<32768x768xf32, #tpu.memory_space<hbm>> -> memref<32768x768xf32, #tpu.memory_space<hbm>>
    tpu.wait_indirect_dma semaphore(%arg22 : memref<!tpu.dma_semaphore, #tpu.memory_space<semaphore_mem>>) src(%dma_wait3A_1650 : memref<32768x768xf32, #tpu.memory_space<hbm>>) dst(%arg13 : memref<32x768xf32, #tpu.memory_space<vmem>>)
    %mul3A_1651 = arith.constant 256 : i32
    %mul3A_1652 = arith.muli %mul3A_1651, %add3A : i32
    %add3A_1653 = arith.constant 96 : i32
    %add3A_1654 = arith.addi %mul3A_1652, %add3A_1653 : i32
    %multiple_of3A_1655 = tpu.assume_multiple %add3A_1654, 32 : i32
    %dma_start3A_1656 = arith.constant 0 : i32
    %dma_start3A_1657 = tpu.memref_slice %arg6[%multiple_of3A_1655, %dma_start3A_1656] : memref<8192x768xf32, #tpu.memory_space<hbm>> -> memref<32x768xf32, #tpu.memory_space<hbm>>
    %dma_start3A_1658 = arith.constant 0 : i32
    %dma_start3A_1659 = tpu.memref_slice %arg6[%multiple_of3A_1655, %dma_start3A_1658] : memref<8192x768xf32, #tpu.memory_space<hbm>> -> memref<32x768xf32, #tpu.memory_space<hbm>>
    tpu.enqueue_dma source(%arg13 : memref<32x768xf32, #tpu.memory_space<vmem>>) target(%dma_start3A_1659 : memref<32x768xf32, #tpu.memory_space<hbm>>) target_semaphore(%arg26 : memref<!tpu.dma_semaphore, #tpu.memory_space<semaphore_mem>>)
    %dma_wait3A_1660 = arith.constant 0 : i32
    %dma_wait3A_1661 = tpu.memref_slice %arg6[%multiple_of3A_1655, %dma_wait3A_1660] : memref<8192x768xf32, #tpu.memory_space<hbm>> -> memref<32x768xf32, #tpu.memory_space<hbm>>
    %dma_wait3A_1662 = arith.constant 0 : i32
    %dma_wait3A_1663 = tpu.memref_slice %arg6[%multiple_of3A_1655, %dma_wait3A_1662] : memref<8192x768xf32, #tpu.memory_space<hbm>> -> memref<32x768xf32, #tpu.memory_space<hbm>>
    tpu.wait_dma2 semaphore(%arg26 : memref<!tpu.dma_semaphore, #tpu.memory_space<semaphore_mem>>) src(%arg13 : memref<32x768xf32, #tpu.memory_space<vmem>>) dst(%dma_wait3A_1663 : memref<32x768xf32, #tpu.memory_space<hbm>>)
    %add3A_1664 = arith.constant 3 : i32
    %add3A_1665 = arith.addi %mul3A_93, %add3A_1664 : i32
    %dma_start3A_1666 = arith.constant 32 : i32
    %dma_start3A_1667 = tpu.memref_slice %arg9[%add3A_1665, %dma_start3A_1666] : memref<8x64xi32, #tpu.memory_space<vmem>> -> memref<1x32xi32, #tpu.memory_space<vmem>>
    %dma_start3A_1668 = tpu.memref_squeeze %dma_start3A_1667 : memref<1x32xi32, #tpu.memory_space<vmem>> -> memref<32xi32, #tpu.memory_space<vmem>>
    %dma_start3A_1669 = arith.constant 0 : i32
    %dma_start3A_1670 = arith.constant 0 : i32
    %dma_start3A_1671 = tpu.memref_slice %arg2[%dma_start3A_1669, %dma_start3A_1670] : memref<32768x768xf32, #tpu.memory_space<hbm>> -> memref<32768x768xf32, #tpu.memory_space<hbm>>
    tpu.enqueue_indirect_dma source(%dma_start3A_1671 : memref<32768x768xf32, #tpu.memory_space<hbm>>) target(%arg13 : memref<32x768xf32, #tpu.memory_space<vmem>>) offsets(%dma_start3A_1668 : memref<32xi32, #tpu.memory_space<vmem>>) semaphore(%arg22 : memref<!tpu.dma_semaphore, #tpu.memory_space<semaphore_mem>>)
    %dma_wait3A_1672 = arith.constant 0 : i32
    %dma_wait3A_1673 = tpu.memref_slice %arg9[%add3A_1584, %dma_wait3A_1672] : memref<8x64xi32, #tpu.memory_space<vmem>> -> memref<1x32xi32, #tpu.memory_space<vmem>>
    %dma_wait3A_1674 = tpu.memref_squeeze %dma_wait3A_1673 : memref<1x32xi32, #tpu.memory_space<vmem>> -> memref<32xi32, #tpu.memory_space<vmem>>
    %dma_wait3A_1675 = arith.constant 0 : i32
    %dma_wait3A_1676 = arith.constant 0 : i32
    %dma_wait3A_1677 = tpu.memref_slice %arg2[%dma_wait3A_1675, %dma_wait3A_1676] : memref<32768x768xf32, #tpu.memory_space<hbm>> -> memref<32768x768xf32, #tpu.memory_space<hbm>>
    tpu.wait_indirect_dma semaphore(%arg19 : memref<!tpu.dma_semaphore, #tpu.memory_space<semaphore_mem>>) src(%dma_wait3A_1677 : memref<32768x768xf32, #tpu.memory_space<hbm>>) dst(%arg10 : memref<32x768xf32, #tpu.memory_space<vmem>>)
    %mul3A_1678 = arith.constant 256 : i32
    %mul3A_1679 = arith.muli %mul3A_1678, %add3A : i32
    %add3A_1680 = arith.constant 128 : i32
    %add3A_1681 = arith.addi %mul3A_1679, %add3A_1680 : i32
    %multiple_of3A_1682 = tpu.assume_multiple %add3A_1681, 32 : i32
    %dma_start3A_1683 = arith.constant 0 : i32
    %dma_start3A_1684 = tpu.memref_slice %arg6[%multiple_of3A_1682, %dma_start3A_1683] : memref<8192x768xf32, #tpu.memory_space<hbm>> -> memref<32x768xf32, #tpu.memory_space<hbm>>
    %dma_start3A_1685 = arith.constant 0 : i32
    %dma_start3A_1686 = tpu.memref_slice %arg6[%multiple_of3A_1682, %dma_start3A_1685] : memref<8192x768xf32, #tpu.memory_space<hbm>> -> memref<32x768xf32, #tpu.memory_space<hbm>>
    tpu.enqueue_dma source(%arg10 : memref<32x768xf32, #tpu.memory_space<vmem>>) target(%dma_start3A_1686 : memref<32x768xf32, #tpu.memory_space<hbm>>) target_semaphore(%arg23 : memref<!tpu.dma_semaphore, #tpu.memory_space<semaphore_mem>>)
    %dma_wait3A_1687 = arith.constant 32 : i32
    %dma_wait3A_1688 = tpu.memref_slice %arg9[%add3A_1611, %dma_wait3A_1687] : memref<8x64xi32, #tpu.memory_space<vmem>> -> memref<1x32xi32, #tpu.memory_space<vmem>>
    %dma_wait3A_1689 = tpu.memref_squeeze %dma_wait3A_1688 : memref<1x32xi32, #tpu.memory_space<vmem>> -> memref<32xi32, #tpu.memory_space<vmem>>
    %dma_wait3A_1690 = arith.constant 0 : i32
    %dma_wait3A_1691 = arith.constant 0 : i32
    %dma_wait3A_1692 = tpu.memref_slice %arg2[%dma_wait3A_1690, %dma_wait3A_1691] : memref<32768x768xf32, #tpu.memory_space<hbm>> -> memref<32768x768xf32, #tpu.memory_space<hbm>>
    tpu.wait_indirect_dma semaphore(%arg20 : memref<!tpu.dma_semaphore, #tpu.memory_space<semaphore_mem>>) src(%dma_wait3A_1692 : memref<32768x768xf32, #tpu.memory_space<hbm>>) dst(%arg11 : memref<32x768xf32, #tpu.memory_space<vmem>>)
    %mul3A_1693 = arith.constant 256 : i32
    %mul3A_1694 = arith.muli %mul3A_1693, %add3A : i32
    %add3A_1695 = arith.constant 160 : i32
    %add3A_1696 = arith.addi %mul3A_1694, %add3A_1695 : i32
    %multiple_of3A_1697 = tpu.assume_multiple %add3A_1696, 32 : i32
    %dma_start3A_1698 = arith.constant 0 : i32
    %dma_start3A_1699 = tpu.memref_slice %arg6[%multiple_of3A_1697, %dma_start3A_1698] : memref<8192x768xf32, #tpu.memory_space<hbm>> -> memref<32x768xf32, #tpu.memory_space<hbm>>
    %dma_start3A_1700 = arith.constant 0 : i32
    %dma_start3A_1701 = tpu.memref_slice %arg6[%multiple_of3A_1697, %dma_start3A_1700] : memref<8192x768xf32, #tpu.memory_space<hbm>> -> memref<32x768xf32, #tpu.memory_space<hbm>>
    tpu.enqueue_dma source(%arg11 : memref<32x768xf32, #tpu.memory_space<vmem>>) target(%dma_start3A_1701 : memref<32x768xf32, #tpu.memory_space<hbm>>) target_semaphore(%arg24 : memref<!tpu.dma_semaphore, #tpu.memory_space<semaphore_mem>>)
    %dma_wait3A_1702 = arith.constant 0 : i32
    %dma_wait3A_1703 = tpu.memref_slice %arg9[%add3A_1638, %dma_wait3A_1702] : memref<8x64xi32, #tpu.memory_space<vmem>> -> memref<1x32xi32, #tpu.memory_space<vmem>>
    %dma_wait3A_1704 = tpu.memref_squeeze %dma_wait3A_1703 : memref<1x32xi32, #tpu.memory_space<vmem>> -> memref<32xi32, #tpu.memory_space<vmem>>
    %dma_wait3A_1705 = arith.constant 0 : i32
    %dma_wait3A_1706 = arith.constant 0 : i32
    %dma_wait3A_1707 = tpu.memref_slice %arg2[%dma_wait3A_1705, %dma_wait3A_1706] : memref<32768x768xf32, #tpu.memory_space<hbm>> -> memref<32768x768xf32, #tpu.memory_space<hbm>>
    tpu.wait_indirect_dma semaphore(%arg21 : memref<!tpu.dma_semaphore, #tpu.memory_space<semaphore_mem>>) src(%dma_wait3A_1707 : memref<32768x768xf32, #tpu.memory_space<hbm>>) dst(%arg12 : memref<32x768xf32, #tpu.memory_space<vmem>>)
    %mul3A_1708 = arith.constant 256 : i32
    %mul3A_1709 = arith.muli %mul3A_1708, %add3A : i32
    %add3A_1710 = arith.constant 192 : i32
    %add3A_1711 = arith.addi %mul3A_1709, %add3A_1710 : i32
    %multiple_of3A_1712 = tpu.assume_multiple %add3A_1711, 32 : i32
    %dma_start3A_1713 = arith.constant 0 : i32
    %dma_start3A_1714 = tpu.memref_slice %arg6[%multiple_of3A_1712, %dma_start3A_1713] : memref<8192x768xf32, #tpu.memory_space<hbm>> -> memref<32x768xf32, #tpu.memory_space<hbm>>
    %dma_start3A_1715 = arith.constant 0 : i32
    %dma_start3A_1716 = tpu.memref_slice %arg6[%multiple_of3A_1712, %dma_start3A_1715] : memref<8192x768xf32, #tpu.memory_space<hbm>> -> memref<32x768xf32, #tpu.memory_space<hbm>>
    tpu.enqueue_dma source(%arg12 : memref<32x768xf32, #tpu.memory_space<vmem>>) target(%dma_start3A_1716 : memref<32x768xf32, #tpu.memory_space<hbm>>) target_semaphore(%arg25 : memref<!tpu.dma_semaphore, #tpu.memory_space<semaphore_mem>>)
    %dma_wait3A_1717 = arith.constant 32 : i32
    %dma_wait3A_1718 = tpu.memref_slice %arg9[%add3A_1665, %dma_wait3A_1717] : memref<8x64xi32, #tpu.memory_space<vmem>> -> memref<1x32xi32, #tpu.memory_space<vmem>>
    %dma_wait3A_1719 = tpu.memref_squeeze %dma_wait3A_1718 : memref<1x32xi32, #tpu.memory_space<vmem>> -> memref<32xi32, #tpu.memory_space<vmem>>
    %dma_wait3A_1720 = arith.constant 0 : i32
    %dma_wait3A_1721 = arith.constant 0 : i32
    %dma_wait3A_1722 = tpu.memref_slice %arg2[%dma_wait3A_1720, %dma_wait3A_1721] : memref<32768x768xf32, #tpu.memory_space<hbm>> -> memref<32768x768xf32, #tpu.memory_space<hbm>>
    tpu.wait_indirect_dma semaphore(%arg22 : memref<!tpu.dma_semaphore, #tpu.memory_space<semaphore_mem>>) src(%dma_wait3A_1722 : memref<32768x768xf32, #tpu.memory_space<hbm>>) dst(%arg13 : memref<32x768xf32, #tpu.memory_space<vmem>>)
    %mul3A_1723 = arith.constant 256 : i32
    %mul3A_1724 = arith.muli %mul3A_1723, %add3A : i32
    %add3A_1725 = arith.constant 224 : i32
    %add3A_1726 = arith.addi %mul3A_1724, %add3A_1725 : i32
    %multiple_of3A_1727 = tpu.assume_multiple %add3A_1726, 32 : i32
    %dma_start3A_1728 = arith.constant 0 : i32
    %dma_start3A_1729 = tpu.memref_slice %arg6[%multiple_of3A_1727, %dma_start3A_1728] : memref<8192x768xf32, #tpu.memory_space<hbm>> -> memref<32x768xf32, #tpu.memory_space<hbm>>
    %dma_start3A_1730 = arith.constant 0 : i32
    %dma_start3A_1731 = tpu.memref_slice %arg6[%multiple_of3A_1727, %dma_start3A_1730] : memref<8192x768xf32, #tpu.memory_space<hbm>> -> memref<32x768xf32, #tpu.memory_space<hbm>>
    tpu.enqueue_dma source(%arg13 : memref<32x768xf32, #tpu.memory_space<vmem>>) target(%dma_start3A_1731 : memref<32x768xf32, #tpu.memory_space<hbm>>) target_semaphore(%arg26 : memref<!tpu.dma_semaphore, #tpu.memory_space<semaphore_mem>>)
    %dma_wait3A_1732 = arith.constant 0 : i32
    %dma_wait3A_1733 = tpu.memref_slice %arg6[%multiple_of3A_1682, %dma_wait3A_1732] : memref<8192x768xf32, #tpu.memory_space<hbm>> -> memref<32x768xf32, #tpu.memory_space<hbm>>
    %dma_wait3A_1734 = arith.constant 0 : i32
    %dma_wait3A_1735 = tpu.memref_slice %arg6[%multiple_of3A_1682, %dma_wait3A_1734] : memref<8192x768xf32, #tpu.memory_space<hbm>> -> memref<32x768xf32, #tpu.memory_space<hbm>>
    tpu.wait_dma2 semaphore(%arg23 : memref<!tpu.dma_semaphore, #tpu.memory_space<semaphore_mem>>) src(%arg10 : memref<32x768xf32, #tpu.memory_space<vmem>>) dst(%dma_wait3A_1735 : memref<32x768xf32, #tpu.memory_space<hbm>>)
    %dma_wait3A_1736 = arith.constant 0 : i32
    %dma_wait3A_1737 = tpu.memref_slice %arg6[%multiple_of3A_1697, %dma_wait3A_1736] : memref<8192x768xf32, #tpu.memory_space<hbm>> -> memref<32x768xf32, #tpu.memory_space<hbm>>
    %dma_wait3A_1738 = arith.constant 0 : i32
    %dma_wait3A_1739 = tpu.memref_slice %arg6[%multiple_of3A_1697, %dma_wait3A_1738] : memref<8192x768xf32, #tpu.memory_space<hbm>> -> memref<32x768xf32, #tpu.memory_space<hbm>>
    tpu.wait_dma2 semaphore(%arg24 : memref<!tpu.dma_semaphore, #tpu.memory_space<semaphore_mem>>) src(%arg11 : memref<32x768xf32, #tpu.memory_space<vmem>>) dst(%dma_wait3A_1739 : memref<32x768xf32, #tpu.memory_space<hbm>>)
    %dma_wait3A_1740 = arith.constant 0 : i32
    %dma_wait3A_1741 = tpu.memref_slice %arg6[%multiple_of3A_1712, %dma_wait3A_1740] : memref<8192x768xf32, #tpu.memory_space<hbm>> -> memref<32x768xf32, #tpu.memory_space<hbm>>
    %dma_wait3A_1742 = arith.constant 0 : i32
    %dma_wait3A_1743 = tpu.memref_slice %arg6[%multiple_of3A_1712, %dma_wait3A_1742] : memref<8192x768xf32, #tpu.memory_space<hbm>> -> memref<32x768xf32, #tpu.memory_space<hbm>>
    tpu.wait_dma2 semaphore(%arg25 : memref<!tpu.dma_semaphore, #tpu.memory_space<semaphore_mem>>) src(%arg12 : memref<32x768xf32, #tpu.memory_space<vmem>>) dst(%dma_wait3A_1743 : memref<32x768xf32, #tpu.memory_space<hbm>>)
    %dma_wait3A_1744 = arith.constant 0 : i32
    %dma_wait3A_1745 = tpu.memref_slice %arg6[%multiple_of3A_1727, %dma_wait3A_1744] : memref<8192x768xf32, #tpu.memory_space<hbm>> -> memref<32x768xf32, #tpu.memory_space<hbm>>
    %dma_wait3A_1746 = arith.constant 0 : i32
    %dma_wait3A_1747 = tpu.memref_slice %arg6[%multiple_of3A_1727, %dma_wait3A_1746] : memref<8192x768xf32, #tpu.memory_space<hbm>> -> memref<32x768xf32, #tpu.memory_space<hbm>>
    tpu.wait_dma2 semaphore(%arg26 : memref<!tpu.dma_semaphore, #tpu.memory_space<semaphore_mem>>) src(%arg13 : memref<32x768xf32, #tpu.memory_space<vmem>>) dst(%dma_wait3A_1747 : memref<32x768xf32, #tpu.memory_space<hbm>>)
    return
  }
}

module attributes {stable_mosaic.version = 14 : i64} {
  func.func @_sort_body(%arg0: i32, %arg1: memref<4x64x128xf32, #tpu.memory_space<vmem>>, %arg2: memref<4x64x128xf32, #tpu.memory_space<vmem>>, %arg3: memref<4x128x64xi32, #tpu.memory_space<vmem>>, %arg4: memref<4x64x128xf32, #tpu.memory_space<vmem>>, %arg5: memref<4x64x128xf32, #tpu.memory_space<vmem>>) attributes {dimension_semantics = [#tpu.dimension_semantics<arbitrary>], iteration_bounds = array<i64: 1>, scalar_prefetch = 0 : i64, scratch_operands = 0 : i64, tpu.core_type = #tpu.core_type<tc>, window_params = [{transform_indices = @transform_0, window_bounds = array<i64: 4, 64, 128>}, {transform_indices = @transform_1, window_bounds = array<i64: 4, 64, 128>}, {transform_indices = @transform_2, window_bounds = array<i64: 4, 128, 64>}, {transform_indices = @transform_3, window_bounds = array<i64: 4, 64, 128>}, {transform_indices = @transform_4, window_bounds = array<i64: 4, 64, 128>}]} {
    %get3A = arith.constant 0 : index
    %get3A_0 = arith.constant 0 : index
    %get3A_1 = arith.constant 0 : index
    %get3A_2 = vector.load %arg1[%get3A, %get3A_0, %get3A_1] : memref<4x64x128xf32, #tpu.memory_space<vmem>>, vector<4x64x128xf32>
    %get3A_3 = arith.constant 0 : index
    %get3A_4 = arith.constant 0 : index
    %get3A_5 = arith.constant 0 : index
    %get3A_6 = vector.load %arg2[%get3A_3, %get3A_4, %get3A_5] : memref<4x64x128xf32, #tpu.memory_space<vmem>>, vector<4x64x128xf32>
    %swap3A = arith.constant 0 : index
    %swap3A_7 = arith.constant 0 : index
    %swap3A_8 = arith.constant 0 : index
    %swap3A_9 = vector.load %arg4[%swap3A, %swap3A_7, %swap3A_8] : memref<4x64x128xf32, #tpu.memory_space<vmem>>, vector<4x64x128xf32>
    tpu.vector_store %arg4[%swap3A, %swap3A_7, %swap3A_8], %get3A_2 {strides = array<i32>} : memref<4x64x128xf32, #tpu.memory_space<vmem>>, vector<4x64x128xf32>,
    %swap3A_10 = arith.constant 0 : index
    %swap3A_11 = arith.constant 0 : index
    %swap3A_12 = arith.constant 0 : index
    %swap3A_13 = vector.load %arg5[%swap3A_10, %swap3A_11, %swap3A_12] : memref<4x64x128xf32, #tpu.memory_space<vmem>>, vector<4x64x128xf32>
    tpu.vector_store %arg5[%swap3A_10, %swap3A_11, %swap3A_12], %get3A_6 {strides = array<i32>} : memref<4x64x128xf32, #tpu.memory_space<vmem>>, vector<4x64x128xf32>,
    %max3A = arith.maximumf %get3A_2, %get3A_6 : vector<4x64x128xf32>
    %sub3A = arith.subf %get3A_2, %max3A : vector<4x64x128xf32>
    %exp3A = math.exp %sub3A : vector<4x64x128xf32>
    %sub3A_14 = arith.subf %get3A_6, %max3A : vector<4x64x128xf32>
    %exp3A_15 = math.exp %sub3A_14 : vector<4x64x128xf32>
    %max3A_16 = arith.maximumf %exp3A, %exp3A_15 : vector<4x64x128xf32>
    %add3A = arith.addf %exp3A, %exp3A_15 : vector<4x64x128xf32>
    %div3A = arith.divf %max3A_16, %add3A : vector<4x64x128xf32>
    %iota3A = tpu.iota {dimensions = array<i32: 1>} : vector<4x64x128xi32>
    %iota3A_17 = tpu.iota {dimensions = array<i32: 2>} : vector<4x64x128xi32>
    %iota3A_18 = tpu.iota {dimensions = array<i32: 0>} : vector<4x64x128xi32>
    %mul3A = arith.constant 64 : i32
    %mul3A_19 = vector.broadcast %mul3A : i32 to vector<4x64x128xi32>
    %mul3A_20 = arith.muli %iota3A_17, %mul3A_19 : vector<4x64x128xi32>
    %add3A_21 = arith.addi %mul3A_20, %iota3A : vector<4x64x128xi32>
    %mul3A_22 = arith.constant 128 : i32
    %mul3A_23 = vector.broadcast %mul3A_22 : i32 to vector<4x64x128xi32>
    %mul3A_24 = arith.muli %iota3A, %mul3A_23 : vector<4x64x128xi32>
    %add3A_25 = arith.addi %mul3A_24, %iota3A_17 : vector<4x64x128xi32>
    %mul3A_26 = arith.constant 4 : i32
    %mul3A_27 = arith.muli %arg0, %mul3A_26 : i32
    %add3A_28 = vector.broadcast %mul3A_27 : i32 to vector<4x64x128xi32>
    %add3A_29 = arith.addi %add3A_28, %iota3A_18 : vector<4x64x128xi32>
    %mul3A_30 = arith.constant 8192 : i32
    %mul3A_31 = vector.broadcast %mul3A_30 : i32 to vector<4x64x128xi32>
    %mul3A_32 = arith.muli %add3A_29, %mul3A_31 : vector<4x64x128xi32>
    %add3A_33 = arith.addi %add3A_25, %mul3A_32 : vector<4x64x128xi32>
    %and3A = arith.constant 2 : i32
    %and3A_34 = vector.broadcast %and3A : i32 to vector<4x64x128xi32>
    %and3A_35 = arith.andi %add3A_21, %and3A_34 : vector<4x64x128xi32>
    %ne3A = arith.constant 0 : i32
    %ne3A_36 = vector.broadcast %ne3A : i32 to vector<4x64x128xi32>
    %ne3A_37 = arith.cmpi ne, %and3A_35, %ne3A_36 : vector<4x64x128xi32>
    %and3A_38 = arith.constant 1 : i32
    %and3A_39 = vector.broadcast %and3A_38 : i32 to vector<4x64x128xi32>
    %and3A_40 = arith.andi %add3A_21, %and3A_39 : vector<4x64x128xi32>
    %ne3A_41 = arith.constant 0 : i32
    %ne3A_42 = vector.broadcast %ne3A_41 : i32 to vector<4x64x128xi32>
    %ne3A_43 = arith.cmpi ne, %and3A_40, %ne3A_42 : vector<4x64x128xi32>
    %roll3A = arith.constant 1 : i32
    %roll3A_44 = tpu.dynamic_rotate %div3A by %roll3A dim 1 : vector<4x64x128xf32>, i32 -> vector<4x64x128xf32>
    %roll3A_45 = arith.constant 63 : i32
    %roll3A_46 = tpu.dynamic_rotate %div3A by %roll3A_45 dim 1 : vector<4x64x128xf32>, i32 -> vector<4x64x128xf32>
    %select_n3A = arith.select %ne3A_43, %roll3A_44, %roll3A_46 : vector<4x64x128xi1>, vector<4x64x128xf32>
    %roll3A_47 = arith.constant 1 : i32
    %roll3A_48 = tpu.dynamic_rotate %add3A_33 by %roll3A_47 dim 1 : vector<4x64x128xi32>, i32 -> vector<4x64x128xi32>
    %roll3A_49 = arith.constant 63 : i32
    %roll3A_50 = tpu.dynamic_rotate %add3A_33 by %roll3A_49 dim 1 : vector<4x64x128xi32>, i32 -> vector<4x64x128xi32>
    %select_n3A_51 = arith.select %ne3A_43, %roll3A_48, %roll3A_50 : vector<4x64x128xi1>, vector<4x64x128xi32>
    %gt3A = arith.cmpf ogt, %select_n3A, %div3A : vector<4x64x128xf32>
    %eq3A = arith.cmpf oeq, %select_n3A, %div3A : vector<4x64x128xf32>
    %lt3A = arith.cmpi slt, %select_n3A_51, %add3A_33 : vector<4x64x128xi32>
    %and3A_52 = arith.andi %eq3A, %lt3A : vector<4x64x128xi1>
    %or3A = arith.ori %gt3A, %and3A_52 : vector<4x64x128xi1>
    %xor3A = arith.xori %or3A, %ne3A_43 : vector<4x64x128xi1>
    %xor3A_53 = arith.xori %xor3A, %ne3A_37 : vector<4x64x128xi1>
    %select_n3A_54 = arith.select %xor3A_53, %select_n3A, %div3A : vector<4x64x128xi1>, vector<4x64x128xf32>
    %select_n3A_55 = arith.select %xor3A_53, %select_n3A_51, %add3A_33 : vector<4x64x128xi1>, vector<4x64x128xi32>
    %and3A_56 = arith.constant 4 : i32
    %and3A_57 = vector.broadcast %and3A_56 : i32 to vector<4x64x128xi32>
    %and3A_58 = arith.andi %add3A_21, %and3A_57 : vector<4x64x128xi32>
    %ne3A_59 = arith.constant 0 : i32
    %ne3A_60 = vector.broadcast %ne3A_59 : i32 to vector<4x64x128xi32>
    %ne3A_61 = arith.cmpi ne, %and3A_58, %ne3A_60 : vector<4x64x128xi32>
    %and3A_62 = arith.constant 2 : i32
    %and3A_63 = vector.broadcast %and3A_62 : i32 to vector<4x64x128xi32>
    %and3A_64 = arith.andi %add3A_21, %and3A_63 : vector<4x64x128xi32>
    %ne3A_65 = arith.constant 0 : i32
    %ne3A_66 = vector.broadcast %ne3A_65 : i32 to vector<4x64x128xi32>
    %ne3A_67 = arith.cmpi ne, %and3A_64, %ne3A_66 : vector<4x64x128xi32>
    %roll3A_68 = arith.constant 2 : i32
    %roll3A_69 = tpu.dynamic_rotate %select_n3A_54 by %roll3A_68 dim 1 : vector<4x64x128xf32>, i32 -> vector<4x64x128xf32>
    %roll3A_70 = arith.constant 62 : i32
    %roll3A_71 = tpu.dynamic_rotate %select_n3A_54 by %roll3A_70 dim 1 : vector<4x64x128xf32>, i32 -> vector<4x64x128xf32>
    %select_n3A_72 = arith.select %ne3A_67, %roll3A_69, %roll3A_71 : vector<4x64x128xi1>, vector<4x64x128xf32>
    %roll3A_73 = arith.constant 2 : i32
    %roll3A_74 = tpu.dynamic_rotate %select_n3A_55 by %roll3A_73 dim 1 : vector<4x64x128xi32>, i32 -> vector<4x64x128xi32>
    %roll3A_75 = arith.constant 62 : i32
    %roll3A_76 = tpu.dynamic_rotate %select_n3A_55 by %roll3A_75 dim 1 : vector<4x64x128xi32>, i32 -> vector<4x64x128xi32>
    %select_n3A_77 = arith.select %ne3A_67, %roll3A_74, %roll3A_76 : vector<4x64x128xi1>, vector<4x64x128xi32>
    %gt3A_78 = arith.cmpf ogt, %select_n3A_72, %select_n3A_54 : vector<4x64x128xf32>
    %eq3A_79 = arith.cmpf oeq, %select_n3A_72, %select_n3A_54 : vector<4x64x128xf32>
    %lt3A_80 = arith.cmpi slt, %select_n3A_77, %select_n3A_55 : vector<4x64x128xi32>
    %and3A_81 = arith.andi %eq3A_79, %lt3A_80 : vector<4x64x128xi1>
    %or3A_82 = arith.ori %gt3A_78, %and3A_81 : vector<4x64x128xi1>
    %xor3A_83 = arith.xori %or3A_82, %ne3A_67 : vector<4x64x128xi1>
    %xor3A_84 = arith.xori %xor3A_83, %ne3A_61 : vector<4x64x128xi1>
    %select_n3A_85 = arith.select %xor3A_84, %select_n3A_72, %select_n3A_54 : vector<4x64x128xi1>, vector<4x64x128xf32>
    %select_n3A_86 = arith.select %xor3A_84, %select_n3A_77, %select_n3A_55 : vector<4x64x128xi1>, vector<4x64x128xi32>
    %and3A_87 = arith.constant 1 : i32
    %and3A_88 = vector.broadcast %and3A_87 : i32 to vector<4x64x128xi32>
    %and3A_89 = arith.andi %add3A_21, %and3A_88 : vector<4x64x128xi32>
    %ne3A_90 = arith.constant 0 : i32
    %ne3A_91 = vector.broadcast %ne3A_90 : i32 to vector<4x64x128xi32>
    %ne3A_92 = arith.cmpi ne, %and3A_89, %ne3A_91 : vector<4x64x128xi32>
    %roll3A_93 = arith.constant 1 : i32
    %roll3A_94 = tpu.dynamic_rotate %select_n3A_85 by %roll3A_93 dim 1 : vector<4x64x128xf32>, i32 -> vector<4x64x128xf32>
    %roll3A_95 = arith.constant 63 : i32
    %roll3A_96 = tpu.dynamic_rotate %select_n3A_85 by %roll3A_95 dim 1 : vector<4x64x128xf32>, i32 -> vector<4x64x128xf32>
    %select_n3A_97 = arith.select %ne3A_92, %roll3A_94, %roll3A_96 : vector<4x64x128xi1>, vector<4x64x128xf32>
    %roll3A_98 = arith.constant 1 : i32
    %roll3A_99 = tpu.dynamic_rotate %select_n3A_86 by %roll3A_98 dim 1 : vector<4x64x128xi32>, i32 -> vector<4x64x128xi32>
    %roll3A_100 = arith.constant 63 : i32
    %roll3A_101 = tpu.dynamic_rotate %select_n3A_86 by %roll3A_100 dim 1 : vector<4x64x128xi32>, i32 -> vector<4x64x128xi32>
    %select_n3A_102 = arith.select %ne3A_92, %roll3A_99, %roll3A_101 : vector<4x64x128xi1>, vector<4x64x128xi32>
    %gt3A_103 = arith.cmpf ogt, %select_n3A_97, %select_n3A_85 : vector<4x64x128xf32>
    %eq3A_104 = arith.cmpf oeq, %select_n3A_97, %select_n3A_85 : vector<4x64x128xf32>
    %lt3A_105 = arith.cmpi slt, %select_n3A_102, %select_n3A_86 : vector<4x64x128xi32>
    %and3A_106 = arith.andi %eq3A_104, %lt3A_105 : vector<4x64x128xi1>
    %or3A_107 = arith.ori %gt3A_103, %and3A_106 : vector<4x64x128xi1>
    %xor3A_108 = arith.xori %or3A_107, %ne3A_92 : vector<4x64x128xi1>
    %xor3A_109 = arith.xori %xor3A_108, %ne3A_61 : vector<4x64x128xi1>
    %select_n3A_110 = arith.select %xor3A_109, %select_n3A_97, %select_n3A_85 : vector<4x64x128xi1>, vector<4x64x128xf32>
    %select_n3A_111 = arith.select %xor3A_109, %select_n3A_102, %select_n3A_86 : vector<4x64x128xi1>, vector<4x64x128xi32>
    %and3A_112 = arith.constant 8 : i32
    %and3A_113 = vector.broadcast %and3A_112 : i32 to vector<4x64x128xi32>
    %and3A_114 = arith.andi %add3A_21, %and3A_113 : vector<4x64x128xi32>
    %ne3A_115 = arith.constant 0 : i32
    %ne3A_116 = vector.broadcast %ne3A_115 : i32 to vector<4x64x128xi32>
    %ne3A_117 = arith.cmpi ne, %and3A_114, %ne3A_116 : vector<4x64x128xi32>
    %and3A_118 = arith.constant 4 : i32
    %and3A_119 = vector.broadcast %and3A_118 : i32 to vector<4x64x128xi32>
    %and3A_120 = arith.andi %add3A_21, %and3A_119 : vector<4x64x128xi32>
    %ne3A_121 = arith.constant 0 : i32
    %ne3A_122 = vector.broadcast %ne3A_121 : i32 to vector<4x64x128xi32>
    %ne3A_123 = arith.cmpi ne, %and3A_120, %ne3A_122 : vector<4x64x128xi32>
    %roll3A_124 = arith.constant 4 : i32
    %roll3A_125 = tpu.dynamic_rotate %select_n3A_110 by %roll3A_124 dim 1 : vector<4x64x128xf32>, i32 -> vector<4x64x128xf32>
    %roll3A_126 = arith.constant 60 : i32
    %roll3A_127 = tpu.dynamic_rotate %select_n3A_110 by %roll3A_126 dim 1 : vector<4x64x128xf32>, i32 -> vector<4x64x128xf32>
    %select_n3A_128 = arith.select %ne3A_123, %roll3A_125, %roll3A_127 : vector<4x64x128xi1>, vector<4x64x128xf32>
    %roll3A_129 = arith.constant 4 : i32
    %roll3A_130 = tpu.dynamic_rotate %select_n3A_111 by %roll3A_129 dim 1 : vector<4x64x128xi32>, i32 -> vector<4x64x128xi32>
    %roll3A_131 = arith.constant 60 : i32
    %roll3A_132 = tpu.dynamic_rotate %select_n3A_111 by %roll3A_131 dim 1 : vector<4x64x128xi32>, i32 -> vector<4x64x128xi32>
    %select_n3A_133 = arith.select %ne3A_123, %roll3A_130, %roll3A_132 : vector<4x64x128xi1>, vector<4x64x128xi32>
    %gt3A_134 = arith.cmpf ogt, %select_n3A_128, %select_n3A_110 : vector<4x64x128xf32>
    %eq3A_135 = arith.cmpf oeq, %select_n3A_128, %select_n3A_110 : vector<4x64x128xf32>
    %lt3A_136 = arith.cmpi slt, %select_n3A_133, %select_n3A_111 : vector<4x64x128xi32>
    %and3A_137 = arith.andi %eq3A_135, %lt3A_136 : vector<4x64x128xi1>
    %or3A_138 = arith.ori %gt3A_134, %and3A_137 : vector<4x64x128xi1>
    %xor3A_139 = arith.xori %or3A_138, %ne3A_123 : vector<4x64x128xi1>
    %xor3A_140 = arith.xori %xor3A_139, %ne3A_117 : vector<4x64x128xi1>
    %select_n3A_141 = arith.select %xor3A_140, %select_n3A_128, %select_n3A_110 : vector<4x64x128xi1>, vector<4x64x128xf32>
    %select_n3A_142 = arith.select %xor3A_140, %select_n3A_133, %select_n3A_111 : vector<4x64x128xi1>, vector<4x64x128xi32>
    %and3A_143 = arith.constant 2 : i32
    %and3A_144 = vector.broadcast %and3A_143 : i32 to vector<4x64x128xi32>
    %and3A_145 = arith.andi %add3A_21, %and3A_144 : vector<4x64x128xi32>
    %ne3A_146 = arith.constant 0 : i32
    %ne3A_147 = vector.broadcast %ne3A_146 : i32 to vector<4x64x128xi32>
    %ne3A_148 = arith.cmpi ne, %and3A_145, %ne3A_147 : vector<4x64x128xi32>
    %roll3A_149 = arith.constant 2 : i32
    %roll3A_150 = tpu.dynamic_rotate %select_n3A_141 by %roll3A_149 dim 1 : vector<4x64x128xf32>, i32 -> vector<4x64x128xf32>
    %roll3A_151 = arith.constant 62 : i32
    %roll3A_152 = tpu.dynamic_rotate %select_n3A_141 by %roll3A_151 dim 1 : vector<4x64x128xf32>, i32 -> vector<4x64x128xf32>
    %select_n3A_153 = arith.select %ne3A_148, %roll3A_150, %roll3A_152 : vector<4x64x128xi1>, vector<4x64x128xf32>
    %roll3A_154 = arith.constant 2 : i32
    %roll3A_155 = tpu.dynamic_rotate %select_n3A_142 by %roll3A_154 dim 1 : vector<4x64x128xi32>, i32 -> vector<4x64x128xi32>
    %roll3A_156 = arith.constant 62 : i32
    %roll3A_157 = tpu.dynamic_rotate %select_n3A_142 by %roll3A_156 dim 1 : vector<4x64x128xi32>, i32 -> vector<4x64x128xi32>
    %select_n3A_158 = arith.select %ne3A_148, %roll3A_155, %roll3A_157 : vector<4x64x128xi1>, vector<4x64x128xi32>
    %gt3A_159 = arith.cmpf ogt, %select_n3A_153, %select_n3A_141 : vector<4x64x128xf32>
    %eq3A_160 = arith.cmpf oeq, %select_n3A_153, %select_n3A_141 : vector<4x64x128xf32>
    %lt3A_161 = arith.cmpi slt, %select_n3A_158, %select_n3A_142 : vector<4x64x128xi32>
    %and3A_162 = arith.andi %eq3A_160, %lt3A_161 : vector<4x64x128xi1>
    %or3A_163 = arith.ori %gt3A_159, %and3A_162 : vector<4x64x128xi1>
    %xor3A_164 = arith.xori %or3A_163, %ne3A_148 : vector<4x64x128xi1>
    %xor3A_165 = arith.xori %xor3A_164, %ne3A_117 : vector<4x64x128xi1>
    %select_n3A_166 = arith.select %xor3A_165, %select_n3A_153, %select_n3A_141 : vector<4x64x128xi1>, vector<4x64x128xf32>
    %select_n3A_167 = arith.select %xor3A_165, %select_n3A_158, %select_n3A_142 : vector<4x64x128xi1>, vector<4x64x128xi32>
    %and3A_168 = arith.constant 1 : i32
    %and3A_169 = vector.broadcast %and3A_168 : i32 to vector<4x64x128xi32>
    %and3A_170 = arith.andi %add3A_21, %and3A_169 : vector<4x64x128xi32>
    %ne3A_171 = arith.constant 0 : i32
    %ne3A_172 = vector.broadcast %ne3A_171 : i32 to vector<4x64x128xi32>
    %ne3A_173 = arith.cmpi ne, %and3A_170, %ne3A_172 : vector<4x64x128xi32>
    %roll3A_174 = arith.constant 1 : i32
    %roll3A_175 = tpu.dynamic_rotate %select_n3A_166 by %roll3A_174 dim 1 : vector<4x64x128xf32>, i32 -> vector<4x64x128xf32>
    %roll3A_176 = arith.constant 63 : i32
    %roll3A_177 = tpu.dynamic_rotate %select_n3A_166 by %roll3A_176 dim 1 : vector<4x64x128xf32>, i32 -> vector<4x64x128xf32>
    %select_n3A_178 = arith.select %ne3A_173, %roll3A_175, %roll3A_177 : vector<4x64x128xi1>, vector<4x64x128xf32>
    %roll3A_179 = arith.constant 1 : i32
    %roll3A_180 = tpu.dynamic_rotate %select_n3A_167 by %roll3A_179 dim 1 : vector<4x64x128xi32>, i32 -> vector<4x64x128xi32>
    %roll3A_181 = arith.constant 63 : i32
    %roll3A_182 = tpu.dynamic_rotate %select_n3A_167 by %roll3A_181 dim 1 : vector<4x64x128xi32>, i32 -> vector<4x64x128xi32>
    %select_n3A_183 = arith.select %ne3A_173, %roll3A_180, %roll3A_182 : vector<4x64x128xi1>, vector<4x64x128xi32>
    %gt3A_184 = arith.cmpf ogt, %select_n3A_178, %select_n3A_166 : vector<4x64x128xf32>
    %eq3A_185 = arith.cmpf oeq, %select_n3A_178, %select_n3A_166 : vector<4x64x128xf32>
    %lt3A_186 = arith.cmpi slt, %select_n3A_183, %select_n3A_167 : vector<4x64x128xi32>
    %and3A_187 = arith.andi %eq3A_185, %lt3A_186 : vector<4x64x128xi1>
    %or3A_188 = arith.ori %gt3A_184, %and3A_187 : vector<4x64x128xi1>
    %xor3A_189 = arith.xori %or3A_188, %ne3A_173 : vector<4x64x128xi1>
    %xor3A_190 = arith.xori %xor3A_189, %ne3A_117 : vector<4x64x128xi1>
    %select_n3A_191 = arith.select %xor3A_190, %select_n3A_178, %select_n3A_166 : vector<4x64x128xi1>, vector<4x64x128xf32>
    %select_n3A_192 = arith.select %xor3A_190, %select_n3A_183, %select_n3A_167 : vector<4x64x128xi1>, vector<4x64x128xi32>
    %and3A_193 = arith.constant 16 : i32
    %and3A_194 = vector.broadcast %and3A_193 : i32 to vector<4x64x128xi32>
    %and3A_195 = arith.andi %add3A_21, %and3A_194 : vector<4x64x128xi32>
    %ne3A_196 = arith.constant 0 : i32
    %ne3A_197 = vector.broadcast %ne3A_196 : i32 to vector<4x64x128xi32>
    %ne3A_198 = arith.cmpi ne, %and3A_195, %ne3A_197 : vector<4x64x128xi32>
    %and3A_199 = arith.constant 8 : i32
    %and3A_200 = vector.broadcast %and3A_199 : i32 to vector<4x64x128xi32>
    %and3A_201 = arith.andi %add3A_21, %and3A_200 : vector<4x64x128xi32>
    %ne3A_202 = arith.constant 0 : i32
    %ne3A_203 = vector.broadcast %ne3A_202 : i32 to vector<4x64x128xi32>
    %ne3A_204 = arith.cmpi ne, %and3A_201, %ne3A_203 : vector<4x64x128xi32>
    %roll3A_205 = arith.constant 8 : i32
    %roll3A_206 = tpu.dynamic_rotate %select_n3A_191 by %roll3A_205 dim 1 : vector<4x64x128xf32>, i32 -> vector<4x64x128xf32>
    %roll3A_207 = arith.constant 56 : i32
    %roll3A_208 = tpu.dynamic_rotate %select_n3A_191 by %roll3A_207 dim 1 : vector<4x64x128xf32>, i32 -> vector<4x64x128xf32>
    %select_n3A_209 = arith.select %ne3A_204, %roll3A_206, %roll3A_208 : vector<4x64x128xi1>, vector<4x64x128xf32>
    %roll3A_210 = arith.constant 8 : i32
    %roll3A_211 = tpu.dynamic_rotate %select_n3A_192 by %roll3A_210 dim 1 : vector<4x64x128xi32>, i32 -> vector<4x64x128xi32>
    %roll3A_212 = arith.constant 56 : i32
    %roll3A_213 = tpu.dynamic_rotate %select_n3A_192 by %roll3A_212 dim 1 : vector<4x64x128xi32>, i32 -> vector<4x64x128xi32>
    %select_n3A_214 = arith.select %ne3A_204, %roll3A_211, %roll3A_213 : vector<4x64x128xi1>, vector<4x64x128xi32>
    %gt3A_215 = arith.cmpf ogt, %select_n3A_209, %select_n3A_191 : vector<4x64x128xf32>
    %eq3A_216 = arith.cmpf oeq, %select_n3A_209, %select_n3A_191 : vector<4x64x128xf32>
    %lt3A_217 = arith.cmpi slt, %select_n3A_214, %select_n3A_192 : vector<4x64x128xi32>
    %and3A_218 = arith.andi %eq3A_216, %lt3A_217 : vector<4x64x128xi1>
    %or3A_219 = arith.ori %gt3A_215, %and3A_218 : vector<4x64x128xi1>
    %xor3A_220 = arith.xori %or3A_219, %ne3A_204 : vector<4x64x128xi1>
    %xor3A_221 = arith.xori %xor3A_220, %ne3A_198 : vector<4x64x128xi1>
    %select_n3A_222 = arith.select %xor3A_221, %select_n3A_209, %select_n3A_191 : vector<4x64x128xi1>, vector<4x64x128xf32>
    %select_n3A_223 = arith.select %xor3A_221, %select_n3A_214, %select_n3A_192 : vector<4x64x128xi1>, vector<4x64x128xi32>
    %and3A_224 = arith.constant 4 : i32
    %and3A_225 = vector.broadcast %and3A_224 : i32 to vector<4x64x128xi32>
    %and3A_226 = arith.andi %add3A_21, %and3A_225 : vector<4x64x128xi32>
    %ne3A_227 = arith.constant 0 : i32
    %ne3A_228 = vector.broadcast %ne3A_227 : i32 to vector<4x64x128xi32>
    %ne3A_229 = arith.cmpi ne, %and3A_226, %ne3A_228 : vector<4x64x128xi32>
    %roll3A_230 = arith.constant 4 : i32
    %roll3A_231 = tpu.dynamic_rotate %select_n3A_222 by %roll3A_230 dim 1 : vector<4x64x128xf32>, i32 -> vector<4x64x128xf32>
    %roll3A_232 = arith.constant 60 : i32
    %roll3A_233 = tpu.dynamic_rotate %select_n3A_222 by %roll3A_232 dim 1 : vector<4x64x128xf32>, i32 -> vector<4x64x128xf32>
    %select_n3A_234 = arith.select %ne3A_229, %roll3A_231, %roll3A_233 : vector<4x64x128xi1>, vector<4x64x128xf32>
    %roll3A_235 = arith.constant 4 : i32
    %roll3A_236 = tpu.dynamic_rotate %select_n3A_223 by %roll3A_235 dim 1 : vector<4x64x128xi32>, i32 -> vector<4x64x128xi32>
    %roll3A_237 = arith.constant 60 : i32
    %roll3A_238 = tpu.dynamic_rotate %select_n3A_223 by %roll3A_237 dim 1 : vector<4x64x128xi32>, i32 -> vector<4x64x128xi32>
    %select_n3A_239 = arith.select %ne3A_229, %roll3A_236, %roll3A_238 : vector<4x64x128xi1>, vector<4x64x128xi32>
    %gt3A_240 = arith.cmpf ogt, %select_n3A_234, %select_n3A_222 : vector<4x64x128xf32>
    %eq3A_241 = arith.cmpf oeq, %select_n3A_234, %select_n3A_222 : vector<4x64x128xf32>
    %lt3A_242 = arith.cmpi slt, %select_n3A_239, %select_n3A_223 : vector<4x64x128xi32>
    %and3A_243 = arith.andi %eq3A_241, %lt3A_242 : vector<4x64x128xi1>
    %or3A_244 = arith.ori %gt3A_240, %and3A_243 : vector<4x64x128xi1>
    %xor3A_245 = arith.xori %or3A_244, %ne3A_229 : vector<4x64x128xi1>
    %xor3A_246 = arith.xori %xor3A_245, %ne3A_198 : vector<4x64x128xi1>
    %select_n3A_247 = arith.select %xor3A_246, %select_n3A_234, %select_n3A_222 : vector<4x64x128xi1>, vector<4x64x128xf32>
    %select_n3A_248 = arith.select %xor3A_246, %select_n3A_239, %select_n3A_223 : vector<4x64x128xi1>, vector<4x64x128xi32>
    %and3A_249 = arith.constant 2 : i32
    %and3A_250 = vector.broadcast %and3A_249 : i32 to vector<4x64x128xi32>
    %and3A_251 = arith.andi %add3A_21, %and3A_250 : vector<4x64x128xi32>
    %ne3A_252 = arith.constant 0 : i32
    %ne3A_253 = vector.broadcast %ne3A_252 : i32 to vector<4x64x128xi32>
    %ne3A_254 = arith.cmpi ne, %and3A_251, %ne3A_253 : vector<4x64x128xi32>
    %roll3A_255 = arith.constant 2 : i32
    %roll3A_256 = tpu.dynamic_rotate %select_n3A_247 by %roll3A_255 dim 1 : vector<4x64x128xf32>, i32 -> vector<4x64x128xf32>
    %roll3A_257 = arith.constant 62 : i32
    %roll3A_258 = tpu.dynamic_rotate %select_n3A_247 by %roll3A_257 dim 1 : vector<4x64x128xf32>, i32 -> vector<4x64x128xf32>
    %select_n3A_259 = arith.select %ne3A_254, %roll3A_256, %roll3A_258 : vector<4x64x128xi1>, vector<4x64x128xf32>
    %roll3A_260 = arith.constant 2 : i32
    %roll3A_261 = tpu.dynamic_rotate %select_n3A_248 by %roll3A_260 dim 1 : vector<4x64x128xi32>, i32 -> vector<4x64x128xi32>
    %roll3A_262 = arith.constant 62 : i32
    %roll3A_263 = tpu.dynamic_rotate %select_n3A_248 by %roll3A_262 dim 1 : vector<4x64x128xi32>, i32 -> vector<4x64x128xi32>
    %select_n3A_264 = arith.select %ne3A_254, %roll3A_261, %roll3A_263 : vector<4x64x128xi1>, vector<4x64x128xi32>
    %gt3A_265 = arith.cmpf ogt, %select_n3A_259, %select_n3A_247 : vector<4x64x128xf32>
    %eq3A_266 = arith.cmpf oeq, %select_n3A_259, %select_n3A_247 : vector<4x64x128xf32>
    %lt3A_267 = arith.cmpi slt, %select_n3A_264, %select_n3A_248 : vector<4x64x128xi32>
    %and3A_268 = arith.andi %eq3A_266, %lt3A_267 : vector<4x64x128xi1>
    %or3A_269 = arith.ori %gt3A_265, %and3A_268 : vector<4x64x128xi1>
    %xor3A_270 = arith.xori %or3A_269, %ne3A_254 : vector<4x64x128xi1>
    %xor3A_271 = arith.xori %xor3A_270, %ne3A_198 : vector<4x64x128xi1>
    %select_n3A_272 = arith.select %xor3A_271, %select_n3A_259, %select_n3A_247 : vector<4x64x128xi1>, vector<4x64x128xf32>
    %select_n3A_273 = arith.select %xor3A_271, %select_n3A_264, %select_n3A_248 : vector<4x64x128xi1>, vector<4x64x128xi32>
    %and3A_274 = arith.constant 1 : i32
    %and3A_275 = vector.broadcast %and3A_274 : i32 to vector<4x64x128xi32>
    %and3A_276 = arith.andi %add3A_21, %and3A_275 : vector<4x64x128xi32>
    %ne3A_277 = arith.constant 0 : i32
    %ne3A_278 = vector.broadcast %ne3A_277 : i32 to vector<4x64x128xi32>
    %ne3A_279 = arith.cmpi ne, %and3A_276, %ne3A_278 : vector<4x64x128xi32>
    %roll3A_280 = arith.constant 1 : i32
    %roll3A_281 = tpu.dynamic_rotate %select_n3A_272 by %roll3A_280 dim 1 : vector<4x64x128xf32>, i32 -> vector<4x64x128xf32>
    %roll3A_282 = arith.constant 63 : i32
    %roll3A_283 = tpu.dynamic_rotate %select_n3A_272 by %roll3A_282 dim 1 : vector<4x64x128xf32>, i32 -> vector<4x64x128xf32>
    %select_n3A_284 = arith.select %ne3A_279, %roll3A_281, %roll3A_283 : vector<4x64x128xi1>, vector<4x64x128xf32>
    %roll3A_285 = arith.constant 1 : i32
    %roll3A_286 = tpu.dynamic_rotate %select_n3A_273 by %roll3A_285 dim 1 : vector<4x64x128xi32>, i32 -> vector<4x64x128xi32>
    %roll3A_287 = arith.constant 63 : i32
    %roll3A_288 = tpu.dynamic_rotate %select_n3A_273 by %roll3A_287 dim 1 : vector<4x64x128xi32>, i32 -> vector<4x64x128xi32>
    %select_n3A_289 = arith.select %ne3A_279, %roll3A_286, %roll3A_288 : vector<4x64x128xi1>, vector<4x64x128xi32>
    %gt3A_290 = arith.cmpf ogt, %select_n3A_284, %select_n3A_272 : vector<4x64x128xf32>
    %eq3A_291 = arith.cmpf oeq, %select_n3A_284, %select_n3A_272 : vector<4x64x128xf32>
    %lt3A_292 = arith.cmpi slt, %select_n3A_289, %select_n3A_273 : vector<4x64x128xi32>
    %and3A_293 = arith.andi %eq3A_291, %lt3A_292 : vector<4x64x128xi1>
    %or3A_294 = arith.ori %gt3A_290, %and3A_293 : vector<4x64x128xi1>
    %xor3A_295 = arith.xori %or3A_294, %ne3A_279 : vector<4x64x128xi1>
    %xor3A_296 = arith.xori %xor3A_295, %ne3A_198 : vector<4x64x128xi1>
    %select_n3A_297 = arith.select %xor3A_296, %select_n3A_284, %select_n3A_272 : vector<4x64x128xi1>, vector<4x64x128xf32>
    %select_n3A_298 = arith.select %xor3A_296, %select_n3A_289, %select_n3A_273 : vector<4x64x128xi1>, vector<4x64x128xi32>
    %and3A_299 = arith.constant 32 : i32
    %and3A_300 = vector.broadcast %and3A_299 : i32 to vector<4x64x128xi32>
    %and3A_301 = arith.andi %add3A_21, %and3A_300 : vector<4x64x128xi32>
    %ne3A_302 = arith.constant 0 : i32
    %ne3A_303 = vector.broadcast %ne3A_302 : i32 to vector<4x64x128xi32>
    %ne3A_304 = arith.cmpi ne, %and3A_301, %ne3A_303 : vector<4x64x128xi32>
    %and3A_305 = arith.constant 16 : i32
    %and3A_306 = vector.broadcast %and3A_305 : i32 to vector<4x64x128xi32>
    %and3A_307 = arith.andi %add3A_21, %and3A_306 : vector<4x64x128xi32>
    %ne3A_308 = arith.constant 0 : i32
    %ne3A_309 = vector.broadcast %ne3A_308 : i32 to vector<4x64x128xi32>
    %ne3A_310 = arith.cmpi ne, %and3A_307, %ne3A_309 : vector<4x64x128xi32>
    %roll3A_311 = arith.constant 16 : i32
    %roll3A_312 = tpu.dynamic_rotate %select_n3A_297 by %roll3A_311 dim 1 : vector<4x64x128xf32>, i32 -> vector<4x64x128xf32>
    %roll3A_313 = arith.constant 48 : i32
    %roll3A_314 = tpu.dynamic_rotate %select_n3A_297 by %roll3A_313 dim 1 : vector<4x64x128xf32>, i32 -> vector<4x64x128xf32>
    %select_n3A_315 = arith.select %ne3A_310, %roll3A_312, %roll3A_314 : vector<4x64x128xi1>, vector<4x64x128xf32>
    %roll3A_316 = arith.constant 16 : i32
    %roll3A_317 = tpu.dynamic_rotate %select_n3A_298 by %roll3A_316 dim 1 : vector<4x64x128xi32>, i32 -> vector<4x64x128xi32>
    %roll3A_318 = arith.constant 48 : i32
    %roll3A_319 = tpu.dynamic_rotate %select_n3A_298 by %roll3A_318 dim 1 : vector<4x64x128xi32>, i32 -> vector<4x64x128xi32>
    %select_n3A_320 = arith.select %ne3A_310, %roll3A_317, %roll3A_319 : vector<4x64x128xi1>, vector<4x64x128xi32>
    %gt3A_321 = arith.cmpf ogt, %select_n3A_315, %select_n3A_297 : vector<4x64x128xf32>
    %eq3A_322 = arith.cmpf oeq, %select_n3A_315, %select_n3A_297 : vector<4x64x128xf32>
    %lt3A_323 = arith.cmpi slt, %select_n3A_320, %select_n3A_298 : vector<4x64x128xi32>
    %and3A_324 = arith.andi %eq3A_322, %lt3A_323 : vector<4x64x128xi1>
    %or3A_325 = arith.ori %gt3A_321, %and3A_324 : vector<4x64x128xi1>
    %xor3A_326 = arith.xori %or3A_325, %ne3A_310 : vector<4x64x128xi1>
    %xor3A_327 = arith.xori %xor3A_326, %ne3A_304 : vector<4x64x128xi1>
    %select_n3A_328 = arith.select %xor3A_327, %select_n3A_315, %select_n3A_297 : vector<4x64x128xi1>, vector<4x64x128xf32>
    %select_n3A_329 = arith.select %xor3A_327, %select_n3A_320, %select_n3A_298 : vector<4x64x128xi1>, vector<4x64x128xi32>
    %and3A_330 = arith.constant 8 : i32
    %and3A_331 = vector.broadcast %and3A_330 : i32 to vector<4x64x128xi32>
    %and3A_332 = arith.andi %add3A_21, %and3A_331 : vector<4x64x128xi32>
    %ne3A_333 = arith.constant 0 : i32
    %ne3A_334 = vector.broadcast %ne3A_333 : i32 to vector<4x64x128xi32>
    %ne3A_335 = arith.cmpi ne, %and3A_332, %ne3A_334 : vector<4x64x128xi32>
    %roll3A_336 = arith.constant 8 : i32
    %roll3A_337 = tpu.dynamic_rotate %select_n3A_328 by %roll3A_336 dim 1 : vector<4x64x128xf32>, i32 -> vector<4x64x128xf32>
    %roll3A_338 = arith.constant 56 : i32
    %roll3A_339 = tpu.dynamic_rotate %select_n3A_328 by %roll3A_338 dim 1 : vector<4x64x128xf32>, i32 -> vector<4x64x128xf32>
    %select_n3A_340 = arith.select %ne3A_335, %roll3A_337, %roll3A_339 : vector<4x64x128xi1>, vector<4x64x128xf32>
    %roll3A_341 = arith.constant 8 : i32
    %roll3A_342 = tpu.dynamic_rotate %select_n3A_329 by %roll3A_341 dim 1 : vector<4x64x128xi32>, i32 -> vector<4x64x128xi32>
    %roll3A_343 = arith.constant 56 : i32
    %roll3A_344 = tpu.dynamic_rotate %select_n3A_329 by %roll3A_343 dim 1 : vector<4x64x128xi32>, i32 -> vector<4x64x128xi32>
    %select_n3A_345 = arith.select %ne3A_335, %roll3A_342, %roll3A_344 : vector<4x64x128xi1>, vector<4x64x128xi32>
    %gt3A_346 = arith.cmpf ogt, %select_n3A_340, %select_n3A_328 : vector<4x64x128xf32>
    %eq3A_347 = arith.cmpf oeq, %select_n3A_340, %select_n3A_328 : vector<4x64x128xf32>
    %lt3A_348 = arith.cmpi slt, %select_n3A_345, %select_n3A_329 : vector<4x64x128xi32>
    %and3A_349 = arith.andi %eq3A_347, %lt3A_348 : vector<4x64x128xi1>
    %or3A_350 = arith.ori %gt3A_346, %and3A_349 : vector<4x64x128xi1>
    %xor3A_351 = arith.xori %or3A_350, %ne3A_335 : vector<4x64x128xi1>
    %xor3A_352 = arith.xori %xor3A_351, %ne3A_304 : vector<4x64x128xi1>
    %select_n3A_353 = arith.select %xor3A_352, %select_n3A_340, %select_n3A_328 : vector<4x64x128xi1>, vector<4x64x128xf32>
    %select_n3A_354 = arith.select %xor3A_352, %select_n3A_345, %select_n3A_329 : vector<4x64x128xi1>, vector<4x64x128xi32>
    %and3A_355 = arith.constant 4 : i32
    %and3A_356 = vector.broadcast %and3A_355 : i32 to vector<4x64x128xi32>
    %and3A_357 = arith.andi %add3A_21, %and3A_356 : vector<4x64x128xi32>
    %ne3A_358 = arith.constant 0 : i32
    %ne3A_359 = vector.broadcast %ne3A_358 : i32 to vector<4x64x128xi32>
    %ne3A_360 = arith.cmpi ne, %and3A_357, %ne3A_359 : vector<4x64x128xi32>
    %roll3A_361 = arith.constant 4 : i32
    %roll3A_362 = tpu.dynamic_rotate %select_n3A_353 by %roll3A_361 dim 1 : vector<4x64x128xf32>, i32 -> vector<4x64x128xf32>
    %roll3A_363 = arith.constant 60 : i32
    %roll3A_364 = tpu.dynamic_rotate %select_n3A_353 by %roll3A_363 dim 1 : vector<4x64x128xf32>, i32 -> vector<4x64x128xf32>
    %select_n3A_365 = arith.select %ne3A_360, %roll3A_362, %roll3A_364 : vector<4x64x128xi1>, vector<4x64x128xf32>
    %roll3A_366 = arith.constant 4 : i32
    %roll3A_367 = tpu.dynamic_rotate %select_n3A_354 by %roll3A_366 dim 1 : vector<4x64x128xi32>, i32 -> vector<4x64x128xi32>
    %roll3A_368 = arith.constant 60 : i32
    %roll3A_369 = tpu.dynamic_rotate %select_n3A_354 by %roll3A_368 dim 1 : vector<4x64x128xi32>, i32 -> vector<4x64x128xi32>
    %select_n3A_370 = arith.select %ne3A_360, %roll3A_367, %roll3A_369 : vector<4x64x128xi1>, vector<4x64x128xi32>
    %gt3A_371 = arith.cmpf ogt, %select_n3A_365, %select_n3A_353 : vector<4x64x128xf32>
    %eq3A_372 = arith.cmpf oeq, %select_n3A_365, %select_n3A_353 : vector<4x64x128xf32>
    %lt3A_373 = arith.cmpi slt, %select_n3A_370, %select_n3A_354 : vector<4x64x128xi32>
    %and3A_374 = arith.andi %eq3A_372, %lt3A_373 : vector<4x64x128xi1>
    %or3A_375 = arith.ori %gt3A_371, %and3A_374 : vector<4x64x128xi1>
    %xor3A_376 = arith.xori %or3A_375, %ne3A_360 : vector<4x64x128xi1>
    %xor3A_377 = arith.xori %xor3A_376, %ne3A_304 : vector<4x64x128xi1>
    %select_n3A_378 = arith.select %xor3A_377, %select_n3A_365, %select_n3A_353 : vector<4x64x128xi1>, vector<4x64x128xf32>
    %select_n3A_379 = arith.select %xor3A_377, %select_n3A_370, %select_n3A_354 : vector<4x64x128xi1>, vector<4x64x128xi32>
    %and3A_380 = arith.constant 2 : i32
    %and3A_381 = vector.broadcast %and3A_380 : i32 to vector<4x64x128xi32>
    %and3A_382 = arith.andi %add3A_21, %and3A_381 : vector<4x64x128xi32>
    %ne3A_383 = arith.constant 0 : i32
    %ne3A_384 = vector.broadcast %ne3A_383 : i32 to vector<4x64x128xi32>
    %ne3A_385 = arith.cmpi ne, %and3A_382, %ne3A_384 : vector<4x64x128xi32>
    %roll3A_386 = arith.constant 2 : i32
    %roll3A_387 = tpu.dynamic_rotate %select_n3A_378 by %roll3A_386 dim 1 : vector<4x64x128xf32>, i32 -> vector<4x64x128xf32>
    %roll3A_388 = arith.constant 62 : i32
    %roll3A_389 = tpu.dynamic_rotate %select_n3A_378 by %roll3A_388 dim 1 : vector<4x64x128xf32>, i32 -> vector<4x64x128xf32>
    %select_n3A_390 = arith.select %ne3A_385, %roll3A_387, %roll3A_389 : vector<4x64x128xi1>, vector<4x64x128xf32>
    %roll3A_391 = arith.constant 2 : i32
    %roll3A_392 = tpu.dynamic_rotate %select_n3A_379 by %roll3A_391 dim 1 : vector<4x64x128xi32>, i32 -> vector<4x64x128xi32>
    %roll3A_393 = arith.constant 62 : i32
    %roll3A_394 = tpu.dynamic_rotate %select_n3A_379 by %roll3A_393 dim 1 : vector<4x64x128xi32>, i32 -> vector<4x64x128xi32>
    %select_n3A_395 = arith.select %ne3A_385, %roll3A_392, %roll3A_394 : vector<4x64x128xi1>, vector<4x64x128xi32>
    %gt3A_396 = arith.cmpf ogt, %select_n3A_390, %select_n3A_378 : vector<4x64x128xf32>
    %eq3A_397 = arith.cmpf oeq, %select_n3A_390, %select_n3A_378 : vector<4x64x128xf32>
    %lt3A_398 = arith.cmpi slt, %select_n3A_395, %select_n3A_379 : vector<4x64x128xi32>
    %and3A_399 = arith.andi %eq3A_397, %lt3A_398 : vector<4x64x128xi1>
    %or3A_400 = arith.ori %gt3A_396, %and3A_399 : vector<4x64x128xi1>
    %xor3A_401 = arith.xori %or3A_400, %ne3A_385 : vector<4x64x128xi1>
    %xor3A_402 = arith.xori %xor3A_401, %ne3A_304 : vector<4x64x128xi1>
    %select_n3A_403 = arith.select %xor3A_402, %select_n3A_390, %select_n3A_378 : vector<4x64x128xi1>, vector<4x64x128xf32>
    %select_n3A_404 = arith.select %xor3A_402, %select_n3A_395, %select_n3A_379 : vector<4x64x128xi1>, vector<4x64x128xi32>
    %and3A_405 = arith.constant 1 : i32
    %and3A_406 = vector.broadcast %and3A_405 : i32 to vector<4x64x128xi32>
    %and3A_407 = arith.andi %add3A_21, %and3A_406 : vector<4x64x128xi32>
    %ne3A_408 = arith.constant 0 : i32
    %ne3A_409 = vector.broadcast %ne3A_408 : i32 to vector<4x64x128xi32>
    %ne3A_410 = arith.cmpi ne, %and3A_407, %ne3A_409 : vector<4x64x128xi32>
    %roll3A_411 = arith.constant 1 : i32
    %roll3A_412 = tpu.dynamic_rotate %select_n3A_403 by %roll3A_411 dim 1 : vector<4x64x128xf32>, i32 -> vector<4x64x128xf32>
    %roll3A_413 = arith.constant 63 : i32
    %roll3A_414 = tpu.dynamic_rotate %select_n3A_403 by %roll3A_413 dim 1 : vector<4x64x128xf32>, i32 -> vector<4x64x128xf32>
    %select_n3A_415 = arith.select %ne3A_410, %roll3A_412, %roll3A_414 : vector<4x64x128xi1>, vector<4x64x128xf32>
    %roll3A_416 = arith.constant 1 : i32
    %roll3A_417 = tpu.dynamic_rotate %select_n3A_404 by %roll3A_416 dim 1 : vector<4x64x128xi32>, i32 -> vector<4x64x128xi32>
    %roll3A_418 = arith.constant 63 : i32
    %roll3A_419 = tpu.dynamic_rotate %select_n3A_404 by %roll3A_418 dim 1 : vector<4x64x128xi32>, i32 -> vector<4x64x128xi32>
    %select_n3A_420 = arith.select %ne3A_410, %roll3A_417, %roll3A_419 : vector<4x64x128xi1>, vector<4x64x128xi32>
    %gt3A_421 = arith.cmpf ogt, %select_n3A_415, %select_n3A_403 : vector<4x64x128xf32>
    %eq3A_422 = arith.cmpf oeq, %select_n3A_415, %select_n3A_403 : vector<4x64x128xf32>
    %lt3A_423 = arith.cmpi slt, %select_n3A_420, %select_n3A_404 : vector<4x64x128xi32>
    %and3A_424 = arith.andi %eq3A_422, %lt3A_423 : vector<4x64x128xi1>
    %or3A_425 = arith.ori %gt3A_421, %and3A_424 : vector<4x64x128xi1>
    %xor3A_426 = arith.xori %or3A_425, %ne3A_410 : vector<4x64x128xi1>
    %xor3A_427 = arith.xori %xor3A_426, %ne3A_304 : vector<4x64x128xi1>
    %select_n3A_428 = arith.select %xor3A_427, %select_n3A_415, %select_n3A_403 : vector<4x64x128xi1>, vector<4x64x128xf32>
    %select_n3A_429 = arith.select %xor3A_427, %select_n3A_420, %select_n3A_404 : vector<4x64x128xi1>, vector<4x64x128xi32>
    %and3A_430 = arith.constant 64 : i32
    %and3A_431 = vector.broadcast %and3A_430 : i32 to vector<4x64x128xi32>
    %and3A_432 = arith.andi %add3A_21, %and3A_431 : vector<4x64x128xi32>
    %ne3A_433 = arith.constant 0 : i32
    %ne3A_434 = vector.broadcast %ne3A_433 : i32 to vector<4x64x128xi32>
    %ne3A_435 = arith.cmpi ne, %and3A_432, %ne3A_434 : vector<4x64x128xi32>
    %and3A_436 = arith.constant 32 : i32
    %and3A_437 = vector.broadcast %and3A_436 : i32 to vector<4x64x128xi32>
    %and3A_438 = arith.andi %add3A_21, %and3A_437 : vector<4x64x128xi32>
    %ne3A_439 = arith.constant 0 : i32
    %ne3A_440 = vector.broadcast %ne3A_439 : i32 to vector<4x64x128xi32>
    %ne3A_441 = arith.cmpi ne, %and3A_438, %ne3A_440 : vector<4x64x128xi32>
    %roll3A_442 = arith.constant 32 : i32
    %roll3A_443 = tpu.dynamic_rotate %select_n3A_428 by %roll3A_442 dim 1 : vector<4x64x128xf32>, i32 -> vector<4x64x128xf32>
    %roll3A_444 = arith.constant 32 : i32
    %roll3A_445 = tpu.dynamic_rotate %select_n3A_428 by %roll3A_444 dim 1 : vector<4x64x128xf32>, i32 -> vector<4x64x128xf32>
    %select_n3A_446 = arith.select %ne3A_441, %roll3A_443, %roll3A_445 : vector<4x64x128xi1>, vector<4x64x128xf32>
    %roll3A_447 = arith.constant 32 : i32
    %roll3A_448 = tpu.dynamic_rotate %select_n3A_429 by %roll3A_447 dim 1 : vector<4x64x128xi32>, i32 -> vector<4x64x128xi32>
    %roll3A_449 = arith.constant 32 : i32
    %roll3A_450 = tpu.dynamic_rotate %select_n3A_429 by %roll3A_449 dim 1 : vector<4x64x128xi32>, i32 -> vector<4x64x128xi32>
    %select_n3A_451 = arith.select %ne3A_441, %roll3A_448, %roll3A_450 : vector<4x64x128xi1>, vector<4x64x128xi32>
    %gt3A_452 = arith.cmpf ogt, %select_n3A_446, %select_n3A_428 : vector<4x64x128xf32>
    %eq3A_453 = arith.cmpf oeq, %select_n3A_446, %select_n3A_428 : vector<4x64x128xf32>
    %lt3A_454 = arith.cmpi slt, %select_n3A_451, %select_n3A_429 : vector<4x64x128xi32>
    %and3A_455 = arith.andi %eq3A_453, %lt3A_454 : vector<4x64x128xi1>
    %or3A_456 = arith.ori %gt3A_452, %and3A_455 : vector<4x64x128xi1>
    %xor3A_457 = arith.xori %or3A_456, %ne3A_441 : vector<4x64x128xi1>
    %xor3A_458 = arith.xori %xor3A_457, %ne3A_435 : vector<4x64x128xi1>
    %select_n3A_459 = arith.select %xor3A_458, %select_n3A_446, %select_n3A_428 : vector<4x64x128xi1>, vector<4x64x128xf32>
    %select_n3A_460 = arith.select %xor3A_458, %select_n3A_451, %select_n3A_429 : vector<4x64x128xi1>, vector<4x64x128xi32>
    %and3A_461 = arith.constant 16 : i32
    %and3A_462 = vector.broadcast %and3A_461 : i32 to vector<4x64x128xi32>
    %and3A_463 = arith.andi %add3A_21, %and3A_462 : vector<4x64x128xi32>
    %ne3A_464 = arith.constant 0 : i32
    %ne3A_465 = vector.broadcast %ne3A_464 : i32 to vector<4x64x128xi32>
    %ne3A_466 = arith.cmpi ne, %and3A_463, %ne3A_465 : vector<4x64x128xi32>
    %roll3A_467 = arith.constant 16 : i32
    %roll3A_468 = tpu.dynamic_rotate %select_n3A_459 by %roll3A_467 dim 1 : vector<4x64x128xf32>, i32 -> vector<4x64x128xf32>
    %roll3A_469 = arith.constant 48 : i32
    %roll3A_470 = tpu.dynamic_rotate %select_n3A_459 by %roll3A_469 dim 1 : vector<4x64x128xf32>, i32 -> vector<4x64x128xf32>
    %select_n3A_471 = arith.select %ne3A_466, %roll3A_468, %roll3A_470 : vector<4x64x128xi1>, vector<4x64x128xf32>
    %roll3A_472 = arith.constant 16 : i32
    %roll3A_473 = tpu.dynamic_rotate %select_n3A_460 by %roll3A_472 dim 1 : vector<4x64x128xi32>, i32 -> vector<4x64x128xi32>
    %roll3A_474 = arith.constant 48 : i32
    %roll3A_475 = tpu.dynamic_rotate %select_n3A_460 by %roll3A_474 dim 1 : vector<4x64x128xi32>, i32 -> vector<4x64x128xi32>
    %select_n3A_476 = arith.select %ne3A_466, %roll3A_473, %roll3A_475 : vector<4x64x128xi1>, vector<4x64x128xi32>
    %gt3A_477 = arith.cmpf ogt, %select_n3A_471, %select_n3A_459 : vector<4x64x128xf32>
    %eq3A_478 = arith.cmpf oeq, %select_n3A_471, %select_n3A_459 : vector<4x64x128xf32>
    %lt3A_479 = arith.cmpi slt, %select_n3A_476, %select_n3A_460 : vector<4x64x128xi32>
    %and3A_480 = arith.andi %eq3A_478, %lt3A_479 : vector<4x64x128xi1>
    %or3A_481 = arith.ori %gt3A_477, %and3A_480 : vector<4x64x128xi1>
    %xor3A_482 = arith.xori %or3A_481, %ne3A_466 : vector<4x64x128xi1>
    %xor3A_483 = arith.xori %xor3A_482, %ne3A_435 : vector<4x64x128xi1>
    %select_n3A_484 = arith.select %xor3A_483, %select_n3A_471, %select_n3A_459 : vector<4x64x128xi1>, vector<4x64x128xf32>
    %select_n3A_485 = arith.select %xor3A_483, %select_n3A_476, %select_n3A_460 : vector<4x64x128xi1>, vector<4x64x128xi32>
    %and3A_486 = arith.constant 8 : i32
    %and3A_487 = vector.broadcast %and3A_486 : i32 to vector<4x64x128xi32>
    %and3A_488 = arith.andi %add3A_21, %and3A_487 : vector<4x64x128xi32>
    %ne3A_489 = arith.constant 0 : i32
    %ne3A_490 = vector.broadcast %ne3A_489 : i32 to vector<4x64x128xi32>
    %ne3A_491 = arith.cmpi ne, %and3A_488, %ne3A_490 : vector<4x64x128xi32>
    %roll3A_492 = arith.constant 8 : i32
    %roll3A_493 = tpu.dynamic_rotate %select_n3A_484 by %roll3A_492 dim 1 : vector<4x64x128xf32>, i32 -> vector<4x64x128xf32>
    %roll3A_494 = arith.constant 56 : i32
    %roll3A_495 = tpu.dynamic_rotate %select_n3A_484 by %roll3A_494 dim 1 : vector<4x64x128xf32>, i32 -> vector<4x64x128xf32>
    %select_n3A_496 = arith.select %ne3A_491, %roll3A_493, %roll3A_495 : vector<4x64x128xi1>, vector<4x64x128xf32>
    %roll3A_497 = arith.constant 8 : i32
    %roll3A_498 = tpu.dynamic_rotate %select_n3A_485 by %roll3A_497 dim 1 : vector<4x64x128xi32>, i32 -> vector<4x64x128xi32>
    %roll3A_499 = arith.constant 56 : i32
    %roll3A_500 = tpu.dynamic_rotate %select_n3A_485 by %roll3A_499 dim 1 : vector<4x64x128xi32>, i32 -> vector<4x64x128xi32>
    %select_n3A_501 = arith.select %ne3A_491, %roll3A_498, %roll3A_500 : vector<4x64x128xi1>, vector<4x64x128xi32>
    %gt3A_502 = arith.cmpf ogt, %select_n3A_496, %select_n3A_484 : vector<4x64x128xf32>
    %eq3A_503 = arith.cmpf oeq, %select_n3A_496, %select_n3A_484 : vector<4x64x128xf32>
    %lt3A_504 = arith.cmpi slt, %select_n3A_501, %select_n3A_485 : vector<4x64x128xi32>
    %and3A_505 = arith.andi %eq3A_503, %lt3A_504 : vector<4x64x128xi1>
    %or3A_506 = arith.ori %gt3A_502, %and3A_505 : vector<4x64x128xi1>
    %xor3A_507 = arith.xori %or3A_506, %ne3A_491 : vector<4x64x128xi1>
    %xor3A_508 = arith.xori %xor3A_507, %ne3A_435 : vector<4x64x128xi1>
    %select_n3A_509 = arith.select %xor3A_508, %select_n3A_496, %select_n3A_484 : vector<4x64x128xi1>, vector<4x64x128xf32>
    %select_n3A_510 = arith.select %xor3A_508, %select_n3A_501, %select_n3A_485 : vector<4x64x128xi1>, vector<4x64x128xi32>
    %and3A_511 = arith.constant 4 : i32
    %and3A_512 = vector.broadcast %and3A_511 : i32 to vector<4x64x128xi32>
    %and3A_513 = arith.andi %add3A_21, %and3A_512 : vector<4x64x128xi32>
    %ne3A_514 = arith.constant 0 : i32
    %ne3A_515 = vector.broadcast %ne3A_514 : i32 to vector<4x64x128xi32>
    %ne3A_516 = arith.cmpi ne, %and3A_513, %ne3A_515 : vector<4x64x128xi32>
    %roll3A_517 = arith.constant 4 : i32
    %roll3A_518 = tpu.dynamic_rotate %select_n3A_509 by %roll3A_517 dim 1 : vector<4x64x128xf32>, i32 -> vector<4x64x128xf32>
    %roll3A_519 = arith.constant 60 : i32
    %roll3A_520 = tpu.dynamic_rotate %select_n3A_509 by %roll3A_519 dim 1 : vector<4x64x128xf32>, i32 -> vector<4x64x128xf32>
    %select_n3A_521 = arith.select %ne3A_516, %roll3A_518, %roll3A_520 : vector<4x64x128xi1>, vector<4x64x128xf32>
    %roll3A_522 = arith.constant 4 : i32
    %roll3A_523 = tpu.dynamic_rotate %select_n3A_510 by %roll3A_522 dim 1 : vector<4x64x128xi32>, i32 -> vector<4x64x128xi32>
    %roll3A_524 = arith.constant 60 : i32
    %roll3A_525 = tpu.dynamic_rotate %select_n3A_510 by %roll3A_524 dim 1 : vector<4x64x128xi32>, i32 -> vector<4x64x128xi32>
    %select_n3A_526 = arith.select %ne3A_516, %roll3A_523, %roll3A_525 : vector<4x64x128xi1>, vector<4x64x128xi32>
    %gt3A_527 = arith.cmpf ogt, %select_n3A_521, %select_n3A_509 : vector<4x64x128xf32>
    %eq3A_528 = arith.cmpf oeq, %select_n3A_521, %select_n3A_509 : vector<4x64x128xf32>
    %lt3A_529 = arith.cmpi slt, %select_n3A_526, %select_n3A_510 : vector<4x64x128xi32>
    %and3A_530 = arith.andi %eq3A_528, %lt3A_529 : vector<4x64x128xi1>
    %or3A_531 = arith.ori %gt3A_527, %and3A_530 : vector<4x64x128xi1>
    %xor3A_532 = arith.xori %or3A_531, %ne3A_516 : vector<4x64x128xi1>
    %xor3A_533 = arith.xori %xor3A_532, %ne3A_435 : vector<4x64x128xi1>
    %select_n3A_534 = arith.select %xor3A_533, %select_n3A_521, %select_n3A_509 : vector<4x64x128xi1>, vector<4x64x128xf32>
    %select_n3A_535 = arith.select %xor3A_533, %select_n3A_526, %select_n3A_510 : vector<4x64x128xi1>, vector<4x64x128xi32>
    %and3A_536 = arith.constant 2 : i32
    %and3A_537 = vector.broadcast %and3A_536 : i32 to vector<4x64x128xi32>
    %and3A_538 = arith.andi %add3A_21, %and3A_537 : vector<4x64x128xi32>
    %ne3A_539 = arith.constant 0 : i32
    %ne3A_540 = vector.broadcast %ne3A_539 : i32 to vector<4x64x128xi32>
    %ne3A_541 = arith.cmpi ne, %and3A_538, %ne3A_540 : vector<4x64x128xi32>
    %roll3A_542 = arith.constant 2 : i32
    %roll3A_543 = tpu.dynamic_rotate %select_n3A_534 by %roll3A_542 dim 1 : vector<4x64x128xf32>, i32 -> vector<4x64x128xf32>
    %roll3A_544 = arith.constant 62 : i32
    %roll3A_545 = tpu.dynamic_rotate %select_n3A_534 by %roll3A_544 dim 1 : vector<4x64x128xf32>, i32 -> vector<4x64x128xf32>
    %select_n3A_546 = arith.select %ne3A_541, %roll3A_543, %roll3A_545 : vector<4x64x128xi1>, vector<4x64x128xf32>
    %roll3A_547 = arith.constant 2 : i32
    %roll3A_548 = tpu.dynamic_rotate %select_n3A_535 by %roll3A_547 dim 1 : vector<4x64x128xi32>, i32 -> vector<4x64x128xi32>
    %roll3A_549 = arith.constant 62 : i32
    %roll3A_550 = tpu.dynamic_rotate %select_n3A_535 by %roll3A_549 dim 1 : vector<4x64x128xi32>, i32 -> vector<4x64x128xi32>
    %select_n3A_551 = arith.select %ne3A_541, %roll3A_548, %roll3A_550 : vector<4x64x128xi1>, vector<4x64x128xi32>
    %gt3A_552 = arith.cmpf ogt, %select_n3A_546, %select_n3A_534 : vector<4x64x128xf32>
    %eq3A_553 = arith.cmpf oeq, %select_n3A_546, %select_n3A_534 : vector<4x64x128xf32>
    %lt3A_554 = arith.cmpi slt, %select_n3A_551, %select_n3A_535 : vector<4x64x128xi32>
    %and3A_555 = arith.andi %eq3A_553, %lt3A_554 : vector<4x64x128xi1>
    %or3A_556 = arith.ori %gt3A_552, %and3A_555 : vector<4x64x128xi1>
    %xor3A_557 = arith.xori %or3A_556, %ne3A_541 : vector<4x64x128xi1>
    %xor3A_558 = arith.xori %xor3A_557, %ne3A_435 : vector<4x64x128xi1>
    %select_n3A_559 = arith.select %xor3A_558, %select_n3A_546, %select_n3A_534 : vector<4x64x128xi1>, vector<4x64x128xf32>
    %select_n3A_560 = arith.select %xor3A_558, %select_n3A_551, %select_n3A_535 : vector<4x64x128xi1>, vector<4x64x128xi32>
    %and3A_561 = arith.constant 1 : i32
    %and3A_562 = vector.broadcast %and3A_561 : i32 to vector<4x64x128xi32>
    %and3A_563 = arith.andi %add3A_21, %and3A_562 : vector<4x64x128xi32>
    %ne3A_564 = arith.constant 0 : i32
    %ne3A_565 = vector.broadcast %ne3A_564 : i32 to vector<4x64x128xi32>
    %ne3A_566 = arith.cmpi ne, %and3A_563, %ne3A_565 : vector<4x64x128xi32>
    %roll3A_567 = arith.constant 1 : i32
    %roll3A_568 = tpu.dynamic_rotate %select_n3A_559 by %roll3A_567 dim 1 : vector<4x64x128xf32>, i32 -> vector<4x64x128xf32>
    %roll3A_569 = arith.constant 63 : i32
    %roll3A_570 = tpu.dynamic_rotate %select_n3A_559 by %roll3A_569 dim 1 : vector<4x64x128xf32>, i32 -> vector<4x64x128xf32>
    %select_n3A_571 = arith.select %ne3A_566, %roll3A_568, %roll3A_570 : vector<4x64x128xi1>, vector<4x64x128xf32>
    %roll3A_572 = arith.constant 1 : i32
    %roll3A_573 = tpu.dynamic_rotate %select_n3A_560 by %roll3A_572 dim 1 : vector<4x64x128xi32>, i32 -> vector<4x64x128xi32>
    %roll3A_574 = arith.constant 63 : i32
    %roll3A_575 = tpu.dynamic_rotate %select_n3A_560 by %roll3A_574 dim 1 : vector<4x64x128xi32>, i32 -> vector<4x64x128xi32>
    %select_n3A_576 = arith.select %ne3A_566, %roll3A_573, %roll3A_575 : vector<4x64x128xi1>, vector<4x64x128xi32>
    %gt3A_577 = arith.cmpf ogt, %select_n3A_571, %select_n3A_559 : vector<4x64x128xf32>
    %eq3A_578 = arith.cmpf oeq, %select_n3A_571, %select_n3A_559 : vector<4x64x128xf32>
    %lt3A_579 = arith.cmpi slt, %select_n3A_576, %select_n3A_560 : vector<4x64x128xi32>
    %and3A_580 = arith.andi %eq3A_578, %lt3A_579 : vector<4x64x128xi1>
    %or3A_581 = arith.ori %gt3A_577, %and3A_580 : vector<4x64x128xi1>
    %xor3A_582 = arith.xori %or3A_581, %ne3A_566 : vector<4x64x128xi1>
    %xor3A_583 = arith.xori %xor3A_582, %ne3A_435 : vector<4x64x128xi1>
    %select_n3A_584 = arith.select %xor3A_583, %select_n3A_571, %select_n3A_559 : vector<4x64x128xi1>, vector<4x64x128xf32>
    %select_n3A_585 = arith.select %xor3A_583, %select_n3A_576, %select_n3A_560 : vector<4x64x128xi1>, vector<4x64x128xi32>
    %and3A_586 = arith.constant 128 : i32
    %and3A_587 = vector.broadcast %and3A_586 : i32 to vector<4x64x128xi32>
    %and3A_588 = arith.andi %add3A_21, %and3A_587 : vector<4x64x128xi32>
    %ne3A_589 = arith.constant 0 : i32
    %ne3A_590 = vector.broadcast %ne3A_589 : i32 to vector<4x64x128xi32>
    %ne3A_591 = arith.cmpi ne, %and3A_588, %ne3A_590 : vector<4x64x128xi32>
    %and3A_592 = arith.constant 64 : i32
    %and3A_593 = vector.broadcast %and3A_592 : i32 to vector<4x64x128xi32>
    %and3A_594 = arith.andi %add3A_21, %and3A_593 : vector<4x64x128xi32>
    %ne3A_595 = arith.constant 0 : i32
    %ne3A_596 = vector.broadcast %ne3A_595 : i32 to vector<4x64x128xi32>
    %ne3A_597 = arith.cmpi ne, %and3A_594, %ne3A_596 : vector<4x64x128xi32>
    %roll3A_598 = arith.constant 1 : i32
    %roll3A_599 = tpu.dynamic_rotate %select_n3A_584 by %roll3A_598 dim 2 : vector<4x64x128xf32>, i32 -> vector<4x64x128xf32>
    %roll3A_600 = arith.constant 127 : i32
    %roll3A_601 = tpu.dynamic_rotate %select_n3A_584 by %roll3A_600 dim 2 : vector<4x64x128xf32>, i32 -> vector<4x64x128xf32>
    %select_n3A_602 = arith.select %ne3A_597, %roll3A_599, %roll3A_601 : vector<4x64x128xi1>, vector<4x64x128xf32>
    %roll3A_603 = arith.constant 1 : i32
    %roll3A_604 = tpu.dynamic_rotate %select_n3A_585 by %roll3A_603 dim 2 : vector<4x64x128xi32>, i32 -> vector<4x64x128xi32>
    %roll3A_605 = arith.constant 127 : i32
    %roll3A_606 = tpu.dynamic_rotate %select_n3A_585 by %roll3A_605 dim 2 : vector<4x64x128xi32>, i32 -> vector<4x64x128xi32>
    %select_n3A_607 = arith.select %ne3A_597, %roll3A_604, %roll3A_606 : vector<4x64x128xi1>, vector<4x64x128xi32>
    %gt3A_608 = arith.cmpf ogt, %select_n3A_602, %select_n3A_584 : vector<4x64x128xf32>
    %eq3A_609 = arith.cmpf oeq, %select_n3A_602, %select_n3A_584 : vector<4x64x128xf32>
    %lt3A_610 = arith.cmpi slt, %select_n3A_607, %select_n3A_585 : vector<4x64x128xi32>
    %and3A_611 = arith.andi %eq3A_609, %lt3A_610 : vector<4x64x128xi1>
    %or3A_612 = arith.ori %gt3A_608, %and3A_611 : vector<4x64x128xi1>
    %xor3A_613 = arith.xori %or3A_612, %ne3A_597 : vector<4x64x128xi1>
    %xor3A_614 = arith.xori %xor3A_613, %ne3A_591 : vector<4x64x128xi1>
    %select_n3A_615 = arith.select %xor3A_614, %select_n3A_602, %select_n3A_584 : vector<4x64x128xi1>, vector<4x64x128xf32>
    %select_n3A_616 = arith.select %xor3A_614, %select_n3A_607, %select_n3A_585 : vector<4x64x128xi1>, vector<4x64x128xi32>
    %and3A_617 = arith.constant 32 : i32
    %and3A_618 = vector.broadcast %and3A_617 : i32 to vector<4x64x128xi32>
    %and3A_619 = arith.andi %add3A_21, %and3A_618 : vector<4x64x128xi32>
    %ne3A_620 = arith.constant 0 : i32
    %ne3A_621 = vector.broadcast %ne3A_620 : i32 to vector<4x64x128xi32>
    %ne3A_622 = arith.cmpi ne, %and3A_619, %ne3A_621 : vector<4x64x128xi32>
    %roll3A_623 = arith.constant 32 : i32
    %roll3A_624 = tpu.dynamic_rotate %select_n3A_615 by %roll3A_623 dim 1 : vector<4x64x128xf32>, i32 -> vector<4x64x128xf32>
    %roll3A_625 = arith.constant 32 : i32
    %roll3A_626 = tpu.dynamic_rotate %select_n3A_615 by %roll3A_625 dim 1 : vector<4x64x128xf32>, i32 -> vector<4x64x128xf32>
    %select_n3A_627 = arith.select %ne3A_622, %roll3A_624, %roll3A_626 : vector<4x64x128xi1>, vector<4x64x128xf32>
    %roll3A_628 = arith.constant 32 : i32
    %roll3A_629 = tpu.dynamic_rotate %select_n3A_616 by %roll3A_628 dim 1 : vector<4x64x128xi32>, i32 -> vector<4x64x128xi32>
    %roll3A_630 = arith.constant 32 : i32
    %roll3A_631 = tpu.dynamic_rotate %select_n3A_616 by %roll3A_630 dim 1 : vector<4x64x128xi32>, i32 -> vector<4x64x128xi32>
    %select_n3A_632 = arith.select %ne3A_622, %roll3A_629, %roll3A_631 : vector<4x64x128xi1>, vector<4x64x128xi32>
    %gt3A_633 = arith.cmpf ogt, %select_n3A_627, %select_n3A_615 : vector<4x64x128xf32>
    %eq3A_634 = arith.cmpf oeq, %select_n3A_627, %select_n3A_615 : vector<4x64x128xf32>
    %lt3A_635 = arith.cmpi slt, %select_n3A_632, %select_n3A_616 : vector<4x64x128xi32>
    %and3A_636 = arith.andi %eq3A_634, %lt3A_635 : vector<4x64x128xi1>
    %or3A_637 = arith.ori %gt3A_633, %and3A_636 : vector<4x64x128xi1>
    %xor3A_638 = arith.xori %or3A_637, %ne3A_622 : vector<4x64x128xi1>
    %xor3A_639 = arith.xori %xor3A_638, %ne3A_591 : vector<4x64x128xi1>
    %select_n3A_640 = arith.select %xor3A_639, %select_n3A_627, %select_n3A_615 : vector<4x64x128xi1>, vector<4x64x128xf32>
    %select_n3A_641 = arith.select %xor3A_639, %select_n3A_632, %select_n3A_616 : vector<4x64x128xi1>, vector<4x64x128xi32>
    %and3A_642 = arith.constant 16 : i32
    %and3A_643 = vector.broadcast %and3A_642 : i32 to vector<4x64x128xi32>
    %and3A_644 = arith.andi %add3A_21, %and3A_643 : vector<4x64x128xi32>
    %ne3A_645 = arith.constant 0 : i32
    %ne3A_646 = vector.broadcast %ne3A_645 : i32 to vector<4x64x128xi32>
    %ne3A_647 = arith.cmpi ne, %and3A_644, %ne3A_646 : vector<4x64x128xi32>
    %roll3A_648 = arith.constant 16 : i32
    %roll3A_649 = tpu.dynamic_rotate %select_n3A_640 by %roll3A_648 dim 1 : vector<4x64x128xf32>, i32 -> vector<4x64x128xf32>
    %roll3A_650 = arith.constant 48 : i32
    %roll3A_651 = tpu.dynamic_rotate %select_n3A_640 by %roll3A_650 dim 1 : vector<4x64x128xf32>, i32 -> vector<4x64x128xf32>
    %select_n3A_652 = arith.select %ne3A_647, %roll3A_649, %roll3A_651 : vector<4x64x128xi1>, vector<4x64x128xf32>
    %roll3A_653 = arith.constant 16 : i32
    %roll3A_654 = tpu.dynamic_rotate %select_n3A_641 by %roll3A_653 dim 1 : vector<4x64x128xi32>, i32 -> vector<4x64x128xi32>
    %roll3A_655 = arith.constant 48 : i32
    %roll3A_656 = tpu.dynamic_rotate %select_n3A_641 by %roll3A_655 dim 1 : vector<4x64x128xi32>, i32 -> vector<4x64x128xi32>
    %select_n3A_657 = arith.select %ne3A_647, %roll3A_654, %roll3A_656 : vector<4x64x128xi1>, vector<4x64x128xi32>
    %gt3A_658 = arith.cmpf ogt, %select_n3A_652, %select_n3A_640 : vector<4x64x128xf32>
    %eq3A_659 = arith.cmpf oeq, %select_n3A_652, %select_n3A_640 : vector<4x64x128xf32>
    %lt3A_660 = arith.cmpi slt, %select_n3A_657, %select_n3A_641 : vector<4x64x128xi32>
    %and3A_661 = arith.andi %eq3A_659, %lt3A_660 : vector<4x64x128xi1>
    %or3A_662 = arith.ori %gt3A_658, %and3A_661 : vector<4x64x128xi1>
    %xor3A_663 = arith.xori %or3A_662, %ne3A_647 : vector<4x64x128xi1>
    %xor3A_664 = arith.xori %xor3A_663, %ne3A_591 : vector<4x64x128xi1>
    %select_n3A_665 = arith.select %xor3A_664, %select_n3A_652, %select_n3A_640 : vector<4x64x128xi1>, vector<4x64x128xf32>
    %select_n3A_666 = arith.select %xor3A_664, %select_n3A_657, %select_n3A_641 : vector<4x64x128xi1>, vector<4x64x128xi32>
    %and3A_667 = arith.constant 8 : i32
    %and3A_668 = vector.broadcast %and3A_667 : i32 to vector<4x64x128xi32>
    %and3A_669 = arith.andi %add3A_21, %and3A_668 : vector<4x64x128xi32>
    %ne3A_670 = arith.constant 0 : i32
    %ne3A_671 = vector.broadcast %ne3A_670 : i32 to vector<4x64x128xi32>
    %ne3A_672 = arith.cmpi ne, %and3A_669, %ne3A_671 : vector<4x64x128xi32>
    %roll3A_673 = arith.constant 8 : i32
    %roll3A_674 = tpu.dynamic_rotate %select_n3A_665 by %roll3A_673 dim 1 : vector<4x64x128xf32>, i32 -> vector<4x64x128xf32>
    %roll3A_675 = arith.constant 56 : i32
    %roll3A_676 = tpu.dynamic_rotate %select_n3A_665 by %roll3A_675 dim 1 : vector<4x64x128xf32>, i32 -> vector<4x64x128xf32>
    %select_n3A_677 = arith.select %ne3A_672, %roll3A_674, %roll3A_676 : vector<4x64x128xi1>, vector<4x64x128xf32>
    %roll3A_678 = arith.constant 8 : i32
    %roll3A_679 = tpu.dynamic_rotate %select_n3A_666 by %roll3A_678 dim 1 : vector<4x64x128xi32>, i32 -> vector<4x64x128xi32>
    %roll3A_680 = arith.constant 56 : i32
    %roll3A_681 = tpu.dynamic_rotate %select_n3A_666 by %roll3A_680 dim 1 : vector<4x64x128xi32>, i32 -> vector<4x64x128xi32>
    %select_n3A_682 = arith.select %ne3A_672, %roll3A_679, %roll3A_681 : vector<4x64x128xi1>, vector<4x64x128xi32>
    %gt3A_683 = arith.cmpf ogt, %select_n3A_677, %select_n3A_665 : vector<4x64x128xf32>
    %eq3A_684 = arith.cmpf oeq, %select_n3A_677, %select_n3A_665 : vector<4x64x128xf32>
    %lt3A_685 = arith.cmpi slt, %select_n3A_682, %select_n3A_666 : vector<4x64x128xi32>
    %and3A_686 = arith.andi %eq3A_684, %lt3A_685 : vector<4x64x128xi1>
    %or3A_687 = arith.ori %gt3A_683, %and3A_686 : vector<4x64x128xi1>
    %xor3A_688 = arith.xori %or3A_687, %ne3A_672 : vector<4x64x128xi1>
    %xor3A_689 = arith.xori %xor3A_688, %ne3A_591 : vector<4x64x128xi1>
    %select_n3A_690 = arith.select %xor3A_689, %select_n3A_677, %select_n3A_665 : vector<4x64x128xi1>, vector<4x64x128xf32>
    %select_n3A_691 = arith.select %xor3A_689, %select_n3A_682, %select_n3A_666 : vector<4x64x128xi1>, vector<4x64x128xi32>
    %and3A_692 = arith.constant 4 : i32
    %and3A_693 = vector.broadcast %and3A_692 : i32 to vector<4x64x128xi32>
    %and3A_694 = arith.andi %add3A_21, %and3A_693 : vector<4x64x128xi32>
    %ne3A_695 = arith.constant 0 : i32
    %ne3A_696 = vector.broadcast %ne3A_695 : i32 to vector<4x64x128xi32>
    %ne3A_697 = arith.cmpi ne, %and3A_694, %ne3A_696 : vector<4x64x128xi32>
    %roll3A_698 = arith.constant 4 : i32
    %roll3A_699 = tpu.dynamic_rotate %select_n3A_690 by %roll3A_698 dim 1 : vector<4x64x128xf32>, i32 -> vector<4x64x128xf32>
    %roll3A_700 = arith.constant 60 : i32
    %roll3A_701 = tpu.dynamic_rotate %select_n3A_690 by %roll3A_700 dim 1 : vector<4x64x128xf32>, i32 -> vector<4x64x128xf32>
    %select_n3A_702 = arith.select %ne3A_697, %roll3A_699, %roll3A_701 : vector<4x64x128xi1>, vector<4x64x128xf32>
    %roll3A_703 = arith.constant 4 : i32
    %roll3A_704 = tpu.dynamic_rotate %select_n3A_691 by %roll3A_703 dim 1 : vector<4x64x128xi32>, i32 -> vector<4x64x128xi32>
    %roll3A_705 = arith.constant 60 : i32
    %roll3A_706 = tpu.dynamic_rotate %select_n3A_691 by %roll3A_705 dim 1 : vector<4x64x128xi32>, i32 -> vector<4x64x128xi32>
    %select_n3A_707 = arith.select %ne3A_697, %roll3A_704, %roll3A_706 : vector<4x64x128xi1>, vector<4x64x128xi32>
    %gt3A_708 = arith.cmpf ogt, %select_n3A_702, %select_n3A_690 : vector<4x64x128xf32>
    %eq3A_709 = arith.cmpf oeq, %select_n3A_702, %select_n3A_690 : vector<4x64x128xf32>
    %lt3A_710 = arith.cmpi slt, %select_n3A_707, %select_n3A_691 : vector<4x64x128xi32>
    %and3A_711 = arith.andi %eq3A_709, %lt3A_710 : vector<4x64x128xi1>
    %or3A_712 = arith.ori %gt3A_708, %and3A_711 : vector<4x64x128xi1>
    %xor3A_713 = arith.xori %or3A_712, %ne3A_697 : vector<4x64x128xi1>
    %xor3A_714 = arith.xori %xor3A_713, %ne3A_591 : vector<4x64x128xi1>
    %select_n3A_715 = arith.select %xor3A_714, %select_n3A_702, %select_n3A_690 : vector<4x64x128xi1>, vector<4x64x128xf32>
    %select_n3A_716 = arith.select %xor3A_714, %select_n3A_707, %select_n3A_691 : vector<4x64x128xi1>, vector<4x64x128xi32>
    %and3A_717 = arith.constant 2 : i32
    %and3A_718 = vector.broadcast %and3A_717 : i32 to vector<4x64x128xi32>
    %and3A_719 = arith.andi %add3A_21, %and3A_718 : vector<4x64x128xi32>
    %ne3A_720 = arith.constant 0 : i32
    %ne3A_721 = vector.broadcast %ne3A_720 : i32 to vector<4x64x128xi32>
    %ne3A_722 = arith.cmpi ne, %and3A_719, %ne3A_721 : vector<4x64x128xi32>
    %roll3A_723 = arith.constant 2 : i32
    %roll3A_724 = tpu.dynamic_rotate %select_n3A_715 by %roll3A_723 dim 1 : vector<4x64x128xf32>, i32 -> vector<4x64x128xf32>
    %roll3A_725 = arith.constant 62 : i32
    %roll3A_726 = tpu.dynamic_rotate %select_n3A_715 by %roll3A_725 dim 1 : vector<4x64x128xf32>, i32 -> vector<4x64x128xf32>
    %select_n3A_727 = arith.select %ne3A_722, %roll3A_724, %roll3A_726 : vector<4x64x128xi1>, vector<4x64x128xf32>
    %roll3A_728 = arith.constant 2 : i32
    %roll3A_729 = tpu.dynamic_rotate %select_n3A_716 by %roll3A_728 dim 1 : vector<4x64x128xi32>, i32 -> vector<4x64x128xi32>
    %roll3A_730 = arith.constant 62 : i32
    %roll3A_731 = tpu.dynamic_rotate %select_n3A_716 by %roll3A_730 dim 1 : vector<4x64x128xi32>, i32 -> vector<4x64x128xi32>
    %select_n3A_732 = arith.select %ne3A_722, %roll3A_729, %roll3A_731 : vector<4x64x128xi1>, vector<4x64x128xi32>
    %gt3A_733 = arith.cmpf ogt, %select_n3A_727, %select_n3A_715 : vector<4x64x128xf32>
    %eq3A_734 = arith.cmpf oeq, %select_n3A_727, %select_n3A_715 : vector<4x64x128xf32>
    %lt3A_735 = arith.cmpi slt, %select_n3A_732, %select_n3A_716 : vector<4x64x128xi32>
    %and3A_736 = arith.andi %eq3A_734, %lt3A_735 : vector<4x64x128xi1>
    %or3A_737 = arith.ori %gt3A_733, %and3A_736 : vector<4x64x128xi1>
    %xor3A_738 = arith.xori %or3A_737, %ne3A_722 : vector<4x64x128xi1>
    %xor3A_739 = arith.xori %xor3A_738, %ne3A_591 : vector<4x64x128xi1>
    %select_n3A_740 = arith.select %xor3A_739, %select_n3A_727, %select_n3A_715 : vector<4x64x128xi1>, vector<4x64x128xf32>
    %select_n3A_741 = arith.select %xor3A_739, %select_n3A_732, %select_n3A_716 : vector<4x64x128xi1>, vector<4x64x128xi32>
    %and3A_742 = arith.constant 1 : i32
    %and3A_743 = vector.broadcast %and3A_742 : i32 to vector<4x64x128xi32>
    %and3A_744 = arith.andi %add3A_21, %and3A_743 : vector<4x64x128xi32>
    %ne3A_745 = arith.constant 0 : i32
    %ne3A_746 = vector.broadcast %ne3A_745 : i32 to vector<4x64x128xi32>
    %ne3A_747 = arith.cmpi ne, %and3A_744, %ne3A_746 : vector<4x64x128xi32>
    %roll3A_748 = arith.constant 1 : i32
    %roll3A_749 = tpu.dynamic_rotate %select_n3A_740 by %roll3A_748 dim 1 : vector<4x64x128xf32>, i32 -> vector<4x64x128xf32>
    %roll3A_750 = arith.constant 63 : i32
    %roll3A_751 = tpu.dynamic_rotate %select_n3A_740 by %roll3A_750 dim 1 : vector<4x64x128xf32>, i32 -> vector<4x64x128xf32>
    %select_n3A_752 = arith.select %ne3A_747, %roll3A_749, %roll3A_751 : vector<4x64x128xi1>, vector<4x64x128xf32>
    %roll3A_753 = arith.constant 1 : i32
    %roll3A_754 = tpu.dynamic_rotate %select_n3A_741 by %roll3A_753 dim 1 : vector<4x64x128xi32>, i32 -> vector<4x64x128xi32>
    %roll3A_755 = arith.constant 63 : i32
    %roll3A_756 = tpu.dynamic_rotate %select_n3A_741 by %roll3A_755 dim 1 : vector<4x64x128xi32>, i32 -> vector<4x64x128xi32>
    %select_n3A_757 = arith.select %ne3A_747, %roll3A_754, %roll3A_756 : vector<4x64x128xi1>, vector<4x64x128xi32>
    %gt3A_758 = arith.cmpf ogt, %select_n3A_752, %select_n3A_740 : vector<4x64x128xf32>
    %eq3A_759 = arith.cmpf oeq, %select_n3A_752, %select_n3A_740 : vector<4x64x128xf32>
    %lt3A_760 = arith.cmpi slt, %select_n3A_757, %select_n3A_741 : vector<4x64x128xi32>
    %and3A_761 = arith.andi %eq3A_759, %lt3A_760 : vector<4x64x128xi1>
    %or3A_762 = arith.ori %gt3A_758, %and3A_761 : vector<4x64x128xi1>
    %xor3A_763 = arith.xori %or3A_762, %ne3A_747 : vector<4x64x128xi1>
    %xor3A_764 = arith.xori %xor3A_763, %ne3A_591 : vector<4x64x128xi1>
    %select_n3A_765 = arith.select %xor3A_764, %select_n3A_752, %select_n3A_740 : vector<4x64x128xi1>, vector<4x64x128xf32>
    %select_n3A_766 = arith.select %xor3A_764, %select_n3A_757, %select_n3A_741 : vector<4x64x128xi1>, vector<4x64x128xi32>
    %and3A_767 = arith.constant 256 : i32
    %and3A_768 = vector.broadcast %and3A_767 : i32 to vector<4x64x128xi32>
    %and3A_769 = arith.andi %add3A_21, %and3A_768 : vector<4x64x128xi32>
    %ne3A_770 = arith.constant 0 : i32
    %ne3A_771 = vector.broadcast %ne3A_770 : i32 to vector<4x64x128xi32>
    %ne3A_772 = arith.cmpi ne, %and3A_769, %ne3A_771 : vector<4x64x128xi32>
    %and3A_773 = arith.constant 128 : i32
    %and3A_774 = vector.broadcast %and3A_773 : i32 to vector<4x64x128xi32>
    %and3A_775 = arith.andi %add3A_21, %and3A_774 : vector<4x64x128xi32>
    %ne3A_776 = arith.constant 0 : i32
    %ne3A_777 = vector.broadcast %ne3A_776 : i32 to vector<4x64x128xi32>
    %ne3A_778 = arith.cmpi ne, %and3A_775, %ne3A_777 : vector<4x64x128xi32>
    %roll3A_779 = arith.constant 2 : i32
    %roll3A_780 = tpu.dynamic_rotate %select_n3A_765 by %roll3A_779 dim 2 : vector<4x64x128xf32>, i32 -> vector<4x64x128xf32>
    %roll3A_781 = arith.constant 126 : i32
    %roll3A_782 = tpu.dynamic_rotate %select_n3A_765 by %roll3A_781 dim 2 : vector<4x64x128xf32>, i32 -> vector<4x64x128xf32>
    %select_n3A_783 = arith.select %ne3A_778, %roll3A_780, %roll3A_782 : vector<4x64x128xi1>, vector<4x64x128xf32>
    %roll3A_784 = arith.constant 2 : i32
    %roll3A_785 = tpu.dynamic_rotate %select_n3A_766 by %roll3A_784 dim 2 : vector<4x64x128xi32>, i32 -> vector<4x64x128xi32>
    %roll3A_786 = arith.constant 126 : i32
    %roll3A_787 = tpu.dynamic_rotate %select_n3A_766 by %roll3A_786 dim 2 : vector<4x64x128xi32>, i32 -> vector<4x64x128xi32>
    %select_n3A_788 = arith.select %ne3A_778, %roll3A_785, %roll3A_787 : vector<4x64x128xi1>, vector<4x64x128xi32>
    %gt3A_789 = arith.cmpf ogt, %select_n3A_783, %select_n3A_765 : vector<4x64x128xf32>
    %eq3A_790 = arith.cmpf oeq, %select_n3A_783, %select_n3A_765 : vector<4x64x128xf32>
    %lt3A_791 = arith.cmpi slt, %select_n3A_788, %select_n3A_766 : vector<4x64x128xi32>
    %and3A_792 = arith.andi %eq3A_790, %lt3A_791 : vector<4x64x128xi1>
    %or3A_793 = arith.ori %gt3A_789, %and3A_792 : vector<4x64x128xi1>
    %xor3A_794 = arith.xori %or3A_793, %ne3A_778 : vector<4x64x128xi1>
    %xor3A_795 = arith.xori %xor3A_794, %ne3A_772 : vector<4x64x128xi1>
    %select_n3A_796 = arith.select %xor3A_795, %select_n3A_783, %select_n3A_765 : vector<4x64x128xi1>, vector<4x64x128xf32>
    %select_n3A_797 = arith.select %xor3A_795, %select_n3A_788, %select_n3A_766 : vector<4x64x128xi1>, vector<4x64x128xi32>
    %and3A_798 = arith.constant 64 : i32
    %and3A_799 = vector.broadcast %and3A_798 : i32 to vector<4x64x128xi32>
    %and3A_800 = arith.andi %add3A_21, %and3A_799 : vector<4x64x128xi32>
    %ne3A_801 = arith.constant 0 : i32
    %ne3A_802 = vector.broadcast %ne3A_801 : i32 to vector<4x64x128xi32>
    %ne3A_803 = arith.cmpi ne, %and3A_800, %ne3A_802 : vector<4x64x128xi32>
    %roll3A_804 = arith.constant 1 : i32
    %roll3A_805 = tpu.dynamic_rotate %select_n3A_796 by %roll3A_804 dim 2 : vector<4x64x128xf32>, i32 -> vector<4x64x128xf32>
    %roll3A_806 = arith.constant 127 : i32
    %roll3A_807 = tpu.dynamic_rotate %select_n3A_796 by %roll3A_806 dim 2 : vector<4x64x128xf32>, i32 -> vector<4x64x128xf32>
    %select_n3A_808 = arith.select %ne3A_803, %roll3A_805, %roll3A_807 : vector<4x64x128xi1>, vector<4x64x128xf32>
    %roll3A_809 = arith.constant 1 : i32
    %roll3A_810 = tpu.dynamic_rotate %select_n3A_797 by %roll3A_809 dim 2 : vector<4x64x128xi32>, i32 -> vector<4x64x128xi32>
    %roll3A_811 = arith.constant 127 : i32
    %roll3A_812 = tpu.dynamic_rotate %select_n3A_797 by %roll3A_811 dim 2 : vector<4x64x128xi32>, i32 -> vector<4x64x128xi32>
    %select_n3A_813 = arith.select %ne3A_803, %roll3A_810, %roll3A_812 : vector<4x64x128xi1>, vector<4x64x128xi32>
    %gt3A_814 = arith.cmpf ogt, %select_n3A_808, %select_n3A_796 : vector<4x64x128xf32>
    %eq3A_815 = arith.cmpf oeq, %select_n3A_808, %select_n3A_796 : vector<4x64x128xf32>
    %lt3A_816 = arith.cmpi slt, %select_n3A_813, %select_n3A_797 : vector<4x64x128xi32>
    %and3A_817 = arith.andi %eq3A_815, %lt3A_816 : vector<4x64x128xi1>
    %or3A_818 = arith.ori %gt3A_814, %and3A_817 : vector<4x64x128xi1>
    %xor3A_819 = arith.xori %or3A_818, %ne3A_803 : vector<4x64x128xi1>
    %xor3A_820 = arith.xori %xor3A_819, %ne3A_772 : vector<4x64x128xi1>
    %select_n3A_821 = arith.select %xor3A_820, %select_n3A_808, %select_n3A_796 : vector<4x64x128xi1>, vector<4x64x128xf32>
    %select_n3A_822 = arith.select %xor3A_820, %select_n3A_813, %select_n3A_797 : vector<4x64x128xi1>, vector<4x64x128xi32>
    %and3A_823 = arith.constant 32 : i32
    %and3A_824 = vector.broadcast %and3A_823 : i32 to vector<4x64x128xi32>
    %and3A_825 = arith.andi %add3A_21, %and3A_824 : vector<4x64x128xi32>
    %ne3A_826 = arith.constant 0 : i32
    %ne3A_827 = vector.broadcast %ne3A_826 : i32 to vector<4x64x128xi32>
    %ne3A_828 = arith.cmpi ne, %and3A_825, %ne3A_827 : vector<4x64x128xi32>
    %roll3A_829 = arith.constant 32 : i32
    %roll3A_830 = tpu.dynamic_rotate %select_n3A_821 by %roll3A_829 dim 1 : vector<4x64x128xf32>, i32 -> vector<4x64x128xf32>
    %roll3A_831 = arith.constant 32 : i32
    %roll3A_832 = tpu.dynamic_rotate %select_n3A_821 by %roll3A_831 dim 1 : vector<4x64x128xf32>, i32 -> vector<4x64x128xf32>
    %select_n3A_833 = arith.select %ne3A_828, %roll3A_830, %roll3A_832 : vector<4x64x128xi1>, vector<4x64x128xf32>
    %roll3A_834 = arith.constant 32 : i32
    %roll3A_835 = tpu.dynamic_rotate %select_n3A_822 by %roll3A_834 dim 1 : vector<4x64x128xi32>, i32 -> vector<4x64x128xi32>
    %roll3A_836 = arith.constant 32 : i32
    %roll3A_837 = tpu.dynamic_rotate %select_n3A_822 by %roll3A_836 dim 1 : vector<4x64x128xi32>, i32 -> vector<4x64x128xi32>
    %select_n3A_838 = arith.select %ne3A_828, %roll3A_835, %roll3A_837 : vector<4x64x128xi1>, vector<4x64x128xi32>
    %gt3A_839 = arith.cmpf ogt, %select_n3A_833, %select_n3A_821 : vector<4x64x128xf32>
    %eq3A_840 = arith.cmpf oeq, %select_n3A_833, %select_n3A_821 : vector<4x64x128xf32>
    %lt3A_841 = arith.cmpi slt, %select_n3A_838, %select_n3A_822 : vector<4x64x128xi32>
    %and3A_842 = arith.andi %eq3A_840, %lt3A_841 : vector<4x64x128xi1>
    %or3A_843 = arith.ori %gt3A_839, %and3A_842 : vector<4x64x128xi1>
    %xor3A_844 = arith.xori %or3A_843, %ne3A_828 : vector<4x64x128xi1>
    %xor3A_845 = arith.xori %xor3A_844, %ne3A_772 : vector<4x64x128xi1>
    %select_n3A_846 = arith.select %xor3A_845, %select_n3A_833, %select_n3A_821 : vector<4x64x128xi1>, vector<4x64x128xf32>
    %select_n3A_847 = arith.select %xor3A_845, %select_n3A_838, %select_n3A_822 : vector<4x64x128xi1>, vector<4x64x128xi32>
    %and3A_848 = arith.constant 16 : i32
    %and3A_849 = vector.broadcast %and3A_848 : i32 to vector<4x64x128xi32>
    %and3A_850 = arith.andi %add3A_21, %and3A_849 : vector<4x64x128xi32>
    %ne3A_851 = arith.constant 0 : i32
    %ne3A_852 = vector.broadcast %ne3A_851 : i32 to vector<4x64x128xi32>
    %ne3A_853 = arith.cmpi ne, %and3A_850, %ne3A_852 : vector<4x64x128xi32>
    %roll3A_854 = arith.constant 16 : i32
    %roll3A_855 = tpu.dynamic_rotate %select_n3A_846 by %roll3A_854 dim 1 : vector<4x64x128xf32>, i32 -> vector<4x64x128xf32>
    %roll3A_856 = arith.constant 48 : i32
    %roll3A_857 = tpu.dynamic_rotate %select_n3A_846 by %roll3A_856 dim 1 : vector<4x64x128xf32>, i32 -> vector<4x64x128xf32>
    %select_n3A_858 = arith.select %ne3A_853, %roll3A_855, %roll3A_857 : vector<4x64x128xi1>, vector<4x64x128xf32>
    %roll3A_859 = arith.constant 16 : i32
    %roll3A_860 = tpu.dynamic_rotate %select_n3A_847 by %roll3A_859 dim 1 : vector<4x64x128xi32>, i32 -> vector<4x64x128xi32>
    %roll3A_861 = arith.constant 48 : i32
    %roll3A_862 = tpu.dynamic_rotate %select_n3A_847 by %roll3A_861 dim 1 : vector<4x64x128xi32>, i32 -> vector<4x64x128xi32>
    %select_n3A_863 = arith.select %ne3A_853, %roll3A_860, %roll3A_862 : vector<4x64x128xi1>, vector<4x64x128xi32>
    %gt3A_864 = arith.cmpf ogt, %select_n3A_858, %select_n3A_846 : vector<4x64x128xf32>
    %eq3A_865 = arith.cmpf oeq, %select_n3A_858, %select_n3A_846 : vector<4x64x128xf32>
    %lt3A_866 = arith.cmpi slt, %select_n3A_863, %select_n3A_847 : vector<4x64x128xi32>
    %and3A_867 = arith.andi %eq3A_865, %lt3A_866 : vector<4x64x128xi1>
    %or3A_868 = arith.ori %gt3A_864, %and3A_867 : vector<4x64x128xi1>
    %xor3A_869 = arith.xori %or3A_868, %ne3A_853 : vector<4x64x128xi1>
    %xor3A_870 = arith.xori %xor3A_869, %ne3A_772 : vector<4x64x128xi1>
    %select_n3A_871 = arith.select %xor3A_870, %select_n3A_858, %select_n3A_846 : vector<4x64x128xi1>, vector<4x64x128xf32>
    %select_n3A_872 = arith.select %xor3A_870, %select_n3A_863, %select_n3A_847 : vector<4x64x128xi1>, vector<4x64x128xi32>
    %and3A_873 = arith.constant 8 : i32
    %and3A_874 = vector.broadcast %and3A_873 : i32 to vector<4x64x128xi32>
    %and3A_875 = arith.andi %add3A_21, %and3A_874 : vector<4x64x128xi32>
    %ne3A_876 = arith.constant 0 : i32
    %ne3A_877 = vector.broadcast %ne3A_876 : i32 to vector<4x64x128xi32>
    %ne3A_878 = arith.cmpi ne, %and3A_875, %ne3A_877 : vector<4x64x128xi32>
    %roll3A_879 = arith.constant 8 : i32
    %roll3A_880 = tpu.dynamic_rotate %select_n3A_871 by %roll3A_879 dim 1 : vector<4x64x128xf32>, i32 -> vector<4x64x128xf32>
    %roll3A_881 = arith.constant 56 : i32
    %roll3A_882 = tpu.dynamic_rotate %select_n3A_871 by %roll3A_881 dim 1 : vector<4x64x128xf32>, i32 -> vector<4x64x128xf32>
    %select_n3A_883 = arith.select %ne3A_878, %roll3A_880, %roll3A_882 : vector<4x64x128xi1>, vector<4x64x128xf32>
    %roll3A_884 = arith.constant 8 : i32
    %roll3A_885 = tpu.dynamic_rotate %select_n3A_872 by %roll3A_884 dim 1 : vector<4x64x128xi32>, i32 -> vector<4x64x128xi32>
    %roll3A_886 = arith.constant 56 : i32
    %roll3A_887 = tpu.dynamic_rotate %select_n3A_872 by %roll3A_886 dim 1 : vector<4x64x128xi32>, i32 -> vector<4x64x128xi32>
    %select_n3A_888 = arith.select %ne3A_878, %roll3A_885, %roll3A_887 : vector<4x64x128xi1>, vector<4x64x128xi32>
    %gt3A_889 = arith.cmpf ogt, %select_n3A_883, %select_n3A_871 : vector<4x64x128xf32>
    %eq3A_890 = arith.cmpf oeq, %select_n3A_883, %select_n3A_871 : vector<4x64x128xf32>
    %lt3A_891 = arith.cmpi slt, %select_n3A_888, %select_n3A_872 : vector<4x64x128xi32>
    %and3A_892 = arith.andi %eq3A_890, %lt3A_891 : vector<4x64x128xi1>
    %or3A_893 = arith.ori %gt3A_889, %and3A_892 : vector<4x64x128xi1>
    %xor3A_894 = arith.xori %or3A_893, %ne3A_878 : vector<4x64x128xi1>
    %xor3A_895 = arith.xori %xor3A_894, %ne3A_772 : vector<4x64x128xi1>
    %select_n3A_896 = arith.select %xor3A_895, %select_n3A_883, %select_n3A_871 : vector<4x64x128xi1>, vector<4x64x128xf32>
    %select_n3A_897 = arith.select %xor3A_895, %select_n3A_888, %select_n3A_872 : vector<4x64x128xi1>, vector<4x64x128xi32>
    %and3A_898 = arith.constant 4 : i32
    %and3A_899 = vector.broadcast %and3A_898 : i32 to vector<4x64x128xi32>
    %and3A_900 = arith.andi %add3A_21, %and3A_899 : vector<4x64x128xi32>
    %ne3A_901 = arith.constant 0 : i32
    %ne3A_902 = vector.broadcast %ne3A_901 : i32 to vector<4x64x128xi32>
    %ne3A_903 = arith.cmpi ne, %and3A_900, %ne3A_902 : vector<4x64x128xi32>
    %roll3A_904 = arith.constant 4 : i32
    %roll3A_905 = tpu.dynamic_rotate %select_n3A_896 by %roll3A_904 dim 1 : vector<4x64x128xf32>, i32 -> vector<4x64x128xf32>
    %roll3A_906 = arith.constant 60 : i32
    %roll3A_907 = tpu.dynamic_rotate %select_n3A_896 by %roll3A_906 dim 1 : vector<4x64x128xf32>, i32 -> vector<4x64x128xf32>
    %select_n3A_908 = arith.select %ne3A_903, %roll3A_905, %roll3A_907 : vector<4x64x128xi1>, vector<4x64x128xf32>
    %roll3A_909 = arith.constant 4 : i32
    %roll3A_910 = tpu.dynamic_rotate %select_n3A_897 by %roll3A_909 dim 1 : vector<4x64x128xi32>, i32 -> vector<4x64x128xi32>
    %roll3A_911 = arith.constant 60 : i32
    %roll3A_912 = tpu.dynamic_rotate %select_n3A_897 by %roll3A_911 dim 1 : vector<4x64x128xi32>, i32 -> vector<4x64x128xi32>
    %select_n3A_913 = arith.select %ne3A_903, %roll3A_910, %roll3A_912 : vector<4x64x128xi1>, vector<4x64x128xi32>
    %gt3A_914 = arith.cmpf ogt, %select_n3A_908, %select_n3A_896 : vector<4x64x128xf32>
    %eq3A_915 = arith.cmpf oeq, %select_n3A_908, %select_n3A_896 : vector<4x64x128xf32>
    %lt3A_916 = arith.cmpi slt, %select_n3A_913, %select_n3A_897 : vector<4x64x128xi32>
    %and3A_917 = arith.andi %eq3A_915, %lt3A_916 : vector<4x64x128xi1>
    %or3A_918 = arith.ori %gt3A_914, %and3A_917 : vector<4x64x128xi1>
    %xor3A_919 = arith.xori %or3A_918, %ne3A_903 : vector<4x64x128xi1>
    %xor3A_920 = arith.xori %xor3A_919, %ne3A_772 : vector<4x64x128xi1>
    %select_n3A_921 = arith.select %xor3A_920, %select_n3A_908, %select_n3A_896 : vector<4x64x128xi1>, vector<4x64x128xf32>
    %select_n3A_922 = arith.select %xor3A_920, %select_n3A_913, %select_n3A_897 : vector<4x64x128xi1>, vector<4x64x128xi32>
    %and3A_923 = arith.constant 2 : i32
    %and3A_924 = vector.broadcast %and3A_923 : i32 to vector<4x64x128xi32>
    %and3A_925 = arith.andi %add3A_21, %and3A_924 : vector<4x64x128xi32>
    %ne3A_926 = arith.constant 0 : i32
    %ne3A_927 = vector.broadcast %ne3A_926 : i32 to vector<4x64x128xi32>
    %ne3A_928 = arith.cmpi ne, %and3A_925, %ne3A_927 : vector<4x64x128xi32>
    %roll3A_929 = arith.constant 2 : i32
    %roll3A_930 = tpu.dynamic_rotate %select_n3A_921 by %roll3A_929 dim 1 : vector<4x64x128xf32>, i32 -> vector<4x64x128xf32>
    %roll3A_931 = arith.constant 62 : i32
    %roll3A_932 = tpu.dynamic_rotate %select_n3A_921 by %roll3A_931 dim 1 : vector<4x64x128xf32>, i32 -> vector<4x64x128xf32>
    %select_n3A_933 = arith.select %ne3A_928, %roll3A_930, %roll3A_932 : vector<4x64x128xi1>, vector<4x64x128xf32>
    %roll3A_934 = arith.constant 2 : i32
    %roll3A_935 = tpu.dynamic_rotate %select_n3A_922 by %roll3A_934 dim 1 : vector<4x64x128xi32>, i32 -> vector<4x64x128xi32>
    %roll3A_936 = arith.constant 62 : i32
    %roll3A_937 = tpu.dynamic_rotate %select_n3A_922 by %roll3A_936 dim 1 : vector<4x64x128xi32>, i32 -> vector<4x64x128xi32>
    %select_n3A_938 = arith.select %ne3A_928, %roll3A_935, %roll3A_937 : vector<4x64x128xi1>, vector<4x64x128xi32>
    %gt3A_939 = arith.cmpf ogt, %select_n3A_933, %select_n3A_921 : vector<4x64x128xf32>
    %eq3A_940 = arith.cmpf oeq, %select_n3A_933, %select_n3A_921 : vector<4x64x128xf32>
    %lt3A_941 = arith.cmpi slt, %select_n3A_938, %select_n3A_922 : vector<4x64x128xi32>
    %and3A_942 = arith.andi %eq3A_940, %lt3A_941 : vector<4x64x128xi1>
    %or3A_943 = arith.ori %gt3A_939, %and3A_942 : vector<4x64x128xi1>
    %xor3A_944 = arith.xori %or3A_943, %ne3A_928 : vector<4x64x128xi1>
    %xor3A_945 = arith.xori %xor3A_944, %ne3A_772 : vector<4x64x128xi1>
    %select_n3A_946 = arith.select %xor3A_945, %select_n3A_933, %select_n3A_921 : vector<4x64x128xi1>, vector<4x64x128xf32>
    %select_n3A_947 = arith.select %xor3A_945, %select_n3A_938, %select_n3A_922 : vector<4x64x128xi1>, vector<4x64x128xi32>
    %and3A_948 = arith.constant 1 : i32
    %and3A_949 = vector.broadcast %and3A_948 : i32 to vector<4x64x128xi32>
    %and3A_950 = arith.andi %add3A_21, %and3A_949 : vector<4x64x128xi32>
    %ne3A_951 = arith.constant 0 : i32
    %ne3A_952 = vector.broadcast %ne3A_951 : i32 to vector<4x64x128xi32>
    %ne3A_953 = arith.cmpi ne, %and3A_950, %ne3A_952 : vector<4x64x128xi32>
    %roll3A_954 = arith.constant 1 : i32
    %roll3A_955 = tpu.dynamic_rotate %select_n3A_946 by %roll3A_954 dim 1 : vector<4x64x128xf32>, i32 -> vector<4x64x128xf32>
    %roll3A_956 = arith.constant 63 : i32
    %roll3A_957 = tpu.dynamic_rotate %select_n3A_946 by %roll3A_956 dim 1 : vector<4x64x128xf32>, i32 -> vector<4x64x128xf32>
    %select_n3A_958 = arith.select %ne3A_953, %roll3A_955, %roll3A_957 : vector<4x64x128xi1>, vector<4x64x128xf32>
    %roll3A_959 = arith.constant 1 : i32
    %roll3A_960 = tpu.dynamic_rotate %select_n3A_947 by %roll3A_959 dim 1 : vector<4x64x128xi32>, i32 -> vector<4x64x128xi32>
    %roll3A_961 = arith.constant 63 : i32
    %roll3A_962 = tpu.dynamic_rotate %select_n3A_947 by %roll3A_961 dim 1 : vector<4x64x128xi32>, i32 -> vector<4x64x128xi32>
    %select_n3A_963 = arith.select %ne3A_953, %roll3A_960, %roll3A_962 : vector<4x64x128xi1>, vector<4x64x128xi32>
    %gt3A_964 = arith.cmpf ogt, %select_n3A_958, %select_n3A_946 : vector<4x64x128xf32>
    %eq3A_965 = arith.cmpf oeq, %select_n3A_958, %select_n3A_946 : vector<4x64x128xf32>
    %lt3A_966 = arith.cmpi slt, %select_n3A_963, %select_n3A_947 : vector<4x64x128xi32>
    %and3A_967 = arith.andi %eq3A_965, %lt3A_966 : vector<4x64x128xi1>
    %or3A_968 = arith.ori %gt3A_964, %and3A_967 : vector<4x64x128xi1>
    %xor3A_969 = arith.xori %or3A_968, %ne3A_953 : vector<4x64x128xi1>
    %xor3A_970 = arith.xori %xor3A_969, %ne3A_772 : vector<4x64x128xi1>
    %select_n3A_971 = arith.select %xor3A_970, %select_n3A_958, %select_n3A_946 : vector<4x64x128xi1>, vector<4x64x128xf32>
    %select_n3A_972 = arith.select %xor3A_970, %select_n3A_963, %select_n3A_947 : vector<4x64x128xi1>, vector<4x64x128xi32>
    %and3A_973 = arith.constant 512 : i32
    %and3A_974 = vector.broadcast %and3A_973 : i32 to vector<4x64x128xi32>
    %and3A_975 = arith.andi %add3A_21, %and3A_974 : vector<4x64x128xi32>
    %ne3A_976 = arith.constant 0 : i32
    %ne3A_977 = vector.broadcast %ne3A_976 : i32 to vector<4x64x128xi32>
    %ne3A_978 = arith.cmpi ne, %and3A_975, %ne3A_977 : vector<4x64x128xi32>
    %and3A_979 = arith.constant 256 : i32
    %and3A_980 = vector.broadcast %and3A_979 : i32 to vector<4x64x128xi32>
    %and3A_981 = arith.andi %add3A_21, %and3A_980 : vector<4x64x128xi32>
    %ne3A_982 = arith.constant 0 : i32
    %ne3A_983 = vector.broadcast %ne3A_982 : i32 to vector<4x64x128xi32>
    %ne3A_984 = arith.cmpi ne, %and3A_981, %ne3A_983 : vector<4x64x128xi32>
    %roll3A_985 = arith.constant 4 : i32
    %roll3A_986 = tpu.dynamic_rotate %select_n3A_971 by %roll3A_985 dim 2 : vector<4x64x128xf32>, i32 -> vector<4x64x128xf32>
    %roll3A_987 = arith.constant 124 : i32
    %roll3A_988 = tpu.dynamic_rotate %select_n3A_971 by %roll3A_987 dim 2 : vector<4x64x128xf32>, i32 -> vector<4x64x128xf32>
    %select_n3A_989 = arith.select %ne3A_984, %roll3A_986, %roll3A_988 : vector<4x64x128xi1>, vector<4x64x128xf32>
    %roll3A_990 = arith.constant 4 : i32
    %roll3A_991 = tpu.dynamic_rotate %select_n3A_972 by %roll3A_990 dim 2 : vector<4x64x128xi32>, i32 -> vector<4x64x128xi32>
    %roll3A_992 = arith.constant 124 : i32
    %roll3A_993 = tpu.dynamic_rotate %select_n3A_972 by %roll3A_992 dim 2 : vector<4x64x128xi32>, i32 -> vector<4x64x128xi32>
    %select_n3A_994 = arith.select %ne3A_984, %roll3A_991, %roll3A_993 : vector<4x64x128xi1>, vector<4x64x128xi32>
    %gt3A_995 = arith.cmpf ogt, %select_n3A_989, %select_n3A_971 : vector<4x64x128xf32>
    %eq3A_996 = arith.cmpf oeq, %select_n3A_989, %select_n3A_971 : vector<4x64x128xf32>
    %lt3A_997 = arith.cmpi slt, %select_n3A_994, %select_n3A_972 : vector<4x64x128xi32>
    %and3A_998 = arith.andi %eq3A_996, %lt3A_997 : vector<4x64x128xi1>
    %or3A_999 = arith.ori %gt3A_995, %and3A_998 : vector<4x64x128xi1>
    %xor3A_1000 = arith.xori %or3A_999, %ne3A_984 : vector<4x64x128xi1>
    %xor3A_1001 = arith.xori %xor3A_1000, %ne3A_978 : vector<4x64x128xi1>
    %select_n3A_1002 = arith.select %xor3A_1001, %select_n3A_989, %select_n3A_971 : vector<4x64x128xi1>, vector<4x64x128xf32>
    %select_n3A_1003 = arith.select %xor3A_1001, %select_n3A_994, %select_n3A_972 : vector<4x64x128xi1>, vector<4x64x128xi32>
    %and3A_1004 = arith.constant 128 : i32
    %and3A_1005 = vector.broadcast %and3A_1004 : i32 to vector<4x64x128xi32>
    %and3A_1006 = arith.andi %add3A_21, %and3A_1005 : vector<4x64x128xi32>
    %ne3A_1007 = arith.constant 0 : i32
    %ne3A_1008 = vector.broadcast %ne3A_1007 : i32 to vector<4x64x128xi32>
    %ne3A_1009 = arith.cmpi ne, %and3A_1006, %ne3A_1008 : vector<4x64x128xi32>
    %roll3A_1010 = arith.constant 2 : i32
    %roll3A_1011 = tpu.dynamic_rotate %select_n3A_1002 by %roll3A_1010 dim 2 : vector<4x64x128xf32>, i32 -> vector<4x64x128xf32>
    %roll3A_1012 = arith.constant 126 : i32
    %roll3A_1013 = tpu.dynamic_rotate %select_n3A_1002 by %roll3A_1012 dim 2 : vector<4x64x128xf32>, i32 -> vector<4x64x128xf32>
    %select_n3A_1014 = arith.select %ne3A_1009, %roll3A_1011, %roll3A_1013 : vector<4x64x128xi1>, vector<4x64x128xf32>
    %roll3A_1015 = arith.constant 2 : i32
    %roll3A_1016 = tpu.dynamic_rotate %select_n3A_1003 by %roll3A_1015 dim 2 : vector<4x64x128xi32>, i32 -> vector<4x64x128xi32>
    %roll3A_1017 = arith.constant 126 : i32
    %roll3A_1018 = tpu.dynamic_rotate %select_n3A_1003 by %roll3A_1017 dim 2 : vector<4x64x128xi32>, i32 -> vector<4x64x128xi32>
    %select_n3A_1019 = arith.select %ne3A_1009, %roll3A_1016, %roll3A_1018 : vector<4x64x128xi1>, vector<4x64x128xi32>
    %gt3A_1020 = arith.cmpf ogt, %select_n3A_1014, %select_n3A_1002 : vector<4x64x128xf32>
    %eq3A_1021 = arith.cmpf oeq, %select_n3A_1014, %select_n3A_1002 : vector<4x64x128xf32>
    %lt3A_1022 = arith.cmpi slt, %select_n3A_1019, %select_n3A_1003 : vector<4x64x128xi32>
    %and3A_1023 = arith.andi %eq3A_1021, %lt3A_1022 : vector<4x64x128xi1>
    %or3A_1024 = arith.ori %gt3A_1020, %and3A_1023 : vector<4x64x128xi1>
    %xor3A_1025 = arith.xori %or3A_1024, %ne3A_1009 : vector<4x64x128xi1>
    %xor3A_1026 = arith.xori %xor3A_1025, %ne3A_978 : vector<4x64x128xi1>
    %select_n3A_1027 = arith.select %xor3A_1026, %select_n3A_1014, %select_n3A_1002 : vector<4x64x128xi1>, vector<4x64x128xf32>
    %select_n3A_1028 = arith.select %xor3A_1026, %select_n3A_1019, %select_n3A_1003 : vector<4x64x128xi1>, vector<4x64x128xi32>
    %and3A_1029 = arith.constant 64 : i32
    %and3A_1030 = vector.broadcast %and3A_1029 : i32 to vector<4x64x128xi32>
    %and3A_1031 = arith.andi %add3A_21, %and3A_1030 : vector<4x64x128xi32>
    %ne3A_1032 = arith.constant 0 : i32
    %ne3A_1033 = vector.broadcast %ne3A_1032 : i32 to vector<4x64x128xi32>
    %ne3A_1034 = arith.cmpi ne, %and3A_1031, %ne3A_1033 : vector<4x64x128xi32>
    %roll3A_1035 = arith.constant 1 : i32
    %roll3A_1036 = tpu.dynamic_rotate %select_n3A_1027 by %roll3A_1035 dim 2 : vector<4x64x128xf32>, i32 -> vector<4x64x128xf32>
    %roll3A_1037 = arith.constant 127 : i32
    %roll3A_1038 = tpu.dynamic_rotate %select_n3A_1027 by %roll3A_1037 dim 2 : vector<4x64x128xf32>, i32 -> vector<4x64x128xf32>
    %select_n3A_1039 = arith.select %ne3A_1034, %roll3A_1036, %roll3A_1038 : vector<4x64x128xi1>, vector<4x64x128xf32>
    %roll3A_1040 = arith.constant 1 : i32
    %roll3A_1041 = tpu.dynamic_rotate %select_n3A_1028 by %roll3A_1040 dim 2 : vector<4x64x128xi32>, i32 -> vector<4x64x128xi32>
    %roll3A_1042 = arith.constant 127 : i32
    %roll3A_1043 = tpu.dynamic_rotate %select_n3A_1028 by %roll3A_1042 dim 2 : vector<4x64x128xi32>, i32 -> vector<4x64x128xi32>
    %select_n3A_1044 = arith.select %ne3A_1034, %roll3A_1041, %roll3A_1043 : vector<4x64x128xi1>, vector<4x64x128xi32>
    %gt3A_1045 = arith.cmpf ogt, %select_n3A_1039, %select_n3A_1027 : vector<4x64x128xf32>
    %eq3A_1046 = arith.cmpf oeq, %select_n3A_1039, %select_n3A_1027 : vector<4x64x128xf32>
    %lt3A_1047 = arith.cmpi slt, %select_n3A_1044, %select_n3A_1028 : vector<4x64x128xi32>
    %and3A_1048 = arith.andi %eq3A_1046, %lt3A_1047 : vector<4x64x128xi1>
    %or3A_1049 = arith.ori %gt3A_1045, %and3A_1048 : vector<4x64x128xi1>
    %xor3A_1050 = arith.xori %or3A_1049, %ne3A_1034 : vector<4x64x128xi1>
    %xor3A_1051 = arith.xori %xor3A_1050, %ne3A_978 : vector<4x64x128xi1>
    %select_n3A_1052 = arith.select %xor3A_1051, %select_n3A_1039, %select_n3A_1027 : vector<4x64x128xi1>, vector<4x64x128xf32>
    %select_n3A_1053 = arith.select %xor3A_1051, %select_n3A_1044, %select_n3A_1028 : vector<4x64x128xi1>, vector<4x64x128xi32>
    %and3A_1054 = arith.constant 32 : i32
    %and3A_1055 = vector.broadcast %and3A_1054 : i32 to vector<4x64x128xi32>
    %and3A_1056 = arith.andi %add3A_21, %and3A_1055 : vector<4x64x128xi32>
    %ne3A_1057 = arith.constant 0 : i32
    %ne3A_1058 = vector.broadcast %ne3A_1057 : i32 to vector<4x64x128xi32>
    %ne3A_1059 = arith.cmpi ne, %and3A_1056, %ne3A_1058 : vector<4x64x128xi32>
    %roll3A_1060 = arith.constant 32 : i32
    %roll3A_1061 = tpu.dynamic_rotate %select_n3A_1052 by %roll3A_1060 dim 1 : vector<4x64x128xf32>, i32 -> vector<4x64x128xf32>
    %roll3A_1062 = arith.constant 32 : i32
    %roll3A_1063 = tpu.dynamic_rotate %select_n3A_1052 by %roll3A_1062 dim 1 : vector<4x64x128xf32>, i32 -> vector<4x64x128xf32>
    %select_n3A_1064 = arith.select %ne3A_1059, %roll3A_1061, %roll3A_1063 : vector<4x64x128xi1>, vector<4x64x128xf32>
    %roll3A_1065 = arith.constant 32 : i32
    %roll3A_1066 = tpu.dynamic_rotate %select_n3A_1053 by %roll3A_1065 dim 1 : vector<4x64x128xi32>, i32 -> vector<4x64x128xi32>
    %roll3A_1067 = arith.constant 32 : i32
    %roll3A_1068 = tpu.dynamic_rotate %select_n3A_1053 by %roll3A_1067 dim 1 : vector<4x64x128xi32>, i32 -> vector<4x64x128xi32>
    %select_n3A_1069 = arith.select %ne3A_1059, %roll3A_1066, %roll3A_1068 : vector<4x64x128xi1>, vector<4x64x128xi32>
    %gt3A_1070 = arith.cmpf ogt, %select_n3A_1064, %select_n3A_1052 : vector<4x64x128xf32>
    %eq3A_1071 = arith.cmpf oeq, %select_n3A_1064, %select_n3A_1052 : vector<4x64x128xf32>
    %lt3A_1072 = arith.cmpi slt, %select_n3A_1069, %select_n3A_1053 : vector<4x64x128xi32>
    %and3A_1073 = arith.andi %eq3A_1071, %lt3A_1072 : vector<4x64x128xi1>
    %or3A_1074 = arith.ori %gt3A_1070, %and3A_1073 : vector<4x64x128xi1>
    %xor3A_1075 = arith.xori %or3A_1074, %ne3A_1059 : vector<4x64x128xi1>
    %xor3A_1076 = arith.xori %xor3A_1075, %ne3A_978 : vector<4x64x128xi1>
    %select_n3A_1077 = arith.select %xor3A_1076, %select_n3A_1064, %select_n3A_1052 : vector<4x64x128xi1>, vector<4x64x128xf32>
    %select_n3A_1078 = arith.select %xor3A_1076, %select_n3A_1069, %select_n3A_1053 : vector<4x64x128xi1>, vector<4x64x128xi32>
    %and3A_1079 = arith.constant 16 : i32
    %and3A_1080 = vector.broadcast %and3A_1079 : i32 to vector<4x64x128xi32>
    %and3A_1081 = arith.andi %add3A_21, %and3A_1080 : vector<4x64x128xi32>
    %ne3A_1082 = arith.constant 0 : i32
    %ne3A_1083 = vector.broadcast %ne3A_1082 : i32 to vector<4x64x128xi32>
    %ne3A_1084 = arith.cmpi ne, %and3A_1081, %ne3A_1083 : vector<4x64x128xi32>
    %roll3A_1085 = arith.constant 16 : i32
    %roll3A_1086 = tpu.dynamic_rotate %select_n3A_1077 by %roll3A_1085 dim 1 : vector<4x64x128xf32>, i32 -> vector<4x64x128xf32>
    %roll3A_1087 = arith.constant 48 : i32
    %roll3A_1088 = tpu.dynamic_rotate %select_n3A_1077 by %roll3A_1087 dim 1 : vector<4x64x128xf32>, i32 -> vector<4x64x128xf32>
    %select_n3A_1089 = arith.select %ne3A_1084, %roll3A_1086, %roll3A_1088 : vector<4x64x128xi1>, vector<4x64x128xf32>
    %roll3A_1090 = arith.constant 16 : i32
    %roll3A_1091 = tpu.dynamic_rotate %select_n3A_1078 by %roll3A_1090 dim 1 : vector<4x64x128xi32>, i32 -> vector<4x64x128xi32>
    %roll3A_1092 = arith.constant 48 : i32
    %roll3A_1093 = tpu.dynamic_rotate %select_n3A_1078 by %roll3A_1092 dim 1 : vector<4x64x128xi32>, i32 -> vector<4x64x128xi32>
    %select_n3A_1094 = arith.select %ne3A_1084, %roll3A_1091, %roll3A_1093 : vector<4x64x128xi1>, vector<4x64x128xi32>
    %gt3A_1095 = arith.cmpf ogt, %select_n3A_1089, %select_n3A_1077 : vector<4x64x128xf32>
    %eq3A_1096 = arith.cmpf oeq, %select_n3A_1089, %select_n3A_1077 : vector<4x64x128xf32>
    %lt3A_1097 = arith.cmpi slt, %select_n3A_1094, %select_n3A_1078 : vector<4x64x128xi32>
    %and3A_1098 = arith.andi %eq3A_1096, %lt3A_1097 : vector<4x64x128xi1>
    %or3A_1099 = arith.ori %gt3A_1095, %and3A_1098 : vector<4x64x128xi1>
    %xor3A_1100 = arith.xori %or3A_1099, %ne3A_1084 : vector<4x64x128xi1>
    %xor3A_1101 = arith.xori %xor3A_1100, %ne3A_978 : vector<4x64x128xi1>
    %select_n3A_1102 = arith.select %xor3A_1101, %select_n3A_1089, %select_n3A_1077 : vector<4x64x128xi1>, vector<4x64x128xf32>
    %select_n3A_1103 = arith.select %xor3A_1101, %select_n3A_1094, %select_n3A_1078 : vector<4x64x128xi1>, vector<4x64x128xi32>
    %and3A_1104 = arith.constant 8 : i32
    %and3A_1105 = vector.broadcast %and3A_1104 : i32 to vector<4x64x128xi32>
    %and3A_1106 = arith.andi %add3A_21, %and3A_1105 : vector<4x64x128xi32>
    %ne3A_1107 = arith.constant 0 : i32
    %ne3A_1108 = vector.broadcast %ne3A_1107 : i32 to vector<4x64x128xi32>
    %ne3A_1109 = arith.cmpi ne, %and3A_1106, %ne3A_1108 : vector<4x64x128xi32>
    %roll3A_1110 = arith.constant 8 : i32
    %roll3A_1111 = tpu.dynamic_rotate %select_n3A_1102 by %roll3A_1110 dim 1 : vector<4x64x128xf32>, i32 -> vector<4x64x128xf32>
    %roll3A_1112 = arith.constant 56 : i32
    %roll3A_1113 = tpu.dynamic_rotate %select_n3A_1102 by %roll3A_1112 dim 1 : vector<4x64x128xf32>, i32 -> vector<4x64x128xf32>
    %select_n3A_1114 = arith.select %ne3A_1109, %roll3A_1111, %roll3A_1113 : vector<4x64x128xi1>, vector<4x64x128xf32>
    %roll3A_1115 = arith.constant 8 : i32
    %roll3A_1116 = tpu.dynamic_rotate %select_n3A_1103 by %roll3A_1115 dim 1 : vector<4x64x128xi32>, i32 -> vector<4x64x128xi32>
    %roll3A_1117 = arith.constant 56 : i32
    %roll3A_1118 = tpu.dynamic_rotate %select_n3A_1103 by %roll3A_1117 dim 1 : vector<4x64x128xi32>, i32 -> vector<4x64x128xi32>
    %select_n3A_1119 = arith.select %ne3A_1109, %roll3A_1116, %roll3A_1118 : vector<4x64x128xi1>, vector<4x64x128xi32>
    %gt3A_1120 = arith.cmpf ogt, %select_n3A_1114, %select_n3A_1102 : vector<4x64x128xf32>
    %eq3A_1121 = arith.cmpf oeq, %select_n3A_1114, %select_n3A_1102 : vector<4x64x128xf32>
    %lt3A_1122 = arith.cmpi slt, %select_n3A_1119, %select_n3A_1103 : vector<4x64x128xi32>
    %and3A_1123 = arith.andi %eq3A_1121, %lt3A_1122 : vector<4x64x128xi1>
    %or3A_1124 = arith.ori %gt3A_1120, %and3A_1123 : vector<4x64x128xi1>
    %xor3A_1125 = arith.xori %or3A_1124, %ne3A_1109 : vector<4x64x128xi1>
    %xor3A_1126 = arith.xori %xor3A_1125, %ne3A_978 : vector<4x64x128xi1>
    %select_n3A_1127 = arith.select %xor3A_1126, %select_n3A_1114, %select_n3A_1102 : vector<4x64x128xi1>, vector<4x64x128xf32>
    %select_n3A_1128 = arith.select %xor3A_1126, %select_n3A_1119, %select_n3A_1103 : vector<4x64x128xi1>, vector<4x64x128xi32>
    %and3A_1129 = arith.constant 4 : i32
    %and3A_1130 = vector.broadcast %and3A_1129 : i32 to vector<4x64x128xi32>
    %and3A_1131 = arith.andi %add3A_21, %and3A_1130 : vector<4x64x128xi32>
    %ne3A_1132 = arith.constant 0 : i32
    %ne3A_1133 = vector.broadcast %ne3A_1132 : i32 to vector<4x64x128xi32>
    %ne3A_1134 = arith.cmpi ne, %and3A_1131, %ne3A_1133 : vector<4x64x128xi32>
    %roll3A_1135 = arith.constant 4 : i32
    %roll3A_1136 = tpu.dynamic_rotate %select_n3A_1127 by %roll3A_1135 dim 1 : vector<4x64x128xf32>, i32 -> vector<4x64x128xf32>
    %roll3A_1137 = arith.constant 60 : i32
    %roll3A_1138 = tpu.dynamic_rotate %select_n3A_1127 by %roll3A_1137 dim 1 : vector<4x64x128xf32>, i32 -> vector<4x64x128xf32>
    %select_n3A_1139 = arith.select %ne3A_1134, %roll3A_1136, %roll3A_1138 : vector<4x64x128xi1>, vector<4x64x128xf32>
    %roll3A_1140 = arith.constant 4 : i32
    %roll3A_1141 = tpu.dynamic_rotate %select_n3A_1128 by %roll3A_1140 dim 1 : vector<4x64x128xi32>, i32 -> vector<4x64x128xi32>
    %roll3A_1142 = arith.constant 60 : i32
    %roll3A_1143 = tpu.dynamic_rotate %select_n3A_1128 by %roll3A_1142 dim 1 : vector<4x64x128xi32>, i32 -> vector<4x64x128xi32>
    %select_n3A_1144 = arith.select %ne3A_1134, %roll3A_1141, %roll3A_1143 : vector<4x64x128xi1>, vector<4x64x128xi32>
    %gt3A_1145 = arith.cmpf ogt, %select_n3A_1139, %select_n3A_1127 : vector<4x64x128xf32>
    %eq3A_1146 = arith.cmpf oeq, %select_n3A_1139, %select_n3A_1127 : vector<4x64x128xf32>
    %lt3A_1147 = arith.cmpi slt, %select_n3A_1144, %select_n3A_1128 : vector<4x64x128xi32>
    %and3A_1148 = arith.andi %eq3A_1146, %lt3A_1147 : vector<4x64x128xi1>
    %or3A_1149 = arith.ori %gt3A_1145, %and3A_1148 : vector<4x64x128xi1>
    %xor3A_1150 = arith.xori %or3A_1149, %ne3A_1134 : vector<4x64x128xi1>
    %xor3A_1151 = arith.xori %xor3A_1150, %ne3A_978 : vector<4x64x128xi1>
    %select_n3A_1152 = arith.select %xor3A_1151, %select_n3A_1139, %select_n3A_1127 : vector<4x64x128xi1>, vector<4x64x128xf32>
    %select_n3A_1153 = arith.select %xor3A_1151, %select_n3A_1144, %select_n3A_1128 : vector<4x64x128xi1>, vector<4x64x128xi32>
    %and3A_1154 = arith.constant 2 : i32
    %and3A_1155 = vector.broadcast %and3A_1154 : i32 to vector<4x64x128xi32>
    %and3A_1156 = arith.andi %add3A_21, %and3A_1155 : vector<4x64x128xi32>
    %ne3A_1157 = arith.constant 0 : i32
    %ne3A_1158 = vector.broadcast %ne3A_1157 : i32 to vector<4x64x128xi32>
    %ne3A_1159 = arith.cmpi ne, %and3A_1156, %ne3A_1158 : vector<4x64x128xi32>
    %roll3A_1160 = arith.constant 2 : i32
    %roll3A_1161 = tpu.dynamic_rotate %select_n3A_1152 by %roll3A_1160 dim 1 : vector<4x64x128xf32>, i32 -> vector<4x64x128xf32>
    %roll3A_1162 = arith.constant 62 : i32
    %roll3A_1163 = tpu.dynamic_rotate %select_n3A_1152 by %roll3A_1162 dim 1 : vector<4x64x128xf32>, i32 -> vector<4x64x128xf32>
    %select_n3A_1164 = arith.select %ne3A_1159, %roll3A_1161, %roll3A_1163 : vector<4x64x128xi1>, vector<4x64x128xf32>
    %roll3A_1165 = arith.constant 2 : i32
    %roll3A_1166 = tpu.dynamic_rotate %select_n3A_1153 by %roll3A_1165 dim 1 : vector<4x64x128xi32>, i32 -> vector<4x64x128xi32>
    %roll3A_1167 = arith.constant 62 : i32
    %roll3A_1168 = tpu.dynamic_rotate %select_n3A_1153 by %roll3A_1167 dim 1 : vector<4x64x128xi32>, i32 -> vector<4x64x128xi32>
    %select_n3A_1169 = arith.select %ne3A_1159, %roll3A_1166, %roll3A_1168 : vector<4x64x128xi1>, vector<4x64x128xi32>
    %gt3A_1170 = arith.cmpf ogt, %select_n3A_1164, %select_n3A_1152 : vector<4x64x128xf32>
    %eq3A_1171 = arith.cmpf oeq, %select_n3A_1164, %select_n3A_1152 : vector<4x64x128xf32>
    %lt3A_1172 = arith.cmpi slt, %select_n3A_1169, %select_n3A_1153 : vector<4x64x128xi32>
    %and3A_1173 = arith.andi %eq3A_1171, %lt3A_1172 : vector<4x64x128xi1>
    %or3A_1174 = arith.ori %gt3A_1170, %and3A_1173 : vector<4x64x128xi1>
    %xor3A_1175 = arith.xori %or3A_1174, %ne3A_1159 : vector<4x64x128xi1>
    %xor3A_1176 = arith.xori %xor3A_1175, %ne3A_978 : vector<4x64x128xi1>
    %select_n3A_1177 = arith.select %xor3A_1176, %select_n3A_1164, %select_n3A_1152 : vector<4x64x128xi1>, vector<4x64x128xf32>
    %select_n3A_1178 = arith.select %xor3A_1176, %select_n3A_1169, %select_n3A_1153 : vector<4x64x128xi1>, vector<4x64x128xi32>
    %and3A_1179 = arith.constant 1 : i32
    %and3A_1180 = vector.broadcast %and3A_1179 : i32 to vector<4x64x128xi32>
    %and3A_1181 = arith.andi %add3A_21, %and3A_1180 : vector<4x64x128xi32>
    %ne3A_1182 = arith.constant 0 : i32
    %ne3A_1183 = vector.broadcast %ne3A_1182 : i32 to vector<4x64x128xi32>
    %ne3A_1184 = arith.cmpi ne, %and3A_1181, %ne3A_1183 : vector<4x64x128xi32>
    %roll3A_1185 = arith.constant 1 : i32
    %roll3A_1186 = tpu.dynamic_rotate %select_n3A_1177 by %roll3A_1185 dim 1 : vector<4x64x128xf32>, i32 -> vector<4x64x128xf32>
    %roll3A_1187 = arith.constant 63 : i32
    %roll3A_1188 = tpu.dynamic_rotate %select_n3A_1177 by %roll3A_1187 dim 1 : vector<4x64x128xf32>, i32 -> vector<4x64x128xf32>
    %select_n3A_1189 = arith.select %ne3A_1184, %roll3A_1186, %roll3A_1188 : vector<4x64x128xi1>, vector<4x64x128xf32>
    %roll3A_1190 = arith.constant 1 : i32
    %roll3A_1191 = tpu.dynamic_rotate %select_n3A_1178 by %roll3A_1190 dim 1 : vector<4x64x128xi32>, i32 -> vector<4x64x128xi32>
    %roll3A_1192 = arith.constant 63 : i32
    %roll3A_1193 = tpu.dynamic_rotate %select_n3A_1178 by %roll3A_1192 dim 1 : vector<4x64x128xi32>, i32 -> vector<4x64x128xi32>
    %select_n3A_1194 = arith.select %ne3A_1184, %roll3A_1191, %roll3A_1193 : vector<4x64x128xi1>, vector<4x64x128xi32>
    %gt3A_1195 = arith.cmpf ogt, %select_n3A_1189, %select_n3A_1177 : vector<4x64x128xf32>
    %eq3A_1196 = arith.cmpf oeq, %select_n3A_1189, %select_n3A_1177 : vector<4x64x128xf32>
    %lt3A_1197 = arith.cmpi slt, %select_n3A_1194, %select_n3A_1178 : vector<4x64x128xi32>
    %and3A_1198 = arith.andi %eq3A_1196, %lt3A_1197 : vector<4x64x128xi1>
    %or3A_1199 = arith.ori %gt3A_1195, %and3A_1198 : vector<4x64x128xi1>
    %xor3A_1200 = arith.xori %or3A_1199, %ne3A_1184 : vector<4x64x128xi1>
    %xor3A_1201 = arith.xori %xor3A_1200, %ne3A_978 : vector<4x64x128xi1>
    %select_n3A_1202 = arith.select %xor3A_1201, %select_n3A_1189, %select_n3A_1177 : vector<4x64x128xi1>, vector<4x64x128xf32>
    %select_n3A_1203 = arith.select %xor3A_1201, %select_n3A_1194, %select_n3A_1178 : vector<4x64x128xi1>, vector<4x64x128xi32>
    %and3A_1204 = arith.constant 1024 : i32
    %and3A_1205 = vector.broadcast %and3A_1204 : i32 to vector<4x64x128xi32>
    %and3A_1206 = arith.andi %add3A_21, %and3A_1205 : vector<4x64x128xi32>
    %ne3A_1207 = arith.constant 0 : i32
    %ne3A_1208 = vector.broadcast %ne3A_1207 : i32 to vector<4x64x128xi32>
    %ne3A_1209 = arith.cmpi ne, %and3A_1206, %ne3A_1208 : vector<4x64x128xi32>
    %and3A_1210 = arith.constant 512 : i32
    %and3A_1211 = vector.broadcast %and3A_1210 : i32 to vector<4x64x128xi32>
    %and3A_1212 = arith.andi %add3A_21, %and3A_1211 : vector<4x64x128xi32>
    %ne3A_1213 = arith.constant 0 : i32
    %ne3A_1214 = vector.broadcast %ne3A_1213 : i32 to vector<4x64x128xi32>
    %ne3A_1215 = arith.cmpi ne, %and3A_1212, %ne3A_1214 : vector<4x64x128xi32>
    %roll3A_1216 = arith.constant 8 : i32
    %roll3A_1217 = tpu.dynamic_rotate %select_n3A_1202 by %roll3A_1216 dim 2 : vector<4x64x128xf32>, i32 -> vector<4x64x128xf32>
    %roll3A_1218 = arith.constant 120 : i32
    %roll3A_1219 = tpu.dynamic_rotate %select_n3A_1202 by %roll3A_1218 dim 2 : vector<4x64x128xf32>, i32 -> vector<4x64x128xf32>
    %select_n3A_1220 = arith.select %ne3A_1215, %roll3A_1217, %roll3A_1219 : vector<4x64x128xi1>, vector<4x64x128xf32>
    %roll3A_1221 = arith.constant 8 : i32
    %roll3A_1222 = tpu.dynamic_rotate %select_n3A_1203 by %roll3A_1221 dim 2 : vector<4x64x128xi32>, i32 -> vector<4x64x128xi32>
    %roll3A_1223 = arith.constant 120 : i32
    %roll3A_1224 = tpu.dynamic_rotate %select_n3A_1203 by %roll3A_1223 dim 2 : vector<4x64x128xi32>, i32 -> vector<4x64x128xi32>
    %select_n3A_1225 = arith.select %ne3A_1215, %roll3A_1222, %roll3A_1224 : vector<4x64x128xi1>, vector<4x64x128xi32>
    %gt3A_1226 = arith.cmpf ogt, %select_n3A_1220, %select_n3A_1202 : vector<4x64x128xf32>
    %eq3A_1227 = arith.cmpf oeq, %select_n3A_1220, %select_n3A_1202 : vector<4x64x128xf32>
    %lt3A_1228 = arith.cmpi slt, %select_n3A_1225, %select_n3A_1203 : vector<4x64x128xi32>
    %and3A_1229 = arith.andi %eq3A_1227, %lt3A_1228 : vector<4x64x128xi1>
    %or3A_1230 = arith.ori %gt3A_1226, %and3A_1229 : vector<4x64x128xi1>
    %xor3A_1231 = arith.xori %or3A_1230, %ne3A_1215 : vector<4x64x128xi1>
    %xor3A_1232 = arith.xori %xor3A_1231, %ne3A_1209 : vector<4x64x128xi1>
    %select_n3A_1233 = arith.select %xor3A_1232, %select_n3A_1220, %select_n3A_1202 : vector<4x64x128xi1>, vector<4x64x128xf32>
    %select_n3A_1234 = arith.select %xor3A_1232, %select_n3A_1225, %select_n3A_1203 : vector<4x64x128xi1>, vector<4x64x128xi32>
    %and3A_1235 = arith.constant 256 : i32
    %and3A_1236 = vector.broadcast %and3A_1235 : i32 to vector<4x64x128xi32>
    %and3A_1237 = arith.andi %add3A_21, %and3A_1236 : vector<4x64x128xi32>
    %ne3A_1238 = arith.constant 0 : i32
    %ne3A_1239 = vector.broadcast %ne3A_1238 : i32 to vector<4x64x128xi32>
    %ne3A_1240 = arith.cmpi ne, %and3A_1237, %ne3A_1239 : vector<4x64x128xi32>
    %roll3A_1241 = arith.constant 4 : i32
    %roll3A_1242 = tpu.dynamic_rotate %select_n3A_1233 by %roll3A_1241 dim 2 : vector<4x64x128xf32>, i32 -> vector<4x64x128xf32>
    %roll3A_1243 = arith.constant 124 : i32
    %roll3A_1244 = tpu.dynamic_rotate %select_n3A_1233 by %roll3A_1243 dim 2 : vector<4x64x128xf32>, i32 -> vector<4x64x128xf32>
    %select_n3A_1245 = arith.select %ne3A_1240, %roll3A_1242, %roll3A_1244 : vector<4x64x128xi1>, vector<4x64x128xf32>
    %roll3A_1246 = arith.constant 4 : i32
    %roll3A_1247 = tpu.dynamic_rotate %select_n3A_1234 by %roll3A_1246 dim 2 : vector<4x64x128xi32>, i32 -> vector<4x64x128xi32>
    %roll3A_1248 = arith.constant 124 : i32
    %roll3A_1249 = tpu.dynamic_rotate %select_n3A_1234 by %roll3A_1248 dim 2 : vector<4x64x128xi32>, i32 -> vector<4x64x128xi32>
    %select_n3A_1250 = arith.select %ne3A_1240, %roll3A_1247, %roll3A_1249 : vector<4x64x128xi1>, vector<4x64x128xi32>
    %gt3A_1251 = arith.cmpf ogt, %select_n3A_1245, %select_n3A_1233 : vector<4x64x128xf32>
    %eq3A_1252 = arith.cmpf oeq, %select_n3A_1245, %select_n3A_1233 : vector<4x64x128xf32>
    %lt3A_1253 = arith.cmpi slt, %select_n3A_1250, %select_n3A_1234 : vector<4x64x128xi32>
    %and3A_1254 = arith.andi %eq3A_1252, %lt3A_1253 : vector<4x64x128xi1>
    %or3A_1255 = arith.ori %gt3A_1251, %and3A_1254 : vector<4x64x128xi1>
    %xor3A_1256 = arith.xori %or3A_1255, %ne3A_1240 : vector<4x64x128xi1>
    %xor3A_1257 = arith.xori %xor3A_1256, %ne3A_1209 : vector<4x64x128xi1>
    %select_n3A_1258 = arith.select %xor3A_1257, %select_n3A_1245, %select_n3A_1233 : vector<4x64x128xi1>, vector<4x64x128xf32>
    %select_n3A_1259 = arith.select %xor3A_1257, %select_n3A_1250, %select_n3A_1234 : vector<4x64x128xi1>, vector<4x64x128xi32>
    %and3A_1260 = arith.constant 128 : i32
    %and3A_1261 = vector.broadcast %and3A_1260 : i32 to vector<4x64x128xi32>
    %and3A_1262 = arith.andi %add3A_21, %and3A_1261 : vector<4x64x128xi32>
    %ne3A_1263 = arith.constant 0 : i32
    %ne3A_1264 = vector.broadcast %ne3A_1263 : i32 to vector<4x64x128xi32>
    %ne3A_1265 = arith.cmpi ne, %and3A_1262, %ne3A_1264 : vector<4x64x128xi32>
    %roll3A_1266 = arith.constant 2 : i32
    %roll3A_1267 = tpu.dynamic_rotate %select_n3A_1258 by %roll3A_1266 dim 2 : vector<4x64x128xf32>, i32 -> vector<4x64x128xf32>
    %roll3A_1268 = arith.constant 126 : i32
    %roll3A_1269 = tpu.dynamic_rotate %select_n3A_1258 by %roll3A_1268 dim 2 : vector<4x64x128xf32>, i32 -> vector<4x64x128xf32>
    %select_n3A_1270 = arith.select %ne3A_1265, %roll3A_1267, %roll3A_1269 : vector<4x64x128xi1>, vector<4x64x128xf32>
    %roll3A_1271 = arith.constant 2 : i32
    %roll3A_1272 = tpu.dynamic_rotate %select_n3A_1259 by %roll3A_1271 dim 2 : vector<4x64x128xi32>, i32 -> vector<4x64x128xi32>
    %roll3A_1273 = arith.constant 126 : i32
    %roll3A_1274 = tpu.dynamic_rotate %select_n3A_1259 by %roll3A_1273 dim 2 : vector<4x64x128xi32>, i32 -> vector<4x64x128xi32>
    %select_n3A_1275 = arith.select %ne3A_1265, %roll3A_1272, %roll3A_1274 : vector<4x64x128xi1>, vector<4x64x128xi32>
    %gt3A_1276 = arith.cmpf ogt, %select_n3A_1270, %select_n3A_1258 : vector<4x64x128xf32>
    %eq3A_1277 = arith.cmpf oeq, %select_n3A_1270, %select_n3A_1258 : vector<4x64x128xf32>
    %lt3A_1278 = arith.cmpi slt, %select_n3A_1275, %select_n3A_1259 : vector<4x64x128xi32>
    %and3A_1279 = arith.andi %eq3A_1277, %lt3A_1278 : vector<4x64x128xi1>
    %or3A_1280 = arith.ori %gt3A_1276, %and3A_1279 : vector<4x64x128xi1>
    %xor3A_1281 = arith.xori %or3A_1280, %ne3A_1265 : vector<4x64x128xi1>
    %xor3A_1282 = arith.xori %xor3A_1281, %ne3A_1209 : vector<4x64x128xi1>
    %select_n3A_1283 = arith.select %xor3A_1282, %select_n3A_1270, %select_n3A_1258 : vector<4x64x128xi1>, vector<4x64x128xf32>
    %select_n3A_1284 = arith.select %xor3A_1282, %select_n3A_1275, %select_n3A_1259 : vector<4x64x128xi1>, vector<4x64x128xi32>
    %and3A_1285 = arith.constant 64 : i32
    %and3A_1286 = vector.broadcast %and3A_1285 : i32 to vector<4x64x128xi32>
    %and3A_1287 = arith.andi %add3A_21, %and3A_1286 : vector<4x64x128xi32>
    %ne3A_1288 = arith.constant 0 : i32
    %ne3A_1289 = vector.broadcast %ne3A_1288 : i32 to vector<4x64x128xi32>
    %ne3A_1290 = arith.cmpi ne, %and3A_1287, %ne3A_1289 : vector<4x64x128xi32>
    %roll3A_1291 = arith.constant 1 : i32
    %roll3A_1292 = tpu.dynamic_rotate %select_n3A_1283 by %roll3A_1291 dim 2 : vector<4x64x128xf32>, i32 -> vector<4x64x128xf32>
    %roll3A_1293 = arith.constant 127 : i32
    %roll3A_1294 = tpu.dynamic_rotate %select_n3A_1283 by %roll3A_1293 dim 2 : vector<4x64x128xf32>, i32 -> vector<4x64x128xf32>
    %select_n3A_1295 = arith.select %ne3A_1290, %roll3A_1292, %roll3A_1294 : vector<4x64x128xi1>, vector<4x64x128xf32>
    %roll3A_1296 = arith.constant 1 : i32
    %roll3A_1297 = tpu.dynamic_rotate %select_n3A_1284 by %roll3A_1296 dim 2 : vector<4x64x128xi32>, i32 -> vector<4x64x128xi32>
    %roll3A_1298 = arith.constant 127 : i32
    %roll3A_1299 = tpu.dynamic_rotate %select_n3A_1284 by %roll3A_1298 dim 2 : vector<4x64x128xi32>, i32 -> vector<4x64x128xi32>
    %select_n3A_1300 = arith.select %ne3A_1290, %roll3A_1297, %roll3A_1299 : vector<4x64x128xi1>, vector<4x64x128xi32>
    %gt3A_1301 = arith.cmpf ogt, %select_n3A_1295, %select_n3A_1283 : vector<4x64x128xf32>
    %eq3A_1302 = arith.cmpf oeq, %select_n3A_1295, %select_n3A_1283 : vector<4x64x128xf32>
    %lt3A_1303 = arith.cmpi slt, %select_n3A_1300, %select_n3A_1284 : vector<4x64x128xi32>
    %and3A_1304 = arith.andi %eq3A_1302, %lt3A_1303 : vector<4x64x128xi1>
    %or3A_1305 = arith.ori %gt3A_1301, %and3A_1304 : vector<4x64x128xi1>
    %xor3A_1306 = arith.xori %or3A_1305, %ne3A_1290 : vector<4x64x128xi1>
    %xor3A_1307 = arith.xori %xor3A_1306, %ne3A_1209 : vector<4x64x128xi1>
    %select_n3A_1308 = arith.select %xor3A_1307, %select_n3A_1295, %select_n3A_1283 : vector<4x64x128xi1>, vector<4x64x128xf32>
    %select_n3A_1309 = arith.select %xor3A_1307, %select_n3A_1300, %select_n3A_1284 : vector<4x64x128xi1>, vector<4x64x128xi32>
    %and3A_1310 = arith.constant 32 : i32
    %and3A_1311 = vector.broadcast %and3A_1310 : i32 to vector<4x64x128xi32>
    %and3A_1312 = arith.andi %add3A_21, %and3A_1311 : vector<4x64x128xi32>
    %ne3A_1313 = arith.constant 0 : i32
    %ne3A_1314 = vector.broadcast %ne3A_1313 : i32 to vector<4x64x128xi32>
    %ne3A_1315 = arith.cmpi ne, %and3A_1312, %ne3A_1314 : vector<4x64x128xi32>
    %roll3A_1316 = arith.constant 32 : i32
    %roll3A_1317 = tpu.dynamic_rotate %select_n3A_1308 by %roll3A_1316 dim 1 : vector<4x64x128xf32>, i32 -> vector<4x64x128xf32>
    %roll3A_1318 = arith.constant 32 : i32
    %roll3A_1319 = tpu.dynamic_rotate %select_n3A_1308 by %roll3A_1318 dim 1 : vector<4x64x128xf32>, i32 -> vector<4x64x128xf32>
    %select_n3A_1320 = arith.select %ne3A_1315, %roll3A_1317, %roll3A_1319 : vector<4x64x128xi1>, vector<4x64x128xf32>
    %roll3A_1321 = arith.constant 32 : i32
    %roll3A_1322 = tpu.dynamic_rotate %select_n3A_1309 by %roll3A_1321 dim 1 : vector<4x64x128xi32>, i32 -> vector<4x64x128xi32>
    %roll3A_1323 = arith.constant 32 : i32
    %roll3A_1324 = tpu.dynamic_rotate %select_n3A_1309 by %roll3A_1323 dim 1 : vector<4x64x128xi32>, i32 -> vector<4x64x128xi32>
    %select_n3A_1325 = arith.select %ne3A_1315, %roll3A_1322, %roll3A_1324 : vector<4x64x128xi1>, vector<4x64x128xi32>
    %gt3A_1326 = arith.cmpf ogt, %select_n3A_1320, %select_n3A_1308 : vector<4x64x128xf32>
    %eq3A_1327 = arith.cmpf oeq, %select_n3A_1320, %select_n3A_1308 : vector<4x64x128xf32>
    %lt3A_1328 = arith.cmpi slt, %select_n3A_1325, %select_n3A_1309 : vector<4x64x128xi32>
    %and3A_1329 = arith.andi %eq3A_1327, %lt3A_1328 : vector<4x64x128xi1>
    %or3A_1330 = arith.ori %gt3A_1326, %and3A_1329 : vector<4x64x128xi1>
    %xor3A_1331 = arith.xori %or3A_1330, %ne3A_1315 : vector<4x64x128xi1>
    %xor3A_1332 = arith.xori %xor3A_1331, %ne3A_1209 : vector<4x64x128xi1>
    %select_n3A_1333 = arith.select %xor3A_1332, %select_n3A_1320, %select_n3A_1308 : vector<4x64x128xi1>, vector<4x64x128xf32>
    %select_n3A_1334 = arith.select %xor3A_1332, %select_n3A_1325, %select_n3A_1309 : vector<4x64x128xi1>, vector<4x64x128xi32>
    %and3A_1335 = arith.constant 16 : i32
    %and3A_1336 = vector.broadcast %and3A_1335 : i32 to vector<4x64x128xi32>
    %and3A_1337 = arith.andi %add3A_21, %and3A_1336 : vector<4x64x128xi32>
    %ne3A_1338 = arith.constant 0 : i32
    %ne3A_1339 = vector.broadcast %ne3A_1338 : i32 to vector<4x64x128xi32>
    %ne3A_1340 = arith.cmpi ne, %and3A_1337, %ne3A_1339 : vector<4x64x128xi32>
    %roll3A_1341 = arith.constant 16 : i32
    %roll3A_1342 = tpu.dynamic_rotate %select_n3A_1333 by %roll3A_1341 dim 1 : vector<4x64x128xf32>, i32 -> vector<4x64x128xf32>
    %roll3A_1343 = arith.constant 48 : i32
    %roll3A_1344 = tpu.dynamic_rotate %select_n3A_1333 by %roll3A_1343 dim 1 : vector<4x64x128xf32>, i32 -> vector<4x64x128xf32>
    %select_n3A_1345 = arith.select %ne3A_1340, %roll3A_1342, %roll3A_1344 : vector<4x64x128xi1>, vector<4x64x128xf32>
    %roll3A_1346 = arith.constant 16 : i32
    %roll3A_1347 = tpu.dynamic_rotate %select_n3A_1334 by %roll3A_1346 dim 1 : vector<4x64x128xi32>, i32 -> vector<4x64x128xi32>
    %roll3A_1348 = arith.constant 48 : i32
    %roll3A_1349 = tpu.dynamic_rotate %select_n3A_1334 by %roll3A_1348 dim 1 : vector<4x64x128xi32>, i32 -> vector<4x64x128xi32>
    %select_n3A_1350 = arith.select %ne3A_1340, %roll3A_1347, %roll3A_1349 : vector<4x64x128xi1>, vector<4x64x128xi32>
    %gt3A_1351 = arith.cmpf ogt, %select_n3A_1345, %select_n3A_1333 : vector<4x64x128xf32>
    %eq3A_1352 = arith.cmpf oeq, %select_n3A_1345, %select_n3A_1333 : vector<4x64x128xf32>
    %lt3A_1353 = arith.cmpi slt, %select_n3A_1350, %select_n3A_1334 : vector<4x64x128xi32>
    %and3A_1354 = arith.andi %eq3A_1352, %lt3A_1353 : vector<4x64x128xi1>
    %or3A_1355 = arith.ori %gt3A_1351, %and3A_1354 : vector<4x64x128xi1>
    %xor3A_1356 = arith.xori %or3A_1355, %ne3A_1340 : vector<4x64x128xi1>
    %xor3A_1357 = arith.xori %xor3A_1356, %ne3A_1209 : vector<4x64x128xi1>
    %select_n3A_1358 = arith.select %xor3A_1357, %select_n3A_1345, %select_n3A_1333 : vector<4x64x128xi1>, vector<4x64x128xf32>
    %select_n3A_1359 = arith.select %xor3A_1357, %select_n3A_1350, %select_n3A_1334 : vector<4x64x128xi1>, vector<4x64x128xi32>
    %and3A_1360 = arith.constant 8 : i32
    %and3A_1361 = vector.broadcast %and3A_1360 : i32 to vector<4x64x128xi32>
    %and3A_1362 = arith.andi %add3A_21, %and3A_1361 : vector<4x64x128xi32>
    %ne3A_1363 = arith.constant 0 : i32
    %ne3A_1364 = vector.broadcast %ne3A_1363 : i32 to vector<4x64x128xi32>
    %ne3A_1365 = arith.cmpi ne, %and3A_1362, %ne3A_1364 : vector<4x64x128xi32>
    %roll3A_1366 = arith.constant 8 : i32
    %roll3A_1367 = tpu.dynamic_rotate %select_n3A_1358 by %roll3A_1366 dim 1 : vector<4x64x128xf32>, i32 -> vector<4x64x128xf32>
    %roll3A_1368 = arith.constant 56 : i32
    %roll3A_1369 = tpu.dynamic_rotate %select_n3A_1358 by %roll3A_1368 dim 1 : vector<4x64x128xf32>, i32 -> vector<4x64x128xf32>
    %select_n3A_1370 = arith.select %ne3A_1365, %roll3A_1367, %roll3A_1369 : vector<4x64x128xi1>, vector<4x64x128xf32>
    %roll3A_1371 = arith.constant 8 : i32
    %roll3A_1372 = tpu.dynamic_rotate %select_n3A_1359 by %roll3A_1371 dim 1 : vector<4x64x128xi32>, i32 -> vector<4x64x128xi32>
    %roll3A_1373 = arith.constant 56 : i32
    %roll3A_1374 = tpu.dynamic_rotate %select_n3A_1359 by %roll3A_1373 dim 1 : vector<4x64x128xi32>, i32 -> vector<4x64x128xi32>
    %select_n3A_1375 = arith.select %ne3A_1365, %roll3A_1372, %roll3A_1374 : vector<4x64x128xi1>, vector<4x64x128xi32>
    %gt3A_1376 = arith.cmpf ogt, %select_n3A_1370, %select_n3A_1358 : vector<4x64x128xf32>
    %eq3A_1377 = arith.cmpf oeq, %select_n3A_1370, %select_n3A_1358 : vector<4x64x128xf32>
    %lt3A_1378 = arith.cmpi slt, %select_n3A_1375, %select_n3A_1359 : vector<4x64x128xi32>
    %and3A_1379 = arith.andi %eq3A_1377, %lt3A_1378 : vector<4x64x128xi1>
    %or3A_1380 = arith.ori %gt3A_1376, %and3A_1379 : vector<4x64x128xi1>
    %xor3A_1381 = arith.xori %or3A_1380, %ne3A_1365 : vector<4x64x128xi1>
    %xor3A_1382 = arith.xori %xor3A_1381, %ne3A_1209 : vector<4x64x128xi1>
    %select_n3A_1383 = arith.select %xor3A_1382, %select_n3A_1370, %select_n3A_1358 : vector<4x64x128xi1>, vector<4x64x128xf32>
    %select_n3A_1384 = arith.select %xor3A_1382, %select_n3A_1375, %select_n3A_1359 : vector<4x64x128xi1>, vector<4x64x128xi32>
    %and3A_1385 = arith.constant 4 : i32
    %and3A_1386 = vector.broadcast %and3A_1385 : i32 to vector<4x64x128xi32>
    %and3A_1387 = arith.andi %add3A_21, %and3A_1386 : vector<4x64x128xi32>
    %ne3A_1388 = arith.constant 0 : i32
    %ne3A_1389 = vector.broadcast %ne3A_1388 : i32 to vector<4x64x128xi32>
    %ne3A_1390 = arith.cmpi ne, %and3A_1387, %ne3A_1389 : vector<4x64x128xi32>
    %roll3A_1391 = arith.constant 4 : i32
    %roll3A_1392 = tpu.dynamic_rotate %select_n3A_1383 by %roll3A_1391 dim 1 : vector<4x64x128xf32>, i32 -> vector<4x64x128xf32>
    %roll3A_1393 = arith.constant 60 : i32
    %roll3A_1394 = tpu.dynamic_rotate %select_n3A_1383 by %roll3A_1393 dim 1 : vector<4x64x128xf32>, i32 -> vector<4x64x128xf32>
    %select_n3A_1395 = arith.select %ne3A_1390, %roll3A_1392, %roll3A_1394 : vector<4x64x128xi1>, vector<4x64x128xf32>
    %roll3A_1396 = arith.constant 4 : i32
    %roll3A_1397 = tpu.dynamic_rotate %select_n3A_1384 by %roll3A_1396 dim 1 : vector<4x64x128xi32>, i32 -> vector<4x64x128xi32>
    %roll3A_1398 = arith.constant 60 : i32
    %roll3A_1399 = tpu.dynamic_rotate %select_n3A_1384 by %roll3A_1398 dim 1 : vector<4x64x128xi32>, i32 -> vector<4x64x128xi32>
    %select_n3A_1400 = arith.select %ne3A_1390, %roll3A_1397, %roll3A_1399 : vector<4x64x128xi1>, vector<4x64x128xi32>
    %gt3A_1401 = arith.cmpf ogt, %select_n3A_1395, %select_n3A_1383 : vector<4x64x128xf32>
    %eq3A_1402 = arith.cmpf oeq, %select_n3A_1395, %select_n3A_1383 : vector<4x64x128xf32>
    %lt3A_1403 = arith.cmpi slt, %select_n3A_1400, %select_n3A_1384 : vector<4x64x128xi32>
    %and3A_1404 = arith.andi %eq3A_1402, %lt3A_1403 : vector<4x64x128xi1>
    %or3A_1405 = arith.ori %gt3A_1401, %and3A_1404 : vector<4x64x128xi1>
    %xor3A_1406 = arith.xori %or3A_1405, %ne3A_1390 : vector<4x64x128xi1>
    %xor3A_1407 = arith.xori %xor3A_1406, %ne3A_1209 : vector<4x64x128xi1>
    %select_n3A_1408 = arith.select %xor3A_1407, %select_n3A_1395, %select_n3A_1383 : vector<4x64x128xi1>, vector<4x64x128xf32>
    %select_n3A_1409 = arith.select %xor3A_1407, %select_n3A_1400, %select_n3A_1384 : vector<4x64x128xi1>, vector<4x64x128xi32>
    %and3A_1410 = arith.constant 2 : i32
    %and3A_1411 = vector.broadcast %and3A_1410 : i32 to vector<4x64x128xi32>
    %and3A_1412 = arith.andi %add3A_21, %and3A_1411 : vector<4x64x128xi32>
    %ne3A_1413 = arith.constant 0 : i32
    %ne3A_1414 = vector.broadcast %ne3A_1413 : i32 to vector<4x64x128xi32>
    %ne3A_1415 = arith.cmpi ne, %and3A_1412, %ne3A_1414 : vector<4x64x128xi32>
    %roll3A_1416 = arith.constant 2 : i32
    %roll3A_1417 = tpu.dynamic_rotate %select_n3A_1408 by %roll3A_1416 dim 1 : vector<4x64x128xf32>, i32 -> vector<4x64x128xf32>
    %roll3A_1418 = arith.constant 62 : i32
    %roll3A_1419 = tpu.dynamic_rotate %select_n3A_1408 by %roll3A_1418 dim 1 : vector<4x64x128xf32>, i32 -> vector<4x64x128xf32>
    %select_n3A_1420 = arith.select %ne3A_1415, %roll3A_1417, %roll3A_1419 : vector<4x64x128xi1>, vector<4x64x128xf32>
    %roll3A_1421 = arith.constant 2 : i32
    %roll3A_1422 = tpu.dynamic_rotate %select_n3A_1409 by %roll3A_1421 dim 1 : vector<4x64x128xi32>, i32 -> vector<4x64x128xi32>
    %roll3A_1423 = arith.constant 62 : i32
    %roll3A_1424 = tpu.dynamic_rotate %select_n3A_1409 by %roll3A_1423 dim 1 : vector<4x64x128xi32>, i32 -> vector<4x64x128xi32>
    %select_n3A_1425 = arith.select %ne3A_1415, %roll3A_1422, %roll3A_1424 : vector<4x64x128xi1>, vector<4x64x128xi32>
    %gt3A_1426 = arith.cmpf ogt, %select_n3A_1420, %select_n3A_1408 : vector<4x64x128xf32>
    %eq3A_1427 = arith.cmpf oeq, %select_n3A_1420, %select_n3A_1408 : vector<4x64x128xf32>
    %lt3A_1428 = arith.cmpi slt, %select_n3A_1425, %select_n3A_1409 : vector<4x64x128xi32>
    %and3A_1429 = arith.andi %eq3A_1427, %lt3A_1428 : vector<4x64x128xi1>
    %or3A_1430 = arith.ori %gt3A_1426, %and3A_1429 : vector<4x64x128xi1>
    %xor3A_1431 = arith.xori %or3A_1430, %ne3A_1415 : vector<4x64x128xi1>
    %xor3A_1432 = arith.xori %xor3A_1431, %ne3A_1209 : vector<4x64x128xi1>
    %select_n3A_1433 = arith.select %xor3A_1432, %select_n3A_1420, %select_n3A_1408 : vector<4x64x128xi1>, vector<4x64x128xf32>
    %select_n3A_1434 = arith.select %xor3A_1432, %select_n3A_1425, %select_n3A_1409 : vector<4x64x128xi1>, vector<4x64x128xi32>
    %and3A_1435 = arith.constant 1 : i32
    %and3A_1436 = vector.broadcast %and3A_1435 : i32 to vector<4x64x128xi32>
    %and3A_1437 = arith.andi %add3A_21, %and3A_1436 : vector<4x64x128xi32>
    %ne3A_1438 = arith.constant 0 : i32
    %ne3A_1439 = vector.broadcast %ne3A_1438 : i32 to vector<4x64x128xi32>
    %ne3A_1440 = arith.cmpi ne, %and3A_1437, %ne3A_1439 : vector<4x64x128xi32>
    %roll3A_1441 = arith.constant 1 : i32
    %roll3A_1442 = tpu.dynamic_rotate %select_n3A_1433 by %roll3A_1441 dim 1 : vector<4x64x128xf32>, i32 -> vector<4x64x128xf32>
    %roll3A_1443 = arith.constant 63 : i32
    %roll3A_1444 = tpu.dynamic_rotate %select_n3A_1433 by %roll3A_1443 dim 1 : vector<4x64x128xf32>, i32 -> vector<4x64x128xf32>
    %select_n3A_1445 = arith.select %ne3A_1440, %roll3A_1442, %roll3A_1444 : vector<4x64x128xi1>, vector<4x64x128xf32>
    %roll3A_1446 = arith.constant 1 : i32
    %roll3A_1447 = tpu.dynamic_rotate %select_n3A_1434 by %roll3A_1446 dim 1 : vector<4x64x128xi32>, i32 -> vector<4x64x128xi32>
    %roll3A_1448 = arith.constant 63 : i32
    %roll3A_1449 = tpu.dynamic_rotate %select_n3A_1434 by %roll3A_1448 dim 1 : vector<4x64x128xi32>, i32 -> vector<4x64x128xi32>
    %select_n3A_1450 = arith.select %ne3A_1440, %roll3A_1447, %roll3A_1449 : vector<4x64x128xi1>, vector<4x64x128xi32>
    %gt3A_1451 = arith.cmpf ogt, %select_n3A_1445, %select_n3A_1433 : vector<4x64x128xf32>
    %eq3A_1452 = arith.cmpf oeq, %select_n3A_1445, %select_n3A_1433 : vector<4x64x128xf32>
    %lt3A_1453 = arith.cmpi slt, %select_n3A_1450, %select_n3A_1434 : vector<4x64x128xi32>
    %and3A_1454 = arith.andi %eq3A_1452, %lt3A_1453 : vector<4x64x128xi1>
    %or3A_1455 = arith.ori %gt3A_1451, %and3A_1454 : vector<4x64x128xi1>
    %xor3A_1456 = arith.xori %or3A_1455, %ne3A_1440 : vector<4x64x128xi1>
    %xor3A_1457 = arith.xori %xor3A_1456, %ne3A_1209 : vector<4x64x128xi1>
    %select_n3A_1458 = arith.select %xor3A_1457, %select_n3A_1445, %select_n3A_1433 : vector<4x64x128xi1>, vector<4x64x128xf32>
    %select_n3A_1459 = arith.select %xor3A_1457, %select_n3A_1450, %select_n3A_1434 : vector<4x64x128xi1>, vector<4x64x128xi32>
    %and3A_1460 = arith.constant 2048 : i32
    %and3A_1461 = vector.broadcast %and3A_1460 : i32 to vector<4x64x128xi32>
    %and3A_1462 = arith.andi %add3A_21, %and3A_1461 : vector<4x64x128xi32>
    %ne3A_1463 = arith.constant 0 : i32
    %ne3A_1464 = vector.broadcast %ne3A_1463 : i32 to vector<4x64x128xi32>
    %ne3A_1465 = arith.cmpi ne, %and3A_1462, %ne3A_1464 : vector<4x64x128xi32>
    %and3A_1466 = arith.constant 1024 : i32
    %and3A_1467 = vector.broadcast %and3A_1466 : i32 to vector<4x64x128xi32>
    %and3A_1468 = arith.andi %add3A_21, %and3A_1467 : vector<4x64x128xi32>
    %ne3A_1469 = arith.constant 0 : i32
    %ne3A_1470 = vector.broadcast %ne3A_1469 : i32 to vector<4x64x128xi32>
    %ne3A_1471 = arith.cmpi ne, %and3A_1468, %ne3A_1470 : vector<4x64x128xi32>
    %roll3A_1472 = arith.constant 16 : i32
    %roll3A_1473 = tpu.dynamic_rotate %select_n3A_1458 by %roll3A_1472 dim 2 : vector<4x64x128xf32>, i32 -> vector<4x64x128xf32>
    %roll3A_1474 = arith.constant 112 : i32
    %roll3A_1475 = tpu.dynamic_rotate %select_n3A_1458 by %roll3A_1474 dim 2 : vector<4x64x128xf32>, i32 -> vector<4x64x128xf32>
    %select_n3A_1476 = arith.select %ne3A_1471, %roll3A_1473, %roll3A_1475 : vector<4x64x128xi1>, vector<4x64x128xf32>
    %roll3A_1477 = arith.constant 16 : i32
    %roll3A_1478 = tpu.dynamic_rotate %select_n3A_1459 by %roll3A_1477 dim 2 : vector<4x64x128xi32>, i32 -> vector<4x64x128xi32>
    %roll3A_1479 = arith.constant 112 : i32
    %roll3A_1480 = tpu.dynamic_rotate %select_n3A_1459 by %roll3A_1479 dim 2 : vector<4x64x128xi32>, i32 -> vector<4x64x128xi32>
    %select_n3A_1481 = arith.select %ne3A_1471, %roll3A_1478, %roll3A_1480 : vector<4x64x128xi1>, vector<4x64x128xi32>
    %gt3A_1482 = arith.cmpf ogt, %select_n3A_1476, %select_n3A_1458 : vector<4x64x128xf32>
    %eq3A_1483 = arith.cmpf oeq, %select_n3A_1476, %select_n3A_1458 : vector<4x64x128xf32>
    %lt3A_1484 = arith.cmpi slt, %select_n3A_1481, %select_n3A_1459 : vector<4x64x128xi32>
    %and3A_1485 = arith.andi %eq3A_1483, %lt3A_1484 : vector<4x64x128xi1>
    %or3A_1486 = arith.ori %gt3A_1482, %and3A_1485 : vector<4x64x128xi1>
    %xor3A_1487 = arith.xori %or3A_1486, %ne3A_1471 : vector<4x64x128xi1>
    %xor3A_1488 = arith.xori %xor3A_1487, %ne3A_1465 : vector<4x64x128xi1>
    %select_n3A_1489 = arith.select %xor3A_1488, %select_n3A_1476, %select_n3A_1458 : vector<4x64x128xi1>, vector<4x64x128xf32>
    %select_n3A_1490 = arith.select %xor3A_1488, %select_n3A_1481, %select_n3A_1459 : vector<4x64x128xi1>, vector<4x64x128xi32>
    %and3A_1491 = arith.constant 512 : i32
    %and3A_1492 = vector.broadcast %and3A_1491 : i32 to vector<4x64x128xi32>
    %and3A_1493 = arith.andi %add3A_21, %and3A_1492 : vector<4x64x128xi32>
    %ne3A_1494 = arith.constant 0 : i32
    %ne3A_1495 = vector.broadcast %ne3A_1494 : i32 to vector<4x64x128xi32>
    %ne3A_1496 = arith.cmpi ne, %and3A_1493, %ne3A_1495 : vector<4x64x128xi32>
    %roll3A_1497 = arith.constant 8 : i32
    %roll3A_1498 = tpu.dynamic_rotate %select_n3A_1489 by %roll3A_1497 dim 2 : vector<4x64x128xf32>, i32 -> vector<4x64x128xf32>
    %roll3A_1499 = arith.constant 120 : i32
    %roll3A_1500 = tpu.dynamic_rotate %select_n3A_1489 by %roll3A_1499 dim 2 : vector<4x64x128xf32>, i32 -> vector<4x64x128xf32>
    %select_n3A_1501 = arith.select %ne3A_1496, %roll3A_1498, %roll3A_1500 : vector<4x64x128xi1>, vector<4x64x128xf32>
    %roll3A_1502 = arith.constant 8 : i32
    %roll3A_1503 = tpu.dynamic_rotate %select_n3A_1490 by %roll3A_1502 dim 2 : vector<4x64x128xi32>, i32 -> vector<4x64x128xi32>
    %roll3A_1504 = arith.constant 120 : i32
    %roll3A_1505 = tpu.dynamic_rotate %select_n3A_1490 by %roll3A_1504 dim 2 : vector<4x64x128xi32>, i32 -> vector<4x64x128xi32>
    %select_n3A_1506 = arith.select %ne3A_1496, %roll3A_1503, %roll3A_1505 : vector<4x64x128xi1>, vector<4x64x128xi32>
    %gt3A_1507 = arith.cmpf ogt, %select_n3A_1501, %select_n3A_1489 : vector<4x64x128xf32>
    %eq3A_1508 = arith.cmpf oeq, %select_n3A_1501, %select_n3A_1489 : vector<4x64x128xf32>
    %lt3A_1509 = arith.cmpi slt, %select_n3A_1506, %select_n3A_1490 : vector<4x64x128xi32>
    %and3A_1510 = arith.andi %eq3A_1508, %lt3A_1509 : vector<4x64x128xi1>
    %or3A_1511 = arith.ori %gt3A_1507, %and3A_1510 : vector<4x64x128xi1>
    %xor3A_1512 = arith.xori %or3A_1511, %ne3A_1496 : vector<4x64x128xi1>
    %xor3A_1513 = arith.xori %xor3A_1512, %ne3A_1465 : vector<4x64x128xi1>
    %select_n3A_1514 = arith.select %xor3A_1513, %select_n3A_1501, %select_n3A_1489 : vector<4x64x128xi1>, vector<4x64x128xf32>
    %select_n3A_1515 = arith.select %xor3A_1513, %select_n3A_1506, %select_n3A_1490 : vector<4x64x128xi1>, vector<4x64x128xi32>
    %and3A_1516 = arith.constant 256 : i32
    %and3A_1517 = vector.broadcast %and3A_1516 : i32 to vector<4x64x128xi32>
    %and3A_1518 = arith.andi %add3A_21, %and3A_1517 : vector<4x64x128xi32>
    %ne3A_1519 = arith.constant 0 : i32
    %ne3A_1520 = vector.broadcast %ne3A_1519 : i32 to vector<4x64x128xi32>
    %ne3A_1521 = arith.cmpi ne, %and3A_1518, %ne3A_1520 : vector<4x64x128xi32>
    %roll3A_1522 = arith.constant 4 : i32
    %roll3A_1523 = tpu.dynamic_rotate %select_n3A_1514 by %roll3A_1522 dim 2 : vector<4x64x128xf32>, i32 -> vector<4x64x128xf32>
    %roll3A_1524 = arith.constant 124 : i32
    %roll3A_1525 = tpu.dynamic_rotate %select_n3A_1514 by %roll3A_1524 dim 2 : vector<4x64x128xf32>, i32 -> vector<4x64x128xf32>
    %select_n3A_1526 = arith.select %ne3A_1521, %roll3A_1523, %roll3A_1525 : vector<4x64x128xi1>, vector<4x64x128xf32>
    %roll3A_1527 = arith.constant 4 : i32
    %roll3A_1528 = tpu.dynamic_rotate %select_n3A_1515 by %roll3A_1527 dim 2 : vector<4x64x128xi32>, i32 -> vector<4x64x128xi32>
    %roll3A_1529 = arith.constant 124 : i32
    %roll3A_1530 = tpu.dynamic_rotate %select_n3A_1515 by %roll3A_1529 dim 2 : vector<4x64x128xi32>, i32 -> vector<4x64x128xi32>
    %select_n3A_1531 = arith.select %ne3A_1521, %roll3A_1528, %roll3A_1530 : vector<4x64x128xi1>, vector<4x64x128xi32>
    %gt3A_1532 = arith.cmpf ogt, %select_n3A_1526, %select_n3A_1514 : vector<4x64x128xf32>
    %eq3A_1533 = arith.cmpf oeq, %select_n3A_1526, %select_n3A_1514 : vector<4x64x128xf32>
    %lt3A_1534 = arith.cmpi slt, %select_n3A_1531, %select_n3A_1515 : vector<4x64x128xi32>
    %and3A_1535 = arith.andi %eq3A_1533, %lt3A_1534 : vector<4x64x128xi1>
    %or3A_1536 = arith.ori %gt3A_1532, %and3A_1535 : vector<4x64x128xi1>
    %xor3A_1537 = arith.xori %or3A_1536, %ne3A_1521 : vector<4x64x128xi1>
    %xor3A_1538 = arith.xori %xor3A_1537, %ne3A_1465 : vector<4x64x128xi1>
    %select_n3A_1539 = arith.select %xor3A_1538, %select_n3A_1526, %select_n3A_1514 : vector<4x64x128xi1>, vector<4x64x128xf32>
    %select_n3A_1540 = arith.select %xor3A_1538, %select_n3A_1531, %select_n3A_1515 : vector<4x64x128xi1>, vector<4x64x128xi32>
    %and3A_1541 = arith.constant 128 : i32
    %and3A_1542 = vector.broadcast %and3A_1541 : i32 to vector<4x64x128xi32>
    %and3A_1543 = arith.andi %add3A_21, %and3A_1542 : vector<4x64x128xi32>
    %ne3A_1544 = arith.constant 0 : i32
    %ne3A_1545 = vector.broadcast %ne3A_1544 : i32 to vector<4x64x128xi32>
    %ne3A_1546 = arith.cmpi ne, %and3A_1543, %ne3A_1545 : vector<4x64x128xi32>
    %roll3A_1547 = arith.constant 2 : i32
    %roll3A_1548 = tpu.dynamic_rotate %select_n3A_1539 by %roll3A_1547 dim 2 : vector<4x64x128xf32>, i32 -> vector<4x64x128xf32>
    %roll3A_1549 = arith.constant 126 : i32
    %roll3A_1550 = tpu.dynamic_rotate %select_n3A_1539 by %roll3A_1549 dim 2 : vector<4x64x128xf32>, i32 -> vector<4x64x128xf32>
    %select_n3A_1551 = arith.select %ne3A_1546, %roll3A_1548, %roll3A_1550 : vector<4x64x128xi1>, vector<4x64x128xf32>
    %roll3A_1552 = arith.constant 2 : i32
    %roll3A_1553 = tpu.dynamic_rotate %select_n3A_1540 by %roll3A_1552 dim 2 : vector<4x64x128xi32>, i32 -> vector<4x64x128xi32>
    %roll3A_1554 = arith.constant 126 : i32
    %roll3A_1555 = tpu.dynamic_rotate %select_n3A_1540 by %roll3A_1554 dim 2 : vector<4x64x128xi32>, i32 -> vector<4x64x128xi32>
    %select_n3A_1556 = arith.select %ne3A_1546, %roll3A_1553, %roll3A_1555 : vector<4x64x128xi1>, vector<4x64x128xi32>
    %gt3A_1557 = arith.cmpf ogt, %select_n3A_1551, %select_n3A_1539 : vector<4x64x128xf32>
    %eq3A_1558 = arith.cmpf oeq, %select_n3A_1551, %select_n3A_1539 : vector<4x64x128xf32>
    %lt3A_1559 = arith.cmpi slt, %select_n3A_1556, %select_n3A_1540 : vector<4x64x128xi32>
    %and3A_1560 = arith.andi %eq3A_1558, %lt3A_1559 : vector<4x64x128xi1>
    %or3A_1561 = arith.ori %gt3A_1557, %and3A_1560 : vector<4x64x128xi1>
    %xor3A_1562 = arith.xori %or3A_1561, %ne3A_1546 : vector<4x64x128xi1>
    %xor3A_1563 = arith.xori %xor3A_1562, %ne3A_1465 : vector<4x64x128xi1>
    %select_n3A_1564 = arith.select %xor3A_1563, %select_n3A_1551, %select_n3A_1539 : vector<4x64x128xi1>, vector<4x64x128xf32>
    %select_n3A_1565 = arith.select %xor3A_1563, %select_n3A_1556, %select_n3A_1540 : vector<4x64x128xi1>, vector<4x64x128xi32>
    %and3A_1566 = arith.constant 64 : i32
    %and3A_1567 = vector.broadcast %and3A_1566 : i32 to vector<4x64x128xi32>
    %and3A_1568 = arith.andi %add3A_21, %and3A_1567 : vector<4x64x128xi32>
    %ne3A_1569 = arith.constant 0 : i32
    %ne3A_1570 = vector.broadcast %ne3A_1569 : i32 to vector<4x64x128xi32>
    %ne3A_1571 = arith.cmpi ne, %and3A_1568, %ne3A_1570 : vector<4x64x128xi32>
    %roll3A_1572 = arith.constant 1 : i32
    %roll3A_1573 = tpu.dynamic_rotate %select_n3A_1564 by %roll3A_1572 dim 2 : vector<4x64x128xf32>, i32 -> vector<4x64x128xf32>
    %roll3A_1574 = arith.constant 127 : i32
    %roll3A_1575 = tpu.dynamic_rotate %select_n3A_1564 by %roll3A_1574 dim 2 : vector<4x64x128xf32>, i32 -> vector<4x64x128xf32>
    %select_n3A_1576 = arith.select %ne3A_1571, %roll3A_1573, %roll3A_1575 : vector<4x64x128xi1>, vector<4x64x128xf32>
    %roll3A_1577 = arith.constant 1 : i32
    %roll3A_1578 = tpu.dynamic_rotate %select_n3A_1565 by %roll3A_1577 dim 2 : vector<4x64x128xi32>, i32 -> vector<4x64x128xi32>
    %roll3A_1579 = arith.constant 127 : i32
    %roll3A_1580 = tpu.dynamic_rotate %select_n3A_1565 by %roll3A_1579 dim 2 : vector<4x64x128xi32>, i32 -> vector<4x64x128xi32>
    %select_n3A_1581 = arith.select %ne3A_1571, %roll3A_1578, %roll3A_1580 : vector<4x64x128xi1>, vector<4x64x128xi32>
    %gt3A_1582 = arith.cmpf ogt, %select_n3A_1576, %select_n3A_1564 : vector<4x64x128xf32>
    %eq3A_1583 = arith.cmpf oeq, %select_n3A_1576, %select_n3A_1564 : vector<4x64x128xf32>
    %lt3A_1584 = arith.cmpi slt, %select_n3A_1581, %select_n3A_1565 : vector<4x64x128xi32>
    %and3A_1585 = arith.andi %eq3A_1583, %lt3A_1584 : vector<4x64x128xi1>
    %or3A_1586 = arith.ori %gt3A_1582, %and3A_1585 : vector<4x64x128xi1>
    %xor3A_1587 = arith.xori %or3A_1586, %ne3A_1571 : vector<4x64x128xi1>
    %xor3A_1588 = arith.xori %xor3A_1587, %ne3A_1465 : vector<4x64x128xi1>
    %select_n3A_1589 = arith.select %xor3A_1588, %select_n3A_1576, %select_n3A_1564 : vector<4x64x128xi1>, vector<4x64x128xf32>
    %select_n3A_1590 = arith.select %xor3A_1588, %select_n3A_1581, %select_n3A_1565 : vector<4x64x128xi1>, vector<4x64x128xi32>
    %and3A_1591 = arith.constant 32 : i32
    %and3A_1592 = vector.broadcast %and3A_1591 : i32 to vector<4x64x128xi32>
    %and3A_1593 = arith.andi %add3A_21, %and3A_1592 : vector<4x64x128xi32>
    %ne3A_1594 = arith.constant 0 : i32
    %ne3A_1595 = vector.broadcast %ne3A_1594 : i32 to vector<4x64x128xi32>
    %ne3A_1596 = arith.cmpi ne, %and3A_1593, %ne3A_1595 : vector<4x64x128xi32>
    %roll3A_1597 = arith.constant 32 : i32
    %roll3A_1598 = tpu.dynamic_rotate %select_n3A_1589 by %roll3A_1597 dim 1 : vector<4x64x128xf32>, i32 -> vector<4x64x128xf32>
    %roll3A_1599 = arith.constant 32 : i32
    %roll3A_1600 = tpu.dynamic_rotate %select_n3A_1589 by %roll3A_1599 dim 1 : vector<4x64x128xf32>, i32 -> vector<4x64x128xf32>
    %select_n3A_1601 = arith.select %ne3A_1596, %roll3A_1598, %roll3A_1600 : vector<4x64x128xi1>, vector<4x64x128xf32>
    %roll3A_1602 = arith.constant 32 : i32
    %roll3A_1603 = tpu.dynamic_rotate %select_n3A_1590 by %roll3A_1602 dim 1 : vector<4x64x128xi32>, i32 -> vector<4x64x128xi32>
    %roll3A_1604 = arith.constant 32 : i32
    %roll3A_1605 = tpu.dynamic_rotate %select_n3A_1590 by %roll3A_1604 dim 1 : vector<4x64x128xi32>, i32 -> vector<4x64x128xi32>
    %select_n3A_1606 = arith.select %ne3A_1596, %roll3A_1603, %roll3A_1605 : vector<4x64x128xi1>, vector<4x64x128xi32>
    %gt3A_1607 = arith.cmpf ogt, %select_n3A_1601, %select_n3A_1589 : vector<4x64x128xf32>
    %eq3A_1608 = arith.cmpf oeq, %select_n3A_1601, %select_n3A_1589 : vector<4x64x128xf32>
    %lt3A_1609 = arith.cmpi slt, %select_n3A_1606, %select_n3A_1590 : vector<4x64x128xi32>
    %and3A_1610 = arith.andi %eq3A_1608, %lt3A_1609 : vector<4x64x128xi1>
    %or3A_1611 = arith.ori %gt3A_1607, %and3A_1610 : vector<4x64x128xi1>
    %xor3A_1612 = arith.xori %or3A_1611, %ne3A_1596 : vector<4x64x128xi1>
    %xor3A_1613 = arith.xori %xor3A_1612, %ne3A_1465 : vector<4x64x128xi1>
    %select_n3A_1614 = arith.select %xor3A_1613, %select_n3A_1601, %select_n3A_1589 : vector<4x64x128xi1>, vector<4x64x128xf32>
    %select_n3A_1615 = arith.select %xor3A_1613, %select_n3A_1606, %select_n3A_1590 : vector<4x64x128xi1>, vector<4x64x128xi32>
    %and3A_1616 = arith.constant 16 : i32
    %and3A_1617 = vector.broadcast %and3A_1616 : i32 to vector<4x64x128xi32>
    %and3A_1618 = arith.andi %add3A_21, %and3A_1617 : vector<4x64x128xi32>
    %ne3A_1619 = arith.constant 0 : i32
    %ne3A_1620 = vector.broadcast %ne3A_1619 : i32 to vector<4x64x128xi32>
    %ne3A_1621 = arith.cmpi ne, %and3A_1618, %ne3A_1620 : vector<4x64x128xi32>
    %roll3A_1622 = arith.constant 16 : i32
    %roll3A_1623 = tpu.dynamic_rotate %select_n3A_1614 by %roll3A_1622 dim 1 : vector<4x64x128xf32>, i32 -> vector<4x64x128xf32>
    %roll3A_1624 = arith.constant 48 : i32
    %roll3A_1625 = tpu.dynamic_rotate %select_n3A_1614 by %roll3A_1624 dim 1 : vector<4x64x128xf32>, i32 -> vector<4x64x128xf32>
    %select_n3A_1626 = arith.select %ne3A_1621, %roll3A_1623, %roll3A_1625 : vector<4x64x128xi1>, vector<4x64x128xf32>
    %roll3A_1627 = arith.constant 16 : i32
    %roll3A_1628 = tpu.dynamic_rotate %select_n3A_1615 by %roll3A_1627 dim 1 : vector<4x64x128xi32>, i32 -> vector<4x64x128xi32>
    %roll3A_1629 = arith.constant 48 : i32
    %roll3A_1630 = tpu.dynamic_rotate %select_n3A_1615 by %roll3A_1629 dim 1 : vector<4x64x128xi32>, i32 -> vector<4x64x128xi32>
    %select_n3A_1631 = arith.select %ne3A_1621, %roll3A_1628, %roll3A_1630 : vector<4x64x128xi1>, vector<4x64x128xi32>
    %gt3A_1632 = arith.cmpf ogt, %select_n3A_1626, %select_n3A_1614 : vector<4x64x128xf32>
    %eq3A_1633 = arith.cmpf oeq, %select_n3A_1626, %select_n3A_1614 : vector<4x64x128xf32>
    %lt3A_1634 = arith.cmpi slt, %select_n3A_1631, %select_n3A_1615 : vector<4x64x128xi32>
    %and3A_1635 = arith.andi %eq3A_1633, %lt3A_1634 : vector<4x64x128xi1>
    %or3A_1636 = arith.ori %gt3A_1632, %and3A_1635 : vector<4x64x128xi1>
    %xor3A_1637 = arith.xori %or3A_1636, %ne3A_1621 : vector<4x64x128xi1>
    %xor3A_1638 = arith.xori %xor3A_1637, %ne3A_1465 : vector<4x64x128xi1>
    %select_n3A_1639 = arith.select %xor3A_1638, %select_n3A_1626, %select_n3A_1614 : vector<4x64x128xi1>, vector<4x64x128xf32>
    %select_n3A_1640 = arith.select %xor3A_1638, %select_n3A_1631, %select_n3A_1615 : vector<4x64x128xi1>, vector<4x64x128xi32>
    %and3A_1641 = arith.constant 8 : i32
    %and3A_1642 = vector.broadcast %and3A_1641 : i32 to vector<4x64x128xi32>
    %and3A_1643 = arith.andi %add3A_21, %and3A_1642 : vector<4x64x128xi32>
    %ne3A_1644 = arith.constant 0 : i32
    %ne3A_1645 = vector.broadcast %ne3A_1644 : i32 to vector<4x64x128xi32>
    %ne3A_1646 = arith.cmpi ne, %and3A_1643, %ne3A_1645 : vector<4x64x128xi32>
    %roll3A_1647 = arith.constant 8 : i32
    %roll3A_1648 = tpu.dynamic_rotate %select_n3A_1639 by %roll3A_1647 dim 1 : vector<4x64x128xf32>, i32 -> vector<4x64x128xf32>
    %roll3A_1649 = arith.constant 56 : i32
    %roll3A_1650 = tpu.dynamic_rotate %select_n3A_1639 by %roll3A_1649 dim 1 : vector<4x64x128xf32>, i32 -> vector<4x64x128xf32>
    %select_n3A_1651 = arith.select %ne3A_1646, %roll3A_1648, %roll3A_1650 : vector<4x64x128xi1>, vector<4x64x128xf32>
    %roll3A_1652 = arith.constant 8 : i32
    %roll3A_1653 = tpu.dynamic_rotate %select_n3A_1640 by %roll3A_1652 dim 1 : vector<4x64x128xi32>, i32 -> vector<4x64x128xi32>
    %roll3A_1654 = arith.constant 56 : i32
    %roll3A_1655 = tpu.dynamic_rotate %select_n3A_1640 by %roll3A_1654 dim 1 : vector<4x64x128xi32>, i32 -> vector<4x64x128xi32>
    %select_n3A_1656 = arith.select %ne3A_1646, %roll3A_1653, %roll3A_1655 : vector<4x64x128xi1>, vector<4x64x128xi32>
    %gt3A_1657 = arith.cmpf ogt, %select_n3A_1651, %select_n3A_1639 : vector<4x64x128xf32>
    %eq3A_1658 = arith.cmpf oeq, %select_n3A_1651, %select_n3A_1639 : vector<4x64x128xf32>
    %lt3A_1659 = arith.cmpi slt, %select_n3A_1656, %select_n3A_1640 : vector<4x64x128xi32>
    %and3A_1660 = arith.andi %eq3A_1658, %lt3A_1659 : vector<4x64x128xi1>
    %or3A_1661 = arith.ori %gt3A_1657, %and3A_1660 : vector<4x64x128xi1>
    %xor3A_1662 = arith.xori %or3A_1661, %ne3A_1646 : vector<4x64x128xi1>
    %xor3A_1663 = arith.xori %xor3A_1662, %ne3A_1465 : vector<4x64x128xi1>
    %select_n3A_1664 = arith.select %xor3A_1663, %select_n3A_1651, %select_n3A_1639 : vector<4x64x128xi1>, vector<4x64x128xf32>
    %select_n3A_1665 = arith.select %xor3A_1663, %select_n3A_1656, %select_n3A_1640 : vector<4x64x128xi1>, vector<4x64x128xi32>
    %and3A_1666 = arith.constant 4 : i32
    %and3A_1667 = vector.broadcast %and3A_1666 : i32 to vector<4x64x128xi32>
    %and3A_1668 = arith.andi %add3A_21, %and3A_1667 : vector<4x64x128xi32>
    %ne3A_1669 = arith.constant 0 : i32
    %ne3A_1670 = vector.broadcast %ne3A_1669 : i32 to vector<4x64x128xi32>
    %ne3A_1671 = arith.cmpi ne, %and3A_1668, %ne3A_1670 : vector<4x64x128xi32>
    %roll3A_1672 = arith.constant 4 : i32
    %roll3A_1673 = tpu.dynamic_rotate %select_n3A_1664 by %roll3A_1672 dim 1 : vector<4x64x128xf32>, i32 -> vector<4x64x128xf32>
    %roll3A_1674 = arith.constant 60 : i32
    %roll3A_1675 = tpu.dynamic_rotate %select_n3A_1664 by %roll3A_1674 dim 1 : vector<4x64x128xf32>, i32 -> vector<4x64x128xf32>
    %select_n3A_1676 = arith.select %ne3A_1671, %roll3A_1673, %roll3A_1675 : vector<4x64x128xi1>, vector<4x64x128xf32>
    %roll3A_1677 = arith.constant 4 : i32
    %roll3A_1678 = tpu.dynamic_rotate %select_n3A_1665 by %roll3A_1677 dim 1 : vector<4x64x128xi32>, i32 -> vector<4x64x128xi32>
    %roll3A_1679 = arith.constant 60 : i32
    %roll3A_1680 = tpu.dynamic_rotate %select_n3A_1665 by %roll3A_1679 dim 1 : vector<4x64x128xi32>, i32 -> vector<4x64x128xi32>
    %select_n3A_1681 = arith.select %ne3A_1671, %roll3A_1678, %roll3A_1680 : vector<4x64x128xi1>, vector<4x64x128xi32>
    %gt3A_1682 = arith.cmpf ogt, %select_n3A_1676, %select_n3A_1664 : vector<4x64x128xf32>
    %eq3A_1683 = arith.cmpf oeq, %select_n3A_1676, %select_n3A_1664 : vector<4x64x128xf32>
    %lt3A_1684 = arith.cmpi slt, %select_n3A_1681, %select_n3A_1665 : vector<4x64x128xi32>
    %and3A_1685 = arith.andi %eq3A_1683, %lt3A_1684 : vector<4x64x128xi1>
    %or3A_1686 = arith.ori %gt3A_1682, %and3A_1685 : vector<4x64x128xi1>
    %xor3A_1687 = arith.xori %or3A_1686, %ne3A_1671 : vector<4x64x128xi1>
    %xor3A_1688 = arith.xori %xor3A_1687, %ne3A_1465 : vector<4x64x128xi1>
    %select_n3A_1689 = arith.select %xor3A_1688, %select_n3A_1676, %select_n3A_1664 : vector<4x64x128xi1>, vector<4x64x128xf32>
    %select_n3A_1690 = arith.select %xor3A_1688, %select_n3A_1681, %select_n3A_1665 : vector<4x64x128xi1>, vector<4x64x128xi32>
    %and3A_1691 = arith.constant 2 : i32
    %and3A_1692 = vector.broadcast %and3A_1691 : i32 to vector<4x64x128xi32>
    %and3A_1693 = arith.andi %add3A_21, %and3A_1692 : vector<4x64x128xi32>
    %ne3A_1694 = arith.constant 0 : i32
    %ne3A_1695 = vector.broadcast %ne3A_1694 : i32 to vector<4x64x128xi32>
    %ne3A_1696 = arith.cmpi ne, %and3A_1693, %ne3A_1695 : vector<4x64x128xi32>
    %roll3A_1697 = arith.constant 2 : i32
    %roll3A_1698 = tpu.dynamic_rotate %select_n3A_1689 by %roll3A_1697 dim 1 : vector<4x64x128xf32>, i32 -> vector<4x64x128xf32>
    %roll3A_1699 = arith.constant 62 : i32
    %roll3A_1700 = tpu.dynamic_rotate %select_n3A_1689 by %roll3A_1699 dim 1 : vector<4x64x128xf32>, i32 -> vector<4x64x128xf32>
    %select_n3A_1701 = arith.select %ne3A_1696, %roll3A_1698, %roll3A_1700 : vector<4x64x128xi1>, vector<4x64x128xf32>
    %roll3A_1702 = arith.constant 2 : i32
    %roll3A_1703 = tpu.dynamic_rotate %select_n3A_1690 by %roll3A_1702 dim 1 : vector<4x64x128xi32>, i32 -> vector<4x64x128xi32>
    %roll3A_1704 = arith.constant 62 : i32
    %roll3A_1705 = tpu.dynamic_rotate %select_n3A_1690 by %roll3A_1704 dim 1 : vector<4x64x128xi32>, i32 -> vector<4x64x128xi32>
    %select_n3A_1706 = arith.select %ne3A_1696, %roll3A_1703, %roll3A_1705 : vector<4x64x128xi1>, vector<4x64x128xi32>
    %gt3A_1707 = arith.cmpf ogt, %select_n3A_1701, %select_n3A_1689 : vector<4x64x128xf32>
    %eq3A_1708 = arith.cmpf oeq, %select_n3A_1701, %select_n3A_1689 : vector<4x64x128xf32>
    %lt3A_1709 = arith.cmpi slt, %select_n3A_1706, %select_n3A_1690 : vector<4x64x128xi32>
    %and3A_1710 = arith.andi %eq3A_1708, %lt3A_1709 : vector<4x64x128xi1>
    %or3A_1711 = arith.ori %gt3A_1707, %and3A_1710 : vector<4x64x128xi1>
    %xor3A_1712 = arith.xori %or3A_1711, %ne3A_1696 : vector<4x64x128xi1>
    %xor3A_1713 = arith.xori %xor3A_1712, %ne3A_1465 : vector<4x64x128xi1>
    %select_n3A_1714 = arith.select %xor3A_1713, %select_n3A_1701, %select_n3A_1689 : vector<4x64x128xi1>, vector<4x64x128xf32>
    %select_n3A_1715 = arith.select %xor3A_1713, %select_n3A_1706, %select_n3A_1690 : vector<4x64x128xi1>, vector<4x64x128xi32>
    %and3A_1716 = arith.constant 1 : i32
    %and3A_1717 = vector.broadcast %and3A_1716 : i32 to vector<4x64x128xi32>
    %and3A_1718 = arith.andi %add3A_21, %and3A_1717 : vector<4x64x128xi32>
    %ne3A_1719 = arith.constant 0 : i32
    %ne3A_1720 = vector.broadcast %ne3A_1719 : i32 to vector<4x64x128xi32>
    %ne3A_1721 = arith.cmpi ne, %and3A_1718, %ne3A_1720 : vector<4x64x128xi32>
    %roll3A_1722 = arith.constant 1 : i32
    %roll3A_1723 = tpu.dynamic_rotate %select_n3A_1714 by %roll3A_1722 dim 1 : vector<4x64x128xf32>, i32 -> vector<4x64x128xf32>
    %roll3A_1724 = arith.constant 63 : i32
    %roll3A_1725 = tpu.dynamic_rotate %select_n3A_1714 by %roll3A_1724 dim 1 : vector<4x64x128xf32>, i32 -> vector<4x64x128xf32>
    %select_n3A_1726 = arith.select %ne3A_1721, %roll3A_1723, %roll3A_1725 : vector<4x64x128xi1>, vector<4x64x128xf32>
    %roll3A_1727 = arith.constant 1 : i32
    %roll3A_1728 = tpu.dynamic_rotate %select_n3A_1715 by %roll3A_1727 dim 1 : vector<4x64x128xi32>, i32 -> vector<4x64x128xi32>
    %roll3A_1729 = arith.constant 63 : i32
    %roll3A_1730 = tpu.dynamic_rotate %select_n3A_1715 by %roll3A_1729 dim 1 : vector<4x64x128xi32>, i32 -> vector<4x64x128xi32>
    %select_n3A_1731 = arith.select %ne3A_1721, %roll3A_1728, %roll3A_1730 : vector<4x64x128xi1>, vector<4x64x128xi32>
    %gt3A_1732 = arith.cmpf ogt, %select_n3A_1726, %select_n3A_1714 : vector<4x64x128xf32>
    %eq3A_1733 = arith.cmpf oeq, %select_n3A_1726, %select_n3A_1714 : vector<4x64x128xf32>
    %lt3A_1734 = arith.cmpi slt, %select_n3A_1731, %select_n3A_1715 : vector<4x64x128xi32>
    %and3A_1735 = arith.andi %eq3A_1733, %lt3A_1734 : vector<4x64x128xi1>
    %or3A_1736 = arith.ori %gt3A_1732, %and3A_1735 : vector<4x64x128xi1>
    %xor3A_1737 = arith.xori %or3A_1736, %ne3A_1721 : vector<4x64x128xi1>
    %xor3A_1738 = arith.xori %xor3A_1737, %ne3A_1465 : vector<4x64x128xi1>
    %select_n3A_1739 = arith.select %xor3A_1738, %select_n3A_1726, %select_n3A_1714 : vector<4x64x128xi1>, vector<4x64x128xf32>
    %select_n3A_1740 = arith.select %xor3A_1738, %select_n3A_1731, %select_n3A_1715 : vector<4x64x128xi1>, vector<4x64x128xi32>
    %and3A_1741 = arith.constant 4096 : i32
    %and3A_1742 = vector.broadcast %and3A_1741 : i32 to vector<4x64x128xi32>
    %and3A_1743 = arith.andi %add3A_21, %and3A_1742 : vector<4x64x128xi32>
    %ne3A_1744 = arith.constant 0 : i32
    %ne3A_1745 = vector.broadcast %ne3A_1744 : i32 to vector<4x64x128xi32>
    %ne3A_1746 = arith.cmpi ne, %and3A_1743, %ne3A_1745 : vector<4x64x128xi32>
    %and3A_1747 = arith.constant 2048 : i32
    %and3A_1748 = vector.broadcast %and3A_1747 : i32 to vector<4x64x128xi32>
    %and3A_1749 = arith.andi %add3A_21, %and3A_1748 : vector<4x64x128xi32>
    %ne3A_1750 = arith.constant 0 : i32
    %ne3A_1751 = vector.broadcast %ne3A_1750 : i32 to vector<4x64x128xi32>
    %ne3A_1752 = arith.cmpi ne, %and3A_1749, %ne3A_1751 : vector<4x64x128xi32>
    %roll3A_1753 = arith.constant 32 : i32
    %roll3A_1754 = tpu.dynamic_rotate %select_n3A_1739 by %roll3A_1753 dim 2 : vector<4x64x128xf32>, i32 -> vector<4x64x128xf32>
    %roll3A_1755 = arith.constant 96 : i32
    %roll3A_1756 = tpu.dynamic_rotate %select_n3A_1739 by %roll3A_1755 dim 2 : vector<4x64x128xf32>, i32 -> vector<4x64x128xf32>
    %select_n3A_1757 = arith.select %ne3A_1752, %roll3A_1754, %roll3A_1756 : vector<4x64x128xi1>, vector<4x64x128xf32>
    %roll3A_1758 = arith.constant 32 : i32
    %roll3A_1759 = tpu.dynamic_rotate %select_n3A_1740 by %roll3A_1758 dim 2 : vector<4x64x128xi32>, i32 -> vector<4x64x128xi32>
    %roll3A_1760 = arith.constant 96 : i32
    %roll3A_1761 = tpu.dynamic_rotate %select_n3A_1740 by %roll3A_1760 dim 2 : vector<4x64x128xi32>, i32 -> vector<4x64x128xi32>
    %select_n3A_1762 = arith.select %ne3A_1752, %roll3A_1759, %roll3A_1761 : vector<4x64x128xi1>, vector<4x64x128xi32>
    %gt3A_1763 = arith.cmpf ogt, %select_n3A_1757, %select_n3A_1739 : vector<4x64x128xf32>
    %eq3A_1764 = arith.cmpf oeq, %select_n3A_1757, %select_n3A_1739 : vector<4x64x128xf32>
    %lt3A_1765 = arith.cmpi slt, %select_n3A_1762, %select_n3A_1740 : vector<4x64x128xi32>
    %and3A_1766 = arith.andi %eq3A_1764, %lt3A_1765 : vector<4x64x128xi1>
    %or3A_1767 = arith.ori %gt3A_1763, %and3A_1766 : vector<4x64x128xi1>
    %xor3A_1768 = arith.xori %or3A_1767, %ne3A_1752 : vector<4x64x128xi1>
    %xor3A_1769 = arith.xori %xor3A_1768, %ne3A_1746 : vector<4x64x128xi1>
    %select_n3A_1770 = arith.select %xor3A_1769, %select_n3A_1757, %select_n3A_1739 : vector<4x64x128xi1>, vector<4x64x128xf32>
    %select_n3A_1771 = arith.select %xor3A_1769, %select_n3A_1762, %select_n3A_1740 : vector<4x64x128xi1>, vector<4x64x128xi32>
    %and3A_1772 = arith.constant 1024 : i32
    %and3A_1773 = vector.broadcast %and3A_1772 : i32 to vector<4x64x128xi32>
    %and3A_1774 = arith.andi %add3A_21, %and3A_1773 : vector<4x64x128xi32>
    %ne3A_1775 = arith.constant 0 : i32
    %ne3A_1776 = vector.broadcast %ne3A_1775 : i32 to vector<4x64x128xi32>
    %ne3A_1777 = arith.cmpi ne, %and3A_1774, %ne3A_1776 : vector<4x64x128xi32>
    %roll3A_1778 = arith.constant 16 : i32
    %roll3A_1779 = tpu.dynamic_rotate %select_n3A_1770 by %roll3A_1778 dim 2 : vector<4x64x128xf32>, i32 -> vector<4x64x128xf32>
    %roll3A_1780 = arith.constant 112 : i32
    %roll3A_1781 = tpu.dynamic_rotate %select_n3A_1770 by %roll3A_1780 dim 2 : vector<4x64x128xf32>, i32 -> vector<4x64x128xf32>
    %select_n3A_1782 = arith.select %ne3A_1777, %roll3A_1779, %roll3A_1781 : vector<4x64x128xi1>, vector<4x64x128xf32>
    %roll3A_1783 = arith.constant 16 : i32
    %roll3A_1784 = tpu.dynamic_rotate %select_n3A_1771 by %roll3A_1783 dim 2 : vector<4x64x128xi32>, i32 -> vector<4x64x128xi32>
    %roll3A_1785 = arith.constant 112 : i32
    %roll3A_1786 = tpu.dynamic_rotate %select_n3A_1771 by %roll3A_1785 dim 2 : vector<4x64x128xi32>, i32 -> vector<4x64x128xi32>
    %select_n3A_1787 = arith.select %ne3A_1777, %roll3A_1784, %roll3A_1786 : vector<4x64x128xi1>, vector<4x64x128xi32>
    %gt3A_1788 = arith.cmpf ogt, %select_n3A_1782, %select_n3A_1770 : vector<4x64x128xf32>
    %eq3A_1789 = arith.cmpf oeq, %select_n3A_1782, %select_n3A_1770 : vector<4x64x128xf32>
    %lt3A_1790 = arith.cmpi slt, %select_n3A_1787, %select_n3A_1771 : vector<4x64x128xi32>
    %and3A_1791 = arith.andi %eq3A_1789, %lt3A_1790 : vector<4x64x128xi1>
    %or3A_1792 = arith.ori %gt3A_1788, %and3A_1791 : vector<4x64x128xi1>
    %xor3A_1793 = arith.xori %or3A_1792, %ne3A_1777 : vector<4x64x128xi1>
    %xor3A_1794 = arith.xori %xor3A_1793, %ne3A_1746 : vector<4x64x128xi1>
    %select_n3A_1795 = arith.select %xor3A_1794, %select_n3A_1782, %select_n3A_1770 : vector<4x64x128xi1>, vector<4x64x128xf32>
    %select_n3A_1796 = arith.select %xor3A_1794, %select_n3A_1787, %select_n3A_1771 : vector<4x64x128xi1>, vector<4x64x128xi32>
    %and3A_1797 = arith.constant 512 : i32
    %and3A_1798 = vector.broadcast %and3A_1797 : i32 to vector<4x64x128xi32>
    %and3A_1799 = arith.andi %add3A_21, %and3A_1798 : vector<4x64x128xi32>
    %ne3A_1800 = arith.constant 0 : i32
    %ne3A_1801 = vector.broadcast %ne3A_1800 : i32 to vector<4x64x128xi32>
    %ne3A_1802 = arith.cmpi ne, %and3A_1799, %ne3A_1801 : vector<4x64x128xi32>
    %roll3A_1803 = arith.constant 8 : i32
    %roll3A_1804 = tpu.dynamic_rotate %select_n3A_1795 by %roll3A_1803 dim 2 : vector<4x64x128xf32>, i32 -> vector<4x64x128xf32>
    %roll3A_1805 = arith.constant 120 : i32
    %roll3A_1806 = tpu.dynamic_rotate %select_n3A_1795 by %roll3A_1805 dim 2 : vector<4x64x128xf32>, i32 -> vector<4x64x128xf32>
    %select_n3A_1807 = arith.select %ne3A_1802, %roll3A_1804, %roll3A_1806 : vector<4x64x128xi1>, vector<4x64x128xf32>
    %roll3A_1808 = arith.constant 8 : i32
    %roll3A_1809 = tpu.dynamic_rotate %select_n3A_1796 by %roll3A_1808 dim 2 : vector<4x64x128xi32>, i32 -> vector<4x64x128xi32>
    %roll3A_1810 = arith.constant 120 : i32
    %roll3A_1811 = tpu.dynamic_rotate %select_n3A_1796 by %roll3A_1810 dim 2 : vector<4x64x128xi32>, i32 -> vector<4x64x128xi32>
    %select_n3A_1812 = arith.select %ne3A_1802, %roll3A_1809, %roll3A_1811 : vector<4x64x128xi1>, vector<4x64x128xi32>
    %gt3A_1813 = arith.cmpf ogt, %select_n3A_1807, %select_n3A_1795 : vector<4x64x128xf32>
    %eq3A_1814 = arith.cmpf oeq, %select_n3A_1807, %select_n3A_1795 : vector<4x64x128xf32>
    %lt3A_1815 = arith.cmpi slt, %select_n3A_1812, %select_n3A_1796 : vector<4x64x128xi32>
    %and3A_1816 = arith.andi %eq3A_1814, %lt3A_1815 : vector<4x64x128xi1>
    %or3A_1817 = arith.ori %gt3A_1813, %and3A_1816 : vector<4x64x128xi1>
    %xor3A_1818 = arith.xori %or3A_1817, %ne3A_1802 : vector<4x64x128xi1>
    %xor3A_1819 = arith.xori %xor3A_1818, %ne3A_1746 : vector<4x64x128xi1>
    %select_n3A_1820 = arith.select %xor3A_1819, %select_n3A_1807, %select_n3A_1795 : vector<4x64x128xi1>, vector<4x64x128xf32>
    %select_n3A_1821 = arith.select %xor3A_1819, %select_n3A_1812, %select_n3A_1796 : vector<4x64x128xi1>, vector<4x64x128xi32>
    %and3A_1822 = arith.constant 256 : i32
    %and3A_1823 = vector.broadcast %and3A_1822 : i32 to vector<4x64x128xi32>
    %and3A_1824 = arith.andi %add3A_21, %and3A_1823 : vector<4x64x128xi32>
    %ne3A_1825 = arith.constant 0 : i32
    %ne3A_1826 = vector.broadcast %ne3A_1825 : i32 to vector<4x64x128xi32>
    %ne3A_1827 = arith.cmpi ne, %and3A_1824, %ne3A_1826 : vector<4x64x128xi32>
    %roll3A_1828 = arith.constant 4 : i32
    %roll3A_1829 = tpu.dynamic_rotate %select_n3A_1820 by %roll3A_1828 dim 2 : vector<4x64x128xf32>, i32 -> vector<4x64x128xf32>
    %roll3A_1830 = arith.constant 124 : i32
    %roll3A_1831 = tpu.dynamic_rotate %select_n3A_1820 by %roll3A_1830 dim 2 : vector<4x64x128xf32>, i32 -> vector<4x64x128xf32>
    %select_n3A_1832 = arith.select %ne3A_1827, %roll3A_1829, %roll3A_1831 : vector<4x64x128xi1>, vector<4x64x128xf32>
    %roll3A_1833 = arith.constant 4 : i32
    %roll3A_1834 = tpu.dynamic_rotate %select_n3A_1821 by %roll3A_1833 dim 2 : vector<4x64x128xi32>, i32 -> vector<4x64x128xi32>
    %roll3A_1835 = arith.constant 124 : i32
    %roll3A_1836 = tpu.dynamic_rotate %select_n3A_1821 by %roll3A_1835 dim 2 : vector<4x64x128xi32>, i32 -> vector<4x64x128xi32>
    %select_n3A_1837 = arith.select %ne3A_1827, %roll3A_1834, %roll3A_1836 : vector<4x64x128xi1>, vector<4x64x128xi32>
    %gt3A_1838 = arith.cmpf ogt, %select_n3A_1832, %select_n3A_1820 : vector<4x64x128xf32>
    %eq3A_1839 = arith.cmpf oeq, %select_n3A_1832, %select_n3A_1820 : vector<4x64x128xf32>
    %lt3A_1840 = arith.cmpi slt, %select_n3A_1837, %select_n3A_1821 : vector<4x64x128xi32>
    %and3A_1841 = arith.andi %eq3A_1839, %lt3A_1840 : vector<4x64x128xi1>
    %or3A_1842 = arith.ori %gt3A_1838, %and3A_1841 : vector<4x64x128xi1>
    %xor3A_1843 = arith.xori %or3A_1842, %ne3A_1827 : vector<4x64x128xi1>
    %xor3A_1844 = arith.xori %xor3A_1843, %ne3A_1746 : vector<4x64x128xi1>
    %select_n3A_1845 = arith.select %xor3A_1844, %select_n3A_1832, %select_n3A_1820 : vector<4x64x128xi1>, vector<4x64x128xf32>
    %select_n3A_1846 = arith.select %xor3A_1844, %select_n3A_1837, %select_n3A_1821 : vector<4x64x128xi1>, vector<4x64x128xi32>
    %and3A_1847 = arith.constant 128 : i32
    %and3A_1848 = vector.broadcast %and3A_1847 : i32 to vector<4x64x128xi32>
    %and3A_1849 = arith.andi %add3A_21, %and3A_1848 : vector<4x64x128xi32>
    %ne3A_1850 = arith.constant 0 : i32
    %ne3A_1851 = vector.broadcast %ne3A_1850 : i32 to vector<4x64x128xi32>
    %ne3A_1852 = arith.cmpi ne, %and3A_1849, %ne3A_1851 : vector<4x64x128xi32>
    %roll3A_1853 = arith.constant 2 : i32
    %roll3A_1854 = tpu.dynamic_rotate %select_n3A_1845 by %roll3A_1853 dim 2 : vector<4x64x128xf32>, i32 -> vector<4x64x128xf32>
    %roll3A_1855 = arith.constant 126 : i32
    %roll3A_1856 = tpu.dynamic_rotate %select_n3A_1845 by %roll3A_1855 dim 2 : vector<4x64x128xf32>, i32 -> vector<4x64x128xf32>
    %select_n3A_1857 = arith.select %ne3A_1852, %roll3A_1854, %roll3A_1856 : vector<4x64x128xi1>, vector<4x64x128xf32>
    %roll3A_1858 = arith.constant 2 : i32
    %roll3A_1859 = tpu.dynamic_rotate %select_n3A_1846 by %roll3A_1858 dim 2 : vector<4x64x128xi32>, i32 -> vector<4x64x128xi32>
    %roll3A_1860 = arith.constant 126 : i32
    %roll3A_1861 = tpu.dynamic_rotate %select_n3A_1846 by %roll3A_1860 dim 2 : vector<4x64x128xi32>, i32 -> vector<4x64x128xi32>
    %select_n3A_1862 = arith.select %ne3A_1852, %roll3A_1859, %roll3A_1861 : vector<4x64x128xi1>, vector<4x64x128xi32>
    %gt3A_1863 = arith.cmpf ogt, %select_n3A_1857, %select_n3A_1845 : vector<4x64x128xf32>
    %eq3A_1864 = arith.cmpf oeq, %select_n3A_1857, %select_n3A_1845 : vector<4x64x128xf32>
    %lt3A_1865 = arith.cmpi slt, %select_n3A_1862, %select_n3A_1846 : vector<4x64x128xi32>
    %and3A_1866 = arith.andi %eq3A_1864, %lt3A_1865 : vector<4x64x128xi1>
    %or3A_1867 = arith.ori %gt3A_1863, %and3A_1866 : vector<4x64x128xi1>
    %xor3A_1868 = arith.xori %or3A_1867, %ne3A_1852 : vector<4x64x128xi1>
    %xor3A_1869 = arith.xori %xor3A_1868, %ne3A_1746 : vector<4x64x128xi1>
    %select_n3A_1870 = arith.select %xor3A_1869, %select_n3A_1857, %select_n3A_1845 : vector<4x64x128xi1>, vector<4x64x128xf32>
    %select_n3A_1871 = arith.select %xor3A_1869, %select_n3A_1862, %select_n3A_1846 : vector<4x64x128xi1>, vector<4x64x128xi32>
    %and3A_1872 = arith.constant 64 : i32
    %and3A_1873 = vector.broadcast %and3A_1872 : i32 to vector<4x64x128xi32>
    %and3A_1874 = arith.andi %add3A_21, %and3A_1873 : vector<4x64x128xi32>
    %ne3A_1875 = arith.constant 0 : i32
    %ne3A_1876 = vector.broadcast %ne3A_1875 : i32 to vector<4x64x128xi32>
    %ne3A_1877 = arith.cmpi ne, %and3A_1874, %ne3A_1876 : vector<4x64x128xi32>
    %roll3A_1878 = arith.constant 1 : i32
    %roll3A_1879 = tpu.dynamic_rotate %select_n3A_1870 by %roll3A_1878 dim 2 : vector<4x64x128xf32>, i32 -> vector<4x64x128xf32>
    %roll3A_1880 = arith.constant 127 : i32
    %roll3A_1881 = tpu.dynamic_rotate %select_n3A_1870 by %roll3A_1880 dim 2 : vector<4x64x128xf32>, i32 -> vector<4x64x128xf32>
    %select_n3A_1882 = arith.select %ne3A_1877, %roll3A_1879, %roll3A_1881 : vector<4x64x128xi1>, vector<4x64x128xf32>
    %roll3A_1883 = arith.constant 1 : i32
    %roll3A_1884 = tpu.dynamic_rotate %select_n3A_1871 by %roll3A_1883 dim 2 : vector<4x64x128xi32>, i32 -> vector<4x64x128xi32>
    %roll3A_1885 = arith.constant 127 : i32
    %roll3A_1886 = tpu.dynamic_rotate %select_n3A_1871 by %roll3A_1885 dim 2 : vector<4x64x128xi32>, i32 -> vector<4x64x128xi32>
    %select_n3A_1887 = arith.select %ne3A_1877, %roll3A_1884, %roll3A_1886 : vector<4x64x128xi1>, vector<4x64x128xi32>
    %gt3A_1888 = arith.cmpf ogt, %select_n3A_1882, %select_n3A_1870 : vector<4x64x128xf32>
    %eq3A_1889 = arith.cmpf oeq, %select_n3A_1882, %select_n3A_1870 : vector<4x64x128xf32>
    %lt3A_1890 = arith.cmpi slt, %select_n3A_1887, %select_n3A_1871 : vector<4x64x128xi32>
    %and3A_1891 = arith.andi %eq3A_1889, %lt3A_1890 : vector<4x64x128xi1>
    %or3A_1892 = arith.ori %gt3A_1888, %and3A_1891 : vector<4x64x128xi1>
    %xor3A_1893 = arith.xori %or3A_1892, %ne3A_1877 : vector<4x64x128xi1>
    %xor3A_1894 = arith.xori %xor3A_1893, %ne3A_1746 : vector<4x64x128xi1>
    %select_n3A_1895 = arith.select %xor3A_1894, %select_n3A_1882, %select_n3A_1870 : vector<4x64x128xi1>, vector<4x64x128xf32>
    %select_n3A_1896 = arith.select %xor3A_1894, %select_n3A_1887, %select_n3A_1871 : vector<4x64x128xi1>, vector<4x64x128xi32>
    %and3A_1897 = arith.constant 32 : i32
    %and3A_1898 = vector.broadcast %and3A_1897 : i32 to vector<4x64x128xi32>
    %and3A_1899 = arith.andi %add3A_21, %and3A_1898 : vector<4x64x128xi32>
    %ne3A_1900 = arith.constant 0 : i32
    %ne3A_1901 = vector.broadcast %ne3A_1900 : i32 to vector<4x64x128xi32>
    %ne3A_1902 = arith.cmpi ne, %and3A_1899, %ne3A_1901 : vector<4x64x128xi32>
    %roll3A_1903 = arith.constant 32 : i32
    %roll3A_1904 = tpu.dynamic_rotate %select_n3A_1895 by %roll3A_1903 dim 1 : vector<4x64x128xf32>, i32 -> vector<4x64x128xf32>
    %roll3A_1905 = arith.constant 32 : i32
    %roll3A_1906 = tpu.dynamic_rotate %select_n3A_1895 by %roll3A_1905 dim 1 : vector<4x64x128xf32>, i32 -> vector<4x64x128xf32>
    %select_n3A_1907 = arith.select %ne3A_1902, %roll3A_1904, %roll3A_1906 : vector<4x64x128xi1>, vector<4x64x128xf32>
    %roll3A_1908 = arith.constant 32 : i32
    %roll3A_1909 = tpu.dynamic_rotate %select_n3A_1896 by %roll3A_1908 dim 1 : vector<4x64x128xi32>, i32 -> vector<4x64x128xi32>
    %roll3A_1910 = arith.constant 32 : i32
    %roll3A_1911 = tpu.dynamic_rotate %select_n3A_1896 by %roll3A_1910 dim 1 : vector<4x64x128xi32>, i32 -> vector<4x64x128xi32>
    %select_n3A_1912 = arith.select %ne3A_1902, %roll3A_1909, %roll3A_1911 : vector<4x64x128xi1>, vector<4x64x128xi32>
    %gt3A_1913 = arith.cmpf ogt, %select_n3A_1907, %select_n3A_1895 : vector<4x64x128xf32>
    %eq3A_1914 = arith.cmpf oeq, %select_n3A_1907, %select_n3A_1895 : vector<4x64x128xf32>
    %lt3A_1915 = arith.cmpi slt, %select_n3A_1912, %select_n3A_1896 : vector<4x64x128xi32>
    %and3A_1916 = arith.andi %eq3A_1914, %lt3A_1915 : vector<4x64x128xi1>
    %or3A_1917 = arith.ori %gt3A_1913, %and3A_1916 : vector<4x64x128xi1>
    %xor3A_1918 = arith.xori %or3A_1917, %ne3A_1902 : vector<4x64x128xi1>
    %xor3A_1919 = arith.xori %xor3A_1918, %ne3A_1746 : vector<4x64x128xi1>
    %select_n3A_1920 = arith.select %xor3A_1919, %select_n3A_1907, %select_n3A_1895 : vector<4x64x128xi1>, vector<4x64x128xf32>
    %select_n3A_1921 = arith.select %xor3A_1919, %select_n3A_1912, %select_n3A_1896 : vector<4x64x128xi1>, vector<4x64x128xi32>
    %and3A_1922 = arith.constant 16 : i32
    %and3A_1923 = vector.broadcast %and3A_1922 : i32 to vector<4x64x128xi32>
    %and3A_1924 = arith.andi %add3A_21, %and3A_1923 : vector<4x64x128xi32>
    %ne3A_1925 = arith.constant 0 : i32
    %ne3A_1926 = vector.broadcast %ne3A_1925 : i32 to vector<4x64x128xi32>
    %ne3A_1927 = arith.cmpi ne, %and3A_1924, %ne3A_1926 : vector<4x64x128xi32>
    %roll3A_1928 = arith.constant 16 : i32
    %roll3A_1929 = tpu.dynamic_rotate %select_n3A_1920 by %roll3A_1928 dim 1 : vector<4x64x128xf32>, i32 -> vector<4x64x128xf32>
    %roll3A_1930 = arith.constant 48 : i32
    %roll3A_1931 = tpu.dynamic_rotate %select_n3A_1920 by %roll3A_1930 dim 1 : vector<4x64x128xf32>, i32 -> vector<4x64x128xf32>
    %select_n3A_1932 = arith.select %ne3A_1927, %roll3A_1929, %roll3A_1931 : vector<4x64x128xi1>, vector<4x64x128xf32>
    %roll3A_1933 = arith.constant 16 : i32
    %roll3A_1934 = tpu.dynamic_rotate %select_n3A_1921 by %roll3A_1933 dim 1 : vector<4x64x128xi32>, i32 -> vector<4x64x128xi32>
    %roll3A_1935 = arith.constant 48 : i32
    %roll3A_1936 = tpu.dynamic_rotate %select_n3A_1921 by %roll3A_1935 dim 1 : vector<4x64x128xi32>, i32 -> vector<4x64x128xi32>
    %select_n3A_1937 = arith.select %ne3A_1927, %roll3A_1934, %roll3A_1936 : vector<4x64x128xi1>, vector<4x64x128xi32>
    %gt3A_1938 = arith.cmpf ogt, %select_n3A_1932, %select_n3A_1920 : vector<4x64x128xf32>
    %eq3A_1939 = arith.cmpf oeq, %select_n3A_1932, %select_n3A_1920 : vector<4x64x128xf32>
    %lt3A_1940 = arith.cmpi slt, %select_n3A_1937, %select_n3A_1921 : vector<4x64x128xi32>
    %and3A_1941 = arith.andi %eq3A_1939, %lt3A_1940 : vector<4x64x128xi1>
    %or3A_1942 = arith.ori %gt3A_1938, %and3A_1941 : vector<4x64x128xi1>
    %xor3A_1943 = arith.xori %or3A_1942, %ne3A_1927 : vector<4x64x128xi1>
    %xor3A_1944 = arith.xori %xor3A_1943, %ne3A_1746 : vector<4x64x128xi1>
    %select_n3A_1945 = arith.select %xor3A_1944, %select_n3A_1932, %select_n3A_1920 : vector<4x64x128xi1>, vector<4x64x128xf32>
    %select_n3A_1946 = arith.select %xor3A_1944, %select_n3A_1937, %select_n3A_1921 : vector<4x64x128xi1>, vector<4x64x128xi32>
    %and3A_1947 = arith.constant 8 : i32
    %and3A_1948 = vector.broadcast %and3A_1947 : i32 to vector<4x64x128xi32>
    %and3A_1949 = arith.andi %add3A_21, %and3A_1948 : vector<4x64x128xi32>
    %ne3A_1950 = arith.constant 0 : i32
    %ne3A_1951 = vector.broadcast %ne3A_1950 : i32 to vector<4x64x128xi32>
    %ne3A_1952 = arith.cmpi ne, %and3A_1949, %ne3A_1951 : vector<4x64x128xi32>
    %roll3A_1953 = arith.constant 8 : i32
    %roll3A_1954 = tpu.dynamic_rotate %select_n3A_1945 by %roll3A_1953 dim 1 : vector<4x64x128xf32>, i32 -> vector<4x64x128xf32>
    %roll3A_1955 = arith.constant 56 : i32
    %roll3A_1956 = tpu.dynamic_rotate %select_n3A_1945 by %roll3A_1955 dim 1 : vector<4x64x128xf32>, i32 -> vector<4x64x128xf32>
    %select_n3A_1957 = arith.select %ne3A_1952, %roll3A_1954, %roll3A_1956 : vector<4x64x128xi1>, vector<4x64x128xf32>
    %roll3A_1958 = arith.constant 8 : i32
    %roll3A_1959 = tpu.dynamic_rotate %select_n3A_1946 by %roll3A_1958 dim 1 : vector<4x64x128xi32>, i32 -> vector<4x64x128xi32>
    %roll3A_1960 = arith.constant 56 : i32
    %roll3A_1961 = tpu.dynamic_rotate %select_n3A_1946 by %roll3A_1960 dim 1 : vector<4x64x128xi32>, i32 -> vector<4x64x128xi32>
    %select_n3A_1962 = arith.select %ne3A_1952, %roll3A_1959, %roll3A_1961 : vector<4x64x128xi1>, vector<4x64x128xi32>
    %gt3A_1963 = arith.cmpf ogt, %select_n3A_1957, %select_n3A_1945 : vector<4x64x128xf32>
    %eq3A_1964 = arith.cmpf oeq, %select_n3A_1957, %select_n3A_1945 : vector<4x64x128xf32>
    %lt3A_1965 = arith.cmpi slt, %select_n3A_1962, %select_n3A_1946 : vector<4x64x128xi32>
    %and3A_1966 = arith.andi %eq3A_1964, %lt3A_1965 : vector<4x64x128xi1>
    %or3A_1967 = arith.ori %gt3A_1963, %and3A_1966 : vector<4x64x128xi1>
    %xor3A_1968 = arith.xori %or3A_1967, %ne3A_1952 : vector<4x64x128xi1>
    %xor3A_1969 = arith.xori %xor3A_1968, %ne3A_1746 : vector<4x64x128xi1>
    %select_n3A_1970 = arith.select %xor3A_1969, %select_n3A_1957, %select_n3A_1945 : vector<4x64x128xi1>, vector<4x64x128xf32>
    %select_n3A_1971 = arith.select %xor3A_1969, %select_n3A_1962, %select_n3A_1946 : vector<4x64x128xi1>, vector<4x64x128xi32>
    %and3A_1972 = arith.constant 4 : i32
    %and3A_1973 = vector.broadcast %and3A_1972 : i32 to vector<4x64x128xi32>
    %and3A_1974 = arith.andi %add3A_21, %and3A_1973 : vector<4x64x128xi32>
    %ne3A_1975 = arith.constant 0 : i32
    %ne3A_1976 = vector.broadcast %ne3A_1975 : i32 to vector<4x64x128xi32>
    %ne3A_1977 = arith.cmpi ne, %and3A_1974, %ne3A_1976 : vector<4x64x128xi32>
    %roll3A_1978 = arith.constant 4 : i32
    %roll3A_1979 = tpu.dynamic_rotate %select_n3A_1970 by %roll3A_1978 dim 1 : vector<4x64x128xf32>, i32 -> vector<4x64x128xf32>
    %roll3A_1980 = arith.constant 60 : i32
    %roll3A_1981 = tpu.dynamic_rotate %select_n3A_1970 by %roll3A_1980 dim 1 : vector<4x64x128xf32>, i32 -> vector<4x64x128xf32>
    %select_n3A_1982 = arith.select %ne3A_1977, %roll3A_1979, %roll3A_1981 : vector<4x64x128xi1>, vector<4x64x128xf32>
    %roll3A_1983 = arith.constant 4 : i32
    %roll3A_1984 = tpu.dynamic_rotate %select_n3A_1971 by %roll3A_1983 dim 1 : vector<4x64x128xi32>, i32 -> vector<4x64x128xi32>
    %roll3A_1985 = arith.constant 60 : i32
    %roll3A_1986 = tpu.dynamic_rotate %select_n3A_1971 by %roll3A_1985 dim 1 : vector<4x64x128xi32>, i32 -> vector<4x64x128xi32>
    %select_n3A_1987 = arith.select %ne3A_1977, %roll3A_1984, %roll3A_1986 : vector<4x64x128xi1>, vector<4x64x128xi32>
    %gt3A_1988 = arith.cmpf ogt, %select_n3A_1982, %select_n3A_1970 : vector<4x64x128xf32>
    %eq3A_1989 = arith.cmpf oeq, %select_n3A_1982, %select_n3A_1970 : vector<4x64x128xf32>
    %lt3A_1990 = arith.cmpi slt, %select_n3A_1987, %select_n3A_1971 : vector<4x64x128xi32>
    %and3A_1991 = arith.andi %eq3A_1989, %lt3A_1990 : vector<4x64x128xi1>
    %or3A_1992 = arith.ori %gt3A_1988, %and3A_1991 : vector<4x64x128xi1>
    %xor3A_1993 = arith.xori %or3A_1992, %ne3A_1977 : vector<4x64x128xi1>
    %xor3A_1994 = arith.xori %xor3A_1993, %ne3A_1746 : vector<4x64x128xi1>
    %select_n3A_1995 = arith.select %xor3A_1994, %select_n3A_1982, %select_n3A_1970 : vector<4x64x128xi1>, vector<4x64x128xf32>
    %select_n3A_1996 = arith.select %xor3A_1994, %select_n3A_1987, %select_n3A_1971 : vector<4x64x128xi1>, vector<4x64x128xi32>
    %and3A_1997 = arith.constant 2 : i32
    %and3A_1998 = vector.broadcast %and3A_1997 : i32 to vector<4x64x128xi32>
    %and3A_1999 = arith.andi %add3A_21, %and3A_1998 : vector<4x64x128xi32>
    %ne3A_2000 = arith.constant 0 : i32
    %ne3A_2001 = vector.broadcast %ne3A_2000 : i32 to vector<4x64x128xi32>
    %ne3A_2002 = arith.cmpi ne, %and3A_1999, %ne3A_2001 : vector<4x64x128xi32>
    %roll3A_2003 = arith.constant 2 : i32
    %roll3A_2004 = tpu.dynamic_rotate %select_n3A_1995 by %roll3A_2003 dim 1 : vector<4x64x128xf32>, i32 -> vector<4x64x128xf32>
    %roll3A_2005 = arith.constant 62 : i32
    %roll3A_2006 = tpu.dynamic_rotate %select_n3A_1995 by %roll3A_2005 dim 1 : vector<4x64x128xf32>, i32 -> vector<4x64x128xf32>
    %select_n3A_2007 = arith.select %ne3A_2002, %roll3A_2004, %roll3A_2006 : vector<4x64x128xi1>, vector<4x64x128xf32>
    %roll3A_2008 = arith.constant 2 : i32
    %roll3A_2009 = tpu.dynamic_rotate %select_n3A_1996 by %roll3A_2008 dim 1 : vector<4x64x128xi32>, i32 -> vector<4x64x128xi32>
    %roll3A_2010 = arith.constant 62 : i32
    %roll3A_2011 = tpu.dynamic_rotate %select_n3A_1996 by %roll3A_2010 dim 1 : vector<4x64x128xi32>, i32 -> vector<4x64x128xi32>
    %select_n3A_2012 = arith.select %ne3A_2002, %roll3A_2009, %roll3A_2011 : vector<4x64x128xi1>, vector<4x64x128xi32>
    %gt3A_2013 = arith.cmpf ogt, %select_n3A_2007, %select_n3A_1995 : vector<4x64x128xf32>
    %eq3A_2014 = arith.cmpf oeq, %select_n3A_2007, %select_n3A_1995 : vector<4x64x128xf32>
    %lt3A_2015 = arith.cmpi slt, %select_n3A_2012, %select_n3A_1996 : vector<4x64x128xi32>
    %and3A_2016 = arith.andi %eq3A_2014, %lt3A_2015 : vector<4x64x128xi1>
    %or3A_2017 = arith.ori %gt3A_2013, %and3A_2016 : vector<4x64x128xi1>
    %xor3A_2018 = arith.xori %or3A_2017, %ne3A_2002 : vector<4x64x128xi1>
    %xor3A_2019 = arith.xori %xor3A_2018, %ne3A_1746 : vector<4x64x128xi1>
    %select_n3A_2020 = arith.select %xor3A_2019, %select_n3A_2007, %select_n3A_1995 : vector<4x64x128xi1>, vector<4x64x128xf32>
    %select_n3A_2021 = arith.select %xor3A_2019, %select_n3A_2012, %select_n3A_1996 : vector<4x64x128xi1>, vector<4x64x128xi32>
    %and3A_2022 = arith.constant 1 : i32
    %and3A_2023 = vector.broadcast %and3A_2022 : i32 to vector<4x64x128xi32>
    %and3A_2024 = arith.andi %add3A_21, %and3A_2023 : vector<4x64x128xi32>
    %ne3A_2025 = arith.constant 0 : i32
    %ne3A_2026 = vector.broadcast %ne3A_2025 : i32 to vector<4x64x128xi32>
    %ne3A_2027 = arith.cmpi ne, %and3A_2024, %ne3A_2026 : vector<4x64x128xi32>
    %roll3A_2028 = arith.constant 1 : i32
    %roll3A_2029 = tpu.dynamic_rotate %select_n3A_2020 by %roll3A_2028 dim 1 : vector<4x64x128xf32>, i32 -> vector<4x64x128xf32>
    %roll3A_2030 = arith.constant 63 : i32
    %roll3A_2031 = tpu.dynamic_rotate %select_n3A_2020 by %roll3A_2030 dim 1 : vector<4x64x128xf32>, i32 -> vector<4x64x128xf32>
    %select_n3A_2032 = arith.select %ne3A_2027, %roll3A_2029, %roll3A_2031 : vector<4x64x128xi1>, vector<4x64x128xf32>
    %roll3A_2033 = arith.constant 1 : i32
    %roll3A_2034 = tpu.dynamic_rotate %select_n3A_2021 by %roll3A_2033 dim 1 : vector<4x64x128xi32>, i32 -> vector<4x64x128xi32>
    %roll3A_2035 = arith.constant 63 : i32
    %roll3A_2036 = tpu.dynamic_rotate %select_n3A_2021 by %roll3A_2035 dim 1 : vector<4x64x128xi32>, i32 -> vector<4x64x128xi32>
    %select_n3A_2037 = arith.select %ne3A_2027, %roll3A_2034, %roll3A_2036 : vector<4x64x128xi1>, vector<4x64x128xi32>
    %gt3A_2038 = arith.cmpf ogt, %select_n3A_2032, %select_n3A_2020 : vector<4x64x128xf32>
    %eq3A_2039 = arith.cmpf oeq, %select_n3A_2032, %select_n3A_2020 : vector<4x64x128xf32>
    %lt3A_2040 = arith.cmpi slt, %select_n3A_2037, %select_n3A_2021 : vector<4x64x128xi32>
    %and3A_2041 = arith.andi %eq3A_2039, %lt3A_2040 : vector<4x64x128xi1>
    %or3A_2042 = arith.ori %gt3A_2038, %and3A_2041 : vector<4x64x128xi1>
    %xor3A_2043 = arith.xori %or3A_2042, %ne3A_2027 : vector<4x64x128xi1>
    %xor3A_2044 = arith.xori %xor3A_2043, %ne3A_1746 : vector<4x64x128xi1>
    %select_n3A_2045 = arith.select %xor3A_2044, %select_n3A_2032, %select_n3A_2020 : vector<4x64x128xi1>, vector<4x64x128xf32>
    %select_n3A_2046 = arith.select %xor3A_2044, %select_n3A_2037, %select_n3A_2021 : vector<4x64x128xi1>, vector<4x64x128xi32>
    %and3A_2047 = arith.constant 8192 : i32
    %and3A_2048 = vector.broadcast %and3A_2047 : i32 to vector<4x64x128xi32>
    %and3A_2049 = arith.andi %add3A_21, %and3A_2048 : vector<4x64x128xi32>
    %ne3A_2050 = arith.constant 0 : i32
    %ne3A_2051 = vector.broadcast %ne3A_2050 : i32 to vector<4x64x128xi32>
    %ne3A_2052 = arith.cmpi ne, %and3A_2049, %ne3A_2051 : vector<4x64x128xi32>
    %and3A_2053 = arith.constant 4096 : i32
    %and3A_2054 = vector.broadcast %and3A_2053 : i32 to vector<4x64x128xi32>
    %and3A_2055 = arith.andi %add3A_21, %and3A_2054 : vector<4x64x128xi32>
    %ne3A_2056 = arith.constant 0 : i32
    %ne3A_2057 = vector.broadcast %ne3A_2056 : i32 to vector<4x64x128xi32>
    %ne3A_2058 = arith.cmpi ne, %and3A_2055, %ne3A_2057 : vector<4x64x128xi32>
    %roll3A_2059 = arith.constant 64 : i32
    %roll3A_2060 = tpu.dynamic_rotate %select_n3A_2045 by %roll3A_2059 dim 2 : vector<4x64x128xf32>, i32 -> vector<4x64x128xf32>
    %roll3A_2061 = arith.constant 64 : i32
    %roll3A_2062 = tpu.dynamic_rotate %select_n3A_2045 by %roll3A_2061 dim 2 : vector<4x64x128xf32>, i32 -> vector<4x64x128xf32>
    %select_n3A_2063 = arith.select %ne3A_2058, %roll3A_2060, %roll3A_2062 : vector<4x64x128xi1>, vector<4x64x128xf32>
    %roll3A_2064 = arith.constant 64 : i32
    %roll3A_2065 = tpu.dynamic_rotate %select_n3A_2046 by %roll3A_2064 dim 2 : vector<4x64x128xi32>, i32 -> vector<4x64x128xi32>
    %roll3A_2066 = arith.constant 64 : i32
    %roll3A_2067 = tpu.dynamic_rotate %select_n3A_2046 by %roll3A_2066 dim 2 : vector<4x64x128xi32>, i32 -> vector<4x64x128xi32>
    %select_n3A_2068 = arith.select %ne3A_2058, %roll3A_2065, %roll3A_2067 : vector<4x64x128xi1>, vector<4x64x128xi32>
    %gt3A_2069 = arith.cmpf ogt, %select_n3A_2063, %select_n3A_2045 : vector<4x64x128xf32>
    %eq3A_2070 = arith.cmpf oeq, %select_n3A_2063, %select_n3A_2045 : vector<4x64x128xf32>
    %lt3A_2071 = arith.cmpi slt, %select_n3A_2068, %select_n3A_2046 : vector<4x64x128xi32>
    %and3A_2072 = arith.andi %eq3A_2070, %lt3A_2071 : vector<4x64x128xi1>
    %or3A_2073 = arith.ori %gt3A_2069, %and3A_2072 : vector<4x64x128xi1>
    %xor3A_2074 = arith.xori %or3A_2073, %ne3A_2058 : vector<4x64x128xi1>
    %xor3A_2075 = arith.xori %xor3A_2074, %ne3A_2052 : vector<4x64x128xi1>
    %select_n3A_2076 = arith.select %xor3A_2075, %select_n3A_2063, %select_n3A_2045 : vector<4x64x128xi1>, vector<4x64x128xf32>
    %select_n3A_2077 = arith.select %xor3A_2075, %select_n3A_2068, %select_n3A_2046 : vector<4x64x128xi1>, vector<4x64x128xi32>
    %and3A_2078 = arith.constant 2048 : i32
    %and3A_2079 = vector.broadcast %and3A_2078 : i32 to vector<4x64x128xi32>
    %and3A_2080 = arith.andi %add3A_21, %and3A_2079 : vector<4x64x128xi32>
    %ne3A_2081 = arith.constant 0 : i32
    %ne3A_2082 = vector.broadcast %ne3A_2081 : i32 to vector<4x64x128xi32>
    %ne3A_2083 = arith.cmpi ne, %and3A_2080, %ne3A_2082 : vector<4x64x128xi32>
    %roll3A_2084 = arith.constant 32 : i32
    %roll3A_2085 = tpu.dynamic_rotate %select_n3A_2076 by %roll3A_2084 dim 2 : vector<4x64x128xf32>, i32 -> vector<4x64x128xf32>
    %roll3A_2086 = arith.constant 96 : i32
    %roll3A_2087 = tpu.dynamic_rotate %select_n3A_2076 by %roll3A_2086 dim 2 : vector<4x64x128xf32>, i32 -> vector<4x64x128xf32>
    %select_n3A_2088 = arith.select %ne3A_2083, %roll3A_2085, %roll3A_2087 : vector<4x64x128xi1>, vector<4x64x128xf32>
    %roll3A_2089 = arith.constant 32 : i32
    %roll3A_2090 = tpu.dynamic_rotate %select_n3A_2077 by %roll3A_2089 dim 2 : vector<4x64x128xi32>, i32 -> vector<4x64x128xi32>
    %roll3A_2091 = arith.constant 96 : i32
    %roll3A_2092 = tpu.dynamic_rotate %select_n3A_2077 by %roll3A_2091 dim 2 : vector<4x64x128xi32>, i32 -> vector<4x64x128xi32>
    %select_n3A_2093 = arith.select %ne3A_2083, %roll3A_2090, %roll3A_2092 : vector<4x64x128xi1>, vector<4x64x128xi32>
    %gt3A_2094 = arith.cmpf ogt, %select_n3A_2088, %select_n3A_2076 : vector<4x64x128xf32>
    %eq3A_2095 = arith.cmpf oeq, %select_n3A_2088, %select_n3A_2076 : vector<4x64x128xf32>
    %lt3A_2096 = arith.cmpi slt, %select_n3A_2093, %select_n3A_2077 : vector<4x64x128xi32>
    %and3A_2097 = arith.andi %eq3A_2095, %lt3A_2096 : vector<4x64x128xi1>
    %or3A_2098 = arith.ori %gt3A_2094, %and3A_2097 : vector<4x64x128xi1>
    %xor3A_2099 = arith.xori %or3A_2098, %ne3A_2083 : vector<4x64x128xi1>
    %xor3A_2100 = arith.xori %xor3A_2099, %ne3A_2052 : vector<4x64x128xi1>
    %select_n3A_2101 = arith.select %xor3A_2100, %select_n3A_2088, %select_n3A_2076 : vector<4x64x128xi1>, vector<4x64x128xf32>
    %select_n3A_2102 = arith.select %xor3A_2100, %select_n3A_2093, %select_n3A_2077 : vector<4x64x128xi1>, vector<4x64x128xi32>
    %and3A_2103 = arith.constant 1024 : i32
    %and3A_2104 = vector.broadcast %and3A_2103 : i32 to vector<4x64x128xi32>
    %and3A_2105 = arith.andi %add3A_21, %and3A_2104 : vector<4x64x128xi32>
    %ne3A_2106 = arith.constant 0 : i32
    %ne3A_2107 = vector.broadcast %ne3A_2106 : i32 to vector<4x64x128xi32>
    %ne3A_2108 = arith.cmpi ne, %and3A_2105, %ne3A_2107 : vector<4x64x128xi32>
    %roll3A_2109 = arith.constant 16 : i32
    %roll3A_2110 = tpu.dynamic_rotate %select_n3A_2101 by %roll3A_2109 dim 2 : vector<4x64x128xf32>, i32 -> vector<4x64x128xf32>
    %roll3A_2111 = arith.constant 112 : i32
    %roll3A_2112 = tpu.dynamic_rotate %select_n3A_2101 by %roll3A_2111 dim 2 : vector<4x64x128xf32>, i32 -> vector<4x64x128xf32>
    %select_n3A_2113 = arith.select %ne3A_2108, %roll3A_2110, %roll3A_2112 : vector<4x64x128xi1>, vector<4x64x128xf32>
    %roll3A_2114 = arith.constant 16 : i32
    %roll3A_2115 = tpu.dynamic_rotate %select_n3A_2102 by %roll3A_2114 dim 2 : vector<4x64x128xi32>, i32 -> vector<4x64x128xi32>
    %roll3A_2116 = arith.constant 112 : i32
    %roll3A_2117 = tpu.dynamic_rotate %select_n3A_2102 by %roll3A_2116 dim 2 : vector<4x64x128xi32>, i32 -> vector<4x64x128xi32>
    %select_n3A_2118 = arith.select %ne3A_2108, %roll3A_2115, %roll3A_2117 : vector<4x64x128xi1>, vector<4x64x128xi32>
    %gt3A_2119 = arith.cmpf ogt, %select_n3A_2113, %select_n3A_2101 : vector<4x64x128xf32>
    %eq3A_2120 = arith.cmpf oeq, %select_n3A_2113, %select_n3A_2101 : vector<4x64x128xf32>
    %lt3A_2121 = arith.cmpi slt, %select_n3A_2118, %select_n3A_2102 : vector<4x64x128xi32>
    %and3A_2122 = arith.andi %eq3A_2120, %lt3A_2121 : vector<4x64x128xi1>
    %or3A_2123 = arith.ori %gt3A_2119, %and3A_2122 : vector<4x64x128xi1>
    %xor3A_2124 = arith.xori %or3A_2123, %ne3A_2108 : vector<4x64x128xi1>
    %xor3A_2125 = arith.xori %xor3A_2124, %ne3A_2052 : vector<4x64x128xi1>
    %select_n3A_2126 = arith.select %xor3A_2125, %select_n3A_2113, %select_n3A_2101 : vector<4x64x128xi1>, vector<4x64x128xf32>
    %select_n3A_2127 = arith.select %xor3A_2125, %select_n3A_2118, %select_n3A_2102 : vector<4x64x128xi1>, vector<4x64x128xi32>
    %and3A_2128 = arith.constant 512 : i32
    %and3A_2129 = vector.broadcast %and3A_2128 : i32 to vector<4x64x128xi32>
    %and3A_2130 = arith.andi %add3A_21, %and3A_2129 : vector<4x64x128xi32>
    %ne3A_2131 = arith.constant 0 : i32
    %ne3A_2132 = vector.broadcast %ne3A_2131 : i32 to vector<4x64x128xi32>
    %ne3A_2133 = arith.cmpi ne, %and3A_2130, %ne3A_2132 : vector<4x64x128xi32>
    %roll3A_2134 = arith.constant 8 : i32
    %roll3A_2135 = tpu.dynamic_rotate %select_n3A_2126 by %roll3A_2134 dim 2 : vector<4x64x128xf32>, i32 -> vector<4x64x128xf32>
    %roll3A_2136 = arith.constant 120 : i32
    %roll3A_2137 = tpu.dynamic_rotate %select_n3A_2126 by %roll3A_2136 dim 2 : vector<4x64x128xf32>, i32 -> vector<4x64x128xf32>
    %select_n3A_2138 = arith.select %ne3A_2133, %roll3A_2135, %roll3A_2137 : vector<4x64x128xi1>, vector<4x64x128xf32>
    %roll3A_2139 = arith.constant 8 : i32
    %roll3A_2140 = tpu.dynamic_rotate %select_n3A_2127 by %roll3A_2139 dim 2 : vector<4x64x128xi32>, i32 -> vector<4x64x128xi32>
    %roll3A_2141 = arith.constant 120 : i32
    %roll3A_2142 = tpu.dynamic_rotate %select_n3A_2127 by %roll3A_2141 dim 2 : vector<4x64x128xi32>, i32 -> vector<4x64x128xi32>
    %select_n3A_2143 = arith.select %ne3A_2133, %roll3A_2140, %roll3A_2142 : vector<4x64x128xi1>, vector<4x64x128xi32>
    %gt3A_2144 = arith.cmpf ogt, %select_n3A_2138, %select_n3A_2126 : vector<4x64x128xf32>
    %eq3A_2145 = arith.cmpf oeq, %select_n3A_2138, %select_n3A_2126 : vector<4x64x128xf32>
    %lt3A_2146 = arith.cmpi slt, %select_n3A_2143, %select_n3A_2127 : vector<4x64x128xi32>
    %and3A_2147 = arith.andi %eq3A_2145, %lt3A_2146 : vector<4x64x128xi1>
    %or3A_2148 = arith.ori %gt3A_2144, %and3A_2147 : vector<4x64x128xi1>
    %xor3A_2149 = arith.xori %or3A_2148, %ne3A_2133 : vector<4x64x128xi1>
    %xor3A_2150 = arith.xori %xor3A_2149, %ne3A_2052 : vector<4x64x128xi1>
    %select_n3A_2151 = arith.select %xor3A_2150, %select_n3A_2138, %select_n3A_2126 : vector<4x64x128xi1>, vector<4x64x128xf32>
    %select_n3A_2152 = arith.select %xor3A_2150, %select_n3A_2143, %select_n3A_2127 : vector<4x64x128xi1>, vector<4x64x128xi32>
    %and3A_2153 = arith.constant 256 : i32
    %and3A_2154 = vector.broadcast %and3A_2153 : i32 to vector<4x64x128xi32>
    %and3A_2155 = arith.andi %add3A_21, %and3A_2154 : vector<4x64x128xi32>
    %ne3A_2156 = arith.constant 0 : i32
    %ne3A_2157 = vector.broadcast %ne3A_2156 : i32 to vector<4x64x128xi32>
    %ne3A_2158 = arith.cmpi ne, %and3A_2155, %ne3A_2157 : vector<4x64x128xi32>
    %roll3A_2159 = arith.constant 4 : i32
    %roll3A_2160 = tpu.dynamic_rotate %select_n3A_2151 by %roll3A_2159 dim 2 : vector<4x64x128xf32>, i32 -> vector<4x64x128xf32>
    %roll3A_2161 = arith.constant 124 : i32
    %roll3A_2162 = tpu.dynamic_rotate %select_n3A_2151 by %roll3A_2161 dim 2 : vector<4x64x128xf32>, i32 -> vector<4x64x128xf32>
    %select_n3A_2163 = arith.select %ne3A_2158, %roll3A_2160, %roll3A_2162 : vector<4x64x128xi1>, vector<4x64x128xf32>
    %roll3A_2164 = arith.constant 4 : i32
    %roll3A_2165 = tpu.dynamic_rotate %select_n3A_2152 by %roll3A_2164 dim 2 : vector<4x64x128xi32>, i32 -> vector<4x64x128xi32>
    %roll3A_2166 = arith.constant 124 : i32
    %roll3A_2167 = tpu.dynamic_rotate %select_n3A_2152 by %roll3A_2166 dim 2 : vector<4x64x128xi32>, i32 -> vector<4x64x128xi32>
    %select_n3A_2168 = arith.select %ne3A_2158, %roll3A_2165, %roll3A_2167 : vector<4x64x128xi1>, vector<4x64x128xi32>
    %gt3A_2169 = arith.cmpf ogt, %select_n3A_2163, %select_n3A_2151 : vector<4x64x128xf32>
    %eq3A_2170 = arith.cmpf oeq, %select_n3A_2163, %select_n3A_2151 : vector<4x64x128xf32>
    %lt3A_2171 = arith.cmpi slt, %select_n3A_2168, %select_n3A_2152 : vector<4x64x128xi32>
    %and3A_2172 = arith.andi %eq3A_2170, %lt3A_2171 : vector<4x64x128xi1>
    %or3A_2173 = arith.ori %gt3A_2169, %and3A_2172 : vector<4x64x128xi1>
    %xor3A_2174 = arith.xori %or3A_2173, %ne3A_2158 : vector<4x64x128xi1>
    %xor3A_2175 = arith.xori %xor3A_2174, %ne3A_2052 : vector<4x64x128xi1>
    %select_n3A_2176 = arith.select %xor3A_2175, %select_n3A_2163, %select_n3A_2151 : vector<4x64x128xi1>, vector<4x64x128xf32>
    %select_n3A_2177 = arith.select %xor3A_2175, %select_n3A_2168, %select_n3A_2152 : vector<4x64x128xi1>, vector<4x64x128xi32>
    %and3A_2178 = arith.constant 128 : i32
    %and3A_2179 = vector.broadcast %and3A_2178 : i32 to vector<4x64x128xi32>
    %and3A_2180 = arith.andi %add3A_21, %and3A_2179 : vector<4x64x128xi32>
    %ne3A_2181 = arith.constant 0 : i32
    %ne3A_2182 = vector.broadcast %ne3A_2181 : i32 to vector<4x64x128xi32>
    %ne3A_2183 = arith.cmpi ne, %and3A_2180, %ne3A_2182 : vector<4x64x128xi32>
    %roll3A_2184 = arith.constant 2 : i32
    %roll3A_2185 = tpu.dynamic_rotate %select_n3A_2176 by %roll3A_2184 dim 2 : vector<4x64x128xf32>, i32 -> vector<4x64x128xf32>
    %roll3A_2186 = arith.constant 126 : i32
    %roll3A_2187 = tpu.dynamic_rotate %select_n3A_2176 by %roll3A_2186 dim 2 : vector<4x64x128xf32>, i32 -> vector<4x64x128xf32>
    %select_n3A_2188 = arith.select %ne3A_2183, %roll3A_2185, %roll3A_2187 : vector<4x64x128xi1>, vector<4x64x128xf32>
    %roll3A_2189 = arith.constant 2 : i32
    %roll3A_2190 = tpu.dynamic_rotate %select_n3A_2177 by %roll3A_2189 dim 2 : vector<4x64x128xi32>, i32 -> vector<4x64x128xi32>
    %roll3A_2191 = arith.constant 126 : i32
    %roll3A_2192 = tpu.dynamic_rotate %select_n3A_2177 by %roll3A_2191 dim 2 : vector<4x64x128xi32>, i32 -> vector<4x64x128xi32>
    %select_n3A_2193 = arith.select %ne3A_2183, %roll3A_2190, %roll3A_2192 : vector<4x64x128xi1>, vector<4x64x128xi32>
    %gt3A_2194 = arith.cmpf ogt, %select_n3A_2188, %select_n3A_2176 : vector<4x64x128xf32>
    %eq3A_2195 = arith.cmpf oeq, %select_n3A_2188, %select_n3A_2176 : vector<4x64x128xf32>
    %lt3A_2196 = arith.cmpi slt, %select_n3A_2193, %select_n3A_2177 : vector<4x64x128xi32>
    %and3A_2197 = arith.andi %eq3A_2195, %lt3A_2196 : vector<4x64x128xi1>
    %or3A_2198 = arith.ori %gt3A_2194, %and3A_2197 : vector<4x64x128xi1>
    %xor3A_2199 = arith.xori %or3A_2198, %ne3A_2183 : vector<4x64x128xi1>
    %xor3A_2200 = arith.xori %xor3A_2199, %ne3A_2052 : vector<4x64x128xi1>
    %select_n3A_2201 = arith.select %xor3A_2200, %select_n3A_2188, %select_n3A_2176 : vector<4x64x128xi1>, vector<4x64x128xf32>
    %select_n3A_2202 = arith.select %xor3A_2200, %select_n3A_2193, %select_n3A_2177 : vector<4x64x128xi1>, vector<4x64x128xi32>
    %and3A_2203 = arith.constant 64 : i32
    %and3A_2204 = vector.broadcast %and3A_2203 : i32 to vector<4x64x128xi32>
    %and3A_2205 = arith.andi %add3A_21, %and3A_2204 : vector<4x64x128xi32>
    %ne3A_2206 = arith.constant 0 : i32
    %ne3A_2207 = vector.broadcast %ne3A_2206 : i32 to vector<4x64x128xi32>
    %ne3A_2208 = arith.cmpi ne, %and3A_2205, %ne3A_2207 : vector<4x64x128xi32>
    %roll3A_2209 = arith.constant 1 : i32
    %roll3A_2210 = tpu.dynamic_rotate %select_n3A_2201 by %roll3A_2209 dim 2 : vector<4x64x128xf32>, i32 -> vector<4x64x128xf32>
    %roll3A_2211 = arith.constant 127 : i32
    %roll3A_2212 = tpu.dynamic_rotate %select_n3A_2201 by %roll3A_2211 dim 2 : vector<4x64x128xf32>, i32 -> vector<4x64x128xf32>
    %select_n3A_2213 = arith.select %ne3A_2208, %roll3A_2210, %roll3A_2212 : vector<4x64x128xi1>, vector<4x64x128xf32>
    %roll3A_2214 = arith.constant 1 : i32
    %roll3A_2215 = tpu.dynamic_rotate %select_n3A_2202 by %roll3A_2214 dim 2 : vector<4x64x128xi32>, i32 -> vector<4x64x128xi32>
    %roll3A_2216 = arith.constant 127 : i32
    %roll3A_2217 = tpu.dynamic_rotate %select_n3A_2202 by %roll3A_2216 dim 2 : vector<4x64x128xi32>, i32 -> vector<4x64x128xi32>
    %select_n3A_2218 = arith.select %ne3A_2208, %roll3A_2215, %roll3A_2217 : vector<4x64x128xi1>, vector<4x64x128xi32>
    %gt3A_2219 = arith.cmpf ogt, %select_n3A_2213, %select_n3A_2201 : vector<4x64x128xf32>
    %eq3A_2220 = arith.cmpf oeq, %select_n3A_2213, %select_n3A_2201 : vector<4x64x128xf32>
    %lt3A_2221 = arith.cmpi slt, %select_n3A_2218, %select_n3A_2202 : vector<4x64x128xi32>
    %and3A_2222 = arith.andi %eq3A_2220, %lt3A_2221 : vector<4x64x128xi1>
    %or3A_2223 = arith.ori %gt3A_2219, %and3A_2222 : vector<4x64x128xi1>
    %xor3A_2224 = arith.xori %or3A_2223, %ne3A_2208 : vector<4x64x128xi1>
    %xor3A_2225 = arith.xori %xor3A_2224, %ne3A_2052 : vector<4x64x128xi1>
    %select_n3A_2226 = arith.select %xor3A_2225, %select_n3A_2213, %select_n3A_2201 : vector<4x64x128xi1>, vector<4x64x128xf32>
    %select_n3A_2227 = arith.select %xor3A_2225, %select_n3A_2218, %select_n3A_2202 : vector<4x64x128xi1>, vector<4x64x128xi32>
    %and3A_2228 = arith.constant 32 : i32
    %and3A_2229 = vector.broadcast %and3A_2228 : i32 to vector<4x64x128xi32>
    %and3A_2230 = arith.andi %add3A_21, %and3A_2229 : vector<4x64x128xi32>
    %ne3A_2231 = arith.constant 0 : i32
    %ne3A_2232 = vector.broadcast %ne3A_2231 : i32 to vector<4x64x128xi32>
    %ne3A_2233 = arith.cmpi ne, %and3A_2230, %ne3A_2232 : vector<4x64x128xi32>
    %roll3A_2234 = arith.constant 32 : i32
    %roll3A_2235 = tpu.dynamic_rotate %select_n3A_2226 by %roll3A_2234 dim 1 : vector<4x64x128xf32>, i32 -> vector<4x64x128xf32>
    %roll3A_2236 = arith.constant 32 : i32
    %roll3A_2237 = tpu.dynamic_rotate %select_n3A_2226 by %roll3A_2236 dim 1 : vector<4x64x128xf32>, i32 -> vector<4x64x128xf32>
    %select_n3A_2238 = arith.select %ne3A_2233, %roll3A_2235, %roll3A_2237 : vector<4x64x128xi1>, vector<4x64x128xf32>
    %roll3A_2239 = arith.constant 32 : i32
    %roll3A_2240 = tpu.dynamic_rotate %select_n3A_2227 by %roll3A_2239 dim 1 : vector<4x64x128xi32>, i32 -> vector<4x64x128xi32>
    %roll3A_2241 = arith.constant 32 : i32
    %roll3A_2242 = tpu.dynamic_rotate %select_n3A_2227 by %roll3A_2241 dim 1 : vector<4x64x128xi32>, i32 -> vector<4x64x128xi32>
    %select_n3A_2243 = arith.select %ne3A_2233, %roll3A_2240, %roll3A_2242 : vector<4x64x128xi1>, vector<4x64x128xi32>
    %gt3A_2244 = arith.cmpf ogt, %select_n3A_2238, %select_n3A_2226 : vector<4x64x128xf32>
    %eq3A_2245 = arith.cmpf oeq, %select_n3A_2238, %select_n3A_2226 : vector<4x64x128xf32>
    %lt3A_2246 = arith.cmpi slt, %select_n3A_2243, %select_n3A_2227 : vector<4x64x128xi32>
    %and3A_2247 = arith.andi %eq3A_2245, %lt3A_2246 : vector<4x64x128xi1>
    %or3A_2248 = arith.ori %gt3A_2244, %and3A_2247 : vector<4x64x128xi1>
    %xor3A_2249 = arith.xori %or3A_2248, %ne3A_2233 : vector<4x64x128xi1>
    %xor3A_2250 = arith.xori %xor3A_2249, %ne3A_2052 : vector<4x64x128xi1>
    %select_n3A_2251 = arith.select %xor3A_2250, %select_n3A_2238, %select_n3A_2226 : vector<4x64x128xi1>, vector<4x64x128xf32>
    %select_n3A_2252 = arith.select %xor3A_2250, %select_n3A_2243, %select_n3A_2227 : vector<4x64x128xi1>, vector<4x64x128xi32>
    %and3A_2253 = arith.constant 16 : i32
    %and3A_2254 = vector.broadcast %and3A_2253 : i32 to vector<4x64x128xi32>
    %and3A_2255 = arith.andi %add3A_21, %and3A_2254 : vector<4x64x128xi32>
    %ne3A_2256 = arith.constant 0 : i32
    %ne3A_2257 = vector.broadcast %ne3A_2256 : i32 to vector<4x64x128xi32>
    %ne3A_2258 = arith.cmpi ne, %and3A_2255, %ne3A_2257 : vector<4x64x128xi32>
    %roll3A_2259 = arith.constant 16 : i32
    %roll3A_2260 = tpu.dynamic_rotate %select_n3A_2251 by %roll3A_2259 dim 1 : vector<4x64x128xf32>, i32 -> vector<4x64x128xf32>
    %roll3A_2261 = arith.constant 48 : i32
    %roll3A_2262 = tpu.dynamic_rotate %select_n3A_2251 by %roll3A_2261 dim 1 : vector<4x64x128xf32>, i32 -> vector<4x64x128xf32>
    %select_n3A_2263 = arith.select %ne3A_2258, %roll3A_2260, %roll3A_2262 : vector<4x64x128xi1>, vector<4x64x128xf32>
    %roll3A_2264 = arith.constant 16 : i32
    %roll3A_2265 = tpu.dynamic_rotate %select_n3A_2252 by %roll3A_2264 dim 1 : vector<4x64x128xi32>, i32 -> vector<4x64x128xi32>
    %roll3A_2266 = arith.constant 48 : i32
    %roll3A_2267 = tpu.dynamic_rotate %select_n3A_2252 by %roll3A_2266 dim 1 : vector<4x64x128xi32>, i32 -> vector<4x64x128xi32>
    %select_n3A_2268 = arith.select %ne3A_2258, %roll3A_2265, %roll3A_2267 : vector<4x64x128xi1>, vector<4x64x128xi32>
    %gt3A_2269 = arith.cmpf ogt, %select_n3A_2263, %select_n3A_2251 : vector<4x64x128xf32>
    %eq3A_2270 = arith.cmpf oeq, %select_n3A_2263, %select_n3A_2251 : vector<4x64x128xf32>
    %lt3A_2271 = arith.cmpi slt, %select_n3A_2268, %select_n3A_2252 : vector<4x64x128xi32>
    %and3A_2272 = arith.andi %eq3A_2270, %lt3A_2271 : vector<4x64x128xi1>
    %or3A_2273 = arith.ori %gt3A_2269, %and3A_2272 : vector<4x64x128xi1>
    %xor3A_2274 = arith.xori %or3A_2273, %ne3A_2258 : vector<4x64x128xi1>
    %xor3A_2275 = arith.xori %xor3A_2274, %ne3A_2052 : vector<4x64x128xi1>
    %select_n3A_2276 = arith.select %xor3A_2275, %select_n3A_2263, %select_n3A_2251 : vector<4x64x128xi1>, vector<4x64x128xf32>
    %select_n3A_2277 = arith.select %xor3A_2275, %select_n3A_2268, %select_n3A_2252 : vector<4x64x128xi1>, vector<4x64x128xi32>
    %and3A_2278 = arith.constant 8 : i32
    %and3A_2279 = vector.broadcast %and3A_2278 : i32 to vector<4x64x128xi32>
    %and3A_2280 = arith.andi %add3A_21, %and3A_2279 : vector<4x64x128xi32>
    %ne3A_2281 = arith.constant 0 : i32
    %ne3A_2282 = vector.broadcast %ne3A_2281 : i32 to vector<4x64x128xi32>
    %ne3A_2283 = arith.cmpi ne, %and3A_2280, %ne3A_2282 : vector<4x64x128xi32>
    %roll3A_2284 = arith.constant 8 : i32
    %roll3A_2285 = tpu.dynamic_rotate %select_n3A_2276 by %roll3A_2284 dim 1 : vector<4x64x128xf32>, i32 -> vector<4x64x128xf32>
    %roll3A_2286 = arith.constant 56 : i32
    %roll3A_2287 = tpu.dynamic_rotate %select_n3A_2276 by %roll3A_2286 dim 1 : vector<4x64x128xf32>, i32 -> vector<4x64x128xf32>
    %select_n3A_2288 = arith.select %ne3A_2283, %roll3A_2285, %roll3A_2287 : vector<4x64x128xi1>, vector<4x64x128xf32>
    %roll3A_2289 = arith.constant 8 : i32
    %roll3A_2290 = tpu.dynamic_rotate %select_n3A_2277 by %roll3A_2289 dim 1 : vector<4x64x128xi32>, i32 -> vector<4x64x128xi32>
    %roll3A_2291 = arith.constant 56 : i32
    %roll3A_2292 = tpu.dynamic_rotate %select_n3A_2277 by %roll3A_2291 dim 1 : vector<4x64x128xi32>, i32 -> vector<4x64x128xi32>
    %select_n3A_2293 = arith.select %ne3A_2283, %roll3A_2290, %roll3A_2292 : vector<4x64x128xi1>, vector<4x64x128xi32>
    %gt3A_2294 = arith.cmpf ogt, %select_n3A_2288, %select_n3A_2276 : vector<4x64x128xf32>
    %eq3A_2295 = arith.cmpf oeq, %select_n3A_2288, %select_n3A_2276 : vector<4x64x128xf32>
    %lt3A_2296 = arith.cmpi slt, %select_n3A_2293, %select_n3A_2277 : vector<4x64x128xi32>
    %and3A_2297 = arith.andi %eq3A_2295, %lt3A_2296 : vector<4x64x128xi1>
    %or3A_2298 = arith.ori %gt3A_2294, %and3A_2297 : vector<4x64x128xi1>
    %xor3A_2299 = arith.xori %or3A_2298, %ne3A_2283 : vector<4x64x128xi1>
    %xor3A_2300 = arith.xori %xor3A_2299, %ne3A_2052 : vector<4x64x128xi1>
    %select_n3A_2301 = arith.select %xor3A_2300, %select_n3A_2288, %select_n3A_2276 : vector<4x64x128xi1>, vector<4x64x128xf32>
    %select_n3A_2302 = arith.select %xor3A_2300, %select_n3A_2293, %select_n3A_2277 : vector<4x64x128xi1>, vector<4x64x128xi32>
    %and3A_2303 = arith.constant 4 : i32
    %and3A_2304 = vector.broadcast %and3A_2303 : i32 to vector<4x64x128xi32>
    %and3A_2305 = arith.andi %add3A_21, %and3A_2304 : vector<4x64x128xi32>
    %ne3A_2306 = arith.constant 0 : i32
    %ne3A_2307 = vector.broadcast %ne3A_2306 : i32 to vector<4x64x128xi32>
    %ne3A_2308 = arith.cmpi ne, %and3A_2305, %ne3A_2307 : vector<4x64x128xi32>
    %roll3A_2309 = arith.constant 4 : i32
    %roll3A_2310 = tpu.dynamic_rotate %select_n3A_2301 by %roll3A_2309 dim 1 : vector<4x64x128xf32>, i32 -> vector<4x64x128xf32>
    %roll3A_2311 = arith.constant 60 : i32
    %roll3A_2312 = tpu.dynamic_rotate %select_n3A_2301 by %roll3A_2311 dim 1 : vector<4x64x128xf32>, i32 -> vector<4x64x128xf32>
    %select_n3A_2313 = arith.select %ne3A_2308, %roll3A_2310, %roll3A_2312 : vector<4x64x128xi1>, vector<4x64x128xf32>
    %roll3A_2314 = arith.constant 4 : i32
    %roll3A_2315 = tpu.dynamic_rotate %select_n3A_2302 by %roll3A_2314 dim 1 : vector<4x64x128xi32>, i32 -> vector<4x64x128xi32>
    %roll3A_2316 = arith.constant 60 : i32
    %roll3A_2317 = tpu.dynamic_rotate %select_n3A_2302 by %roll3A_2316 dim 1 : vector<4x64x128xi32>, i32 -> vector<4x64x128xi32>
    %select_n3A_2318 = arith.select %ne3A_2308, %roll3A_2315, %roll3A_2317 : vector<4x64x128xi1>, vector<4x64x128xi32>
    %gt3A_2319 = arith.cmpf ogt, %select_n3A_2313, %select_n3A_2301 : vector<4x64x128xf32>
    %eq3A_2320 = arith.cmpf oeq, %select_n3A_2313, %select_n3A_2301 : vector<4x64x128xf32>
    %lt3A_2321 = arith.cmpi slt, %select_n3A_2318, %select_n3A_2302 : vector<4x64x128xi32>
    %and3A_2322 = arith.andi %eq3A_2320, %lt3A_2321 : vector<4x64x128xi1>
    %or3A_2323 = arith.ori %gt3A_2319, %and3A_2322 : vector<4x64x128xi1>
    %xor3A_2324 = arith.xori %or3A_2323, %ne3A_2308 : vector<4x64x128xi1>
    %xor3A_2325 = arith.xori %xor3A_2324, %ne3A_2052 : vector<4x64x128xi1>
    %select_n3A_2326 = arith.select %xor3A_2325, %select_n3A_2313, %select_n3A_2301 : vector<4x64x128xi1>, vector<4x64x128xf32>
    %select_n3A_2327 = arith.select %xor3A_2325, %select_n3A_2318, %select_n3A_2302 : vector<4x64x128xi1>, vector<4x64x128xi32>
    %and3A_2328 = arith.constant 2 : i32
    %and3A_2329 = vector.broadcast %and3A_2328 : i32 to vector<4x64x128xi32>
    %and3A_2330 = arith.andi %add3A_21, %and3A_2329 : vector<4x64x128xi32>
    %ne3A_2331 = arith.constant 0 : i32
    %ne3A_2332 = vector.broadcast %ne3A_2331 : i32 to vector<4x64x128xi32>
    %ne3A_2333 = arith.cmpi ne, %and3A_2330, %ne3A_2332 : vector<4x64x128xi32>
    %roll3A_2334 = arith.constant 2 : i32
    %roll3A_2335 = tpu.dynamic_rotate %select_n3A_2326 by %roll3A_2334 dim 1 : vector<4x64x128xf32>, i32 -> vector<4x64x128xf32>
    %roll3A_2336 = arith.constant 62 : i32
    %roll3A_2337 = tpu.dynamic_rotate %select_n3A_2326 by %roll3A_2336 dim 1 : vector<4x64x128xf32>, i32 -> vector<4x64x128xf32>
    %select_n3A_2338 = arith.select %ne3A_2333, %roll3A_2335, %roll3A_2337 : vector<4x64x128xi1>, vector<4x64x128xf32>
    %roll3A_2339 = arith.constant 2 : i32
    %roll3A_2340 = tpu.dynamic_rotate %select_n3A_2327 by %roll3A_2339 dim 1 : vector<4x64x128xi32>, i32 -> vector<4x64x128xi32>
    %roll3A_2341 = arith.constant 62 : i32
    %roll3A_2342 = tpu.dynamic_rotate %select_n3A_2327 by %roll3A_2341 dim 1 : vector<4x64x128xi32>, i32 -> vector<4x64x128xi32>
    %select_n3A_2343 = arith.select %ne3A_2333, %roll3A_2340, %roll3A_2342 : vector<4x64x128xi1>, vector<4x64x128xi32>
    %gt3A_2344 = arith.cmpf ogt, %select_n3A_2338, %select_n3A_2326 : vector<4x64x128xf32>
    %eq3A_2345 = arith.cmpf oeq, %select_n3A_2338, %select_n3A_2326 : vector<4x64x128xf32>
    %lt3A_2346 = arith.cmpi slt, %select_n3A_2343, %select_n3A_2327 : vector<4x64x128xi32>
    %and3A_2347 = arith.andi %eq3A_2345, %lt3A_2346 : vector<4x64x128xi1>
    %or3A_2348 = arith.ori %gt3A_2344, %and3A_2347 : vector<4x64x128xi1>
    %xor3A_2349 = arith.xori %or3A_2348, %ne3A_2333 : vector<4x64x128xi1>
    %xor3A_2350 = arith.xori %xor3A_2349, %ne3A_2052 : vector<4x64x128xi1>
    %select_n3A_2351 = arith.select %xor3A_2350, %select_n3A_2338, %select_n3A_2326 : vector<4x64x128xi1>, vector<4x64x128xf32>
    %select_n3A_2352 = arith.select %xor3A_2350, %select_n3A_2343, %select_n3A_2327 : vector<4x64x128xi1>, vector<4x64x128xi32>
    %and3A_2353 = arith.constant 1 : i32
    %and3A_2354 = vector.broadcast %and3A_2353 : i32 to vector<4x64x128xi32>
    %and3A_2355 = arith.andi %add3A_21, %and3A_2354 : vector<4x64x128xi32>
    %ne3A_2356 = arith.constant 0 : i32
    %ne3A_2357 = vector.broadcast %ne3A_2356 : i32 to vector<4x64x128xi32>
    %ne3A_2358 = arith.cmpi ne, %and3A_2355, %ne3A_2357 : vector<4x64x128xi32>
    %roll3A_2359 = arith.constant 1 : i32
    %roll3A_2360 = tpu.dynamic_rotate %select_n3A_2351 by %roll3A_2359 dim 1 : vector<4x64x128xf32>, i32 -> vector<4x64x128xf32>
    %roll3A_2361 = arith.constant 63 : i32
    %roll3A_2362 = tpu.dynamic_rotate %select_n3A_2351 by %roll3A_2361 dim 1 : vector<4x64x128xf32>, i32 -> vector<4x64x128xf32>
    %select_n3A_2363 = arith.select %ne3A_2358, %roll3A_2360, %roll3A_2362 : vector<4x64x128xi1>, vector<4x64x128xf32>
    %roll3A_2364 = arith.constant 1 : i32
    %roll3A_2365 = tpu.dynamic_rotate %select_n3A_2352 by %roll3A_2364 dim 1 : vector<4x64x128xi32>, i32 -> vector<4x64x128xi32>
    %roll3A_2366 = arith.constant 63 : i32
    %roll3A_2367 = tpu.dynamic_rotate %select_n3A_2352 by %roll3A_2366 dim 1 : vector<4x64x128xi32>, i32 -> vector<4x64x128xi32>
    %select_n3A_2368 = arith.select %ne3A_2358, %roll3A_2365, %roll3A_2367 : vector<4x64x128xi1>, vector<4x64x128xi32>
    %gt3A_2369 = arith.cmpf ogt, %select_n3A_2363, %select_n3A_2351 : vector<4x64x128xf32>
    %eq3A_2370 = arith.cmpf oeq, %select_n3A_2363, %select_n3A_2351 : vector<4x64x128xf32>
    %lt3A_2371 = arith.cmpi slt, %select_n3A_2368, %select_n3A_2352 : vector<4x64x128xi32>
    %and3A_2372 = arith.andi %eq3A_2370, %lt3A_2371 : vector<4x64x128xi1>
    %or3A_2373 = arith.ori %gt3A_2369, %and3A_2372 : vector<4x64x128xi1>
    %xor3A_2374 = arith.xori %or3A_2373, %ne3A_2358 : vector<4x64x128xi1>
    %xor3A_2375 = arith.xori %xor3A_2374, %ne3A_2052 : vector<4x64x128xi1>
    %select_n3A_2376 = arith.select %xor3A_2375, %select_n3A_2368, %select_n3A_2352 : vector<4x64x128xi1>, vector<4x64x128xi32>
    %transpose3A = tpu.transpose %select_n3A_2376, [0, 2, 1] : vector<4x64x128xi32> -> vector<4x128x64xi32>
    %swap3A_2377 = arith.constant 0 : index
    %swap3A_2378 = arith.constant 0 : index
    %swap3A_2379 = arith.constant 0 : index
    %swap3A_2380 = vector.load %arg3[%swap3A_2377, %swap3A_2378, %swap3A_2379] : memref<4x128x64xi32, #tpu.memory_space<vmem>>, vector<4x128x64xi32>
    tpu.vector_store %arg3[%swap3A_2377, %swap3A_2378, %swap3A_2379], %transpose3A {strides = array<i32>} : memref<4x128x64xi32, #tpu.memory_space<vmem>>, vector<4x128x64xi32>,
    return
  }
  func.func @transform_0(%arg0: i32) -> (i32, i32, i32) {
    %c0_i32 = arith.constant 0 : i32
    %c0_i32_0 = arith.constant 0 : i32
    %c0_i32_1 = arith.constant 0 : i32
    return %arg0, %c0_i32, %c0_i32_0 : i32, i32, i32
  }
  func.func @transform_1(%arg0: i32) -> (i32, i32, i32) {
    %c0_i32 = arith.constant 0 : i32
    %c0_i32_0 = arith.constant 0 : i32
    %c0_i32_1 = arith.constant 0 : i32
    return %arg0, %c0_i32, %c0_i32_0 : i32, i32, i32
  }
  func.func @transform_2(%arg0: i32) -> (i32, i32, i32) {
    %c0_i32 = arith.constant 0 : i32
    %c0_i32_0 = arith.constant 0 : i32
    %c0_i32_1 = arith.constant 0 : i32
    return %arg0, %c0_i32, %c0_i32_0 : i32, i32, i32
  }
  func.func @transform_3(%arg0: i32) -> (i32, i32, i32) {
    %c0_i32 = arith.constant 0 : i32
    %c0_i32_0 = arith.constant 0 : i32
    %c0_i32_1 = arith.constant 0 : i32
    return %arg0, %c0_i32, %c0_i32_0 : i32, i32, i32
  }
  func.func @transform_4(%arg0: i32) -> (i32, i32, i32) {
    %c0_i32 = arith.constant 0 : i32
    %c0_i32_0 = arith.constant 0 : i32
    %c0_i32_1 = arith.constant 0 : i32
    return %arg0, %c0_i32, %c0_i32_0 : i32, i32, i32
  }
}

</mosaic_0001>

<sc_bundles>
// kernel: kernel.4.cloned.1.call-start
scs
__scs_entry_jumppad:
0x0: {  	(pc) =	sbr.rel $0x88, $3  }
0x1: {  	(tag) =	ssettag $0x0;
	lr =	simm.s32 $0x1  }
0x2: {  	[smem:$0x3F9F] =	sst lr;
	_ =	strace $0xD0000000  }
0x3: {  	_ = 	snop  }
0x4: {  	_ = 	snop  }
0x5: {  	_ = 	snop  }
0x6: {  	_ = 	snop  }
0x7: {  	_ = 	snop  }
__scs_overlays_trampoline_lowered:
0x8: {  	[smem:$0x3FAE] =	sst s0  }
0x9: {  	[smem:$0x3FAF] =	sst s1  }
0xa: {  	[smem:$0x3FB0] =	sst s2  }
0xb: {  	[smem:$0x3FB1] =	sst s3  }
0xc: {  	[smem:$0x3FB2] =	sst s4  }
0xd: {  	[smem:$0x3FB3] =	sst s5  }
0xe: {  	[smem:$0x3FB4] =	sst s6  }
0xf: {  	[smem:$0x3FB5] =	sst s7  }
0x10: {  	[smem:$0x3FB6] =	sst s8  }
0x11: {  	[smem:$0x3FB7] =	sst s9;
	s0 =	simm.s32 @!p0 $0x0  }
0x12: {  	s1 =	sld [smem:$0x3F9D];
	s0 =	simm.s32 @p0 $0x1  }
0x13: {  	[smem:$0x3FB8] =	sst s0;
	s0 =	simm.s32 @!p1 $0x0  }
0x14: {  	s2 =	sld [smem:$0x3F9C];
	s0 =	simm.s32 @p1 $0x1  }
0x15: {  	[smem:$0x3FB9] =	sst s0;
	s0 =	simm.s32 @!p2 $0x0  }
0x16: {  	s3 =	sld [smem:$0x3FDB];
	s0 =	simm.s32 @p2 $0x1  }
0x17: {  	s4 =	simm.s32 $0x1BF5;
	[smem:$0x3FBB] =	sst s0  }
0x18: {  	s0 =	sld [smem:$0x3F9E];
	_ =	swait.ge [sflag:s4], $0x0  }
0x19: {  	s7 =	sld [smem:$0x3F9F]  }
0x1a: {  	s8 =	sadd.s32 $0xFFFFE003, lr  }
0x1b: {  	s9 =	sadd.s32 $0xFFFFFEF7, lr;
	s5 =	simm.s32 $0xFFFFFFFF;
	p2 =	slt.u32 s8, $0xFFFFF086  }
0x1c: {  	p1 =	slt.u32 s9, $0xF7A;
	s5 =	simm.s32 @!p2 $0x0  }
0x1d: {  	s5 =	simm.s32 @p1 $0x1;
	p0 =	seq.s32 s7, s2  }
0x1e: {  	s7 =	smul.u32 @!p0 $0xF7A, s2;
	p2 =	seq.s32 @!p0 s5, $0x0  }
0x1f: {  	s9 =	smul.u32 $0xF7A, s1;
	s8 =	simm.s32 @!p0 $0x1BF5;
	p2 =	por !p2, p0  }
0x20: {  	[sflag:s8] =	ssyncset.s32 @!p0 $0xFFFFF086;
	s6 =	sadd.s32 @!p0 s3, s7;
	s7 =	simm.s32 @!p0 $0x108  }
0x21: {  	s3 =	sadd.s32 s3, s9;
	s6 =	sadd.s32 @!p0 $0x88, s6;
	s7 =	simm.s32 @p2 $0x1082  }
0x22: {  	[simem:s7], [sflag:s8] =	dma.local @!p0 [hbm:s6], $0xF7A  }
0x23: {  	s9 =	sor.u32 $0xD0000000, s2;
	s6 =	simm.s32 $0x108;
	_ =	swait.ge @!p0 [sflag:s8], $0x0  }
0x24: {  	s3 =	sadd.s32 $0x88, s3;
	s6 =	simm.s32 @!p1 $0x1082;
	[sflag:s4] =	ssyncset.s32 $0xFFFFF086  }
0x25: {  	[simem:s6], [sflag:s4] =	dma.local [hbm:s3], $0xF7A  }
0x26: {  	[smem:$0x3F9F] =	sst s1;
	(tag) =	ssettag s2;
	_ =	strace s9  }
0x27: {  	s1 =	sld [smem:$0x3FAF]  }
0x28: {  	s2 =	sld [smem:$0x3FB0]  }
0x29: {  	s4 =	sld [smem:$0x3FB2]  }
0x2a: {  	p0 =	seq.s32 s5, $0x0;
	s5 =	sld [smem:$0x3FB3]  }
0x2b: {  	s6 =	sld [smem:$0x3FB4]  }
0x2c: {  	s7 =	sld [smem:$0x3FB5]  }
0x2d: {  	s3 =	simm.s32 $0x108;
	s8 =	sld [smem:$0x3FB6]  }
0x2e: {  	s3 =	simm.s32 @!p0 $0x1082;
	s9 =	sld [smem:$0x3FB7]  }
0x2f: {  	lr =	sadd.s32 s0, s3;
	s0 =	sld [smem:$0x3FAE]  }
0x30: {  	s3 =	sld [smem:$0x3FB1]  }
0x31: {  	[smem:$0x3FBA] =	sst s10  }
0x32: {  	s10 =	sld [smem:$0x3FB8];
	_ =	sdelay $0x3  }
0x33: {  	p0 =	seq.s32 s10, $0x1;
	s10 =	sld [smem:$0x3FBA];
	_ =	sdelay $0x3  }
0x34: {  	[smem:$0x3FBA] =	sst s10  }
0x35: {  	s10 =	sld [smem:$0x3FB9];
	_ =	sdelay $0x3  }
0x36: {  	p1 =	seq.s32 s10, $0x1;
	s10 =	sld [smem:$0x3FBA];
	_ =	sdelay $0x3  }
0x37: {  	[smem:$0x3FBA] =	sst s10  }
0x38: {  	s10 =	sld [smem:$0x3FBB]  }
0x39: {  	_ = 	snop;
	(pc) =	sbr.ind lr, $3  }
0x3a: {  	_ = 	snop  }
0x3b: {  	_ = 	snop  }
0x3c: {  	p2 =	seq.s32 s10, $0x1;
	s10 =	sld [smem:$0x3FBA]  }
0x3d: {  	_ =	shalt  }
0x3e: {  	_ =	shalt  }
0x3f: {  	_ =	shalt  }
0x40: {  	_ =	shalt  }
0x41: {  	_ =	shalt  }
0x42: {  	_ =	shalt  }
0x43: {  	_ =	shalt  }
0x44: {  	_ =	shalt  }
0x45: {  	_ =	shalt  }
0x46: {  	_ =	shalt  }
0x47: {  	_ =	shalt  }
0x48: {  	_ =	shalt  }
0x49: {  	_ =	shalt  }
0x4a: {  	_ =	shalt  }
0x4b: {  	_ =	shalt  }
0x4c: {  	_ =	shalt  }
0x4d: {  	_ =	shalt  }
0x4e: {  	_ =	shalt  }
0x4f: {  	_ =	shalt  }
0x50: {  	_ =	shalt  }
0x51: {  	_ =	shalt  }
0x52: {  	_ =	shalt  }
0x53: {  	_ =	shalt  }
0x54: {  	_ =	shalt  }
0x55: {  	_ =	shalt  }
0x56: {  	_ =	shalt  }
0x57: {  	_ =	shalt  }
0x58: {  	_ =	shalt  }
0x59: {  	_ =	shalt  }
0x5a: {  	_ =	shalt  }
0x5b: {  	_ =	shalt  }
0x5c: {  	_ =	shalt  }
0x5d: {  	_ =	shalt  }
0x5e: {  	_ =	shalt  }
0x5f: {  	_ =	shalt  }
0x60: {  	_ =	shalt  }
0x61: {  	_ =	shalt  }
0x62: {  	_ =	shalt  }
0x63: {  	_ =	shalt  }
0x64: {  	_ =	shalt  }
0x65: {  	_ =	shalt  }
0x66: {  	_ =	shalt  }
0x67: {  	_ =	shalt  }
0x68: {  	_ =	shalt  }
0x69: {  	_ =	shalt  }
0x6a: {  	_ =	shalt  }
0x6b: {  	_ =	shalt  }
0x6c: {  	_ =	shalt  }
0x6d: {  	_ =	shalt  }
0x6e: {  	_ =	shalt  }
0x6f: {  	_ =	shalt  }
0x70: {  	_ =	shalt  }
0x71: {  	_ =	shalt  }
0x72: {  	_ =	shalt  }
0x73: {  	_ =	shalt  }
0x74: {  	_ =	shalt  }
0x75: {  	_ =	shalt  }
0x76: {  	_ =	shalt  }
0x77: {  	_ =	shalt  }
0x78: {  	_ =	shalt  }
0x79: {  	_ =	shalt  }
0x7a: {  	_ =	shalt  }
0x7b: {  	_ =	shalt  }
0x7c: {  	_ =	shalt  }
0x7d: {  	_ =	shalt  }
0x7e: {  	_ =	shalt  }
0x7f: {  	_ =	shalt  }
0x80: {  	_ =	shalt  }
0x81: {  	_ =	shalt  }
0x82: {  	_ =	shalt  }
0x83: {  	_ =	shalt  }
0x84: {  	_ =	shalt  }
0x85: {  	_ =	shalt  }
0x86: {  	_ =	shalt  }
0x87: {  	_ =	shalt  }
.Lfunc_end0:
.L_simem_size_0:
called_computation_lowered:
.L_overlay_start_0:
0x88: {  	s2 =	sld [smem:$0x3FD9]  }
0x89: {  	s3 =	sld [smem:$0x3FFE];
	_ =	sdelay $0x1  }
0x8a: {  	s1 =	srdreg.scid  }
0x8b: {  	s0 =	sand.u32 $0x1, s1  }
0x8c: {  	s14 =	sshll.u32 s0, $0xA;
	s2 =	sadd.s32 s3, s2  }
0x8d: {  	s2 =	sadd.s32 s2, s14  }
0x8e: {  	[smem:$0x3FC6] =	sst s2  }
0x8f: {  	_ = 	snop  }
0x90: {  	s2 =	sld [smem:$0x3FD0];
	_ =	sdelay $0x2  }
0x91: {  	s4 =	simm.s32 $0xA;
	s5 =	simm.s32 $0x10;
	s15 =	sld [smem:$0x3FC9]  }
0x92: {  	[smem:s5], [sflag:s4] =	dma.local [hbm:s2], $0x1  }
0x93: {  	_ =	swait.eq [sflag:s4], $0x1  }
0x94: {  	[sflag:s4] =	ssyncset.done $0x0  }
0x95: {  	s16 =	sld [smem:$0x10];
	[sflag:s4] =	ssyncadd.s32 $0xFFFFFFFF  }
0x96: {  	s17 =	sld [smem:$0x12];
	(tm) =	ssettm $0x1  }
0x97: {  	s18 =	sld [smem:$0x3FFB];
	_ =	sdelay $0x3  }
0x98: {  	_ =	strace s18  }
0x99: {  	s5 =	sld [smem:$0x3FFC];
	_ =	sdelay $0x3  }
0x9a: {  	_ =	strace s5  }
0x9b: {  	s5 =	sld [smem:$0x3FFD];
	_ =	sdelay $0x3  }
0x9c: {  	_ =	strace s5  }
0x9d: {  	_ =	strace $0x8FFFFFFF  }
0x9e: {  	s19 =	sld [smem:$0x3FDB];
	_ =	sdelay $0x1  }
0x9f: {  	s6 =	simm.s32 $_scs_section_size  }
0xa0: {  	s7 =	simm.s32 $_size__tile_overlayer_lowered;
	s8 =	simm.s32 $_tile_overlayer_lowered  }
0xa1: {  	s22 =	simm.s32 $0x1BFF;
	s21 =	sshll.u32 s8, $0x1;
	s5 =	sadd.s32 s6, s19  }
0xa2: {  	s9 =	simm.s32 $0x0;
	s20 =	sshll.u32 s7, $0x1;
	s7 =	sadd.s32 s21, s5  }
0xa3: {  	[timem:s9], [sflag:s22] =	dma.local [hbm:s7], s20  }
0xa4: {  	_ =	swait.ge [sflag:s22], s20  }
0xa5: {  	s6 =	ssub.s32 $0x0, s20;
	[sflag:s22] =	ssyncset.done $0x0  }
0xa6: {  	[sflag:s22] =	ssyncadd.s32 s6;
	_ =	sdelay $0x1  }
0xa7: {  	s23 =	simm.s32 $0x1B8B  }
0xa8: {  	_ =	swait.ge [sflag:s23], $0x1  }
0xa9: {  	[sflag:s23] =	ssyncset.done $0x0  }
0xaa: {  	s25 =	simm.s32 $0x1B8E;
	s24 =	sld [smem:$0x3FFE];
	[sflag:s23] =	ssyncadd.s32 $0xFFFFFFFF  }
0xab: {  	s26 =	simm.s32 $execute0_lowered;
	[smem:$0x3FD2] =	sst s25  }
0xac: {  	s7 =	sshll.u32 s26, $0x1;
	_ =	strace $0x80000046;
	[dreg:$0x1] =	wrdreg $0xFFFFFFFF  }
0xad: {  	s28 =	simm.s32 $_size_execute0_lowered;
	s5 =	sadd.s32 s5, s7;
	[dreg:$0x0] =	wrdreg $0x0  }
0xae: {  	s7 =	sshll.u32 s28, $0x1;
	[dreg:$0x2] =	wrdreg s5  }
0xaf: {  	[dreg:$0x3] =	wrdreg s7  }
0xb0: {  	[dreg:$0x4] =	wrdreg $0xC0  }
0xb1: {  	_ =	task [dreg:s9], $0x5FFFF  }
0xb2: {  	[dreg:$0x1] =	wrdreg $0xFFFFFFFF  }
0xb3: {  	[dreg:$0x0] =	wrdreg $0x60  }
0xb4: {  	[dreg:$0x2] =	wrdreg s15  }
0xb5: {  	[dreg:$0x3] =	wrdreg s24  }
0xb6: {  	[dreg:$0x4] =	wrdreg s17  }
0xb7: {  	[dreg:$0x5] =	wrdreg s16  }
0xb8: {  	[dreg:$0x6] =	wrdreg $0x9  }
0xb9: {  	_ =	task.clear_ibuf [dreg:s9], $0x7FFFF;
	_ =	strace $0x90000046  }
0xba: {  	s29 =	simm.s32 $0x9;
	_ =	strace $0x80000048  }
0xbb: {  	_ =	swait.ge [sflag:s29], $0x1  }
0xbc: {  	[sflag:s29] =	ssyncadd.s32 $0xFFFFFFFF  }
0xbd: {  	_ =	strace $0x90000048  }
0xbe: {  	_ =	sfence  }
0xbf: {  	s30 =	sld [smem:$0x0];
	_ =	sdelay $0x2  }
0xc0: {  	s31 =	sshll.u32 s1, $0xD;
	s1 =	sshrl.u32 s1, $0x2  }
0xc1: {  	s3 =	sand.u32 $0x4000, s31;
	s1 =	sadd.s32 s1, s30  }
0xc2: {  	s0 =	sor.u32 s3, s0;
	s1 =	sshll.u32 s1, $0x11  }
0xc3: {  	s0 =	sor.u32 s1, s0  }
0xc4: {  	s0 =	sadd.s32 $0x8F2B, s0  }
0xc5: {  	[sflag:s0] =	ssyncadd.remote.s32 $0x1  }
0xc6: {  	_ =	sfence.sel $0xFFFF  }
0xc7: {  	[dreg:$0x0] =	wrdreg $0xFFFFFFFF;
	(pc) =	sbr.abs _section_cstart, $3  }
0xc8: {  	[dreg:$0x1] =	wrdreg $0xFFFFFFFF  }
0xc9: {  	_ =	task.clear_ibuf [dreg:s9], $0x2FFFF;
	_ =	strace $0x9FFFFFFF  }
0xca: {  	(tm) =	ssettm $0x7FFFFFFF  }
0xcb: {  	_ =	shalt  }
tec
execute0_lowered:
.L_overlay_start_1:
0x0: {  	(tag) =	ssettag $0x1  }
0x1: {  	s1 =	rddreg [dreg:$0x0]  }
0x2: {  	s0 =	rddreg [dreg:$0x1]  }
0x3: {  	s2 =	rddreg [dreg:$0x2]  }
0x4: {  	s15 =	stileid.u32;
	s3 =	srdreg.scid  }
0x5: {  	s8 =	rddreg [dreg:$0x3];
	s28 =	simm.s32 $0x8;
	s30 =	simm.s32 $0xC00  }
0x6: {  	s31 =	simm.s32 $0x1400;
	s4 =	sand.u32 $0x1, s3;
	s20 =	sshll.u32 s15, $0x1  }
0x7: {  	s3 =	simm.s32 $0x0;
	s9 =	sshrl.u32 s15, $0x2;
	s6 =	sadd.s32 $0x1200, s0  }
0x8: {  	s21 =	sshll.u32 s15, $0x7;
	s7 =	sor.u32 s4, s20;
	[smem:$0x7FF] =	sst s3  }
0x9: {  	s5 =	sshll.u32 s9, $0xC;
	s12 =	sshll.u32 s9, $0xA;
	s22 =	ssub.s32 $0x2, s4  }
0xa: {  	s17 =	sshll.u32 s9, $0xB;
	s4 =	sshll.u32 s4, $0x9;
	s25 =	smul.u32 $0x3000, s9  }
0xb: {  	s20 =	sshll.u32 s9, $0xD;
	s10 =	sand.u32 $0x7, s7;
	_ =	strace $0x80000047  }
0xc: {  	s13 =	sadd.s32 s12, s0;
	s16 =	sshrl.u32 s22, $0x1;
	s26 =	smul.u32 $0x6000, s7  }
0xd: {  	s23 =	sshll.u32 s7, $0x8;
	s2 =	sadd.s32 s2, s12;
	s12 =	smul.u32 $0x30000, s7  }
0xe: {  	v0 =	vmov s20;
	s20 =	simm.s32 $0x2;
	s11 =	sshll.u32 s10, $0xA;
	s15 =	ssub.s32 s22, s16  }
0xf: {  	[dreg:$0x7] =	wrdreg s2;
	s24 =	sadd.s32 $0x3200, s13;
	p0 =	slt.u32 s10, $0x2  }
0x10: {  	s5 =	sadd.s32 s5, s11;
	[dreg:$0x8] =	wrdreg s24;
	s29 =	sadd.s32 s25, s11  }
0x11: {  	s16 =	sadd.s32 s8, s26;
	s11 =	sshrl.u32 s12, $0x3;
	s25 =	simm.s32 $0x18400  }
0x12: {  	s26 =	simm.s32 $0x1CC00;
	s12 =	simm.s32 $0xC400;
	s5 =	sshrl.u32 s5, $0x3  }
0x13: {  	s13 =	sadd.s32 $0xFFFFF800, s29;
	s18 =	sadd.s32 $0xC00, s16;
	[dreg:$0x15] =	wrdreg s16  }
0x14: {  	s19 =	sadd.s32 $0x1800, s16;
	s8 =	sadd.s32 s8, s11;
	[dreg:$0x12] =	wrdreg s25  }
0x15: {  	s9 =	sadd.s32 $0x1000, s29;
	[dreg:$0x13] =	wrdreg s26;
	s29 =	simm.s32 $0x1D000  }
0x16: {  	s25 =	simm.s32 $0x12400;
	s16 =	simm.s32 $0x18C00;
	s26 =	simm.s32 $0x4  }
0x17: {  	s11 =	simm.s32 $0x2C00;
	s14 =	sadd.s32 s5, s0;
	[dreg:$0x9] =	wrdreg s18  }
0x18: {  	s0 =	sadd.s32 $0x4A00, s0;
	s5 =	sand.u32 $0x180, s21;
	[dreg:$0xa] =	wrdreg s19  }
0x19: {  	s21 =	sadd.s32 $0x2400, s8;
	s22 =	sadd.s32 $0x3000, s8;
	s9 =	sshrl.u32 s9, $0x3  }
0x1a: {  	s24 =	sadd.s32 $0x4800, s8;
	[dreg:$0x14] =	wrdreg s29;
	s18 =	simm.s32 $0x1  }
0x1b: {  	s19 =	simm.s32 $0x5;
	s5 =	sadd.s32 s6, s5;
	[dreg:$0xb] =	wrdreg s21  }
0x1c: {  	s6 =	sadd.s32 s6, s23;
	[dreg:$0xc] =	wrdreg s22;
	s23 =	sadd.s32 $0x3C00, s8  }
0x1d: {  	s10 =	sadd.s32 $0x4200, s14;
	[dreg:$0xe] =	wrdreg s24;
	s8 =	sadd.s32 $0x5400, s8  }
0x1e: {  	s22 =	simm.s32 $0x6400;
	s21 =	simm.s32 $0x6;
	[dreg:$0x6] =	wrdreg s6  }
0x1f: {  	s24 =	simm.s32 $0x7;
	s5 =	sadd.s32 s17, s5;
	[dreg:$0xd] =	wrdreg s23  }
0x20: {  	s6 =	sadd.s32 $0x200, s1;
	s17 =	sshrl.u32 s13, $0x3;
	[dreg:$0xf] =	wrdreg s8  }
0x21: {  	s8 =	smax.u32 s15, $0x1;
	s23 =	simm.s32 $0x3;
	s13 =	simm.s32 $0x3400  }
0x22: {  	s15 =	simm.s32 $0x4400;
	[dreg:$0x5] =	wrdreg s5;
	s5 =	sadd.s32 $0x100, s1  }
0x23: {  	s2 =	sadd.s32 s0, s17;
	s0 =	sadd.s32 s0, s9;
	s9 =	sadd.s32 $0x4300, s14  }
0x24: {  	v3 =	vlaneseq.u32;
	s17 =	simm.s32 $0x1AC00;
	s14 =	simm.s32 $0x3C00;
	s2 =	smov.u32 @p0 s10  }
0x25: {  	vm0 =	vmmov $0xffff;
	v2 =	vshrl.u32 v3, $0x3;
	s0 =	smov.u32 @p0 s9;
	s9 =	simm.s32 $0x9;
	[dreg:$0x10] =	wrdreg s2  }
0x26: {  	v1 =	vand.u32 $0x7, v3;
	v3 =	vor.u32 $0x8, v3;
	v2 =	vmul.u32 $0x8, v2;
	s10 =	simm.s32 $0x400;
	[dreg:$0x11] =	wrdreg s0;
	s2 =	simm.s32 $0x1C00  }
.LBB2_1:
0x27: {  	s7 =	rddreg [dreg:$0x5]  }
0x28: {  	[tilespmem:s3], [sflag:$0x9] =	stream.linear.gather [hbm4b:s7+s3], $0x400, $0x38;
	[tilespmem:$0x1D400] =	vst v63  }
0x29: {  	_ =	swait.ge [sflag:s9], $0x400  }
0x2a: {  	[sflag:s9] =	ssyncset.done $0x0  }
0x2b: {  	[sflag:s9] =	ssyncadd.s32 $0xFFFFFC00  }
0x2c: {  	v4 =	vld [tilespmem:s4+$0x0];
	_ =	sdelay $0x4  }
0x2d: {  	v5 =	vshrl.u32 v4, $0x3  }
0x2e: {  	v5 =	vmul.u32 $0x30, v5  }
0x2f: {  	v4 =	vand.u32 $0x7, v4  }
0x30: {  	v4 =	vor.u32 v4, v5  }
0x31: {  	v5 =	vperm.xlane v4, v1;
	_ =	sdelay $0x1  }
0x32: {  	v5 =	vadd.s32 v2, v5;
	_ =	sdelay $0x3  }
0x33: {  	v4 =	vperm.xlane v4, v3  }
0x34: {  	[tilespmem:s10], [sflag:$0x1] =	stream.indirect_vreg.gather [hbm4b:s1+s3], $0x80, v5, vm0, $0xb8;
	[tilespmem:$0x1D400] =	vst v63  }
0x35: {  	v4 =	vadd.s32 v2, v4  }
0x36: {  	[tilespmem:s30], [sflag:$0x1] =	stream.indirect_vreg.gather [hbm4b:s5+s3], $0x80, v5, vm0, $0xb8;
	[tilespmem:$0x1D400] =	vst v63  }
0x37: {  	_ = 	snop  }
0x38: {  	[tilespmem:s31], [sflag:$0x1] =	stream.indirect_vreg.gather [hbm4b:s6+s3], $0x80, v5, vm0, $0xb8;
	[tilespmem:$0x1D400] =	vst v63  }
0x39: {  	_ = 	snop  }
0x3a: {  	[tilespmem:s2], [sflag:$0x1] =	stream.indirect_vreg.gather [hbm4b:s1+s3], $0x80, v4, vm0, $0xb8;
	[tilespmem:$0x1D400] =	vst v63  }
0x3b: {  	s0 =	simm.s32 $0x2400  }
0x3c: {  	[tilespmem:s0], [sflag:$0x1] =	stream.indirect_vreg.gather [hbm4b:s5+s3], $0x80, v4, vm0, $0xb8;
	[tilespmem:$0x1D400] =	vst v63  }
0x3d: {  	_ = 	snop  }
0x3e: {  	[tilespmem:s11], [sflag:$0x1] =	stream.indirect_vreg.gather [hbm4b:s6+s3], $0x80, v4, vm0, $0xb8;
	[tilespmem:$0x1D400] =	vst v63  }
0x3f: {  	v4 =	vld [tilespmem:s4+$0x10];
	_ =	sdelay $0x4  }
0x40: {  	v5 =	vshrl.u32 v4, $0x3  }
0x41: {  	v5 =	vmul.u32 $0x30, v5  }
0x42: {  	v4 =	vand.u32 $0x7, v4  }
0x43: {  	v4 =	vor.u32 v4, v5  }
0x44: {  	v5 =	vperm.xlane v4, v1;
	_ =	sdelay $0x1  }
0x45: {  	v5 =	vadd.s32 v2, v5;
	_ =	sdelay $0x3  }
0x46: {  	v4 =	vperm.xlane v4, v3  }
0x47: {  	[tilespmem:s13], [sflag:$0x1] =	stream.indirect_vreg.gather [hbm4b:s1+s3], $0x80, v5, vm0, $0xb8;
	[tilespmem:$0x1D400] =	vst v63  }
0x48: {  	v4 =	vadd.s32 v2, v4  }
0x49: {  	[tilespmem:s14], [sflag:$0x1] =	stream.indirect_vreg.gather [hbm4b:s5+s3], $0x80, v5, vm0, $0xb8;
	[tilespmem:$0x1D400] =	vst v63  }
0x4a: {  	_ = 	snop  }
0x4b: {  	[tilespmem:s15], [sflag:$0x1] =	stream.indirect_vreg.gather [hbm4b:s6+s3], $0x80, v5, vm0, $0xb8;
	[tilespmem:$0x1D400] =	vst v63  }
0x4c: {  	s29 =	simm.s32 $0x4C00  }
0x4d: {  	[tilespmem:s29], [sflag:$0x1] =	stream.indirect_vreg.gather [hbm4b:s1+s3], $0x80, v4, vm0, $0xb8;
	[tilespmem:$0x1D400] =	vst v63  }
0x4e: {  	s7 =	simm.s32 $0x5400  }
0x4f: {  	[tilespmem:s7], [sflag:$0x1] =	stream.indirect_vreg.gather [hbm4b:s5+s3], $0x80, v4, vm0, $0xb8;
	[tilespmem:$0x1D400] =	vst v63  }
0x50: {  	s29 =	simm.s32 $0x5C00  }
0x51: {  	[tilespmem:s29], [sflag:$0x1] =	stream.indirect_vreg.gather [hbm4b:s6+s3], $0x80, v4, vm0, $0xb8;
	[tilespmem:$0x1D400] =	vst v63  }
0x52: {  	v4 =	vld [tilespmem:s4+$0x20];
	_ =	sdelay $0x4  }
0x53: {  	v5 =	vshrl.u32 v4, $0x3  }
0x54: {  	v5 =	vmul.u32 $0x30, v5  }
0x55: {  	v4 =	vand.u32 $0x7, v4  }
0x56: {  	v4 =	vor.u32 v4, v5  }
0x57: {  	v5 =	vperm.xlane v4, v1;
	_ =	sdelay $0x1  }
0x58: {  	v5 =	vadd.s32 v2, v5;
	_ =	sdelay $0x3  }
0x59: {  	v4 =	vperm.xlane v4, v3  }
0x5a: {  	[tilespmem:s22], [sflag:$0x2] =	stream.indirect_vreg.gather [hbm4b:s1+s3], $0x80, v5, vm0, $0xb8;
	[tilespmem:$0x1D400] =	vst v63  }
0x5b: {  	s7 =	simm.s32 $0x6C00;
	v4 =	vadd.s32 v2, v4  }
0x5c: {  	[tilespmem:s7], [sflag:$0x2] =	stream.indirect_vreg.gather [hbm4b:s5+s3], $0x80, v5, vm0, $0xb8;
	[tilespmem:$0x1D400] =	vst v63  }
0x5d: {  	s29 =	simm.s32 $0x7400  }
0x5e: {  	[tilespmem:s29], [sflag:$0x2] =	stream.indirect_vreg.gather [hbm4b:s6+s3], $0x80, v5, vm0, $0xb8;
	[tilespmem:$0x1D400] =	vst v63  }
0x5f: {  	s7 =	simm.s32 $0x7C00  }
0x60: {  	[tilespmem:s7], [sflag:$0x2] =	stream.indirect_vreg.gather [hbm4b:s1+s3], $0x80, v4, vm0, $0xb8;
	[tilespmem:$0x1D400] =	vst v63  }
0x61: {  	s29 =	simm.s32 $0x8400  }
0x62: {  	[tilespmem:s29], [sflag:$0x2] =	stream.indirect_vreg.gather [hbm4b:s5+s3], $0x80, v4, vm0, $0xb8;
	[tilespmem:$0x1D400] =	vst v63  }
0x63: {  	s7 =	simm.s32 $0x8C00  }
0x64: {  	[tilespmem:s7], [sflag:$0x2] =	stream.indirect_vreg.gather [hbm4b:s6+s3], $0x80, v4, vm0, $0xb8;
	[tilespmem:$0x1D400] =	vst v63  }
0x65: {  	v4 =	vld [tilespmem:s4+$0x30];
	_ =	sdelay $0x4  }
0x66: {  	v5 =	vshrl.u32 v4, $0x3  }
0x67: {  	v5 =	vmul.u32 $0x30, v5  }
0x68: {  	v4 =	vand.u32 $0x7, v4  }
0x69: {  	v4 =	vor.u32 v4, v5  }
0x6a: {  	v5 =	vperm.xlane v4, v1;
	_ =	sdelay $0x1  }
0x6b: {  	v5 =	vadd.s32 v2, v5;
	_ =	sdelay $0x3  }
0x6c: {  	s29 =	simm.s32 $0x9400;
	v4 =	vperm.xlane v4, v3  }
0x6d: {  	[tilespmem:s29], [sflag:$0x2] =	stream.indirect_vreg.gather [hbm4b:s1+s3], $0x80, v5, vm0, $0xb8;
	[tilespmem:$0x1D400] =	vst v63  }
0x6e: {  	s7 =	simm.s32 $0x9C00;
	v4 =	vadd.s32 v2, v4  }
0x6f: {  	[tilespmem:s7], [sflag:$0x2] =	stream.indirect_vreg.gather [hbm4b:s5+s3], $0x80, v5, vm0, $0xb8;
	[tilespmem:$0x1D400] =	vst v63  }
0x70: {  	s29 =	simm.s32 $0xA400  }
0x71: {  	[tilespmem:s29], [sflag:$0x2] =	stream.indirect_vreg.gather [hbm4b:s6+s3], $0x80, v5, vm0, $0xb8;
	[tilespmem:$0x1D400] =	vst v63  }
0x72: {  	s7 =	simm.s32 $0xAC00  }
0x73: {  	[tilespmem:s7], [sflag:$0x2] =	stream.indirect_vreg.gather [hbm4b:s1+s3], $0x80, v4, vm0, $0xb8;
	[tilespmem:$0x1D400] =	vst v63  }
0x74: {  	s29 =	simm.s32 $0xB400  }
0x75: {  	[tilespmem:s29], [sflag:$0x2] =	stream.indirect_vreg.gather [hbm4b:s5+s3], $0x80, v4, vm0, $0xb8;
	[tilespmem:$0x1D400] =	vst v63  }
0x76: {  	s7 =	simm.s32 $0xBC00  }
0x77: {  	[tilespmem:s7], [sflag:$0x2] =	stream.indirect_vreg.gather [hbm4b:s6+s3], $0x80, v4, vm0, $0xb8;
	[tilespmem:$0x1D400] =	vst v63  }
0x78: {  	v4 =	vld [tilespmem:s4+$0x80];
	_ =	sdelay $0x4  }
0x79: {  	v5 =	vshrl.u32 v4, $0x3  }
0x7a: {  	v5 =	vmul.u32 $0x30, v5  }
0x7b: {  	v4 =	vand.u32 $0x7, v4  }
0x7c: {  	v4 =	vor.u32 v4, v5  }
0x7d: {  	v5 =	vperm.xlane v4, v1;
	_ =	sdelay $0x1  }
0x7e: {  	v5 =	vadd.s32 v2, v5;
	_ =	sdelay $0x3  }
0x7f: {  	v4 =	vperm.xlane v4, v3  }
0x80: {  	[tilespmem:s12], [sflag:$0x3] =	stream.indirect_vreg.gather [hbm4b:s1+s3], $0x80, v5, vm0, $0xb8;
	[tilespmem:$0x1D400] =	vst v63  }
0x81: {  	s29 =	simm.s32 $0xCC00;
	v4 =	vadd.s32 v2, v4  }
0x82: {  	[tilespmem:s29], [sflag:$0x3] =	stream.indirect_vreg.gather [hbm4b:s5+s3], $0x80, v5, vm0, $0xb8;
	[tilespmem:$0x1D400] =	vst v63  }
0x83: {  	s7 =	simm.s32 $0xD400  }
0x84: {  	[tilespmem:s7], [sflag:$0x3] =	stream.indirect_vreg.gather [hbm4b:s6+s3], $0x80, v5, vm0, $0xb8;
	[tilespmem:$0x1D400] =	vst v63  }
0x85: {  	s29 =	simm.s32 $0xDC00  }
0x86: {  	[tilespmem:s29], [sflag:$0x3] =	stream.indirect_vreg.gather [hbm4b:s1+s3], $0x80, v4, vm0, $0xb8;
	[tilespmem:$0x1D400] =	vst v63  }
0x87: {  	s7 =	simm.s32 $0xE400  }
0x88: {  	[tilespmem:s7], [sflag:$0x3] =	stream.indirect_vreg.gather [hbm4b:s5+s3], $0x80, v4, vm0, $0xb8;
	[tilespmem:$0x1D400] =	vst v63  }
0x89: {  	s29 =	simm.s32 $0xEC00  }
0x8a: {  	[tilespmem:s29], [sflag:$0x3] =	stream.indirect_vreg.gather [hbm4b:s6+s3], $0x80, v4, vm0, $0xb8;
	[tilespmem:$0x1D400] =	vst v63  }
0x8b: {  	v4 =	vld [tilespmem:s4+$0x90];
	_ =	sdelay $0x4  }
0x8c: {  	v5 =	vshrl.u32 v4, $0x3  }
0x8d: {  	v5 =	vmul.u32 $0x30, v5  }
0x8e: {  	v4 =	vand.u32 $0x7, v4  }
0x8f: {  	v4 =	vor.u32 v4, v5  }
0x90: {  	v5 =	vperm.xlane v4, v1;
	_ =	sdelay $0x1  }
0x91: {  	v5 =	vadd.s32 v2, v5;
	_ =	sdelay $0x3  }
0x92: {  	s7 =	simm.s32 $0xF400;
	v4 =	vperm.xlane v4, v3  }
0x93: {  	[tilespmem:s7], [sflag:$0x3] =	stream.indirect_vreg.gather [hbm4b:s1+s3], $0x80, v5, vm0, $0xb8;
	[tilespmem:$0x1D400] =	vst v63  }
0x94: {  	s29 =	simm.s32 $0xFC00;
	v4 =	vadd.s32 v2, v4  }
0x95: {  	[tilespmem:s29], [sflag:$0x3] =	stream.indirect_vreg.gather [hbm4b:s5+s3], $0x80, v5, vm0, $0xb8;
	[tilespmem:$0x1D400] =	vst v63  }
0x96: {  	s7 =	simm.s32 $0x10400  }
0x97: {  	[tilespmem:s7], [sflag:$0x3] =	stream.indirect_vreg.gather [hbm4b:s6+s3], $0x80, v5, vm0, $0xb8;
	[tilespmem:$0x1D400] =	vst v63  }
0x98: {  	s29 =	simm.s32 $0x10C00  }
0x99: {  	[tilespmem:s29], [sflag:$0x3] =	stream.indirect_vreg.gather [hbm4b:s1+s3], $0x80, v4, vm0, $0xb8;
	[tilespmem:$0x1D400] =	vst v63  }
0x9a: {  	s7 =	simm.s32 $0x11400  }
0x9b: {  	[tilespmem:s7], [sflag:$0x3] =	stream.indirect_vreg.gather [hbm4b:s5+s3], $0x80, v4, vm0, $0xb8;
	[tilespmem:$0x1D400] =	vst v63  }
0x9c: {  	s29 =	simm.s32 $0x11C00  }
0x9d: {  	[tilespmem:s29], [sflag:$0x3] =	stream.indirect_vreg.gather [hbm4b:s6+s3], $0x80, v4, vm0, $0xb8;
	[tilespmem:$0x1D400] =	vst v63  }
0x9e: {  	v4 =	vld [tilespmem:s4+$0xA0];
	_ =	sdelay $0x4  }
0x9f: {  	v5 =	vshrl.u32 v4, $0x3  }
0xa0: {  	v5 =	vmul.u32 $0x30, v5  }
0xa1: {  	v4 =	vand.u32 $0x7, v4  }
0xa2: {  	v4 =	vor.u32 v4, v5  }
0xa3: {  	v5 =	vperm.xlane v4, v1;
	_ =	sdelay $0x1  }
0xa4: {  	v5 =	vadd.s32 v2, v5;
	_ =	sdelay $0x3  }
0xa5: {  	v4 =	vperm.xlane v4, v3  }
0xa6: {  	[tilespmem:s25], [sflag:$0x4] =	stream.indirect_vreg.gather [hbm4b:s1+s3], $0x80, v5, vm0, $0xb8;
	[tilespmem:$0x1D400] =	vst v63  }
0xa7: {  	s0 =	simm.s32 $0x12C00;
	v4 =	vadd.s32 v2, v4  }
0xa8: {  	[tilespmem:s0], [sflag:$0x4] =	stream.indirect_vreg.gather [hbm4b:s5+s3], $0x80, v5, vm0, $0xb8;
	[tilespmem:$0x1D400] =	vst v63  }
0xa9: {  	s29 =	simm.s32 $0x13400  }
0xaa: {  	[tilespmem:s29], [sflag:$0x4] =	stream.indirect_vreg.gather [hbm4b:s6+s3], $0x80, v5, vm0, $0xb8;
	[tilespmem:$0x1D400] =	vst v63  }
0xab: {  	s0 =	simm.s32 $0x13C00  }
0xac: {  	[tilespmem:s0], [sflag:$0x4] =	stream.indirect_vreg.gather [hbm4b:s1+s3], $0x80, v4, vm0, $0xb8;
	[tilespmem:$0x1D400] =	vst v63  }
0xad: {  	s29 =	simm.s32 $0x14400  }
0xae: {  	[tilespmem:s29], [sflag:$0x4] =	stream.indirect_vreg.gather [hbm4b:s5+s3], $0x80, v4, vm0, $0xb8;
	[tilespmem:$0x1D400] =	vst v63  }
0xaf: {  	s0 =	simm.s32 $0x14C00  }
0xb0: {  	[tilespmem:s0], [sflag:$0x4] =	stream.indirect_vreg.gather [hbm4b:s6+s3], $0x80, v4, vm0, $0xb8;
	[tilespmem:$0x1D400] =	vst v63  }
0xb1: {  	v4 =	vld [tilespmem:s4+$0xB0];
	_ =	sdelay $0x4  }
0xb2: {  	v5 =	vshrl.u32 v4, $0x3  }
0xb3: {  	v5 =	vmul.u32 $0x30, v5  }
0xb4: {  	v4 =	vand.u32 $0x7, v4  }
0xb5: {  	v4 =	vor.u32 v4, v5  }
0xb6: {  	v5 =	vperm.xlane v4, v1;
	_ =	sdelay $0x1  }
0xb7: {  	v5 =	vadd.s32 v2, v5;
	_ =	sdelay $0x3  }
0xb8: {  	s29 =	simm.s32 $0x15400;
	v4 =	vperm.xlane v4, v3  }
0xb9: {  	[tilespmem:s29], [sflag:$0x4] =	stream.indirect_vreg.gather [hbm4b:s1+s3], $0x80, v5, vm0, $0xb8;
	[tilespmem:$0x1D400] =	vst v63  }
0xba: {  	s0 =	simm.s32 $0x15C00;
	v4 =	vadd.s32 v2, v4  }
0xbb: {  	[tilespmem:s0], [sflag:$0x4] =	stream.indirect_vreg.gather [hbm4b:s5+s3], $0x80, v5, vm0, $0xb8;
	[tilespmem:$0x1D400] =	vst v63  }
0xbc: {  	s29 =	simm.s32 $0x16400  }
0xbd: {  	[tilespmem:s29], [sflag:$0x4] =	stream.indirect_vreg.gather [hbm4b:s6+s3], $0x80, v5, vm0, $0xb8;
	[tilespmem:$0x1D400] =	vst v63  }
0xbe: {  	s0 =	simm.s32 $0x16C00  }
0xbf: {  	[tilespmem:s0], [sflag:$0x4] =	stream.indirect_vreg.gather [hbm4b:s1+s3], $0x80, v4, vm0, $0xb8;
	[tilespmem:$0x1D400] =	vst v63  }
0xc0: {  	s29 =	simm.s32 $0x17400  }
0xc1: {  	[tilespmem:s29], [sflag:$0x4] =	stream.indirect_vreg.gather [hbm4b:s5+s3], $0x80, v4, vm0, $0xb8;
	[tilespmem:$0x1D400] =	vst v63  }
0xc2: {  	s7 =	rddreg [dreg:$0x6];
	s0 =	simm.s32 $0x17C00  }
0xc3: {  	[tilespmem:s0], [sflag:$0x4] =	stream.indirect_vreg.gather [hbm4b:s6+s3], $0x80, v4, vm0, $0xb8;
	[tilespmem:$0x1D400] =	vst v63  }
0xc4: {  	s29 =	rddreg [dreg:$0x12]  }
0xc5: {  	[tilespmem:s29], [sflag:$0x9] =	stream.linear.gather [hbm4b:s7+s3], $0x800, $0x38;
	[tilespmem:$0x1D400] =	vst v63  }
0xc6: {  	_ =	swait.ge [sflag:s9], $0x800  }
0xc7: {  	[sflag:s9] =	ssyncset.done $0x0  }
0xc8: {  	s0 =	rddreg [dreg:$0x7];
	[sflag:s9] =	ssyncadd.s32 $0xFFFFF800  }
0xc9: {  	[tilespmem:s16], [sflag:$0x9] =	stream.linear.gather [hbm4b:s0+s3], $0x2000, $0x38;
	[tilespmem:$0x1D400] =	vst v63  }
0xca: {  	_ =	swait.ge [sflag:s9], $0x2000  }
0xcb: {  	[sflag:s9] =	ssyncset.done $0x0  }
0xcc: {  	s29 =	rddreg [dreg:$0x8];
	[sflag:s9] =	ssyncadd.s32 $0xFFFFE000  }
0xcd: {  	[tilespmem:s17], [sflag:$0x9] =	stream.linear.gather [hbm4b:s29+s3], $0x2000, $0x38;
	[tilespmem:$0x1D400] =	vst v63  }
0xce: {  	_ =	swait.ge [sflag:s9], $0x2000  }
0xcf: {  	[sflag:s9] =	ssyncset.done $0x0  }
0xd0: {  	[sflag:s9] =	ssyncadd.s32 $0xFFFFE000  }
0xd1: {  	v4 =	vld [tilespmem:$0x18400];
	_ =	sdelay $0x4  }
0xd2: {  	v5 =	vsub.s32 v4, v0  }
0xd3: {  	v4 =	vand.u32 $0x7F, v4;
	v5 =	vand.u32 $0xFFFFFF80, v5  }
0xd4: {  	v4 =	vor.u32 v4, v5;
	v5 =	vld [tilespmem:$0x18410];
	_ =	sdelay $0x4  }
0xd5: {  	v6 =	vld.idx.msk [tilespmem:v4+s16+$0x0], $0xffff;
	v7 =	vsub.s32 v5, v0  }
0xd6: {  	v4 =	vld.idx.msk [tilespmem:v4+s17+$0x0], $0xffff;
	v5 =	vand.u32 $0x7F, v5;
	v7 =	vand.u32 $0xFFFFFF80, v7  }
0xd7: {  	v26 =	vld [tilespmem:$0x18420];
	v5 =	vor.u32 v5, v7;
	_ =	sdelay $0x2  }
0xd8: {  	[tilespmem:$0x1CC00] =	vst v6  }
0xd9: {  	[tilespmem:$0x1D000] =	vst v4  }
0xda: {  	v27 =	vsub.s32 v26, v0;
	v4 =	vld.idx.msk [tilespmem:v5+s16+$0x0], $0xffff  }
0xdb: {  	v7 =	vand.u32 $0x7F, v26;
	v6 =	vand.u32 $0xFFFFFF80, v27;
	v5 =	vld.idx.msk [tilespmem:v5+s17+$0x0], $0xffff  }
0xdc: {  	v28 =	vld [tilespmem:$0x18430];
	v6 =	vor.u32 v7, v6;
	_ =	sdelay $0x2  }
0xdd: {  	[tilespmem:$0x1CC10] =	vst v4  }
0xde: {  	[tilespmem:$0x1D010] =	vst v5  }
0xdf: {  	v5 =	vsub.s32 v28, v0;
	v4 =	vld.idx.msk [tilespmem:v6+s16+$0x0], $0xffff  }
0xe0: {  	v7 =	vand.u32 $0x7F, v28;
	v6 =	vld.idx.msk [tilespmem:v6+s17+$0x0], $0xffff;
	v5 =	vand.u32 $0xFFFFFF80, v5  }
0xe1: {  	v29 =	vld [tilespmem:$0x18480];
	v5 =	vor.u32 v7, v5;
	_ =	sdelay $0x2  }
0xe2: {  	[tilespmem:$0x1CC20] =	vst v4  }
0xe3: {  	[tilespmem:$0x1D020] =	vst v6  }
0xe4: {  	v30 =	vsub.s32 v29, v0;
	v4 =	vld.idx.msk [tilespmem:v5+s16+$0x0], $0xffff  }
0xe5: {  	v7 =	vand.u32 $0x7F, v29;
	v6 =	vand.u32 $0xFFFFFF80, v30;
	v5 =	vld.idx.msk [tilespmem:v5+s17+$0x0], $0xffff  }
0xe6: {  	v31 =	vld [tilespmem:$0x18490];
	v6 =	vor.u32 v7, v6;
	_ =	sdelay $0x2  }
0xe7: {  	[tilespmem:$0x1CC30] =	vst v4  }
0xe8: {  	[tilespmem:$0x1D030] =	vst v5  }
0xe9: {  	v5 =	vsub.s32 v31, v0;
	v4 =	vld.idx.msk [tilespmem:v6+s16+$0x0], $0xffff  }
0xea: {  	v7 =	vand.u32 $0x7F, v31;
	v6 =	vld.idx.msk [tilespmem:v6+s17+$0x0], $0xffff;
	v5 =	vand.u32 $0xFFFFFF80, v5  }
0xeb: {  	v32 =	vld [tilespmem:$0x184A0];
	v5 =	vor.u32 v7, v5;
	_ =	sdelay $0x2  }
0xec: {  	[tilespmem:$0x1CC40] =	vst v4  }
0xed: {  	[tilespmem:$0x1D040] =	vst v6  }
0xee: {  	v33 =	vsub.s32 v32, v0;
	v4 =	vld.idx.msk [tilespmem:v5+s16+$0x0], $0xffff  }
0xef: {  	v7 =	vand.u32 $0x7F, v32;
	v6 =	vand.u32 $0xFFFFFF80, v33;
	v5 =	vld.idx.msk [tilespmem:v5+s17+$0x0], $0xffff  }
0xf0: {  	v34 =	vld [tilespmem:$0x184B0];
	v6 =	vor.u32 v7, v6;
	_ =	sdelay $0x2  }
0xf1: {  	[tilespmem:$0x1CC50] =	vst v4  }
0xf2: {  	[tilespmem:$0x1D050] =	vst v5  }
0xf3: {  	v5 =	vsub.s32 v34, v0;
	v4 =	vld.idx.msk [tilespmem:v6+s16+$0x0], $0xffff  }
0xf4: {  	v7 =	vand.u32 $0x7F, v34;
	v6 =	vld.idx.msk [tilespmem:v6+s17+$0x0], $0xffff;
	v5 =	vand.u32 $0xFFFFFF80, v5  }
0xf5: {  	v35 =	vld [tilespmem:$0x18500];
	v5 =	vor.u32 v7, v5;
	_ =	sdelay $0x2  }
0xf6: {  	[tilespmem:$0x1CC60] =	vst v4  }
0xf7: {  	[tilespmem:$0x1D060] =	vst v6  }
0xf8: {  	v36 =	vsub.s32 v35, v0;
	v4 =	vld.idx.msk [tilespmem:v5+s16+$0x0], $0xffff  }
0xf9: {  	v7 =	vand.u32 $0x7F, v35;
	v6 =	vand.u32 $0xFFFFFF80, v36;
	v5 =	vld.idx.msk [tilespmem:v5+s17+$0x0], $0xffff  }
0xfa: {  	v37 =	vld [tilespmem:$0x18510];
	v6 =	vor.u32 v7, v6;
	_ =	sdelay $0x2  }
0xfb: {  	[tilespmem:$0x1CC70] =	vst v4  }
0xfc: {  	[tilespmem:$0x1D070] =	vst v5  }
0xfd: {  	v5 =	vsub.s32 v37, v0;
	v4 =	vld.idx.msk [tilespmem:v6+s16+$0x0], $0xffff  }
0xfe: {  	v7 =	vand.u32 $0x7F, v37;
	v6 =	vld.idx.msk [tilespmem:v6+s17+$0x0], $0xffff;
	v5 =	vand.u32 $0xFFFFFF80, v5  }
0xff: {  	v38 =	vld [tilespmem:$0x18520];
	v5 =	vor.u32 v7, v5;
	_ =	sdelay $0x2  }
0x100: {  	[tilespmem:$0x1CC80] =	vst v4  }
0x101: {  	[tilespmem:$0x1D080] =	vst v6  }
0x102: {  	v39 =	vsub.s32 v38, v0;
	v4 =	vld.idx.msk [tilespmem:v5+s16+$0x0], $0xffff  }
0x103: {  	v7 =	vand.u32 $0x7F, v38;
	v6 =	vand.u32 $0xFFFFFF80, v39;
	v5 =	vld.idx.msk [tilespmem:v5+s17+$0x0], $0xffff  }
0x104: {  	v40 =	vld [tilespmem:$0x18530];
	v6 =	vor.u32 v7, v6;
	_ =	sdelay $0x2  }
0x105: {  	[tilespmem:$0x1CC90] =	vst v4  }
0x106: {  	[tilespmem:$0x1D090] =	vst v5  }
0x107: {  	v5 =	vsub.s32 v40, v0;
	v4 =	vld.idx.msk [tilespmem:v6+s16+$0x0], $0xffff  }
0x108: {  	v7 =	vand.u32 $0x7F, v40;
	v6 =	vld.idx.msk [tilespmem:v6+s17+$0x0], $0xffff;
	v5 =	vand.u32 $0xFFFFFF80, v5  }
0x109: {  	v41 =	vld [tilespmem:$0x18580];
	v5 =	vor.u32 v7, v5;
	_ =	sdelay $0x2  }
0x10a: {  	[tilespmem:$0x1CCA0] =	vst v4  }
0x10b: {  	[tilespmem:$0x1D0A0] =	vst v6  }
0x10c: {  	v42 =	vsub.s32 v41, v0;
	v4 =	vld.idx.msk [tilespmem:v5+s16+$0x0], $0xffff  }
0x10d: {  	v7 =	vand.u32 $0x7F, v41;
	v6 =	vand.u32 $0xFFFFFF80, v42;
	v5 =	vld.idx.msk [tilespmem:v5+s17+$0x0], $0xffff  }
0x10e: {  	v43 =	vld [tilespmem:$0x18590];
	v6 =	vor.u32 v7, v6;
	_ =	sdelay $0x2  }
0x10f: {  	[tilespmem:$0x1CCB0] =	vst v4  }
0x110: {  	[tilespmem:$0x1D0B0] =	vst v5  }
0x111: {  	v5 =	vsub.s32 v43, v0;
	v4 =	vld.idx.msk [tilespmem:v6+s16+$0x0], $0xffff  }
0x112: {  	v7 =	vand.u32 $0x7F, v43;
	v6 =	vld.idx.msk [tilespmem:v6+s17+$0x0], $0xffff;
	v5 =	vand.u32 $0xFFFFFF80, v5  }
0x113: {  	v44 =	vld [tilespmem:$0x185A0];
	v5 =	vor.u32 v7, v5;
	_ =	sdelay $0x2  }
0x114: {  	[tilespmem:$0x1CCC0] =	vst v4  }
0x115: {  	[tilespmem:$0x1D0C0] =	vst v6  }
0x116: {  	v45 =	vsub.s32 v44, v0;
	v4 =	vld.idx.msk [tilespmem:v5+s16+$0x0], $0xffff  }
0x117: {  	v7 =	vand.u32 $0x7F, v44;
	v6 =	vand.u32 $0xFFFFFF80, v45;
	v5 =	vld.idx.msk [tilespmem:v5+s17+$0x0], $0xffff  }
0x118: {  	v46 =	vld [tilespmem:$0x185B0];
	v6 =	vor.u32 v7, v6;
	_ =	sdelay $0x2  }
0x119: {  	[tilespmem:$0x1CCD0] =	vst v4  }
0x11a: {  	[tilespmem:$0x1D0D0] =	vst v5  }
0x11b: {  	v5 =	vsub.s32 v46, v0;
	v4 =	vld.idx.msk [tilespmem:v6+s16+$0x0], $0xffff  }
0x11c: {  	v7 =	vand.u32 $0x7F, v46;
	v6 =	vld.idx.msk [tilespmem:v6+s17+$0x0], $0xffff;
	v5 =	vand.u32 $0xFFFFFF80, v5  }
0x11d: {  	v47 =	vld [tilespmem:$0x18600];
	v5 =	vor.u32 v7, v5;
	_ =	sdelay $0x2  }
0x11e: {  	[tilespmem:$0x1CCE0] =	vst v4  }
0x11f: {  	[tilespmem:$0x1D0E0] =	vst v6  }
0x120: {  	v48 =	vsub.s32 v47, v0;
	v4 =	vld.idx.msk [tilespmem:v5+s16+$0x0], $0xffff  }
0x121: {  	v7 =	vand.u32 $0x7F, v47;
	v6 =	vand.u32 $0xFFFFFF80, v48;
	v5 =	vld.idx.msk [tilespmem:v5+s17+$0x0], $0xffff  }
0x122: {  	v49 =	vld [tilespmem:$0x18610];
	v6 =	vor.u32 v7, v6;
	_ =	sdelay $0x2  }
0x123: {  	[tilespmem:$0x1CCF0] =	vst v4  }
0x124: {  	[tilespmem:$0x1D0F0] =	vst v5  }
0x125: {  	v5 =	vsub.s32 v49, v0;
	v4 =	vld.idx.msk [tilespmem:v6+s16+$0x0], $0xffff  }
0x126: {  	v7 =	vand.u32 $0x7F, v49;
	v6 =	vld.idx.msk [tilespmem:v6+s17+$0x0], $0xffff;
	v5 =	vand.u32 $0xFFFFFF80, v5  }
0x127: {  	v50 =	vld [tilespmem:$0x18620];
	v5 =	vor.u32 v7, v5;
	_ =	sdelay $0x2  }
0x128: {  	[tilespmem:$0x1CD00] =	vst v4  }
0x129: {  	[tilespmem:$0x1D100] =	vst v6  }
0x12a: {  	v51 =	vsub.s32 v50, v0;
	v4 =	vld.idx.msk [tilespmem:v5+s16+$0x0], $0xffff  }
0x12b: {  	v7 =	vand.u32 $0x7F, v50;
	v6 =	vand.u32 $0xFFFFFF80, v51;
	v5 =	vld.idx.msk [tilespmem:v5+s17+$0x0], $0xffff  }
0x12c: {  	v52 =	vld [tilespmem:$0x18630];
	v6 =	vor.u32 v7, v6;
	_ =	sdelay $0x2  }
0x12d: {  	[tilespmem:$0x1CD10] =	vst v4  }
0x12e: {  	[tilespmem:$0x1D110] =	vst v5  }
0x12f: {  	v5 =	vsub.s32 v52, v0;
	v4 =	vld.idx.msk [tilespmem:v6+s16+$0x0], $0xffff  }
0x130: {  	v7 =	vand.u32 $0x7F, v52;
	v6 =	vld.idx.msk [tilespmem:v6+s17+$0x0], $0xffff;
	v5 =	vand.u32 $0xFFFFFF80, v5  }
0x131: {  	v53 =	vld [tilespmem:$0x18680];
	v5 =	vor.u32 v7, v5;
	_ =	sdelay $0x2  }
0x132: {  	[tilespmem:$0x1CD20] =	vst v4  }
0x133: {  	[tilespmem:$0x1D120] =	vst v6  }
0x134: {  	v54 =	vsub.s32 v53, v0;
	v4 =	vld.idx.msk [tilespmem:v5+s16+$0x0], $0xffff  }
0x135: {  	v7 =	vand.u32 $0x7F, v53;
	v6 =	vand.u32 $0xFFFFFF80, v54;
	v5 =	vld.idx.msk [tilespmem:v5+s17+$0x0], $0xffff  }
0x136: {  	v55 =	vld [tilespmem:$0x18690];
	v6 =	vor.u32 v7, v6;
	_ =	sdelay $0x2  }
0x137: {  	[tilespmem:$0x1CD30] =	vst v4  }
0x138: {  	[tilespmem:$0x1D130] =	vst v5  }
0x139: {  	v5 =	vsub.s32 v55, v0;
	v4 =	vld.idx.msk [tilespmem:v6+s16+$0x0], $0xffff  }
0x13a: {  	v7 =	vand.u32 $0x7F, v55;
	v6 =	vld.idx.msk [tilespmem:v6+s17+$0x0], $0xffff;
	v5 =	vand.u32 $0xFFFFFF80, v5  }
0x13b: {  	v56 =	vld [tilespmem:$0x186A0];
	v5 =	vor.u32 v7, v5;
	_ =	sdelay $0x2  }
0x13c: {  	[tilespmem:$0x1CD40] =	vst v4  }
0x13d: {  	[tilespmem:$0x1D140] =	vst v6  }
0x13e: {  	v57 =	vsub.s32 v56, v0;
	v4 =	vld.idx.msk [tilespmem:v5+s16+$0x0], $0xffff  }
0x13f: {  	v7 =	vand.u32 $0x7F, v56;
	v6 =	vand.u32 $0xFFFFFF80, v57;
	v5 =	vld.idx.msk [tilespmem:v5+s17+$0x0], $0xffff  }
0x140: {  	v58 =	vld [tilespmem:$0x186B0];
	v6 =	vor.u32 v7, v6;
	_ =	sdelay $0x2  }
0x141: {  	[tilespmem:$0x1CD50] =	vst v4  }
0x142: {  	[tilespmem:$0x1D150] =	vst v5  }
0x143: {  	v5 =	vsub.s32 v58, v0;
	v4 =	vld.idx.msk [tilespmem:v6+s16+$0x0], $0xffff  }
0x144: {  	v7 =	vand.u32 $0x7F, v58;
	v6 =	vld.idx.msk [tilespmem:v6+s17+$0x0], $0xffff;
	v5 =	vand.u32 $0xFFFFFF80, v5  }
0x145: {  	v59 =	vld [tilespmem:$0x18700];
	v5 =	vor.u32 v7, v5;
	_ =	sdelay $0x2  }
0x146: {  	[tilespmem:$0x1CD60] =	vst v4  }
0x147: {  	[tilespmem:$0x1D160] =	vst v6  }
0x148: {  	v60 =	vsub.s32 v59, v0;
	v4 =	vld.idx.msk [tilespmem:v5+s16+$0x0], $0xffff  }
0x149: {  	v7 =	vand.u32 $0x7F, v59;
	v6 =	vand.u32 $0xFFFFFF80, v60;
	v5 =	vld.idx.msk [tilespmem:v5+s17+$0x0], $0xffff  }
0x14a: {  	v61 =	vld [tilespmem:$0x18710];
	v6 =	vor.u32 v7, v6;
	_ =	sdelay $0x2  }
0x14b: {  	[tilespmem:$0x1CD70] =	vst v4  }
0x14c: {  	[tilespmem:$0x1D170] =	vst v5  }
0x14d: {  	v5 =	vsub.s32 v61, v0;
	v4 =	vld.idx.msk [tilespmem:v6+s16+$0x0], $0xffff  }
0x14e: {  	v7 =	vand.u32 $0x7F, v61;
	v6 =	vld.idx.msk [tilespmem:v6+s17+$0x0], $0xffff;
	v5 =	vand.u32 $0xFFFFFF80, v5  }
0x14f: {  	v62 =	vld [tilespmem:$0x18720];
	v5 =	vor.u32 v7, v5;
	_ =	sdelay $0x2  }
0x150: {  	[tilespmem:$0x1CD80] =	vst v4  }
0x151: {  	[tilespmem:$0x1D180] =	vst v6  }
0x152: {  	v63 =	vsub.s32 v62, v0;
	v4 =	vld.idx.msk [tilespmem:v5+s16+$0x0], $0xffff  }
0x153: {  	v7 =	vand.u32 $0x7F, v62;
	v6 =	vand.u32 $0xFFFFFF80, v63;
	v5 =	vld.idx.msk [tilespmem:v5+s17+$0x0], $0xffff  }
0x154: {  	v9 =	vld [tilespmem:$0x18730];
	v6 =	vor.u32 v7, v6;
	_ =	sdelay $0x2  }
0x155: {  	[tilespmem:$0x1CD90] =	vst v4  }
0x156: {  	[tilespmem:$0x1D190] =	vst v5  }
0x157: {  	v5 =	vsub.s32 v9, v0;
	v4 =	vld.idx.msk [tilespmem:v6+s16+$0x0], $0xffff  }
0x158: {  	v7 =	vand.u32 $0x7F, v9;
	v6 =	vld.idx.msk [tilespmem:v6+s17+$0x0], $0xffff;
	v5 =	vand.u32 $0xFFFFFF80, v5  }
0x159: {  	v10 =	vld [tilespmem:$0x18780];
	v5 =	vor.u32 v7, v5;
	_ =	sdelay $0x2  }
0x15a: {  	[tilespmem:$0x1CDA0] =	vst v4  }
0x15b: {  	[tilespmem:$0x1D1A0] =	vst v6  }
0x15c: {  	v11 =	vsub.s32 v10, v0;
	v4 =	vld.idx.msk [tilespmem:v5+s16+$0x0], $0xffff  }
0x15d: {  	v7 =	vand.u32 $0x7F, v10;
	v6 =	vand.u32 $0xFFFFFF80, v11;
	v5 =	vld.idx.msk [tilespmem:v5+s17+$0x0], $0xffff  }
0x15e: {  	v12 =	vld [tilespmem:$0x18790];
	v6 =	vor.u32 v7, v6;
	_ =	sdelay $0x2  }
0x15f: {  	[tilespmem:$0x1CDB0] =	vst v4  }
0x160: {  	[tilespmem:$0x1D1B0] =	vst v5  }
0x161: {  	v5 =	vsub.s32 v12, v0;
	v4 =	vld.idx.msk [tilespmem:v6+s16+$0x0], $0xffff  }
0x162: {  	v7 =	vand.u32 $0x7F, v12;
	v6 =	vld.idx.msk [tilespmem:v6+s17+$0x0], $0xffff;
	v5 =	vand.u32 $0xFFFFFF80, v5  }
0x163: {  	v13 =	vld [tilespmem:$0x187A0];
	v5 =	vor.u32 v7, v5;
	_ =	sdelay $0x2  }
0x164: {  	[tilespmem:$0x1CDC0] =	vst v4  }
0x165: {  	[tilespmem:$0x1D1C0] =	vst v6  }
0x166: {  	v14 =	vsub.s32 v13, v0;
	v4 =	vld.idx.msk [tilespmem:v5+s16+$0x0], $0xffff  }
0x167: {  	v7 =	vand.u32 $0x7F, v13;
	v6 =	vand.u32 $0xFFFFFF80, v14;
	v5 =	vld.idx.msk [tilespmem:v5+s17+$0x0], $0xffff  }
0x168: {  	v15 =	vld [tilespmem:$0x187B0];
	v6 =	vor.u32 v7, v6;
	_ =	sdelay $0x2  }
0x169: {  	[tilespmem:$0x1CDD0] =	vst v4  }
0x16a: {  	[tilespmem:$0x1D1D0] =	vst v5  }
0x16b: {  	v5 =	vsub.s32 v15, v0;
	v4 =	vld.idx.msk [tilespmem:v6+s16+$0x0], $0xffff  }
0x16c: {  	v7 =	vand.u32 $0x7F, v15;
	v6 =	vld.idx.msk [tilespmem:v6+s17+$0x0], $0xffff;
	v5 =	vand.u32 $0xFFFFFF80, v5  }
0x16d: {  	v16 =	vld [tilespmem:$0x18800];
	v5 =	vor.u32 v7, v5;
	_ =	sdelay $0x2  }
0x16e: {  	[tilespmem:$0x1CDE0] =	vst v4  }
0x16f: {  	[tilespmem:$0x1D1E0] =	vst v6  }
0x170: {  	v17 =	vsub.s32 v16, v0;
	v4 =	vld.idx.msk [tilespmem:v5+s16+$0x0], $0xffff  }
0x171: {  	v7 =	vand.u32 $0x7F, v16;
	v6 =	vand.u32 $0xFFFFFF80, v17;
	v5 =	vld.idx.msk [tilespmem:v5+s17+$0x0], $0xffff  }
0x172: {  	v18 =	vld [tilespmem:$0x18810];
	v6 =	vor.u32 v7, v6;
	_ =	sdelay $0x2  }
0x173: {  	[tilespmem:$0x1CDF0] =	vst v4  }
0x174: {  	[tilespmem:$0x1D1F0] =	vst v5  }
0x175: {  	v5 =	vsub.s32 v18, v0;
	v4 =	vld.idx.msk [tilespmem:v6+s16+$0x0], $0xffff  }
0x176: {  	v7 =	vand.u32 $0x7F, v18;
	v6 =	vld.idx.msk [tilespmem:v6+s17+$0x0], $0xffff;
	v5 =	vand.u32 $0xFFFFFF80, v5  }
0x177: {  	v19 =	vld [tilespmem:$0x18820];
	v5 =	vor.u32 v7, v5;
	_ =	sdelay $0x2  }
0x178: {  	[tilespmem:$0x1CE00] =	vst v4  }
0x179: {  	[tilespmem:$0x1D200] =	vst v6  }
0x17a: {  	v20 =	vsub.s32 v19, v0;
	v4 =	vld.idx.msk [tilespmem:v5+s16+$0x0], $0xffff  }
0x17b: {  	v7 =	vand.u32 $0x7F, v19;
	v6 =	vand.u32 $0xFFFFFF80, v20;
	v5 =	vld.idx.msk [tilespmem:v5+s17+$0x0], $0xffff  }
0x17c: {  	v21 =	vld [tilespmem:$0x18830];
	v6 =	vor.u32 v7, v6;
	_ =	sdelay $0x2  }
0x17d: {  	[tilespmem:$0x1CE10] =	vst v4  }
0x17e: {  	[tilespmem:$0x1D210] =	vst v5  }
0x17f: {  	v5 =	vsub.s32 v21, v0;
	v4 =	vld.idx.msk [tilespmem:v6+s16+$0x0], $0xffff  }
0x180: {  	v7 =	vand.u32 $0x7F, v21;
	v6 =	vld.idx.msk [tilespmem:v6+s17+$0x0], $0xffff;
	v5 =	vand.u32 $0xFFFFFF80, v5  }
0x181: {  	v22 =	vld [tilespmem:$0x18880];
	v5 =	vor.u32 v7, v5;
	_ =	sdelay $0x2  }
0x182: {  	[tilespmem:$0x1CE20] =	vst v4  }
0x183: {  	[tilespmem:$0x1D220] =	vst v6  }
0x184: {  	v23 =	vsub.s32 v22, v0;
	v4 =	vld.idx.msk [tilespmem:v5+s16+$0x0], $0xffff  }
0x185: {  	v7 =	vand.u32 $0x7F, v22;
	v6 =	vand.u32 $0xFFFFFF80, v23;
	v5 =	vld.idx.msk [tilespmem:v5+s17+$0x0], $0xffff  }
0x186: {  	v24 =	vld [tilespmem:$0x18890];
	v6 =	vor.u32 v7, v6;
	_ =	sdelay $0x2  }
0x187: {  	[tilespmem:$0x1CE30] =	vst v4  }
0x188: {  	[tilespmem:$0x1D230] =	vst v5  }
0x189: {  	v5 =	vsub.s32 v24, v0;
	v4 =	vld.idx.msk [tilespmem:v6+s16+$0x0], $0xffff  }
0x18a: {  	v7 =	vand.u32 $0x7F, v24;
	v6 =	vld.idx.msk [tilespmem:v6+s17+$0x0], $0xffff;
	v5 =	vand.u32 $0xFFFFFF80, v5  }
0x18b: {  	v25 =	vld [tilespmem:$0x188A0];
	v5 =	vor.u32 v7, v5;
	_ =	sdelay $0x2  }
0x18c: {  	[tilespmem:$0x1CE40] =	vst v4  }
0x18d: {  	[tilespmem:$0x1D240] =	vst v6  }
0x18e: {  	v26 =	vsub.s32 v25, v0;
	v4 =	vld.idx.msk [tilespmem:v5+s16+$0x0], $0xffff  }
0x18f: {  	v7 =	vand.u32 $0x7F, v25;
	v6 =	vand.u32 $0xFFFFFF80, v26;
	v5 =	vld.idx.msk [tilespmem:v5+s17+$0x0], $0xffff  }
0x190: {  	v27 =	vld [tilespmem:$0x188B0];
	v6 =	vor.u32 v7, v6;
	_ =	sdelay $0x2  }
0x191: {  	[tilespmem:$0x1CE50] =	vst v4  }
0x192: {  	[tilespmem:$0x1D250] =	vst v5  }
0x193: {  	v5 =	vsub.s32 v27, v0;
	v4 =	vld.idx.msk [tilespmem:v6+s16+$0x0], $0xffff  }
0x194: {  	v7 =	vand.u32 $0x7F, v27;
	v6 =	vld.idx.msk [tilespmem:v6+s17+$0x0], $0xffff;
	v5 =	vand.u32 $0xFFFFFF80, v5  }
0x195: {  	v28 =	vld [tilespmem:$0x18900];
	v5 =	vor.u32 v7, v5;
	_ =	sdelay $0x2  }
0x196: {  	[tilespmem:$0x1CE60] =	vst v4  }
0x197: {  	[tilespmem:$0x1D260] =	vst v6  }
0x198: {  	v29 =	vsub.s32 v28, v0;
	v4 =	vld.idx.msk [tilespmem:v5+s16+$0x0], $0xffff  }
0x199: {  	v7 =	vand.u32 $0x7F, v28;
	v6 =	vand.u32 $0xFFFFFF80, v29;
	v5 =	vld.idx.msk [tilespmem:v5+s17+$0x0], $0xffff  }
0x19a: {  	v30 =	vld [tilespmem:$0x18910];
	v6 =	vor.u32 v7, v6;
	_ =	sdelay $0x2  }
0x19b: {  	[tilespmem:$0x1CE70] =	vst v4  }
0x19c: {  	[tilespmem:$0x1D270] =	vst v5  }
0x19d: {  	v5 =	vsub.s32 v30, v0;
	v4 =	vld.idx.msk [tilespmem:v6+s16+$0x0], $0xffff  }
0x19e: {  	v7 =	vand.u32 $0x7F, v30;
	v6 =	vld.idx.msk [tilespmem:v6+s17+$0x0], $0xffff;
	v5 =	vand.u32 $0xFFFFFF80, v5  }
0x19f: {  	v31 =	vld [tilespmem:$0x18920];
	v5 =	vor.u32 v7, v5;
	_ =	sdelay $0x2  }
0x1a0: {  	[tilespmem:$0x1CE80] =	vst v4  }
0x1a1: {  	[tilespmem:$0x1D280] =	vst v6  }
0x1a2: {  	v32 =	vsub.s32 v31, v0;
	v4 =	vld.idx.msk [tilespmem:v5+s16+$0x0], $0xffff  }
0x1a3: {  	v7 =	vand.u32 $0x7F, v31;
	v6 =	vand.u32 $0xFFFFFF80, v32;
	v5 =	vld.idx.msk [tilespmem:v5+s17+$0x0], $0xffff  }
0x1a4: {  	v33 =	vld [tilespmem:$0x18930];
	v6 =	vor.u32 v7, v6;
	_ =	sdelay $0x2  }
0x1a5: {  	[tilespmem:$0x1CE90] =	vst v4  }
0x1a6: {  	[tilespmem:$0x1D290] =	vst v5  }
0x1a7: {  	v5 =	vsub.s32 v33, v0;
	v4 =	vld.idx.msk [tilespmem:v6+s16+$0x0], $0xffff  }
0x1a8: {  	v7 =	vand.u32 $0x7F, v33;
	v6 =	vld.idx.msk [tilespmem:v6+s17+$0x0], $0xffff;
	v5 =	vand.u32 $0xFFFFFF80, v5  }
0x1a9: {  	v34 =	vld [tilespmem:$0x18980];
	v5 =	vor.u32 v7, v5;
	_ =	sdelay $0x2  }
0x1aa: {  	[tilespmem:$0x1CEA0] =	vst v4  }
0x1ab: {  	[tilespmem:$0x1D2A0] =	vst v6  }
0x1ac: {  	v35 =	vsub.s32 v34, v0;
	v4 =	vld.idx.msk [tilespmem:v5+s16+$0x0], $0xffff  }
0x1ad: {  	v7 =	vand.u32 $0x7F, v34;
	v6 =	vand.u32 $0xFFFFFF80, v35;
	v5 =	vld.idx.msk [tilespmem:v5+s17+$0x0], $0xffff  }
0x1ae: {  	v36 =	vld [tilespmem:$0x18990];
	v6 =	vor.u32 v7, v6;
	_ =	sdelay $0x2  }
0x1af: {  	[tilespmem:$0x1CEB0] =	vst v4  }
0x1b0: {  	[tilespmem:$0x1D2B0] =	vst v5  }
0x1b1: {  	v5 =	vsub.s32 v36, v0;
	v4 =	vld.idx.msk [tilespmem:v6+s16+$0x0], $0xffff  }
0x1b2: {  	v7 =	vand.u32 $0x7F, v36;
	v6 =	vld.idx.msk [tilespmem:v6+s17+$0x0], $0xffff;
	v5 =	vand.u32 $0xFFFFFF80, v5  }
0x1b3: {  	v37 =	vld [tilespmem:$0x189A0];
	v5 =	vor.u32 v7, v5;
	_ =	sdelay $0x2  }
0x1b4: {  	[tilespmem:$0x1CEC0] =	vst v4  }
0x1b5: {  	[tilespmem:$0x1D2C0] =	vst v6  }
0x1b6: {  	v38 =	vsub.s32 v37, v0;
	v4 =	vld.idx.msk [tilespmem:v5+s16+$0x0], $0xffff  }
0x1b7: {  	v7 =	vand.u32 $0x7F, v37;
	v6 =	vand.u32 $0xFFFFFF80, v38;
	v5 =	vld.idx.msk [tilespmem:v5+s17+$0x0], $0xffff  }
0x1b8: {  	v39 =	vld [tilespmem:$0x189B0];
	v6 =	vor.u32 v7, v6;
	_ =	sdelay $0x2  }
0x1b9: {  	[tilespmem:$0x1CED0] =	vst v4  }
0x1ba: {  	[tilespmem:$0x1D2D0] =	vst v5  }
0x1bb: {  	v5 =	vsub.s32 v39, v0;
	v4 =	vld.idx.msk [tilespmem:v6+s16+$0x0], $0xffff  }
0x1bc: {  	v7 =	vand.u32 $0x7F, v39;
	v6 =	vld.idx.msk [tilespmem:v6+s17+$0x0], $0xffff;
	v5 =	vand.u32 $0xFFFFFF80, v5  }
0x1bd: {  	v40 =	vld [tilespmem:$0x18A00];
	v5 =	vor.u32 v7, v5;
	_ =	sdelay $0x2  }
0x1be: {  	[tilespmem:$0x1CEE0] =	vst v4  }
0x1bf: {  	[tilespmem:$0x1D2E0] =	vst v6  }
0x1c0: {  	v41 =	vsub.s32 v40, v0;
	v4 =	vld.idx.msk [tilespmem:v5+s16+$0x0], $0xffff  }
0x1c1: {  	v7 =	vand.u32 $0x7F, v40;
	v6 =	vand.u32 $0xFFFFFF80, v41;
	v5 =	vld.idx.msk [tilespmem:v5+s17+$0x0], $0xffff  }
0x1c2: {  	v42 =	vld [tilespmem:$0x18A10];
	v6 =	vor.u32 v7, v6;
	_ =	sdelay $0x2  }
0x1c3: {  	[tilespmem:$0x1CEF0] =	vst v4  }
0x1c4: {  	[tilespmem:$0x1D2F0] =	vst v5  }
0x1c5: {  	v5 =	vsub.s32 v42, v0;
	v4 =	vld.idx.msk [tilespmem:v6+s16+$0x0], $0xffff  }
0x1c6: {  	v7 =	vand.u32 $0x7F, v42;
	v6 =	vld.idx.msk [tilespmem:v6+s17+$0x0], $0xffff;
	v5 =	vand.u32 $0xFFFFFF80, v5  }
0x1c7: {  	v43 =	vld [tilespmem:$0x18A20];
	v5 =	vor.u32 v7, v5;
	_ =	sdelay $0x2  }
0x1c8: {  	[tilespmem:$0x1CF00] =	vst v4  }
0x1c9: {  	[tilespmem:$0x1D300] =	vst v6  }
0x1ca: {  	v44 =	vsub.s32 v43, v0;
	v4 =	vld.idx.msk [tilespmem:v5+s16+$0x0], $0xffff  }
0x1cb: {  	v7 =	vand.u32 $0x7F, v43;
	v6 =	vand.u32 $0xFFFFFF80, v44;
	v5 =	vld.idx.msk [tilespmem:v5+s17+$0x0], $0xffff  }
0x1cc: {  	v45 =	vld [tilespmem:$0x18A30];
	v6 =	vor.u32 v7, v6;
	_ =	sdelay $0x2  }
0x1cd: {  	[tilespmem:$0x1CF10] =	vst v4  }
0x1ce: {  	[tilespmem:$0x1D310] =	vst v5  }
0x1cf: {  	v5 =	vsub.s32 v45, v0;
	v4 =	vld.idx.msk [tilespmem:v6+s16+$0x0], $0xffff  }
0x1d0: {  	v7 =	vand.u32 $0x7F, v45;
	v6 =	vld.idx.msk [tilespmem:v6+s17+$0x0], $0xffff;
	v5 =	vand.u32 $0xFFFFFF80, v5  }
0x1d1: {  	v46 =	vld [tilespmem:$0x18A80];
	v5 =	vor.u32 v7, v5;
	_ =	sdelay $0x2  }
0x1d2: {  	[tilespmem:$0x1CF20] =	vst v4  }
0x1d3: {  	[tilespmem:$0x1D320] =	vst v6  }
0x1d4: {  	v47 =	vsub.s32 v46, v0;
	v4 =	vld.idx.msk [tilespmem:v5+s16+$0x0], $0xffff  }
0x1d5: {  	v7 =	vand.u32 $0x7F, v46;
	v6 =	vand.u32 $0xFFFFFF80, v47;
	v5 =	vld.idx.msk [tilespmem:v5+s17+$0x0], $0xffff  }
0x1d6: {  	v48 =	vld [tilespmem:$0x18A90];
	v6 =	vor.u32 v7, v6;
	_ =	sdelay $0x2  }
0x1d7: {  	[tilespmem:$0x1CF30] =	vst v4  }
0x1d8: {  	[tilespmem:$0x1D330] =	vst v5  }
0x1d9: {  	v5 =	vsub.s32 v48, v0;
	v4 =	vld.idx.msk [tilespmem:v6+s16+$0x0], $0xffff  }
0x1da: {  	v7 =	vand.u32 $0x7F, v48;
	v6 =	vld.idx.msk [tilespmem:v6+s17+$0x0], $0xffff;
	v5 =	vand.u32 $0xFFFFFF80, v5  }
0x1db: {  	v49 =	vld [tilespmem:$0x18AA0];
	v5 =	vor.u32 v7, v5;
	_ =	sdelay $0x2  }
0x1dc: {  	[tilespmem:$0x1CF40] =	vst v4  }
0x1dd: {  	[tilespmem:$0x1D340] =	vst v6  }
0x1de: {  	v50 =	vsub.s32 v49, v0;
	v4 =	vld.idx.msk [tilespmem:v5+s16+$0x0], $0xffff  }
0x1df: {  	v7 =	vand.u32 $0x7F, v49;
	v6 =	vand.u32 $0xFFFFFF80, v50;
	v5 =	vld.idx.msk [tilespmem:v5+s17+$0x0], $0xffff  }
0x1e0: {  	v51 =	vld [tilespmem:$0x18AB0];
	v6 =	vor.u32 v7, v6;
	_ =	sdelay $0x2  }
0x1e1: {  	[tilespmem:$0x1CF50] =	vst v4  }
0x1e2: {  	[tilespmem:$0x1D350] =	vst v5  }
0x1e3: {  	v5 =	vsub.s32 v51, v0;
	v4 =	vld.idx.msk [tilespmem:v6+s16+$0x0], $0xffff  }
0x1e4: {  	v7 =	vand.u32 $0x7F, v51;
	v6 =	vld.idx.msk [tilespmem:v6+s17+$0x0], $0xffff;
	v5 =	vand.u32 $0xFFFFFF80, v5  }
0x1e5: {  	v52 =	vld [tilespmem:$0x18B00];
	v5 =	vor.u32 v7, v5;
	_ =	sdelay $0x2  }
0x1e6: {  	[tilespmem:$0x1CF60] =	vst v4  }
0x1e7: {  	[tilespmem:$0x1D360] =	vst v6  }
0x1e8: {  	v53 =	vsub.s32 v52, v0;
	v4 =	vld.idx.msk [tilespmem:v5+s16+$0x0], $0xffff  }
0x1e9: {  	v7 =	vand.u32 $0x7F, v52;
	v6 =	vand.u32 $0xFFFFFF80, v53;
	v5 =	vld.idx.msk [tilespmem:v5+s17+$0x0], $0xffff  }
0x1ea: {  	v54 =	vld [tilespmem:$0x18B10];
	v6 =	vor.u32 v7, v6;
	_ =	sdelay $0x2  }
0x1eb: {  	[tilespmem:$0x1CF70] =	vst v4  }
0x1ec: {  	[tilespmem:$0x1D370] =	vst v5  }
0x1ed: {  	v5 =	vsub.s32 v54, v0;
	v4 =	vld.idx.msk [tilespmem:v6+s16+$0x0], $0xffff  }
0x1ee: {  	v7 =	vand.u32 $0x7F, v54;
	v6 =	vld.idx.msk [tilespmem:v6+s17+$0x0], $0xffff;
	v5 =	vand.u32 $0xFFFFFF80, v5  }
0x1ef: {  	v55 =	vld [tilespmem:$0x18B20];
	v5 =	vor.u32 v7, v5;
	_ =	sdelay $0x2  }
0x1f0: {  	[tilespmem:$0x1CF80] =	vst v4  }
0x1f1: {  	[tilespmem:$0x1D380] =	vst v6  }
0x1f2: {  	v56 =	vsub.s32 v55, v0;
	v4 =	vld.idx.msk [tilespmem:v5+s16+$0x0], $0xffff  }
0x1f3: {  	v7 =	vand.u32 $0x7F, v55;
	v6 =	vand.u32 $0xFFFFFF80, v56;
	v5 =	vld.idx.msk [tilespmem:v5+s17+$0x0], $0xffff  }
0x1f4: {  	v57 =	vld [tilespmem:$0x18B30];
	v6 =	vor.u32 v7, v6;
	_ =	sdelay $0x2  }
0x1f5: {  	[tilespmem:$0x1CF90] =	vst v4  }
0x1f6: {  	[tilespmem:$0x1D390] =	vst v5  }
0x1f7: {  	v5 =	vsub.s32 v57, v0;
	v4 =	vld.idx.msk [tilespmem:v6+s16+$0x0], $0xffff  }
0x1f8: {  	v7 =	vand.u32 $0x7F, v57;
	v6 =	vld.idx.msk [tilespmem:v6+s17+$0x0], $0xffff;
	v5 =	vand.u32 $0xFFFFFF80, v5  }
0x1f9: {  	v58 =	vld [tilespmem:$0x18B80];
	v5 =	vor.u32 v7, v5;
	_ =	sdelay $0x2  }
0x1fa: {  	[tilespmem:$0x1CFA0] =	vst v4  }
0x1fb: {  	[tilespmem:$0x1D3A0] =	vst v6  }
0x1fc: {  	v59 =	vsub.s32 v58, v0;
	v4 =	vld.idx.msk [tilespmem:v5+s16+$0x0], $0xffff  }
0x1fd: {  	v7 =	vand.u32 $0x7F, v58;
	v6 =	vand.u32 $0xFFFFFF80, v59;
	v5 =	vld.idx.msk [tilespmem:v5+s17+$0x0], $0xffff  }
0x1fe: {  	v60 =	vld [tilespmem:$0x18B90];
	v6 =	vor.u32 v7, v6;
	_ =	sdelay $0x2  }
0x1ff: {  	[tilespmem:$0x1CFB0] =	vst v4  }
0x200: {  	[tilespmem:$0x1D3B0] =	vst v5  }
0x201: {  	v5 =	vsub.s32 v60, v0;
	v4 =	vld.idx.msk [tilespmem:v6+s16+$0x0], $0xffff  }
0x202: {  	v7 =	vand.u32 $0x7F, v60;
	v6 =	vld.idx.msk [tilespmem:v6+s17+$0x0], $0xffff;
	v5 =	vand.u32 $0xFFFFFF80, v5  }
0x203: {  	v61 =	vld [tilespmem:$0x18BA0];
	v5 =	vor.u32 v7, v5;
	_ =	sdelay $0x2  }
0x204: {  	[tilespmem:$0x1CFC0] =	vst v4  }
0x205: {  	[tilespmem:$0x1D3C0] =	vst v6  }
0x206: {  	v62 =	vsub.s32 v61, v0;
	v4 =	vld.idx.msk [tilespmem:v5+s16+$0x0], $0xffff  }
0x207: {  	v7 =	vand.u32 $0x7F, v61;
	v6 =	vand.u32 $0xFFFFFF80, v62;
	v5 =	vld.idx.msk [tilespmem:v5+s17+$0x0], $0xffff  }
0x208: {  	v63 =	vld [tilespmem:$0x18BB0];
	v6 =	vor.u32 v7, v6;
	_ =	sdelay $0x2  }
0x209: {  	[tilespmem:$0x1CFD0] =	vst v4  }
0x20a: {  	[tilespmem:$0x1D3D0] =	vst v5  }
0x20b: {  	v5 =	vsub.s32 v63, v0;
	v4 =	vld.idx.msk [tilespmem:v6+s16+$0x0], $0xffff  }
0x20c: {  	v7 =	vand.u32 $0x7F, v63;
	v6 =	vld.idx.msk [tilespmem:v6+s17+$0x0], $0xffff;
	v5 =	vand.u32 $0xFFFFFF80, v5  }
0x20d: {  	v5 =	vor.u32 v7, v5;
	_ =	sdelay $0x2  }
0x20e: {  	[tilespmem:$0x1CFE0] =	vst v4  }
0x20f: {  	[tilespmem:$0x1D3E0] =	vst v6  }
0x210: {  	v4 =	vld.idx.msk [tilespmem:v5+s16+$0x0], $0xffff  }
0x211: {  	v5 =	vld.idx.msk [tilespmem:v5+s17+$0x0], $0xffff;
	_ =	sdelay $0x3  }
0x212: {  	s7 =	rddreg [dreg:$0x10];
	[tilespmem:$0x1CFF0] =	vst v4  }
0x213: {  	s0 =	rddreg [dreg:$0x13];
	[tilespmem:$0x1D3F0] =	vst v5  }
0x214: {  	[hbm4b:s7+s3] =	stream.linear.scatter [tilespmem:s0], [sflag:$0x9], $0x400, $0x38;
	[tilespmem:$0x1D400] =	vst v63  }
0x215: {  	_ =	swait.ge [sflag:s9], $0x400  }
0x216: {  	s7 =	rddreg [dreg:$0x11];
	[sflag:s9] =	ssyncset.done $0x0  }
0x217: {  	s0 =	rddreg [dreg:$0x14];
	[sflag:s9] =	ssyncadd.s32 $0xFFFFFC00  }
0x218: {  	[hbm4b:s7+s3] =	stream.linear.scatter [tilespmem:s0], [sflag:$0x9], $0x400, $0x38;
	[tilespmem:$0x1D400] =	vst v63  }
0x219: {  	_ =	swait.ge [sflag:s9], $0x400  }
0x21a: {  	[sflag:s9] =	ssyncset.done $0x0  }
0x21b: {  	[sflag:s9] =	ssyncadd.s32 $0xFFFFFC00  }
0x21c: {  	_ =	swait.ge [sflag:s18], $0x6000  }
0x21d: {  	[sflag:s18] =	ssyncset.done $0x0  }
0x21e: {  	s0 =	rddreg [dreg:$0x15];
	[sflag:s18] =	ssyncadd.s32 $0xFFFFA000  }
0x21f: {  	[hbm4b:s0+s3] =	stream.linear.scatter [tilespmem:s10], [sflag:$0x5], $0x6000, $0x38;
	[tilespmem:$0x1D400] =	vst v63  }
0x220: {  	_ =	swait.ge [sflag:s19], $0x6000  }
0x221: {  	[sflag:s19] =	ssyncset.done $0x0  }
0x222: {  	[sflag:s19] =	ssyncadd.s32 $0xFFFFA000  }
0x223: {  	v4 =	vld [tilespmem:s4+$0x100];
	_ =	sdelay $0x4  }
0x224: {  	v5 =	vshrl.u32 v4, $0x3  }
0x225: {  	v5 =	vmul.u32 $0x30, v5  }
0x226: {  	v4 =	vand.u32 $0x7, v4  }
0x227: {  	v4 =	vor.u32 v4, v5  }
0x228: {  	v5 =	vperm.xlane v4, v1;
	_ =	sdelay $0x1  }
0x229: {  	v5 =	vadd.s32 v2, v5;
	_ =	sdelay $0x3  }
0x22a: {  	v4 =	vperm.xlane v4, v3  }
0x22b: {  	[tilespmem:s10], [sflag:$0x1] =	stream.indirect_vreg.gather [hbm4b:s1+s3], $0x80, v5, vm0, $0xb8;
	[tilespmem:$0x1D400] =	vst v63  }
0x22c: {  	v4 =	vadd.s32 v2, v4  }
0x22d: {  	[tilespmem:s30], [sflag:$0x1] =	stream.indirect_vreg.gather [hbm4b:s5+s3], $0x80, v5, vm0, $0xb8;
	[tilespmem:$0x1D400] =	vst v63  }
0x22e: {  	_ = 	snop  }
0x22f: {  	[tilespmem:s31], [sflag:$0x1] =	stream.indirect_vreg.gather [hbm4b:s6+s3], $0x80, v5, vm0, $0xb8;
	[tilespmem:$0x1D400] =	vst v63  }
0x230: {  	_ = 	snop  }
0x231: {  	[tilespmem:s2], [sflag:$0x1] =	stream.indirect_vreg.gather [hbm4b:s1+s3], $0x80, v4, vm0, $0xb8;
	[tilespmem:$0x1D400] =	vst v63  }
0x232: {  	s7 =	simm.s32 $0x2400  }
0x233: {  	[tilespmem:s7], [sflag:$0x1] =	stream.indirect_vreg.gather [hbm4b:s5+s3], $0x80, v4, vm0, $0xb8;
	[tilespmem:$0x1D400] =	vst v63  }
0x234: {  	_ = 	snop  }
0x235: {  	[tilespmem:s11], [sflag:$0x1] =	stream.indirect_vreg.gather [hbm4b:s6+s3], $0x80, v4, vm0, $0xb8;
	[tilespmem:$0x1D400] =	vst v63  }
0x236: {  	v4 =	vld [tilespmem:s4+$0x110];
	_ =	sdelay $0x4  }
0x237: {  	v5 =	vshrl.u32 v4, $0x3  }
0x238: {  	v5 =	vmul.u32 $0x30, v5  }
0x239: {  	v4 =	vand.u32 $0x7, v4  }
0x23a: {  	v4 =	vor.u32 v4, v5  }
0x23b: {  	v5 =	vperm.xlane v4, v1;
	_ =	sdelay $0x1  }
0x23c: {  	v5 =	vadd.s32 v2, v5;
	_ =	sdelay $0x3  }
0x23d: {  	v4 =	vperm.xlane v4, v3  }
0x23e: {  	[tilespmem:s13], [sflag:$0x1] =	stream.indirect_vreg.gather [hbm4b:s1+s3], $0x80, v5, vm0, $0xb8;
	[tilespmem:$0x1D400] =	vst v63  }
0x23f: {  	v4 =	vadd.s32 v2, v4  }
0x240: {  	[tilespmem:s14], [sflag:$0x1] =	stream.indirect_vreg.gather [hbm4b:s5+s3], $0x80, v5, vm0, $0xb8;
	[tilespmem:$0x1D400] =	vst v63  }
0x241: {  	_ = 	snop  }
0x242: {  	[tilespmem:s15], [sflag:$0x1] =	stream.indirect_vreg.gather [hbm4b:s6+s3], $0x80, v5, vm0, $0xb8;
	[tilespmem:$0x1D400] =	vst v63  }
0x243: {  	s29 =	simm.s32 $0x4C00  }
0x244: {  	[tilespmem:s29], [sflag:$0x1] =	stream.indirect_vreg.gather [hbm4b:s1+s3], $0x80, v4, vm0, $0xb8;
	[tilespmem:$0x1D400] =	vst v63  }
0x245: {  	s7 =	simm.s32 $0x5400  }
0x246: {  	[tilespmem:s7], [sflag:$0x1] =	stream.indirect_vreg.gather [hbm4b:s5+s3], $0x80, v4, vm0, $0xb8;
	[tilespmem:$0x1D400] =	vst v63  }
0x247: {  	s29 =	simm.s32 $0x5C00  }
0x248: {  	[tilespmem:s29], [sflag:$0x1] =	stream.indirect_vreg.gather [hbm4b:s6+s3], $0x80, v4, vm0, $0xb8;
	[tilespmem:$0x1D400] =	vst v63  }
0x249: {  	_ =	swait.ge [sflag:s20], $0x6000  }
0x24a: {  	[sflag:s20] =	ssyncset.done $0x0  }
0x24b: {  	s0 =	rddreg [dreg:$0x9];
	[sflag:s20] =	ssyncadd.s32 $0xFFFFA000  }
0x24c: {  	[hbm4b:s0+s3] =	stream.linear.scatter [tilespmem:s22], [sflag:$0x6], $0x6000, $0x38;
	[tilespmem:$0x1D400] =	vst v63  }
0x24d: {  	_ =	swait.ge [sflag:s21], $0x6000  }
0x24e: {  	[sflag:s21] =	ssyncset.done $0x0  }
0x24f: {  	[sflag:s21] =	ssyncadd.s32 $0xFFFFA000  }
0x250: {  	v4 =	vld [tilespmem:s4+$0x120];
	_ =	sdelay $0x4  }
0x251: {  	v5 =	vshrl.u32 v4, $0x3  }
0x252: {  	v5 =	vmul.u32 $0x30, v5  }
0x253: {  	v4 =	vand.u32 $0x7, v4  }
0x254: {  	v4 =	vor.u32 v4, v5  }
0x255: {  	v5 =	vperm.xlane v4, v1;
	_ =	sdelay $0x1  }
0x256: {  	v5 =	vadd.s32 v2, v5;
	_ =	sdelay $0x3  }
0x257: {  	v4 =	vperm.xlane v4, v3  }
0x258: {  	[tilespmem:s22], [sflag:$0x2] =	stream.indirect_vreg.gather [hbm4b:s1+s3], $0x80, v5, vm0, $0xb8;
	[tilespmem:$0x1D400] =	vst v63  }
0x259: {  	s29 =	simm.s32 $0x6C00;
	v4 =	vadd.s32 v2, v4  }
0x25a: {  	[tilespmem:s29], [sflag:$0x2] =	stream.indirect_vreg.gather [hbm4b:s5+s3], $0x80, v5, vm0, $0xb8;
	[tilespmem:$0x1D400] =	vst v63  }
0x25b: {  	s7 =	simm.s32 $0x7400  }
0x25c: {  	[tilespmem:s7], [sflag:$0x2] =	stream.indirect_vreg.gather [hbm4b:s6+s3], $0x80, v5, vm0, $0xb8;
	[tilespmem:$0x1D400] =	vst v63  }
0x25d: {  	s29 =	simm.s32 $0x7C00  }
0x25e: {  	[tilespmem:s29], [sflag:$0x2] =	stream.indirect_vreg.gather [hbm4b:s1+s3], $0x80, v4, vm0, $0xb8;
	[tilespmem:$0x1D400] =	vst v63  }
0x25f: {  	s7 =	simm.s32 $0x8400  }
0x260: {  	[tilespmem:s7], [sflag:$0x2] =	stream.indirect_vreg.gather [hbm4b:s5+s3], $0x80, v4, vm0, $0xb8;
	[tilespmem:$0x1D400] =	vst v63  }
0x261: {  	s29 =	simm.s32 $0x8C00  }
0x262: {  	[tilespmem:s29], [sflag:$0x2] =	stream.indirect_vreg.gather [hbm4b:s6+s3], $0x80, v4, vm0, $0xb8;
	[tilespmem:$0x1D400] =	vst v63  }
0x263: {  	v4 =	vld [tilespmem:s4+$0x130];
	_ =	sdelay $0x4  }
0x264: {  	v5 =	vshrl.u32 v4, $0x3  }
0x265: {  	v5 =	vmul.u32 $0x30, v5  }
0x266: {  	v4 =	vand.u32 $0x7, v4  }
0x267: {  	v4 =	vor.u32 v4, v5  }
0x268: {  	v5 =	vperm.xlane v4, v1;
	_ =	sdelay $0x1  }
0x269: {  	v5 =	vadd.s32 v2, v5;
	_ =	sdelay $0x3  }
0x26a: {  	s7 =	simm.s32 $0x9400;
	v4 =	vperm.xlane v4, v3  }
0x26b: {  	[tilespmem:s7], [sflag:$0x2] =	stream.indirect_vreg.gather [hbm4b:s1+s3], $0x80, v5, vm0, $0xb8;
	[tilespmem:$0x1D400] =	vst v63  }
0x26c: {  	s29 =	simm.s32 $0x9C00;
	v4 =	vadd.s32 v2, v4  }
0x26d: {  	[tilespmem:s29], [sflag:$0x2] =	stream.indirect_vreg.gather [hbm4b:s5+s3], $0x80, v5, vm0, $0xb8;
	[tilespmem:$0x1D400] =	vst v63  }
0x26e: {  	s7 =	simm.s32 $0xA400  }
0x26f: {  	[tilespmem:s7], [sflag:$0x2] =	stream.indirect_vreg.gather [hbm4b:s6+s3], $0x80, v5, vm0, $0xb8;
	[tilespmem:$0x1D400] =	vst v63  }
0x270: {  	s29 =	simm.s32 $0xAC00  }
0x271: {  	[tilespmem:s29], [sflag:$0x2] =	stream.indirect_vreg.gather [hbm4b:s1+s3], $0x80, v4, vm0, $0xb8;
	[tilespmem:$0x1D400] =	vst v63  }
0x272: {  	s7 =	simm.s32 $0xB400  }
0x273: {  	[tilespmem:s7], [sflag:$0x2] =	stream.indirect_vreg.gather [hbm4b:s5+s3], $0x80, v4, vm0, $0xb8;
	[tilespmem:$0x1D400] =	vst v63  }
0x274: {  	s29 =	simm.s32 $0xBC00  }
0x275: {  	[tilespmem:s29], [sflag:$0x2] =	stream.indirect_vreg.gather [hbm4b:s6+s3], $0x80, v4, vm0, $0xb8;
	[tilespmem:$0x1D400] =	vst v63  }
0x276: {  	_ =	swait.ge [sflag:s23], $0x6000  }
0x277: {  	[sflag:s23] =	ssyncset.done $0x0  }
0x278: {  	s0 =	rddreg [dreg:$0xa];
	[sflag:s23] =	ssyncadd.s32 $0xFFFFA000  }
0x279: {  	[hbm4b:s0+s3] =	stream.linear.scatter [tilespmem:s12], [sflag:$0x7], $0x6000, $0x38;
	[tilespmem:$0x1D400] =	vst v63  }
0x27a: {  	_ =	swait.ge [sflag:s24], $0x6000  }
0x27b: {  	[sflag:s24] =	ssyncset.done $0x0  }
0x27c: {  	[sflag:s24] =	ssyncadd.s32 $0xFFFFA000  }
0x27d: {  	v4 =	vld [tilespmem:s4+$0x180];
	_ =	sdelay $0x4  }
0x27e: {  	v5 =	vshrl.u32 v4, $0x3  }
0x27f: {  	v5 =	vmul.u32 $0x30, v5  }
0x280: {  	v4 =	vand.u32 $0x7, v4  }
0x281: {  	v4 =	vor.u32 v4, v5  }
0x282: {  	v5 =	vperm.xlane v4, v1;
	_ =	sdelay $0x1  }
0x283: {  	v5 =	vadd.s32 v2, v5;
	_ =	sdelay $0x3  }
0x284: {  	v4 =	vperm.xlane v4, v3  }
0x285: {  	[tilespmem:s12], [sflag:$0x3] =	stream.indirect_vreg.gather [hbm4b:s1+s3], $0x80, v5, vm0, $0xb8;
	[tilespmem:$0x1D400] =	vst v63  }
0x286: {  	s29 =	simm.s32 $0xCC00;
	v4 =	vadd.s32 v2, v4  }
0x287: {  	[tilespmem:s29], [sflag:$0x3] =	stream.indirect_vreg.gather [hbm4b:s5+s3], $0x80, v5, vm0, $0xb8;
	[tilespmem:$0x1D400] =	vst v63  }
0x288: {  	s7 =	simm.s32 $0xD400  }
0x289: {  	[tilespmem:s7], [sflag:$0x3] =	stream.indirect_vreg.gather [hbm4b:s6+s3], $0x80, v5, vm0, $0xb8;
	[tilespmem:$0x1D400] =	vst v63  }
0x28a: {  	s29 =	simm.s32 $0xDC00  }
0x28b: {  	[tilespmem:s29], [sflag:$0x3] =	stream.indirect_vreg.gather [hbm4b:s1+s3], $0x80, v4, vm0, $0xb8;
	[tilespmem:$0x1D400] =	vst v63  }
0x28c: {  	s7 =	simm.s32 $0xE400  }
0x28d: {  	[tilespmem:s7], [sflag:$0x3] =	stream.indirect_vreg.gather [hbm4b:s5+s3], $0x80, v4, vm0, $0xb8;
	[tilespmem:$0x1D400] =	vst v63  }
0x28e: {  	s29 =	simm.s32 $0xEC00  }
0x28f: {  	[tilespmem:s29], [sflag:$0x3] =	stream.indirect_vreg.gather [hbm4b:s6+s3], $0x80, v4, vm0, $0xb8;
	[tilespmem:$0x1D400] =	vst v63  }
0x290: {  	v4 =	vld [tilespmem:s4+$0x190];
	_ =	sdelay $0x4  }
0x291: {  	v5 =	vshrl.u32 v4, $0x3  }
0x292: {  	v5 =	vmul.u32 $0x30, v5  }
0x293: {  	v4 =	vand.u32 $0x7, v4  }
0x294: {  	v4 =	vor.u32 v4, v5  }
0x295: {  	v5 =	vperm.xlane v4, v1;
	_ =	sdelay $0x1  }
0x296: {  	v5 =	vadd.s32 v2, v5;
	_ =	sdelay $0x3  }
0x297: {  	s7 =	simm.s32 $0xF400;
	v4 =	vperm.xlane v4, v3  }
0x298: {  	[tilespmem:s7], [sflag:$0x3] =	stream.indirect_vreg.gather [hbm4b:s1+s3], $0x80, v5, vm0, $0xb8;
	[tilespmem:$0x1D400] =	vst v63  }
0x299: {  	s29 =	simm.s32 $0xFC00;
	v4 =	vadd.s32 v2, v4  }
0x29a: {  	[tilespmem:s29], [sflag:$0x3] =	stream.indirect_vreg.gather [hbm4b:s5+s3], $0x80, v5, vm0, $0xb8;
	[tilespmem:$0x1D400] =	vst v63  }
0x29b: {  	s7 =	simm.s32 $0x10400  }
0x29c: {  	[tilespmem:s7], [sflag:$0x3] =	stream.indirect_vreg.gather [hbm4b:s6+s3], $0x80, v5, vm0, $0xb8;
	[tilespmem:$0x1D400] =	vst v63  }
0x29d: {  	s29 =	simm.s32 $0x10C00  }
0x29e: {  	[tilespmem:s29], [sflag:$0x3] =	stream.indirect_vreg.gather [hbm4b:s1+s3], $0x80, v4, vm0, $0xb8;
	[tilespmem:$0x1D400] =	vst v63  }
0x29f: {  	s7 =	simm.s32 $0x11400  }
0x2a0: {  	[tilespmem:s7], [sflag:$0x3] =	stream.indirect_vreg.gather [hbm4b:s5+s3], $0x80, v4, vm0, $0xb8;
	[tilespmem:$0x1D400] =	vst v63  }
0x2a1: {  	s29 =	simm.s32 $0x11C00  }
0x2a2: {  	[tilespmem:s29], [sflag:$0x3] =	stream.indirect_vreg.gather [hbm4b:s6+s3], $0x80, v4, vm0, $0xb8;
	[tilespmem:$0x1D400] =	vst v63  }
0x2a3: {  	_ =	swait.ge [sflag:s26], $0x6000  }
0x2a4: {  	[sflag:s26] =	ssyncset.done $0x0  }
0x2a5: {  	s0 =	rddreg [dreg:$0xb];
	[sflag:s26] =	ssyncadd.s32 $0xFFFFA000  }
0x2a6: {  	[hbm4b:s0+s3] =	stream.linear.scatter [tilespmem:s25], [sflag:$0x8], $0x6000, $0x38;
	[tilespmem:$0x1D400] =	vst v63  }
0x2a7: {  	_ =	swait.ge [sflag:s28], $0x6000  }
0x2a8: {  	[sflag:s28] =	ssyncset.done $0x0  }
0x2a9: {  	[sflag:s28] =	ssyncadd.s32 $0xFFFFA000  }
0x2aa: {  	v4 =	vld [tilespmem:s4+$0x1A0];
	_ =	sdelay $0x4  }
0x2ab: {  	v5 =	vshrl.u32 v4, $0x3  }
0x2ac: {  	v5 =	vmul.u32 $0x30, v5  }
0x2ad: {  	v4 =	vand.u32 $0x7, v4  }
0x2ae: {  	v4 =	vor.u32 v4, v5  }
0x2af: {  	v5 =	vperm.xlane v4, v1;
	_ =	sdelay $0x1  }
0x2b0: {  	v5 =	vadd.s32 v2, v5;
	_ =	sdelay $0x3  }
0x2b1: {  	v4 =	vperm.xlane v4, v3  }
0x2b2: {  	[tilespmem:s25], [sflag:$0x4] =	stream.indirect_vreg.gather [hbm4b:s1+s3], $0x80, v5, vm0, $0xb8;
	[tilespmem:$0x1D400] =	vst v63  }
0x2b3: {  	s29 =	simm.s32 $0x12C00;
	v4 =	vadd.s32 v2, v4  }
0x2b4: {  	[tilespmem:s29], [sflag:$0x4] =	stream.indirect_vreg.gather [hbm4b:s5+s3], $0x80, v5, vm0, $0xb8;
	[tilespmem:$0x1D400] =	vst v63  }
0x2b5: {  	s7 =	simm.s32 $0x13400  }
0x2b6: {  	[tilespmem:s7], [sflag:$0x4] =	stream.indirect_vreg.gather [hbm4b:s6+s3], $0x80, v5, vm0, $0xb8;
	[tilespmem:$0x1D400] =	vst v63  }
0x2b7: {  	s29 =	simm.s32 $0x13C00  }
0x2b8: {  	[tilespmem:s29], [sflag:$0x4] =	stream.indirect_vreg.gather [hbm4b:s1+s3], $0x80, v4, vm0, $0xb8;
	[tilespmem:$0x1D400] =	vst v63  }
0x2b9: {  	s7 =	simm.s32 $0x14400  }
0x2ba: {  	[tilespmem:s7], [sflag:$0x4] =	stream.indirect_vreg.gather [hbm4b:s5+s3], $0x80, v4, vm0, $0xb8;
	[tilespmem:$0x1D400] =	vst v63  }
0x2bb: {  	s29 =	simm.s32 $0x14C00  }
0x2bc: {  	[tilespmem:s29], [sflag:$0x4] =	stream.indirect_vreg.gather [hbm4b:s6+s3], $0x80, v4, vm0, $0xb8;
	[tilespmem:$0x1D400] =	vst v63  }
0x2bd: {  	v4 =	vld [tilespmem:s4+$0x1B0];
	_ =	sdelay $0x4  }
0x2be: {  	v5 =	vshrl.u32 v4, $0x3  }
0x2bf: {  	v5 =	vmul.u32 $0x30, v5  }
0x2c0: {  	v4 =	vand.u32 $0x7, v4  }
0x2c1: {  	v4 =	vor.u32 v4, v5  }
0x2c2: {  	v5 =	vperm.xlane v4, v1;
	_ =	sdelay $0x1  }
0x2c3: {  	v5 =	vadd.s32 v2, v5;
	_ =	sdelay $0x3  }
0x2c4: {  	s7 =	simm.s32 $0x15400;
	v4 =	vperm.xlane v4, v3  }
0x2c5: {  	[tilespmem:s7], [sflag:$0x4] =	stream.indirect_vreg.gather [hbm4b:s1+s3], $0x80, v5, vm0, $0xb8;
	[tilespmem:$0x1D400] =	vst v63  }
0x2c6: {  	s29 =	simm.s32 $0x15C00;
	v4 =	vadd.s32 v2, v4  }
0x2c7: {  	[tilespmem:s29], [sflag:$0x4] =	stream.indirect_vreg.gather [hbm4b:s5+s3], $0x80, v5, vm0, $0xb8;
	[tilespmem:$0x1D400] =	vst v63  }
0x2c8: {  	s7 =	simm.s32 $0x16400  }
0x2c9: {  	[tilespmem:s7], [sflag:$0x4] =	stream.indirect_vreg.gather [hbm4b:s6+s3], $0x80, v5, vm0, $0xb8;
	[tilespmem:$0x1D400] =	vst v63  }
0x2ca: {  	s29 =	simm.s32 $0x16C00  }
0x2cb: {  	[tilespmem:s29], [sflag:$0x4] =	stream.indirect_vreg.gather [hbm4b:s1+s3], $0x80, v4, vm0, $0xb8;
	[tilespmem:$0x1D400] =	vst v63  }
0x2cc: {  	s7 =	simm.s32 $0x17400  }
0x2cd: {  	[tilespmem:s7], [sflag:$0x4] =	stream.indirect_vreg.gather [hbm4b:s5+s3], $0x80, v4, vm0, $0xb8;
	[tilespmem:$0x1D400] =	vst v63  }
0x2ce: {  	s29 =	simm.s32 $0x17C00  }
0x2cf: {  	[tilespmem:s29], [sflag:$0x4] =	stream.indirect_vreg.gather [hbm4b:s6+s3], $0x80, v4, vm0, $0xb8;
	[tilespmem:$0x1D400] =	vst v63  }
0x2d0: {  	_ =	swait.ge [sflag:s18], $0x6000  }
0x2d1: {  	[sflag:s18] =	ssyncset.done $0x0  }
0x2d2: {  	s0 =	rddreg [dreg:$0xc];
	[sflag:s18] =	ssyncadd.s32 $0xFFFFA000  }
0x2d3: {  	[hbm4b:s0+s3] =	stream.linear.scatter [tilespmem:s10], [sflag:$0x5], $0x6000, $0x38;
	[tilespmem:$0x1D400] =	vst v63  }
0x2d4: {  	_ =	swait.ge [sflag:s20], $0x6000  }
0x2d5: {  	[sflag:s20] =	ssyncset.done $0x0  }
0x2d6: {  	s29 =	rddreg [dreg:$0xd];
	[sflag:s20] =	ssyncadd.s32 $0xFFFFA000  }
0x2d7: {  	[hbm4b:s29+s3] =	stream.linear.scatter [tilespmem:s22], [sflag:$0x6], $0x6000, $0x38;
	[tilespmem:$0x1D400] =	vst v63  }
0x2d8: {  	_ =	swait.ge [sflag:s23], $0x6000  }
0x2d9: {  	[sflag:s23] =	ssyncset.done $0x0  }
0x2da: {  	s0 =	rddreg [dreg:$0xe];
	[sflag:s23] =	ssyncadd.s32 $0xFFFFA000  }
0x2db: {  	[hbm4b:s0+s3] =	stream.linear.scatter [tilespmem:s12], [sflag:$0x7], $0x6000, $0x38;
	[tilespmem:$0x1D400] =	vst v63  }
0x2dc: {  	_ =	swait.ge [sflag:s26], $0x6000  }
0x2dd: {  	[sflag:s26] =	ssyncset.done $0x0  }
0x2de: {  	s29 =	rddreg [dreg:$0xf];
	[sflag:s26] =	ssyncadd.s32 $0xFFFFA000  }
0x2df: {  	[hbm4b:s29+s3] =	stream.linear.scatter [tilespmem:s25], [sflag:$0x8], $0x6000, $0x38;
	[tilespmem:$0x1D400] =	vst v63  }
0x2e0: {  	_ =	swait.ge [sflag:s19], $0x6000  }
0x2e1: {  	[sflag:s19] =	ssyncset.done $0x0  }
0x2e2: {  	[sflag:s19] =	ssyncadd.s32 $0xFFFFA000  }
0x2e3: {  	_ =	swait.ge [sflag:s21], $0x6000  }
0x2e4: {  	[sflag:s21] =	ssyncset.done $0x0  }
0x2e5: {  	[sflag:s21] =	ssyncadd.s32 $0xFFFFA000  }
0x2e6: {  	p0 =	sne.s32 s8, $0x1;
	_ =	swait.ge [sflag:s24], $0x6000  }
.Ltmp0:
0x2e7: {  	[sflag:s24] =	ssyncset.done $0x0;
	(pc) =	sbr.rel @p0 .LBB2_1-.Ltmp0, $4  }
0x2e8: {  	[sflag:s24] =	ssyncadd.s32 $0xFFFFA000  }
0x2e9: {  	_ =	swait.ge [sflag:s28], $0x6000  }
0x2ea: {  	[sflag:s28] =	ssyncset.done $0x0  }
0x2eb: {  	s8 =	sadd.s32 $0xFFFFFFFF, s8;
	[sflag:s28] =	ssyncadd.s32 $0xFFFFA000  }
0x2ec: {  	_ =	sfence.sel $0x180000  }
0x2ed: {  	[bflag:$0x0] =	sbarrier.arrive $0xFFFF  }
0x2ee: {  	_ =	strace $0x90000047  }
0x2ef: {  	s0 =	stileid.u32;
	[bflag:$0x2] =	sbarrier.arrive $0xFFFF  }
0x2f0: {  	p0 =	sne.s32 s0, $0x0;
	s0 =	rddreg [dreg:$0x4]  }
0x2f1: {  	s0 =	sadd.s32 @!p0 $0x100000, s0  }
0x2f2: {  	[sflag:s0] =	ssyncadd.tile.s32 @!p0 $0x1;
	_ =	shalt  }
.Lfunc_end2:
_tile_overlayer_lowered:
.L_overlay_start_2:
0x2f3: {  	(tag) =	ssettag $0x2  }
0x2f4: {  	s0 =	rddreg [dreg:$0x0];
	s2 =	stileid.u32  }
0x2f5: {  	s1 =	rddreg [dreg:$0x1];
	p0 =	sne.s32 s2, $0x0  }
0x2f6: {  	s3 =	rddreg [dreg:$0x2];
	[bflag:$0x3] =	sbarrier.arrive $0xFFFF;
	s2 =	simm.s32 @!p0 $0x1C09  }
0x2f7: {  	[timem:s3], [sflag:s2] =	dma.local @!p0 [hbm:s0], s1  }
0x2f8: {  	s0 =	simm.s32 @!p0 $0x9  }
0x2f9: {  	_ =	swait.ge @!p0 [sflag:s0], s1  }
0x2fa: {  	s1 =	ssub.s32 @!p0 $0x0, s1;
	[sflag:s0] =	ssyncset.done @!p0 $0x0  }
0x2fb: {  	[sflag:s0] =	ssyncadd.s32 @!p0 s1  }
0x2fc: {  	[bflag:$0x3] =	sbarrier.arrive $0xFFFF  }
0x2fd: {  	_ =	shalt  }

</sc_bundles>
